<compile_context>
chip_gen: v7x
topology: tpu7x:2x2x1
jax: 0.10.2.dev20260603
libtpu: 0.0.44.dev20260713+nightly
codegen_flags: <defaults>
</compile_context>

<pallas_src>
import functools

import jax
import jax.numpy as jnp
import numpy as np
from jax import lax
from jax.experimental import pallas as pl
from jax.experimental.pallas import tpu as pltpu
from jax.experimental.pallas import tpu_sc as plsc

N = 10000
E = 320000
C = 128
H = 8
PW = H * C

NC = 2
NS = 16
NT = NC * NS
K = 16
NCH = 640
NB = 8
BCH = NCH // NB
ET = K * NCH
EPAD = NT * ET
ROWS0 = 624
CNTR = 80

BLK = 400
GRID = N // BLK



def _a0_body(x_ref, g_ref, s_ref):
    i = pl.program_id(0)

    @pl.when(i == 0)
    def _():
        g_ref[...] = jnp.zeros_like(g_ref)
        s_ref[...] = jnp.zeros_like(s_ref)

    xb = x_ref[...]
    g_ref[...] += lax.dot_general(xb, xb, (((0,), (0,)), ((), ())),
                                  preferred_element_type=jnp.float32)
    s_ref[...] += jnp.broadcast_to(jnp.sum(xb, axis=0, keepdims=True), (8, C))


def _run_a0(x):
    return pl.pallas_call(
        _a0_body,
        grid=(GRID,),
        in_specs=[pl.BlockSpec((BLK, C), lambda i: (i, 0))],
        out_specs=[pl.BlockSpec((C, C), lambda i: (0, 0)),
                   pl.BlockSpec((8, C), lambda i: (0, 0))],
        out_shape=[jax.ShapeDtypeStruct((C, C), jnp.float32),
                   jax.ShapeDtypeStruct((8, C), jnp.float32)],
    )(x)


def _a1_body(x_ref, g_ref, s_ref, w1_ref, b1_ref, g1_ref, be1_ref,
             cu_ref, cc_ref, cw_ref, td_ref, p_ref, sm_ref):
    xb = x_ref[...]
    w1 = w1_ref[...]
    b1 = b1_ref[...]
    h0 = lax.dot_general(xb, w1, (((1,), (1,)), ((), ())),
                         preferred_element_type=jnp.float32) + b1
    s0 = s_ref[0:1, :] * (1.0 / N)
    xw = lax.dot_general(s0, w1, (((1,), (1,)), ((), ())),
                         preferred_element_type=jnp.float32)
    mean = xw + b1
    wc = lax.dot_general(w1, g_ref[...] * (1.0 / N), (((1,), (0,)), ((), ())),
                         preferred_element_type=jnp.float32)
    m2 = jnp.sum(wc * w1, axis=1, keepdims=True)
    var = m2.T - xw * xw
    hn = (h0 - mean) * lax.rsqrt(var + 1e-5) * g1_ref[...] + be1_ref[...]
    hh = jnp.where(hn > 0, hn, jnp.exp(hn) - 1.0)

    a = lax.dot_general(hh, cu_ref[...], (((1,), (0,)), ((), ())),
                        preferred_element_type=jnp.float32)
    cc = cc_ref[...]
    zpad = jnp.zeros((BLK, C - H), jnp.float32)
    td_ref[...] = jnp.concatenate([a + cc, zpad], axis=1)
    a_cat = jnp.concatenate([a, zpad], axis=1)
    p_ref[:, PW // 2:] = lax.bitcast_convert_type(a_cat, jnp.int32)

    cm = jnp.max(cc)
    ec = jnp.exp(cc - cm)
    q0 = ec / jnp.sum(ec)

    sm = jnp.zeros((BLK, C), jnp.float32)
    for hd in range(H):
        piece = lax.dot_general(hh, cw_ref[:, hd * C:(hd + 1) * C],
                                (((1,), (0,)), ((), ())),
                                preferred_element_type=jnp.float32)
        sm = sm + piece * q0[0, hd]
        pb = piece.astype(jnp.bfloat16)
        lo = jnp.concatenate([pb[:, 32 * t:32 * t + 16] for t in range(4)],
                             axis=1)
        hi = jnp.concatenate([pb[:, 32 * t + 16:32 * t + 32] for t in range(4)],
                             axis=1)
        lo32 = lax.bitcast_convert_type(lo, jnp.uint16).astype(jnp.int32)
        hi32 = lax.bitcast_convert_type(hi, jnp.uint16).astype(jnp.int32)
        word = jnp.bitwise_or(lo32, lax.shift_left(hi32, 16))
        p_ref[:, hd * (C // 2):(hd + 1) * (C // 2)] = word
    sm_ref[...] = sm


def _run_a1(x, g, s, fc1_w, fc1_b, bn1_g, bn1_b, conv_u, conv_c, conv_w):
    full = lambda shape: pl.BlockSpec(shape, lambda i: tuple(0 for _ in shape))
    return pl.pallas_call(
        _a1_body,
        grid=(GRID,),
        in_specs=[pl.BlockSpec((BLK, C), lambda i: (i, 0)),
                  full((C, C)), full((8, C)), full((C, C)), full((1, C)),
                  full((1, C)), full((1, C)), full((C, H)), full((1, H)),
                  full((C, PW))],
        out_specs=[pl.BlockSpec((BLK, C), lambda i: (i, 0)),
                   pl.BlockSpec((BLK, PW // 2 + C), lambda i: (i, 0)),
                   pl.BlockSpec((BLK, C), lambda i: (i, 0))],
        out_shape=[jax.ShapeDtypeStruct((N, C), jnp.float32),
                   jax.ShapeDtypeStruct((N, PW // 2 + C), jnp.int32),
                   jax.ShapeDtypeStruct((N, C), jnp.float32)],
    )(x, g, s, fc1_w, fc1_b, bn1_g, bn1_b, conv_u, conv_c, conv_w)


def _sc_body(td_hbm, p_hbm, src_hbm, dst_hbm, outm_hbm, outc_hbm,
             bsrc, bdst, ard, prow, mbuf, cntbuf, scidx, cidx, dpad,
             wbuf, shared_m, shared_c,
             gsem0, gsem1, ssem0, ssem1):
    c = lax.axis_index("c")
    s = lax.axis_index("s")
    wid = c * NS + s
    ebase = wid * ET
    rowbase = s * ROWS0
    nchunks16 = jnp.where(s == NS - 1, (N - (NS - 1) * ROWS0) // 16,
                          ROWS0 // 16)
    gsems = (gsem0, gsem1)
    ssems = (ssem0, ssem1)
    zero16 = jnp.zeros((16,), jnp.float32)

    for r in range(16):
        for j in range(C // 16):
            mbuf[0, r, pl.ds(j * 16, 16)] = zero16

    def zloop(t, carry):
        pltpu.sync_copy(mbuf.at[0], shared_m.at[pl.ds(rowbase + t * 16, 16)])
        return carry

    lax.fori_loop(0, nchunks16, zloop, 0)

    @pl.when(s < CNTR // 16)
    def _():
        pltpu.sync_copy(mbuf.at[0], shared_c.at[pl.ds(s * 16, 16)])

    plsc.subcore_barrier()

    def fetch(ci, b):
        pltpu.async_copy(td_hbm.at[bdst.at[pl.ds(ci * K, K)]], ard.at[b],
                         gsems[b])
        pltpu.async_copy(p_hbm.at[bsrc.at[pl.ds(ci * K, K)]], prow.at[b],
                         gsems[b])

    def wait_gather(ci, b):
        pltpu.make_async_copy(td_hbm.at[bdst.at[pl.ds(ci * K, K)]], ard.at[b],
                              gsems[b]).wait()
        pltpu.make_async_copy(p_hbm.at[bsrc.at[pl.ds(ci * K, K)]], prow.at[b],
                              gsems[b]).wait()

    iota16 = lax.iota(jnp.int32, 16)
    headmask = iota16 < H

    def compute(ci, b):
        s16 = bsrc[pl.ds(ci * K, 16)]
        d16 = bdst[pl.ds(ci * K, 16)]
        w16 = jnp.where(s16 != d16, 1.0, 0.0).astype(jnp.float32)
        wbuf[pl.ds(0, 16)] = w16
        dpad[pl.ds(0, 16)] = d16
        scidx[b, pl.ds(0, 16)] = d16
        cidx[b, pl.ds(0, 16)] = lax.shift_right_logical(d16, 7)

        def one_edge(e):
            as_row = plsc.bitcast(prow[b, e, pl.ds(PW // 2, 16)], jnp.float32)
            ad_row = ard[b, e, pl.ds(0, 16)]
            l = jnp.where(headmask, ad_row - as_row, -1e30)
            mx = jnp.max(l)
            ex = jnp.exp(l - mx)
            z = jnp.sum(ex)
            w = wbuf[pl.ds(e, 16)][0]
            q = ex * (jnp.full((16,), w, jnp.float32) /
                      jnp.full((16,), z, jnp.float32))
            accs = [None] * (C // 32)
            for hd in range(H):
                qvf = jnp.full((16,), q[hd], jnp.float32)
                qv = plsc.pack(qvf, qvf, format=plsc.PackFormat.INTERLEAVED)
                for t in range(C // 32):
                    vi = prow[b, e, pl.ds(hd * (C // 2) + t * 16, 16)]
                    v32 = plsc.bitcast(vi, jnp.bfloat16)
                    if hd == 0:
                        accs[t] = qv * v32
                    else:
                        accs[t] = accs[t] + qv * v32
            for t in range(C // 32):
                ev, ov = plsc.unpack(accs[t], format=plsc.PackFormat.INTERLEAVED)
                mbuf[b, e, pl.ds(32 * t, 16)] = ev
                mbuf[b, e, pl.ds(32 * t + 16, 16)] = ov
            d = dpad[pl.ds(e, 16)][0]
            for jj in range(C // 16):
                cntbuf[b, e, pl.ds(jj * 16, 16)] = zero16
            lane = jnp.bitwise_and(d, 15)
            jb = jnp.bitwise_and(lax.shift_right_logical(d, 4), 7)
            cntbuf[b, e, pl.ds(jb * 16, 16)] = jnp.where(
                iota16 == lane, jnp.full((16,), w, jnp.float32), 0.0)

        @plsc.parallel_loop(0, K, unroll=8)
        def _edge_loop(e):
            one_edge(e)

    def scatter(b):
        pltpu.async_copy(mbuf.at[b], shared_m.at[scidx.at[b]], ssems[b],
                         add=True)
        pltpu.async_copy(cntbuf.at[b], shared_c.at[cidx.at[b]], ssems[b],
                         add=True)

    def wait_scatter(b):
        pltpu.make_async_copy(mbuf.at[b], shared_m.at[scidx.at[b]],
                              ssems[b]).wait()
        pltpu.make_async_copy(cntbuf.at[b], shared_c.at[cidx.at[b]],
                              ssems[b]).wait()

    def batch_body(nb, carry):
        eb = ebase + nb * (BCH * K)
        pltpu.sync_copy(src_hbm.at[pl.ds(eb, BCH * K)], bsrc)
        pltpu.sync_copy(dst_hbm.at[pl.ds(eb, BCH * K)], bdst)
        fetch(0, 0)
        fetch(1, 1)

        def pair_body(j, carry2):
            for b in (0, 1):
                ci = 2 * j + b
                wait_gather(ci, b)

                @pl.when(nb + j >= 1)
                def _():
                    wait_scatter(b)

                compute(ci, b)
                scatter(b)

                @pl.when(j < BCH // 2 - 1)
                def _():
                    fetch(ci + 2, b)
            return carry2

        lax.fori_loop(0, BCH // 2, pair_body, 0)
        return carry

    lax.fori_loop(0, NB, batch_body, 0)
    wait_scatter(0)
    wait_scatter(1)
    plsc.subcore_barrier()

    def oloop(t, carry):
        off = rowbase + t * 16
        pltpu.sync_copy(shared_m.at[pl.ds(off, 16)],
                        outm_hbm.at[c, pl.ds(off, 16)])
        return carry

    lax.fori_loop(0, nchunks16, oloop, 0)

    @pl.when(s < CNTR // 16)
    def _():
        pltpu.sync_copy(shared_c.at[pl.ds(s * 16, 16)],
                        outc_hbm.at[c, pl.ds(s * 16, 16)])


def _sc_edge(td_tab, pext, srcp, dstp):
    return pl.kernel(
        _sc_body,
        out_type=[jax.ShapeDtypeStruct((NC, N, C), jnp.float32),
                  jax.ShapeDtypeStruct((NC, CNTR, C), jnp.float32)],
        mesh=plsc.VectorSubcoreMesh(core_axis_name="c", subcore_axis_name="s",
                                    num_cores=NC, num_subcores=NS),
        compiler_params=pltpu.CompilerParams(needs_layout_passes=False),
        scratch_types=[
            pltpu.VMEM((BCH * K,), jnp.int32),
            pltpu.VMEM((BCH * K,), jnp.int32),
            pltpu.VMEM((2, K, C), jnp.float32),
            pltpu.VMEM((2, K, PW // 2 + C), jnp.int32),
            pltpu.VMEM((2, K, C), jnp.float32),
            pltpu.VMEM((2, K, C), jnp.float32),
            pltpu.VMEM((2, K), jnp.int32),
            pltpu.VMEM((2, K), jnp.int32),
            pltpu.VMEM((K + 16,), jnp.int32),
            pltpu.VMEM((K + 16,), jnp.float32),
            pltpu.VMEM_SHARED((N, C), jnp.float32),
            pltpu.VMEM_SHARED((CNTR, C), jnp.float32),
            pltpu.SemaphoreType.DMA,
            pltpu.SemaphoreType.DMA,
            pltpu.SemaphoreType.DMA,
            pltpu.SemaphoreType.DMA,
        ],
    )(td_tab, pext, srcp, dstp)


def _b1_body(p_ref, c_ref, sm_ref, cb_ref, aggr_ref, s1_ref, s2_ref):
    i = pl.program_id(0)

    @pl.when(i == 0)
    def _():
        s1_ref[...] = jnp.zeros_like(s1_ref)
        s2_ref[...] = jnp.zeros_like(s2_ref)

    pb = p_ref[...]
    cb = c_ref[...]
    ms = pb[0] + pb[1] + sm_ref[...]
    cnt = cb[0] + cb[1] + 1.0
    aggr = ms / jnp.maximum(cnt, 1.0) + cb_ref[...]
    aggr_ref[...] = aggr
    s1_ref[...] += jnp.broadcast_to(jnp.sum(aggr, axis=0, keepdims=True), (8, C))
    s2_ref[...] += jnp.broadcast_to(
        jnp.sum(aggr * aggr, axis=0, keepdims=True), (8, C))


def _run_b1(pm, pcnt, selfm, conv_bias):
    full = lambda shape: pl.BlockSpec(shape, lambda i: tuple(0 for _ in shape))
    return pl.pallas_call(
        _b1_body,
        grid=(GRID,),
        in_specs=[pl.BlockSpec((NC, BLK, C), lambda i: (0, i, 0)),
                  pl.BlockSpec((NC, BLK, 1), lambda i: (0, i, 0)),
                  pl.BlockSpec((BLK, C), lambda i: (i, 0)),
                  full((1, C))],
        out_specs=[pl.BlockSpec((BLK, C), lambda i: (i, 0)),
                   pl.BlockSpec((8, C), lambda i: (0, 0)),
                   pl.BlockSpec((8, C), lambda i: (0, 0))],
        out_shape=[jax.ShapeDtypeStruct((N, C), jnp.float32),
                   jax.ShapeDtypeStruct((8, C), jnp.float32),
                   jax.ShapeDtypeStruct((8, C), jnp.float32)],
    )(pm, pcnt, selfm, conv_bias)


def _b2_body(a_ref, s1_ref, s2_ref, g2_ref, be2_ref, w2_ref, b2_ref, o_ref):
    ab = a_ref[...]
    mean = s1_ref[0:1, :] * (1.0 / N)
    e2 = s2_ref[0:1, :] * (1.0 / N)
    var = e2 - mean * mean
    an = (ab - mean) * lax.rsqrt(var + 1e-5) * g2_ref[...] + be2_ref[...]
    ev = jnp.where(an > 0, an, jnp.exp(an) - 1.0)
    o_ref[...] = lax.dot_general(ev, w2_ref[...], (((1,), (1,)), ((), ())),
                                 preferred_element_type=jnp.float32) + b2_ref[...]


def _run_b2(aggr, s1, s2, bn2_g, bn2_b, fc2_w, fc2_b):
    full = lambda shape: pl.BlockSpec(shape, lambda i: tuple(0 for _ in shape))
    return pl.pallas_call(
        _b2_body,
        grid=(GRID,),
        in_specs=[pl.BlockSpec((BLK, C), lambda i: (i, 0)),
                  full((8, C)), full((8, C)), full((1, C)), full((1, C)),
                  full((C, C)), full((1, C))],
        out_specs=[pl.BlockSpec((BLK, C), lambda i: (i, 0))],
        out_shape=[jax.ShapeDtypeStruct((N, C), jnp.float32)],
    )(aggr, s1, s2, bn2_g, bn2_b, fc2_w, fc2_b)[0]


def kernel(x, edge_index, fc1_w, fc1_b, bn1_g, bn1_b, conv_w, conv_u, conv_c,
           conv_bias, bn2_g, bn2_b, fc2_w, fc2_b):
    src = edge_index[0]
    dst = edge_index[1]
    pad = jnp.zeros((EPAD - E,), jnp.int32)
    srcp = jnp.concatenate([src, pad])
    dstp = jnp.concatenate([dst, pad])

    g, s = _run_a0(x)
    td_tab, pext, selfm = _run_a1(
        x, g, s, fc1_w, fc1_b.reshape(1, C), bn1_g.reshape(1, C),
        bn1_b.reshape(1, C), conv_u, conv_c.reshape(1, H), conv_w)

    pm, pc = _sc_edge(td_tab, pext, srcp, dstp)
    pcnt = pc.reshape(NC, CNTR * C)[:, :N].reshape(NC, N, 1)

    aggr, s1, s2 = _run_b1(pm, pcnt, selfm, conv_bias.reshape(1, C))
    return _run_b2(aggr, s1, s2, bn2_g.reshape(1, C), bn2_b.reshape(1, C),
                   fc2_w, fc2_b.reshape(1, C))

# --- scband reference (transcript-rebuilt; emitter-appended) ---
"""Pipeline reference for scband-res-block-77867757076595 (READ-ONLY COPY).

The authoritative reference and input builder live on the scoring server;
editing this copy changes nothing except your own understanding.
"""

import jax, jax.numpy as jnp
import numpy as np

N_NODES = 10000
N_EDGES = 320000
CHANNELS = 128
IN_CH = 128
HEADS = 8


def _batchnorm(x, gamma, beta, eps=1e-5):
    m = x.mean(axis=0)
    v = x.var(axis=0)
    return (x - m) / jnp.sqrt(v + eps) * gamma + beta


def setup_inputs(seed: int = 0) -> dict:
    key = jax.random.key(seed)
    ks = jax.random.split(key, 12)
    x = jax.random.normal(ks[0], (N_NODES, CHANNELS), dtype=jnp.float32)
    edge_index = jax.random.randint(ks[1], (2, N_EDGES), 0, N_NODES, dtype=jnp.int32)
    fc1_w = jax.random.normal(ks[2], (IN_CH, CHANNELS), dtype=jnp.float32) * 0.05
    fc1_b = jax.random.normal(ks[3], (IN_CH,), dtype=jnp.float32) * 0.05
    fc2_w = jax.random.normal(ks[4], (CHANNELS, IN_CH), dtype=jnp.float32) * 0.05
    fc2_b = jax.random.normal(ks[5], (CHANNELS,), dtype=jnp.float32) * 0.05
    conv_w = jax.random.normal(ks[6], (IN_CH, HEADS * IN_CH), dtype=jnp.float32) * 0.1
    conv_u = jax.random.normal(ks[7], (IN_CH, HEADS), dtype=jnp.float32) * 0.1
    conv_c = jax.random.normal(ks[8], (HEADS,), dtype=jnp.float32) * 0.1
    conv_bias = jax.random.normal(ks[9], (IN_CH,), dtype=jnp.float32) * 0.1
    bn1_g = jnp.ones((IN_CH,), dtype=jnp.float32)
    bn1_b = jnp.zeros((IN_CH,), dtype=jnp.float32)
    bn2_g = jnp.ones((IN_CH,), dtype=jnp.float32)
    bn2_b = jnp.zeros((IN_CH,), dtype=jnp.float32)
    return {"x": x, "edge_index": edge_index, "fc1_w": fc1_w, "fc1_b": fc1_b,
            "bn1_g": bn1_g, "bn1_b": bn1_b, "conv_w": conv_w, "conv_u": conv_u,
            "conv_c": conv_c, "conv_bias": conv_bias, "bn2_g": bn2_g, "bn2_b": bn2_b,
            "fc2_w": fc2_w, "fc2_b": fc2_b}


def reference(x, edge_index, fc1_w, fc1_b, bn1_g, bn1_b, conv_w, conv_u, conv_c,
              conv_bias, bn2_g, bn2_b, fc2_w, fc2_b):
    N = x.shape[0]
    heads = HEADS
    out_ch = conv_w.shape[1] // heads
    # fc1 + bn1 + elu
    h = x @ fc1_w.T + fc1_b
    h = jax.nn.elu(_batchnorm(h, bn1_g, bn1_b))
    # FeaStConv: remove self loops, add self loops, mean aggregation
    src = edge_index[0]
    dst = edge_index[1]
    mask = (src != dst).astype(h.dtype)
    ar = jnp.arange(N, dtype=src.dtype)
    src_f = jnp.concatenate([src, ar])
    dst_f = jnp.concatenate([dst, ar])
    w_e = jnp.concatenate([mask, jnp.ones((N,), dtype=h.dtype)])
    x_i = h[dst_f]
    x_j = h[src_f]
    q = jax.nn.softmax((x_i - x_j) @ conv_u + conv_c, axis=1)
    m = (x_j @ conv_w).reshape(-1, heads, out_ch)
    m = (m * q[:, :, None]).sum(axis=1)
    msum = jax.ops.segment_sum(m * w_e[:, None], dst_f, num_segments=N)
    cnt = jax.ops.segment_sum(w_e, dst_f, num_segments=N)
    aggr = msum / jnp.maximum(cnt, 1.0)[:, None] + conv_bias
    # bn2 + elu + fc2
    h2 = jax.nn.elu(_batchnorm(aggr, bn2_g, bn2_b))
    return h2 @ fc2_w.T + fc2_b

if __name__ == "__main__":
    import jax
    _d = setup_inputs()
    print(jax.jit(kernel)(*tuple(_d.values())))

</pallas_src>

<mosaic_0001>
#map = affine_map<(d0, d1) -> (0, 0)>
#map1 = affine_map<(d0, d1) -> (0)>
#map2 = affine_map<(d0, d1) -> (0, 0, 0)>
module attributes {stable_mosaic.version = 14 : i64} {
  func.func @_sc_body(%arg0: i32, %arg1: i32, %arg2: memref<10000x128xf32, #tpu.memory_space<hbm>>, %arg3: memref<10000x640xi32, #tpu.memory_space<hbm>>, %arg4: memref<327680xi32, #tpu.memory_space<hbm>>, %arg5: memref<327680xi32, #tpu.memory_space<hbm>>, %arg6: memref<2x10000x128xf32, #tpu.memory_space<hbm>>, %arg7: memref<2x80x128xf32, #tpu.memory_space<hbm>>, %arg8: memref<1280xi32, #tpu.memory_space<vmem>>, %arg9: memref<1280xi32, #tpu.memory_space<vmem>>, %arg10: memref<2x16x128xf32, #tpu.memory_space<vmem>>, %arg11: memref<2x16x640xi32, #tpu.memory_space<vmem>>, %arg12: memref<2x16x128xf32, #tpu.memory_space<vmem>>, %arg13: memref<2x16x128xf32, #tpu.memory_space<vmem>>, %arg14: memref<2x16xi32, #tpu.memory_space<vmem>>, %arg15: memref<2x16xi32, #tpu.memory_space<vmem>>, %arg16: memref<32xi32, #tpu.memory_space<vmem>>, %arg17: memref<32xf32, #tpu.memory_space<vmem>>, %arg18: memref<10000x128xf32, #tpu.memory_space<vmem_shared>>, %arg19: memref<80x128xf32, #tpu.memory_space<vmem_shared>>, %arg20: memref<!tpu.dma_semaphore, #tpu.memory_space<semaphore_mem>>, %arg21: memref<!tpu.dma_semaphore, #tpu.memory_space<semaphore_mem>>, %arg22: memref<!tpu.dma_semaphore, #tpu.memory_space<semaphore_mem>>, %arg23: memref<!tpu.dma_semaphore, #tpu.memory_space<semaphore_mem>>) attributes {dimension_semantics = [#tpu.dimension_semantics<core_parallel>, #tpu.dimension_semantics<subcore_parallel>], iteration_bounds = array<i64: 2, 16>, scalar_prefetch = 0 : i64, scratch_operands = 16 : i64, tpu.core_type = #tpu.core_type<sc_vector_subcore>, window_params = [{transform_indices = #map}, {transform_indices = #map}, {transform_indices = #map1}, {transform_indices = #map1}, {transform_indices = #map2}, {transform_indices = #map2}]} {
    %mul3A = arith.constant 16 : i32
    %mul3A_0 = arith.muli %arg0, %mul3A : i32
    %add3A = arith.addi %mul3A_0, %arg1 : i32
    %mul3A_1 = arith.constant 10240 : i32
    %mul3A_2 = arith.muli %add3A, %mul3A_1 : i32
    %mul3A_3 = arith.constant 624 : i32
    %mul3A_4 = arith.muli %arg1, %mul3A_3 : i32
    %eq3A = arith.constant 15 : i32
    %eq3A_5 = arith.cmpi eq, %arg1, %eq3A : i32
    %jit3A = arith.constant 40 : i32
    %jit3A_6 = arith.constant 39 : i32
    %select_n3A = arith.select %eq3A_5, %jit3A, %jit3A_6 : i32
    %broadcast_in_dim3A = arith.constant 0.000000e+00 : f32
    %broadcast_in_dim3A_7 = vector.broadcast %broadcast_in_dim3A : f32 to vector<16xf32>
    %swap3A = arith.constant 0 : i32
    %swap3A_8 = arith.constant 0 : i32
    %swap3A_9 = arith.index_cast %swap3A : i32 to index
    %swap3A_10 = arith.index_cast %swap3A_8 : i32 to index
    %swap3A_11 = arith.constant 0 : index
    %swap3A_12 = tpu.vector_load %arg12[%swap3A_9, %swap3A_10, %swap3A_11] {strides = array<i32>} : memref<2x16x128xf32, #tpu.memory_space<vmem>>, vector<16xf32>,
    tpu.vector_store %arg12[%swap3A_9, %swap3A_10, %swap3A_11], %broadcast_in_dim3A_7 {strides = array<i32>} : memref<2x16x128xf32, #tpu.memory_space<vmem>>, vector<16xf32>,
    %swap3A_13 = arith.constant 0 : i32
    %swap3A_14 = arith.constant 0 : i32
    %swap3A_15 = arith.index_cast %swap3A_13 : i32 to index
    %swap3A_16 = arith.index_cast %swap3A_14 : i32 to index
    %swap3A_17 = arith.constant 16 : index
    %swap3A_18 = tpu.vector_load %arg12[%swap3A_15, %swap3A_16, %swap3A_17] {strides = array<i32>} : memref<2x16x128xf32, #tpu.memory_space<vmem>>, vector<16xf32>,
    tpu.vector_store %arg12[%swap3A_15, %swap3A_16, %swap3A_17], %broadcast_in_dim3A_7 {strides = array<i32>} : memref<2x16x128xf32, #tpu.memory_space<vmem>>, vector<16xf32>,
    %swap3A_19 = arith.constant 0 : i32
    %swap3A_20 = arith.constant 0 : i32
    %swap3A_21 = arith.index_cast %swap3A_19 : i32 to index
    %swap3A_22 = arith.index_cast %swap3A_20 : i32 to index
    %swap3A_23 = arith.constant 32 : index
    %swap3A_24 = tpu.vector_load %arg12[%swap3A_21, %swap3A_22, %swap3A_23] {strides = array<i32>} : memref<2x16x128xf32, #tpu.memory_space<vmem>>, vector<16xf32>,
    tpu.vector_store %arg12[%swap3A_21, %swap3A_22, %swap3A_23], %broadcast_in_dim3A_7 {strides = array<i32>} : memref<2x16x128xf32, #tpu.memory_space<vmem>>, vector<16xf32>,
    %swap3A_25 = arith.constant 0 : i32
    %swap3A_26 = arith.constant 0 : i32
    %swap3A_27 = arith.index_cast %swap3A_25 : i32 to index
    %swap3A_28 = arith.index_cast %swap3A_26 : i32 to index
    %swap3A_29 = arith.constant 48 : index
    %swap3A_30 = tpu.vector_load %arg12[%swap3A_27, %swap3A_28, %swap3A_29] {strides = array<i32>} : memref<2x16x128xf32, #tpu.memory_space<vmem>>, vector<16xf32>,
    tpu.vector_store %arg12[%swap3A_27, %swap3A_28, %swap3A_29], %broadcast_in_dim3A_7 {strides = array<i32>} : memref<2x16x128xf32, #tpu.memory_space<vmem>>, vector<16xf32>,
    %swap3A_31 = arith.constant 0 : i32
    %swap3A_32 = arith.constant 0 : i32
    %swap3A_33 = arith.index_cast %swap3A_31 : i32 to index
    %swap3A_34 = arith.index_cast %swap3A_32 : i32 to index
    %swap3A_35 = arith.constant 64 : index
    %swap3A_36 = tpu.vector_load %arg12[%swap3A_33, %swap3A_34, %swap3A_35] {strides = array<i32>} : memref<2x16x128xf32, #tpu.memory_space<vmem>>, vector<16xf32>,
    tpu.vector_store %arg12[%swap3A_33, %swap3A_34, %swap3A_35], %broadcast_in_dim3A_7 {strides = array<i32>} : memref<2x16x128xf32, #tpu.memory_space<vmem>>, vector<16xf32>,
    %swap3A_37 = arith.constant 0 : i32
    %swap3A_38 = arith.constant 0 : i32
    %swap3A_39 = arith.index_cast %swap3A_37 : i32 to index
    %swap3A_40 = arith.index_cast %swap3A_38 : i32 to index
    %swap3A_41 = arith.constant 80 : index
    %swap3A_42 = tpu.vector_load %arg12[%swap3A_39, %swap3A_40, %swap3A_41] {strides = array<i32>} : memref<2x16x128xf32, #tpu.memory_space<vmem>>, vector<16xf32>,
    tpu.vector_store %arg12[%swap3A_39, %swap3A_40, %swap3A_41], %broadcast_in_dim3A_7 {strides = array<i32>} : memref<2x16x128xf32, #tpu.memory_space<vmem>>, vector<16xf32>,
    %swap3A_43 = arith.constant 0 : i32
    %swap3A_44 = arith.constant 0 : i32
    %swap3A_45 = arith.index_cast %swap3A_43 : i32 to index
    %swap3A_46 = arith.index_cast %swap3A_44 : i32 to index
    %swap3A_47 = arith.constant 96 : index
    %swap3A_48 = tpu.vector_load %arg12[%swap3A_45, %swap3A_46, %swap3A_47] {strides = array<i32>} : memref<2x16x128xf32, #tpu.memory_space<vmem>>, vector<16xf32>,
    tpu.vector_store %arg12[%swap3A_45, %swap3A_46, %swap3A_47], %broadcast_in_dim3A_7 {strides = array<i32>} : memref<2x16x128xf32, #tpu.memory_space<vmem>>, vector<16xf32>,
    %swap3A_49 = arith.constant 0 : i32
    %swap3A_50 = arith.constant 0 : i32
    %swap3A_51 = arith.index_cast %swap3A_49 : i32 to index
    %swap3A_52 = arith.index_cast %swap3A_50 : i32 to index
    %swap3A_53 = arith.constant 112 : index
    %swap3A_54 = tpu.vector_load %arg12[%swap3A_51, %swap3A_52, %swap3A_53] {strides = array<i32>} : memref<2x16x128xf32, #tpu.memory_space<vmem>>, vector<16xf32>,
    tpu.vector_store %arg12[%swap3A_51, %swap3A_52, %swap3A_53], %broadcast_in_dim3A_7 {strides = array<i32>} : memref<2x16x128xf32, #tpu.memory_space<vmem>>, vector<16xf32>,
    %swap3A_55 = arith.constant 0 : i32
    %swap3A_56 = arith.constant 1 : i32
    %swap3A_57 = arith.index_cast %swap3A_55 : i32 to index
    %swap3A_58 = arith.index_cast %swap3A_56 : i32 to index
    %swap3A_59 = arith.constant 0 : index
    %swap3A_60 = tpu.vector_load %arg12[%swap3A_57, %swap3A_58, %swap3A_59] {strides = array<i32>} : memref<2x16x128xf32, #tpu.memory_space<vmem>>, vector<16xf32>,
    tpu.vector_store %arg12[%swap3A_57, %swap3A_58, %swap3A_59], %broadcast_in_dim3A_7 {strides = array<i32>} : memref<2x16x128xf32, #tpu.memory_space<vmem>>, vector<16xf32>,
    %swap3A_61 = arith.constant 0 : i32
    %swap3A_62 = arith.constant 1 : i32
    %swap3A_63 = arith.index_cast %swap3A_61 : i32 to index
    %swap3A_64 = arith.index_cast %swap3A_62 : i32 to index
    %swap3A_65 = arith.constant 16 : index
    %swap3A_66 = tpu.vector_load %arg12[%swap3A_63, %swap3A_64, %swap3A_65] {strides = array<i32>} : memref<2x16x128xf32, #tpu.memory_space<vmem>>, vector<16xf32>,
    tpu.vector_store %arg12[%swap3A_63, %swap3A_64, %swap3A_65], %broadcast_in_dim3A_7 {strides = array<i32>} : memref<2x16x128xf32, #tpu.memory_space<vmem>>, vector<16xf32>,
    %swap3A_67 = arith.constant 0 : i32
    %swap3A_68 = arith.constant 1 : i32
    %swap3A_69 = arith.index_cast %swap3A_67 : i32 to index
    %swap3A_70 = arith.index_cast %swap3A_68 : i32 to index
    %swap3A_71 = arith.constant 32 : index
    %swap3A_72 = tpu.vector_load %arg12[%swap3A_69, %swap3A_70, %swap3A_71] {strides = array<i32>} : memref<2x16x128xf32, #tpu.memory_space<vmem>>, vector<16xf32>,
    tpu.vector_store %arg12[%swap3A_69, %swap3A_70, %swap3A_71], %broadcast_in_dim3A_7 {strides = array<i32>} : memref<2x16x128xf32, #tpu.memory_space<vmem>>, vector<16xf32>,
    %swap3A_73 = arith.constant 0 : i32
    %swap3A_74 = arith.constant 1 : i32
    %swap3A_75 = arith.index_cast %swap3A_73 : i32 to index
    %swap3A_76 = arith.index_cast %swap3A_74 : i32 to index
    %swap3A_77 = arith.constant 48 : index
    %swap3A_78 = tpu.vector_load %arg12[%swap3A_75, %swap3A_76, %swap3A_77] {strides = array<i32>} : memref<2x16x128xf32, #tpu.memory_space<vmem>>, vector<16xf32>,
    tpu.vector_store %arg12[%swap3A_75, %swap3A_76, %swap3A_77], %broadcast_in_dim3A_7 {strides = array<i32>} : memref<2x16x128xf32, #tpu.memory_space<vmem>>, vector<16xf32>,
    %swap3A_79 = arith.constant 0 : i32
    %swap3A_80 = arith.constant 1 : i32
    %swap3A_81 = arith.index_cast %swap3A_79 : i32 to index
    %swap3A_82 = arith.index_cast %swap3A_80 : i32 to index
    %swap3A_83 = arith.constant 64 : index
    %swap3A_84 = tpu.vector_load %arg12[%swap3A_81, %swap3A_82, %swap3A_83] {strides = array<i32>} : memref<2x16x128xf32, #tpu.memory_space<vmem>>, vector<16xf32>,
    tpu.vector_store %arg12[%swap3A_81, %swap3A_82, %swap3A_83], %broadcast_in_dim3A_7 {strides = array<i32>} : memref<2x16x128xf32, #tpu.memory_space<vmem>>, vector<16xf32>,
    %swap3A_85 = arith.constant 0 : i32
    %swap3A_86 = arith.constant 1 : i32
    %swap3A_87 = arith.index_cast %swap3A_85 : i32 to index
    %swap3A_88 = arith.index_cast %swap3A_86 : i32 to index
    %swap3A_89 = arith.constant 80 : index
    %swap3A_90 = tpu.vector_load %arg12[%swap3A_87, %swap3A_88, %swap3A_89] {strides = array<i32>} : memref<2x16x128xf32, #tpu.memory_space<vmem>>, vector<16xf32>,
    tpu.vector_store %arg12[%swap3A_87, %swap3A_88, %swap3A_89], %broadcast_in_dim3A_7 {strides = array<i32>} : memref<2x16x128xf32, #tpu.memory_space<vmem>>, vector<16xf32>,
    %swap3A_91 = arith.constant 0 : i32
    %swap3A_92 = arith.constant 1 : i32
    %swap3A_93 = arith.index_cast %swap3A_91 : i32 to index
    %swap3A_94 = arith.index_cast %swap3A_92 : i32 to index
    %swap3A_95 = arith.constant 96 : index
    %swap3A_96 = tpu.vector_load %arg12[%swap3A_93, %swap3A_94, %swap3A_95] {strides = array<i32>} : memref<2x16x128xf32, #tpu.memory_space<vmem>>, vector<16xf32>,
    tpu.vector_store %arg12[%swap3A_93, %swap3A_94, %swap3A_95], %broadcast_in_dim3A_7 {strides = array<i32>} : memref<2x16x128xf32, #tpu.memory_space<vmem>>, vector<16xf32>,
    %swap3A_97 = arith.constant 0 : i32
    %swap3A_98 = arith.constant 1 : i32
    %swap3A_99 = arith.index_cast %swap3A_97 : i32 to index
    %swap3A_100 = arith.index_cast %swap3A_98 : i32 to index
    %swap3A_101 = arith.constant 112 : index
    %swap3A_102 = tpu.vector_load %arg12[%swap3A_99, %swap3A_100, %swap3A_101] {strides = array<i32>} : memref<2x16x128xf32, #tpu.memory_space<vmem>>, vector<16xf32>,
    tpu.vector_store %arg12[%swap3A_99, %swap3A_100, %swap3A_101], %broadcast_in_dim3A_7 {strides = array<i32>} : memref<2x16x128xf32, #tpu.memory_space<vmem>>, vector<16xf32>,
    %swap3A_103 = arith.constant 0 : i32
    %swap3A_104 = arith.constant 2 : i32
    %swap3A_105 = arith.index_cast %swap3A_103 : i32 to index
    %swap3A_106 = arith.index_cast %swap3A_104 : i32 to index
    %swap3A_107 = arith.constant 0 : index
    %swap3A_108 = tpu.vector_load %arg12[%swap3A_105, %swap3A_106, %swap3A_107] {strides = array<i32>} : memref<2x16x128xf32, #tpu.memory_space<vmem>>, vector<16xf32>,
    tpu.vector_store %arg12[%swap3A_105, %swap3A_106, %swap3A_107], %broadcast_in_dim3A_7 {strides = array<i32>} : memref<2x16x128xf32, #tpu.memory_space<vmem>>, vector<16xf32>,
    %swap3A_109 = arith.constant 0 : i32
    %swap3A_110 = arith.constant 2 : i32
    %swap3A_111 = arith.index_cast %swap3A_109 : i32 to index
    %swap3A_112 = arith.index_cast %swap3A_110 : i32 to index
    %swap3A_113 = arith.constant 16 : index
    %swap3A_114 = tpu.vector_load %arg12[%swap3A_111, %swap3A_112, %swap3A_113] {strides = array<i32>} : memref<2x16x128xf32, #tpu.memory_space<vmem>>, vector<16xf32>,
    tpu.vector_store %arg12[%swap3A_111, %swap3A_112, %swap3A_113], %broadcast_in_dim3A_7 {strides = array<i32>} : memref<2x16x128xf32, #tpu.memory_space<vmem>>, vector<16xf32>,
    %swap3A_115 = arith.constant 0 : i32
    %swap3A_116 = arith.constant 2 : i32
    %swap3A_117 = arith.index_cast %swap3A_115 : i32 to index
    %swap3A_118 = arith.index_cast %swap3A_116 : i32 to index
    %swap3A_119 = arith.constant 32 : index
    %swap3A_120 = tpu.vector_load %arg12[%swap3A_117, %swap3A_118, %swap3A_119] {strides = array<i32>} : memref<2x16x128xf32, #tpu.memory_space<vmem>>, vector<16xf32>,
    tpu.vector_store %arg12[%swap3A_117, %swap3A_118, %swap3A_119], %broadcast_in_dim3A_7 {strides = array<i32>} : memref<2x16x128xf32, #tpu.memory_space<vmem>>, vector<16xf32>,
    %swap3A_121 = arith.constant 0 : i32
    %swap3A_122 = arith.constant 2 : i32
    %swap3A_123 = arith.index_cast %swap3A_121 : i32 to index
    %swap3A_124 = arith.index_cast %swap3A_122 : i32 to index
    %swap3A_125 = arith.constant 48 : index
    %swap3A_126 = tpu.vector_load %arg12[%swap3A_123, %swap3A_124, %swap3A_125] {strides = array<i32>} : memref<2x16x128xf32, #tpu.memory_space<vmem>>, vector<16xf32>,
    tpu.vector_store %arg12[%swap3A_123, %swap3A_124, %swap3A_125], %broadcast_in_dim3A_7 {strides = array<i32>} : memref<2x16x128xf32, #tpu.memory_space<vmem>>, vector<16xf32>,
    %swap3A_127 = arith.constant 0 : i32
    %swap3A_128 = arith.constant 2 : i32
    %swap3A_129 = arith.index_cast %swap3A_127 : i32 to index
    %swap3A_130 = arith.index_cast %swap3A_128 : i32 to index
    %swap3A_131 = arith.constant 64 : index
    %swap3A_132 = tpu.vector_load %arg12[%swap3A_129, %swap3A_130, %swap3A_131] {strides = array<i32>} : memref<2x16x128xf32, #tpu.memory_space<vmem>>, vector<16xf32>,
    tpu.vector_store %arg12[%swap3A_129, %swap3A_130, %swap3A_131], %broadcast_in_dim3A_7 {strides = array<i32>} : memref<2x16x128xf32, #tpu.memory_space<vmem>>, vector<16xf32>,
    %swap3A_133 = arith.constant 0 : i32
    %swap3A_134 = arith.constant 2 : i32
    %swap3A_135 = arith.index_cast %swap3A_133 : i32 to index
    %swap3A_136 = arith.index_cast %swap3A_134 : i32 to index
    %swap3A_137 = arith.constant 80 : index
    %swap3A_138 = tpu.vector_load %arg12[%swap3A_135, %swap3A_136, %swap3A_137] {strides = array<i32>} : memref<2x16x128xf32, #tpu.memory_space<vmem>>, vector<16xf32>,
    tpu.vector_store %arg12[%swap3A_135, %swap3A_136, %swap3A_137], %broadcast_in_dim3A_7 {strides = array<i32>} : memref<2x16x128xf32, #tpu.memory_space<vmem>>, vector<16xf32>,
    %swap3A_139 = arith.constant 0 : i32
    %swap3A_140 = arith.constant 2 : i32
    %swap3A_141 = arith.index_cast %swap3A_139 : i32 to index
    %swap3A_142 = arith.index_cast %swap3A_140 : i32 to index
    %swap3A_143 = arith.constant 96 : index
    %swap3A_144 = tpu.vector_load %arg12[%swap3A_141, %swap3A_142, %swap3A_143] {strides = array<i32>} : memref<2x16x128xf32, #tpu.memory_space<vmem>>, vector<16xf32>,
    tpu.vector_store %arg12[%swap3A_141, %swap3A_142, %swap3A_143], %broadcast_in_dim3A_7 {strides = array<i32>} : memref<2x16x128xf32, #tpu.memory_space<vmem>>, vector<16xf32>,
    %swap3A_145 = arith.constant 0 : i32
    %swap3A_146 = arith.constant 2 : i32
    %swap3A_147 = arith.index_cast %swap3A_145 : i32 to index
    %swap3A_148 = arith.index_cast %swap3A_146 : i32 to index
    %swap3A_149 = arith.constant 112 : index
    %swap3A_150 = tpu.vector_load %arg12[%swap3A_147, %swap3A_148, %swap3A_149] {strides = array<i32>} : memref<2x16x128xf32, #tpu.memory_space<vmem>>, vector<16xf32>,
    tpu.vector_store %arg12[%swap3A_147, %swap3A_148, %swap3A_149], %broadcast_in_dim3A_7 {strides = array<i32>} : memref<2x16x128xf32, #tpu.memory_space<vmem>>, vector<16xf32>,
    %swap3A_151 = arith.constant 0 : i32
    %swap3A_152 = arith.constant 3 : i32
    %swap3A_153 = arith.index_cast %swap3A_151 : i32 to index
    %swap3A_154 = arith.index_cast %swap3A_152 : i32 to index
    %swap3A_155 = arith.constant 0 : index
    %swap3A_156 = tpu.vector_load %arg12[%swap3A_153, %swap3A_154, %swap3A_155] {strides = array<i32>} : memref<2x16x128xf32, #tpu.memory_space<vmem>>, vector<16xf32>,
    tpu.vector_store %arg12[%swap3A_153, %swap3A_154, %swap3A_155], %broadcast_in_dim3A_7 {strides = array<i32>} : memref<2x16x128xf32, #tpu.memory_space<vmem>>, vector<16xf32>,
    %swap3A_157 = arith.constant 0 : i32
    %swap3A_158 = arith.constant 3 : i32
    %swap3A_159 = arith.index_cast %swap3A_157 : i32 to index
    %swap3A_160 = arith.index_cast %swap3A_158 : i32 to index
    %swap3A_161 = arith.constant 16 : index
    %swap3A_162 = tpu.vector_load %arg12[%swap3A_159, %swap3A_160, %swap3A_161] {strides = array<i32>} : memref<2x16x128xf32, #tpu.memory_space<vmem>>, vector<16xf32>,
    tpu.vector_store %arg12[%swap3A_159, %swap3A_160, %swap3A_161], %broadcast_in_dim3A_7 {strides = array<i32>} : memref<2x16x128xf32, #tpu.memory_space<vmem>>, vector<16xf32>,
    %swap3A_163 = arith.constant 0 : i32
    %swap3A_164 = arith.constant 3 : i32
    %swap3A_165 = arith.index_cast %swap3A_163 : i32 to index
    %swap3A_166 = arith.index_cast %swap3A_164 : i32 to index
    %swap3A_167 = arith.constant 32 : index
    %swap3A_168 = tpu.vector_load %arg12[%swap3A_165, %swap3A_166, %swap3A_167] {strides = array<i32>} : memref<2x16x128xf32, #tpu.memory_space<vmem>>, vector<16xf32>,
    tpu.vector_store %arg12[%swap3A_165, %swap3A_166, %swap3A_167], %broadcast_in_dim3A_7 {strides = array<i32>} : memref<2x16x128xf32, #tpu.memory_space<vmem>>, vector<16xf32>,
    %swap3A_169 = arith.constant 0 : i32
    %swap3A_170 = arith.constant 3 : i32
    %swap3A_171 = arith.index_cast %swap3A_169 : i32 to index
    %swap3A_172 = arith.index_cast %swap3A_170 : i32 to index
    %swap3A_173 = arith.constant 48 : index
    %swap3A_174 = tpu.vector_load %arg12[%swap3A_171, %swap3A_172, %swap3A_173] {strides = array<i32>} : memref<2x16x128xf32, #tpu.memory_space<vmem>>, vector<16xf32>,
    tpu.vector_store %arg12[%swap3A_171, %swap3A_172, %swap3A_173], %broadcast_in_dim3A_7 {strides = array<i32>} : memref<2x16x128xf32, #tpu.memory_space<vmem>>, vector<16xf32>,
    %swap3A_175 = arith.constant 0 : i32
    %swap3A_176 = arith.constant 3 : i32
    %swap3A_177 = arith.index_cast %swap3A_175 : i32 to index
    %swap3A_178 = arith.index_cast %swap3A_176 : i32 to index
    %swap3A_179 = arith.constant 64 : index
    %swap3A_180 = tpu.vector_load %arg12[%swap3A_177, %swap3A_178, %swap3A_179] {strides = array<i32>} : memref<2x16x128xf32, #tpu.memory_space<vmem>>, vector<16xf32>,
    tpu.vector_store %arg12[%swap3A_177, %swap3A_178, %swap3A_179], %broadcast_in_dim3A_7 {strides = array<i32>} : memref<2x16x128xf32, #tpu.memory_space<vmem>>, vector<16xf32>,
    %swap3A_181 = arith.constant 0 : i32
    %swap3A_182 = arith.constant 3 : i32
    %swap3A_183 = arith.index_cast %swap3A_181 : i32 to index
    %swap3A_184 = arith.index_cast %swap3A_182 : i32 to index
    %swap3A_185 = arith.constant 80 : index
    %swap3A_186 = tpu.vector_load %arg12[%swap3A_183, %swap3A_184, %swap3A_185] {strides = array<i32>} : memref<2x16x128xf32, #tpu.memory_space<vmem>>, vector<16xf32>,
    tpu.vector_store %arg12[%swap3A_183, %swap3A_184, %swap3A_185], %broadcast_in_dim3A_7 {strides = array<i32>} : memref<2x16x128xf32, #tpu.memory_space<vmem>>, vector<16xf32>,
    %swap3A_187 = arith.constant 0 : i32
    %swap3A_188 = arith.constant 3 : i32
    %swap3A_189 = arith.index_cast %swap3A_187 : i32 to index
    %swap3A_190 = arith.index_cast %swap3A_188 : i32 to index
    %swap3A_191 = arith.constant 96 : index
    %swap3A_192 = tpu.vector_load %arg12[%swap3A_189, %swap3A_190, %swap3A_191] {strides = array<i32>} : memref<2x16x128xf32, #tpu.memory_space<vmem>>, vector<16xf32>,
    tpu.vector_store %arg12[%swap3A_189, %swap3A_190, %swap3A_191], %broadcast_in_dim3A_7 {strides = array<i32>} : memref<2x16x128xf32, #tpu.memory_space<vmem>>, vector<16xf32>,
    %swap3A_193 = arith.constant 0 : i32
    %swap3A_194 = arith.constant 3 : i32
    %swap3A_195 = arith.index_cast %swap3A_193 : i32 to index
    %swap3A_196 = arith.index_cast %swap3A_194 : i32 to index
    %swap3A_197 = arith.constant 112 : index
    %swap3A_198 = tpu.vector_load %arg12[%swap3A_195, %swap3A_196, %swap3A_197] {strides = array<i32>} : memref<2x16x128xf32, #tpu.memory_space<vmem>>, vector<16xf32>,
    tpu.vector_store %arg12[%swap3A_195, %swap3A_196, %swap3A_197], %broadcast_in_dim3A_7 {strides = array<i32>} : memref<2x16x128xf32, #tpu.memory_space<vmem>>, vector<16xf32>,
    %swap3A_199 = arith.constant 0 : i32
    %swap3A_200 = arith.constant 4 : i32
    %swap3A_201 = arith.index_cast %swap3A_199 : i32 to index
    %swap3A_202 = arith.index_cast %swap3A_200 : i32 to index
    %swap3A_203 = arith.constant 0 : index
    %swap3A_204 = tpu.vector_load %arg12[%swap3A_201, %swap3A_202, %swap3A_203] {strides = array<i32>} : memref<2x16x128xf32, #tpu.memory_space<vmem>>, vector<16xf32>,
    tpu.vector_store %arg12[%swap3A_201, %swap3A_202, %swap3A_203], %broadcast_in_dim3A_7 {strides = array<i32>} : memref<2x16x128xf32, #tpu.memory_space<vmem>>, vector<16xf32>,
    %swap3A_205 = arith.constant 0 : i32
    %swap3A_206 = arith.constant 4 : i32
    %swap3A_207 = arith.index_cast %swap3A_205 : i32 to index
    %swap3A_208 = arith.index_cast %swap3A_206 : i32 to index
    %swap3A_209 = arith.constant 16 : index
    %swap3A_210 = tpu.vector_load %arg12[%swap3A_207, %swap3A_208, %swap3A_209] {strides = array<i32>} : memref<2x16x128xf32, #tpu.memory_space<vmem>>, vector<16xf32>,
    tpu.vector_store %arg12[%swap3A_207, %swap3A_208, %swap3A_209], %broadcast_in_dim3A_7 {strides = array<i32>} : memref<2x16x128xf32, #tpu.memory_space<vmem>>, vector<16xf32>,
    %swap3A_211 = arith.constant 0 : i32
    %swap3A_212 = arith.constant 4 : i32
    %swap3A_213 = arith.index_cast %swap3A_211 : i32 to index
    %swap3A_214 = arith.index_cast %swap3A_212 : i32 to index
    %swap3A_215 = arith.constant 32 : index
    %swap3A_216 = tpu.vector_load %arg12[%swap3A_213, %swap3A_214, %swap3A_215] {strides = array<i32>} : memref<2x16x128xf32, #tpu.memory_space<vmem>>, vector<16xf32>,
    tpu.vector_store %arg12[%swap3A_213, %swap3A_214, %swap3A_215], %broadcast_in_dim3A_7 {strides = array<i32>} : memref<2x16x128xf32, #tpu.memory_space<vmem>>, vector<16xf32>,
    %swap3A_217 = arith.constant 0 : i32
    %swap3A_218 = arith.constant 4 : i32
    %swap3A_219 = arith.index_cast %swap3A_217 : i32 to index
    %swap3A_220 = arith.index_cast %swap3A_218 : i32 to index
    %swap3A_221 = arith.constant 48 : index
    %swap3A_222 = tpu.vector_load %arg12[%swap3A_219, %swap3A_220, %swap3A_221] {strides = array<i32>} : memref<2x16x128xf32, #tpu.memory_space<vmem>>, vector<16xf32>,
    tpu.vector_store %arg12[%swap3A_219, %swap3A_220, %swap3A_221], %broadcast_in_dim3A_7 {strides = array<i32>} : memref<2x16x128xf32, #tpu.memory_space<vmem>>, vector<16xf32>,
    %swap3A_223 = arith.constant 0 : i32
    %swap3A_224 = arith.constant 4 : i32
    %swap3A_225 = arith.index_cast %swap3A_223 : i32 to index
    %swap3A_226 = arith.index_cast %swap3A_224 : i32 to index
    %swap3A_227 = arith.constant 64 : index
    %swap3A_228 = tpu.vector_load %arg12[%swap3A_225, %swap3A_226, %swap3A_227] {strides = array<i32>} : memref<2x16x128xf32, #tpu.memory_space<vmem>>, vector<16xf32>,
    tpu.vector_store %arg12[%swap3A_225, %swap3A_226, %swap3A_227], %broadcast_in_dim3A_7 {strides = array<i32>} : memref<2x16x128xf32, #tpu.memory_space<vmem>>, vector<16xf32>,
    %swap3A_229 = arith.constant 0 : i32
    %swap3A_230 = arith.constant 4 : i32
    %swap3A_231 = arith.index_cast %swap3A_229 : i32 to index
    %swap3A_232 = arith.index_cast %swap3A_230 : i32 to index
    %swap3A_233 = arith.constant 80 : index
    %swap3A_234 = tpu.vector_load %arg12[%swap3A_231, %swap3A_232, %swap3A_233] {strides = array<i32>} : memref<2x16x128xf32, #tpu.memory_space<vmem>>, vector<16xf32>,
    tpu.vector_store %arg12[%swap3A_231, %swap3A_232, %swap3A_233], %broadcast_in_dim3A_7 {strides = array<i32>} : memref<2x16x128xf32, #tpu.memory_space<vmem>>, vector<16xf32>,
    %swap3A_235 = arith.constant 0 : i32
    %swap3A_236 = arith.constant 4 : i32
    %swap3A_237 = arith.index_cast %swap3A_235 : i32 to index
    %swap3A_238 = arith.index_cast %swap3A_236 : i32 to index
    %swap3A_239 = arith.constant 96 : index
    %swap3A_240 = tpu.vector_load %arg12[%swap3A_237, %swap3A_238, %swap3A_239] {strides = array<i32>} : memref<2x16x128xf32, #tpu.memory_space<vmem>>, vector<16xf32>,
    tpu.vector_store %arg12[%swap3A_237, %swap3A_238, %swap3A_239], %broadcast_in_dim3A_7 {strides = array<i32>} : memref<2x16x128xf32, #tpu.memory_space<vmem>>, vector<16xf32>,
    %swap3A_241 = arith.constant 0 : i32
    %swap3A_242 = arith.constant 4 : i32
    %swap3A_243 = arith.index_cast %swap3A_241 : i32 to index
    %swap3A_244 = arith.index_cast %swap3A_242 : i32 to index
    %swap3A_245 = arith.constant 112 : index
    %swap3A_246 = tpu.vector_load %arg12[%swap3A_243, %swap3A_244, %swap3A_245] {strides = array<i32>} : memref<2x16x128xf32, #tpu.memory_space<vmem>>, vector<16xf32>,
    tpu.vector_store %arg12[%swap3A_243, %swap3A_244, %swap3A_245], %broadcast_in_dim3A_7 {strides = array<i32>} : memref<2x16x128xf32, #tpu.memory_space<vmem>>, vector<16xf32>,
    %swap3A_247 = arith.constant 0 : i32
    %swap3A_248 = arith.constant 5 : i32
    %swap3A_249 = arith.index_cast %swap3A_247 : i32 to index
    %swap3A_250 = arith.index_cast %swap3A_248 : i32 to index
    %swap3A_251 = arith.constant 0 : index
    %swap3A_252 = tpu.vector_load %arg12[%swap3A_249, %swap3A_250, %swap3A_251] {strides = array<i32>} : memref<2x16x128xf32, #tpu.memory_space<vmem>>, vector<16xf32>,
    tpu.vector_store %arg12[%swap3A_249, %swap3A_250, %swap3A_251], %broadcast_in_dim3A_7 {strides = array<i32>} : memref<2x16x128xf32, #tpu.memory_space<vmem>>, vector<16xf32>,
    %swap3A_253 = arith.constant 0 : i32
    %swap3A_254 = arith.constant 5 : i32
    %swap3A_255 = arith.index_cast %swap3A_253 : i32 to index
    %swap3A_256 = arith.index_cast %swap3A_254 : i32 to index
    %swap3A_257 = arith.constant 16 : index
    %swap3A_258 = tpu.vector_load %arg12[%swap3A_255, %swap3A_256, %swap3A_257] {strides = array<i32>} : memref<2x16x128xf32, #tpu.memory_space<vmem>>, vector<16xf32>,
    tpu.vector_store %arg12[%swap3A_255, %swap3A_256, %swap3A_257], %broadcast_in_dim3A_7 {strides = array<i32>} : memref<2x16x128xf32, #tpu.memory_space<vmem>>, vector<16xf32>,
    %swap3A_259 = arith.constant 0 : i32
    %swap3A_260 = arith.constant 5 : i32
    %swap3A_261 = arith.index_cast %swap3A_259 : i32 to index
    %swap3A_262 = arith.index_cast %swap3A_260 : i32 to index
    %swap3A_263 = arith.constant 32 : index
    %swap3A_264 = tpu.vector_load %arg12[%swap3A_261, %swap3A_262, %swap3A_263] {strides = array<i32>} : memref<2x16x128xf32, #tpu.memory_space<vmem>>, vector<16xf32>,
    tpu.vector_store %arg12[%swap3A_261, %swap3A_262, %swap3A_263], %broadcast_in_dim3A_7 {strides = array<i32>} : memref<2x16x128xf32, #tpu.memory_space<vmem>>, vector<16xf32>,
    %swap3A_265 = arith.constant 0 : i32
    %swap3A_266 = arith.constant 5 : i32
    %swap3A_267 = arith.index_cast %swap3A_265 : i32 to index
    %swap3A_268 = arith.index_cast %swap3A_266 : i32 to index
    %swap3A_269 = arith.constant 48 : index
    %swap3A_270 = tpu.vector_load %arg12[%swap3A_267, %swap3A_268, %swap3A_269] {strides = array<i32>} : memref<2x16x128xf32, #tpu.memory_space<vmem>>, vector<16xf32>,
    tpu.vector_store %arg12[%swap3A_267, %swap3A_268, %swap3A_269], %broadcast_in_dim3A_7 {strides = array<i32>} : memref<2x16x128xf32, #tpu.memory_space<vmem>>, vector<16xf32>,
    %swap3A_271 = arith.constant 0 : i32
    %swap3A_272 = arith.constant 5 : i32
    %swap3A_273 = arith.index_cast %swap3A_271 : i32 to index
    %swap3A_274 = arith.index_cast %swap3A_272 : i32 to index
    %swap3A_275 = arith.constant 64 : index
    %swap3A_276 = tpu.vector_load %arg12[%swap3A_273, %swap3A_274, %swap3A_275] {strides = array<i32>} : memref<2x16x128xf32, #tpu.memory_space<vmem>>, vector<16xf32>,
    tpu.vector_store %arg12[%swap3A_273, %swap3A_274, %swap3A_275], %broadcast_in_dim3A_7 {strides = array<i32>} : memref<2x16x128xf32, #tpu.memory_space<vmem>>, vector<16xf32>,
    %swap3A_277 = arith.constant 0 : i32
    %swap3A_278 = arith.constant 5 : i32
    %swap3A_279 = arith.index_cast %swap3A_277 : i32 to index
    %swap3A_280 = arith.index_cast %swap3A_278 : i32 to index
    %swap3A_281 = arith.constant 80 : index
    %swap3A_282 = tpu.vector_load %arg12[%swap3A_279, %swap3A_280, %swap3A_281] {strides = array<i32>} : memref<2x16x128xf32, #tpu.memory_space<vmem>>, vector<16xf32>,
    tpu.vector_store %arg12[%swap3A_279, %swap3A_280, %swap3A_281], %broadcast_in_dim3A_7 {strides = array<i32>} : memref<2x16x128xf32, #tpu.memory_space<vmem>>, vector<16xf32>,
    %swap3A_283 = arith.constant 0 : i32
    %swap3A_284 = arith.constant 5 : i32
    %swap3A_285 = arith.index_cast %swap3A_283 : i32 to index
    %swap3A_286 = arith.index_cast %swap3A_284 : i32 to index
    %swap3A_287 = arith.constant 96 : index
    %swap3A_288 = tpu.vector_load %arg12[%swap3A_285, %swap3A_286, %swap3A_287] {strides = array<i32>} : memref<2x16x128xf32, #tpu.memory_space<vmem>>, vector<16xf32>,
    tpu.vector_store %arg12[%swap3A_285, %swap3A_286, %swap3A_287], %broadcast_in_dim3A_7 {strides = array<i32>} : memref<2x16x128xf32, #tpu.memory_space<vmem>>, vector<16xf32>,
    %swap3A_289 = arith.constant 0 : i32
    %swap3A_290 = arith.constant 5 : i32
    %swap3A_291 = arith.index_cast %swap3A_289 : i32 to index
    %swap3A_292 = arith.index_cast %swap3A_290 : i32 to index
    %swap3A_293 = arith.constant 112 : index
    %swap3A_294 = tpu.vector_load %arg12[%swap3A_291, %swap3A_292, %swap3A_293] {strides = array<i32>} : memref<2x16x128xf32, #tpu.memory_space<vmem>>, vector<16xf32>,
    tpu.vector_store %arg12[%swap3A_291, %swap3A_292, %swap3A_293], %broadcast_in_dim3A_7 {strides = array<i32>} : memref<2x16x128xf32, #tpu.memory_space<vmem>>, vector<16xf32>,
    %swap3A_295 = arith.constant 0 : i32
    %swap3A_296 = arith.constant 6 : i32
    %swap3A_297 = arith.index_cast %swap3A_295 : i32 to index
    %swap3A_298 = arith.index_cast %swap3A_296 : i32 to index
    %swap3A_299 = arith.constant 0 : index
    %swap3A_300 = tpu.vector_load %arg12[%swap3A_297, %swap3A_298, %swap3A_299] {strides = array<i32>} : memref<2x16x128xf32, #tpu.memory_space<vmem>>, vector<16xf32>,
    tpu.vector_store %arg12[%swap3A_297, %swap3A_298, %swap3A_299], %broadcast_in_dim3A_7 {strides = array<i32>} : memref<2x16x128xf32, #tpu.memory_space<vmem>>, vector<16xf32>,
    %swap3A_301 = arith.constant 0 : i32
    %swap3A_302 = arith.constant 6 : i32
    %swap3A_303 = arith.index_cast %swap3A_301 : i32 to index
    %swap3A_304 = arith.index_cast %swap3A_302 : i32 to index
    %swap3A_305 = arith.constant 16 : index
    %swap3A_306 = tpu.vector_load %arg12[%swap3A_303, %swap3A_304, %swap3A_305] {strides = array<i32>} : memref<2x16x128xf32, #tpu.memory_space<vmem>>, vector<16xf32>,
    tpu.vector_store %arg12[%swap3A_303, %swap3A_304, %swap3A_305], %broadcast_in_dim3A_7 {strides = array<i32>} : memref<2x16x128xf32, #tpu.memory_space<vmem>>, vector<16xf32>,
    %swap3A_307 = arith.constant 0 : i32
    %swap3A_308 = arith.constant 6 : i32
    %swap3A_309 = arith.index_cast %swap3A_307 : i32 to index
    %swap3A_310 = arith.index_cast %swap3A_308 : i32 to index
    %swap3A_311 = arith.constant 32 : index
    %swap3A_312 = tpu.vector_load %arg12[%swap3A_309, %swap3A_310, %swap3A_311] {strides = array<i32>} : memref<2x16x128xf32, #tpu.memory_space<vmem>>, vector<16xf32>,
    tpu.vector_store %arg12[%swap3A_309, %swap3A_310, %swap3A_311], %broadcast_in_dim3A_7 {strides = array<i32>} : memref<2x16x128xf32, #tpu.memory_space<vmem>>, vector<16xf32>,
    %swap3A_313 = arith.constant 0 : i32
    %swap3A_314 = arith.constant 6 : i32
    %swap3A_315 = arith.index_cast %swap3A_313 : i32 to index
    %swap3A_316 = arith.index_cast %swap3A_314 : i32 to index
    %swap3A_317 = arith.constant 48 : index
    %swap3A_318 = tpu.vector_load %arg12[%swap3A_315, %swap3A_316, %swap3A_317] {strides = array<i32>} : memref<2x16x128xf32, #tpu.memory_space<vmem>>, vector<16xf32>,
    tpu.vector_store %arg12[%swap3A_315, %swap3A_316, %swap3A_317], %broadcast_in_dim3A_7 {strides = array<i32>} : memref<2x16x128xf32, #tpu.memory_space<vmem>>, vector<16xf32>,
    %swap3A_319 = arith.constant 0 : i32
    %swap3A_320 = arith.constant 6 : i32
    %swap3A_321 = arith.index_cast %swap3A_319 : i32 to index
    %swap3A_322 = arith.index_cast %swap3A_320 : i32 to index
    %swap3A_323 = arith.constant 64 : index
    %swap3A_324 = tpu.vector_load %arg12[%swap3A_321, %swap3A_322, %swap3A_323] {strides = array<i32>} : memref<2x16x128xf32, #tpu.memory_space<vmem>>, vector<16xf32>,
    tpu.vector_store %arg12[%swap3A_321, %swap3A_322, %swap3A_323], %broadcast_in_dim3A_7 {strides = array<i32>} : memref<2x16x128xf32, #tpu.memory_space<vmem>>, vector<16xf32>,
    %swap3A_325 = arith.constant 0 : i32
    %swap3A_326 = arith.constant 6 : i32
    %swap3A_327 = arith.index_cast %swap3A_325 : i32 to index
    %swap3A_328 = arith.index_cast %swap3A_326 : i32 to index
    %swap3A_329 = arith.constant 80 : index
    %swap3A_330 = tpu.vector_load %arg12[%swap3A_327, %swap3A_328, %swap3A_329] {strides = array<i32>} : memref<2x16x128xf32, #tpu.memory_space<vmem>>, vector<16xf32>,
    tpu.vector_store %arg12[%swap3A_327, %swap3A_328, %swap3A_329], %broadcast_in_dim3A_7 {strides = array<i32>} : memref<2x16x128xf32, #tpu.memory_space<vmem>>, vector<16xf32>,
    %swap3A_331 = arith.constant 0 : i32
    %swap3A_332 = arith.constant 6 : i32
    %swap3A_333 = arith.index_cast %swap3A_331 : i32 to index
    %swap3A_334 = arith.index_cast %swap3A_332 : i32 to index
    %swap3A_335 = arith.constant 96 : index
    %swap3A_336 = tpu.vector_load %arg12[%swap3A_333, %swap3A_334, %swap3A_335] {strides = array<i32>} : memref<2x16x128xf32, #tpu.memory_space<vmem>>, vector<16xf32>,
    tpu.vector_store %arg12[%swap3A_333, %swap3A_334, %swap3A_335], %broadcast_in_dim3A_7 {strides = array<i32>} : memref<2x16x128xf32, #tpu.memory_space<vmem>>, vector<16xf32>,
    %swap3A_337 = arith.constant 0 : i32
    %swap3A_338 = arith.constant 6 : i32
    %swap3A_339 = arith.index_cast %swap3A_337 : i32 to index
    %swap3A_340 = arith.index_cast %swap3A_338 : i32 to index
    %swap3A_341 = arith.constant 112 : index
    %swap3A_342 = tpu.vector_load %arg12[%swap3A_339, %swap3A_340, %swap3A_341] {strides = array<i32>} : memref<2x16x128xf32, #tpu.memory_space<vmem>>, vector<16xf32>,
    tpu.vector_store %arg12[%swap3A_339, %swap3A_340, %swap3A_341], %broadcast_in_dim3A_7 {strides = array<i32>} : memref<2x16x128xf32, #tpu.memory_space<vmem>>, vector<16xf32>,
    %swap3A_343 = arith.constant 0 : i32
    %swap3A_344 = arith.constant 7 : i32
    %swap3A_345 = arith.index_cast %swap3A_343 : i32 to index
    %swap3A_346 = arith.index_cast %swap3A_344 : i32 to index
    %swap3A_347 = arith.constant 0 : index
    %swap3A_348 = tpu.vector_load %arg12[%swap3A_345, %swap3A_346, %swap3A_347] {strides = array<i32>} : memref<2x16x128xf32, #tpu.memory_space<vmem>>, vector<16xf32>,
    tpu.vector_store %arg12[%swap3A_345, %swap3A_346, %swap3A_347], %broadcast_in_dim3A_7 {strides = array<i32>} : memref<2x16x128xf32, #tpu.memory_space<vmem>>, vector<16xf32>,
    %swap3A_349 = arith.constant 0 : i32
    %swap3A_350 = arith.constant 7 : i32
    %swap3A_351 = arith.index_cast %swap3A_349 : i32 to index
    %swap3A_352 = arith.index_cast %swap3A_350 : i32 to index
    %swap3A_353 = arith.constant 16 : index
    %swap3A_354 = tpu.vector_load %arg12[%swap3A_351, %swap3A_352, %swap3A_353] {strides = array<i32>} : memref<2x16x128xf32, #tpu.memory_space<vmem>>, vector<16xf32>,
    tpu.vector_store %arg12[%swap3A_351, %swap3A_352, %swap3A_353], %broadcast_in_dim3A_7 {strides = array<i32>} : memref<2x16x128xf32, #tpu.memory_space<vmem>>, vector<16xf32>,
    %swap3A_355 = arith.constant 0 : i32
    %swap3A_356 = arith.constant 7 : i32
    %swap3A_357 = arith.index_cast %swap3A_355 : i32 to index
    %swap3A_358 = arith.index_cast %swap3A_356 : i32 to index
    %swap3A_359 = arith.constant 32 : index
    %swap3A_360 = tpu.vector_load %arg12[%swap3A_357, %swap3A_358, %swap3A_359] {strides = array<i32>} : memref<2x16x128xf32, #tpu.memory_space<vmem>>, vector<16xf32>,
    tpu.vector_store %arg12[%swap3A_357, %swap3A_358, %swap3A_359], %broadcast_in_dim3A_7 {strides = array<i32>} : memref<2x16x128xf32, #tpu.memory_space<vmem>>, vector<16xf32>,
    %swap3A_361 = arith.constant 0 : i32
    %swap3A_362 = arith.constant 7 : i32
    %swap3A_363 = arith.index_cast %swap3A_361 : i32 to index
    %swap3A_364 = arith.index_cast %swap3A_362 : i32 to index
    %swap3A_365 = arith.constant 48 : index
    %swap3A_366 = tpu.vector_load %arg12[%swap3A_363, %swap3A_364, %swap3A_365] {strides = array<i32>} : memref<2x16x128xf32, #tpu.memory_space<vmem>>, vector<16xf32>,
    tpu.vector_store %arg12[%swap3A_363, %swap3A_364, %swap3A_365], %broadcast_in_dim3A_7 {strides = array<i32>} : memref<2x16x128xf32, #tpu.memory_space<vmem>>, vector<16xf32>,
    %swap3A_367 = arith.constant 0 : i32
    %swap3A_368 = arith.constant 7 : i32
    %swap3A_369 = arith.index_cast %swap3A_367 : i32 to index
    %swap3A_370 = arith.index_cast %swap3A_368 : i32 to index
    %swap3A_371 = arith.constant 64 : index
    %swap3A_372 = tpu.vector_load %arg12[%swap3A_369, %swap3A_370, %swap3A_371] {strides = array<i32>} : memref<2x16x128xf32, #tpu.memory_space<vmem>>, vector<16xf32>,
    tpu.vector_store %arg12[%swap3A_369, %swap3A_370, %swap3A_371], %broadcast_in_dim3A_7 {strides = array<i32>} : memref<2x16x128xf32, #tpu.memory_space<vmem>>, vector<16xf32>,
    %swap3A_373 = arith.constant 0 : i32
    %swap3A_374 = arith.constant 7 : i32
    %swap3A_375 = arith.index_cast %swap3A_373 : i32 to index
    %swap3A_376 = arith.index_cast %swap3A_374 : i32 to index
    %swap3A_377 = arith.constant 80 : index
    %swap3A_378 = tpu.vector_load %arg12[%swap3A_375, %swap3A_376, %swap3A_377] {strides = array<i32>} : memref<2x16x128xf32, #tpu.memory_space<vmem>>, vector<16xf32>,
    tpu.vector_store %arg12[%swap3A_375, %swap3A_376, %swap3A_377], %broadcast_in_dim3A_7 {strides = array<i32>} : memref<2x16x128xf32, #tpu.memory_space<vmem>>, vector<16xf32>,
    %swap3A_379 = arith.constant 0 : i32
    %swap3A_380 = arith.constant 7 : i32
    %swap3A_381 = arith.index_cast %swap3A_379 : i32 to index
    %swap3A_382 = arith.index_cast %swap3A_380 : i32 to index
    %swap3A_383 = arith.constant 96 : index
    %swap3A_384 = tpu.vector_load %arg12[%swap3A_381, %swap3A_382, %swap3A_383] {strides = array<i32>} : memref<2x16x128xf32, #tpu.memory_space<vmem>>, vector<16xf32>,
    tpu.vector_store %arg12[%swap3A_381, %swap3A_382, %swap3A_383], %broadcast_in_dim3A_7 {strides = array<i32>} : memref<2x16x128xf32, #tpu.memory_space<vmem>>, vector<16xf32>,
    %swap3A_385 = arith.constant 0 : i32
    %swap3A_386 = arith.constant 7 : i32
    %swap3A_387 = arith.index_cast %swap3A_385 : i32 to index
    %swap3A_388 = arith.index_cast %swap3A_386 : i32 to index
    %swap3A_389 = arith.constant 112 : index
    %swap3A_390 = tpu.vector_load %arg12[%swap3A_387, %swap3A_388, %swap3A_389] {strides = array<i32>} : memref<2x16x128xf32, #tpu.memory_space<vmem>>, vector<16xf32>,
    tpu.vector_store %arg12[%swap3A_387, %swap3A_388, %swap3A_389], %broadcast_in_dim3A_7 {strides = array<i32>} : memref<2x16x128xf32, #tpu.memory_space<vmem>>, vector<16xf32>,
    %swap3A_391 = arith.constant 0 : i32
    %swap3A_392 = arith.constant 8 : i32
    %swap3A_393 = arith.index_cast %swap3A_391 : i32 to index
    %swap3A_394 = arith.index_cast %swap3A_392 : i32 to index
    %swap3A_395 = arith.constant 0 : index
    %swap3A_396 = tpu.vector_load %arg12[%swap3A_393, %swap3A_394, %swap3A_395] {strides = array<i32>} : memref<2x16x128xf32, #tpu.memory_space<vmem>>, vector<16xf32>,
    tpu.vector_store %arg12[%swap3A_393, %swap3A_394, %swap3A_395], %broadcast_in_dim3A_7 {strides = array<i32>} : memref<2x16x128xf32, #tpu.memory_space<vmem>>, vector<16xf32>,
    %swap3A_397 = arith.constant 0 : i32
    %swap3A_398 = arith.constant 8 : i32
    %swap3A_399 = arith.index_cast %swap3A_397 : i32 to index
    %swap3A_400 = arith.index_cast %swap3A_398 : i32 to index
    %swap3A_401 = arith.constant 16 : index
    %swap3A_402 = tpu.vector_load %arg12[%swap3A_399, %swap3A_400, %swap3A_401] {strides = array<i32>} : memref<2x16x128xf32, #tpu.memory_space<vmem>>, vector<16xf32>,
    tpu.vector_store %arg12[%swap3A_399, %swap3A_400, %swap3A_401], %broadcast_in_dim3A_7 {strides = array<i32>} : memref<2x16x128xf32, #tpu.memory_space<vmem>>, vector<16xf32>,
    %swap3A_403 = arith.constant 0 : i32
    %swap3A_404 = arith.constant 8 : i32
    %swap3A_405 = arith.index_cast %swap3A_403 : i32 to index
    %swap3A_406 = arith.index_cast %swap3A_404 : i32 to index
    %swap3A_407 = arith.constant 32 : index
    %swap3A_408 = tpu.vector_load %arg12[%swap3A_405, %swap3A_406, %swap3A_407] {strides = array<i32>} : memref<2x16x128xf32, #tpu.memory_space<vmem>>, vector<16xf32>,
    tpu.vector_store %arg12[%swap3A_405, %swap3A_406, %swap3A_407], %broadcast_in_dim3A_7 {strides = array<i32>} : memref<2x16x128xf32, #tpu.memory_space<vmem>>, vector<16xf32>,
    %swap3A_409 = arith.constant 0 : i32
    %swap3A_410 = arith.constant 8 : i32
    %swap3A_411 = arith.index_cast %swap3A_409 : i32 to index
    %swap3A_412 = arith.index_cast %swap3A_410 : i32 to index
    %swap3A_413 = arith.constant 48 : index
    %swap3A_414 = tpu.vector_load %arg12[%swap3A_411, %swap3A_412, %swap3A_413] {strides = array<i32>} : memref<2x16x128xf32, #tpu.memory_space<vmem>>, vector<16xf32>,
    tpu.vector_store %arg12[%swap3A_411, %swap3A_412, %swap3A_413], %broadcast_in_dim3A_7 {strides = array<i32>} : memref<2x16x128xf32, #tpu.memory_space<vmem>>, vector<16xf32>,
    %swap3A_415 = arith.constant 0 : i32
    %swap3A_416 = arith.constant 8 : i32
    %swap3A_417 = arith.index_cast %swap3A_415 : i32 to index
    %swap3A_418 = arith.index_cast %swap3A_416 : i32 to index
    %swap3A_419 = arith.constant 64 : index
    %swap3A_420 = tpu.vector_load %arg12[%swap3A_417, %swap3A_418, %swap3A_419] {strides = array<i32>} : memref<2x16x128xf32, #tpu.memory_space<vmem>>, vector<16xf32>,
    tpu.vector_store %arg12[%swap3A_417, %swap3A_418, %swap3A_419], %broadcast_in_dim3A_7 {strides = array<i32>} : memref<2x16x128xf32, #tpu.memory_space<vmem>>, vector<16xf32>,
    %swap3A_421 = arith.constant 0 : i32
    %swap3A_422 = arith.constant 8 : i32
    %swap3A_423 = arith.index_cast %swap3A_421 : i32 to index
    %swap3A_424 = arith.index_cast %swap3A_422 : i32 to index
    %swap3A_425 = arith.constant 80 : index
    %swap3A_426 = tpu.vector_load %arg12[%swap3A_423, %swap3A_424, %swap3A_425] {strides = array<i32>} : memref<2x16x128xf32, #tpu.memory_space<vmem>>, vector<16xf32>,
    tpu.vector_store %arg12[%swap3A_423, %swap3A_424, %swap3A_425], %broadcast_in_dim3A_7 {strides = array<i32>} : memref<2x16x128xf32, #tpu.memory_space<vmem>>, vector<16xf32>,
    %swap3A_427 = arith.constant 0 : i32
    %swap3A_428 = arith.constant 8 : i32
    %swap3A_429 = arith.index_cast %swap3A_427 : i32 to index
    %swap3A_430 = arith.index_cast %swap3A_428 : i32 to index
    %swap3A_431 = arith.constant 96 : index
    %swap3A_432 = tpu.vector_load %arg12[%swap3A_429, %swap3A_430, %swap3A_431] {strides = array<i32>} : memref<2x16x128xf32, #tpu.memory_space<vmem>>, vector<16xf32>,
    tpu.vector_store %arg12[%swap3A_429, %swap3A_430, %swap3A_431], %broadcast_in_dim3A_7 {strides = array<i32>} : memref<2x16x128xf32, #tpu.memory_space<vmem>>, vector<16xf32>,
    %swap3A_433 = arith.constant 0 : i32
    %swap3A_434 = arith.constant 8 : i32
    %swap3A_435 = arith.index_cast %swap3A_433 : i32 to index
    %swap3A_436 = arith.index_cast %swap3A_434 : i32 to index
    %swap3A_437 = arith.constant 112 : index
    %swap3A_438 = tpu.vector_load %arg12[%swap3A_435, %swap3A_436, %swap3A_437] {strides = array<i32>} : memref<2x16x128xf32, #tpu.memory_space<vmem>>, vector<16xf32>,
    tpu.vector_store %arg12[%swap3A_435, %swap3A_436, %swap3A_437], %broadcast_in_dim3A_7 {strides = array<i32>} : memref<2x16x128xf32, #tpu.memory_space<vmem>>, vector<16xf32>,
    %swap3A_439 = arith.constant 0 : i32
    %swap3A_440 = arith.constant 9 : i32
    %swap3A_441 = arith.index_cast %swap3A_439 : i32 to index
    %swap3A_442 = arith.index_cast %swap3A_440 : i32 to index
    %swap3A_443 = arith.constant 0 : index
    %swap3A_444 = tpu.vector_load %arg12[%swap3A_441, %swap3A_442, %swap3A_443] {strides = array<i32>} : memref<2x16x128xf32, #tpu.memory_space<vmem>>, vector<16xf32>,
    tpu.vector_store %arg12[%swap3A_441, %swap3A_442, %swap3A_443], %broadcast_in_dim3A_7 {strides = array<i32>} : memref<2x16x128xf32, #tpu.memory_space<vmem>>, vector<16xf32>,
    %swap3A_445 = arith.constant 0 : i32
    %swap3A_446 = arith.constant 9 : i32
    %swap3A_447 = arith.index_cast %swap3A_445 : i32 to index
    %swap3A_448 = arith.index_cast %swap3A_446 : i32 to index
    %swap3A_449 = arith.constant 16 : index
    %swap3A_450 = tpu.vector_load %arg12[%swap3A_447, %swap3A_448, %swap3A_449] {strides = array<i32>} : memref<2x16x128xf32, #tpu.memory_space<vmem>>, vector<16xf32>,
    tpu.vector_store %arg12[%swap3A_447, %swap3A_448, %swap3A_449], %broadcast_in_dim3A_7 {strides = array<i32>} : memref<2x16x128xf32, #tpu.memory_space<vmem>>, vector<16xf32>,
    %swap3A_451 = arith.constant 0 : i32
    %swap3A_452 = arith.constant 9 : i32
    %swap3A_453 = arith.index_cast %swap3A_451 : i32 to index
    %swap3A_454 = arith.index_cast %swap3A_452 : i32 to index
    %swap3A_455 = arith.constant 32 : index
    %swap3A_456 = tpu.vector_load %arg12[%swap3A_453, %swap3A_454, %swap3A_455] {strides = array<i32>} : memref<2x16x128xf32, #tpu.memory_space<vmem>>, vector<16xf32>,
    tpu.vector_store %arg12[%swap3A_453, %swap3A_454, %swap3A_455], %broadcast_in_dim3A_7 {strides = array<i32>} : memref<2x16x128xf32, #tpu.memory_space<vmem>>, vector<16xf32>,
    %swap3A_457 = arith.constant 0 : i32
    %swap3A_458 = arith.constant 9 : i32
    %swap3A_459 = arith.index_cast %swap3A_457 : i32 to index
    %swap3A_460 = arith.index_cast %swap3A_458 : i32 to index
    %swap3A_461 = arith.constant 48 : index
    %swap3A_462 = tpu.vector_load %arg12[%swap3A_459, %swap3A_460, %swap3A_461] {strides = array<i32>} : memref<2x16x128xf32, #tpu.memory_space<vmem>>, vector<16xf32>,
    tpu.vector_store %arg12[%swap3A_459, %swap3A_460, %swap3A_461], %broadcast_in_dim3A_7 {strides = array<i32>} : memref<2x16x128xf32, #tpu.memory_space<vmem>>, vector<16xf32>,
    %swap3A_463 = arith.constant 0 : i32
    %swap3A_464 = arith.constant 9 : i32
    %swap3A_465 = arith.index_cast %swap3A_463 : i32 to index
    %swap3A_466 = arith.index_cast %swap3A_464 : i32 to index
    %swap3A_467 = arith.constant 64 : index
    %swap3A_468 = tpu.vector_load %arg12[%swap3A_465, %swap3A_466, %swap3A_467] {strides = array<i32>} : memref<2x16x128xf32, #tpu.memory_space<vmem>>, vector<16xf32>,
    tpu.vector_store %arg12[%swap3A_465, %swap3A_466, %swap3A_467], %broadcast_in_dim3A_7 {strides = array<i32>} : memref<2x16x128xf32, #tpu.memory_space<vmem>>, vector<16xf32>,
    %swap3A_469 = arith.constant 0 : i32
    %swap3A_470 = arith.constant 9 : i32
    %swap3A_471 = arith.index_cast %swap3A_469 : i32 to index
    %swap3A_472 = arith.index_cast %swap3A_470 : i32 to index
    %swap3A_473 = arith.constant 80 : index
    %swap3A_474 = tpu.vector_load %arg12[%swap3A_471, %swap3A_472, %swap3A_473] {strides = array<i32>} : memref<2x16x128xf32, #tpu.memory_space<vmem>>, vector<16xf32>,
    tpu.vector_store %arg12[%swap3A_471, %swap3A_472, %swap3A_473], %broadcast_in_dim3A_7 {strides = array<i32>} : memref<2x16x128xf32, #tpu.memory_space<vmem>>, vector<16xf32>,
    %swap3A_475 = arith.constant 0 : i32
    %swap3A_476 = arith.constant 9 : i32
    %swap3A_477 = arith.index_cast %swap3A_475 : i32 to index
    %swap3A_478 = arith.index_cast %swap3A_476 : i32 to index
    %swap3A_479 = arith.constant 96 : index
    %swap3A_480 = tpu.vector_load %arg12[%swap3A_477, %swap3A_478, %swap3A_479] {strides = array<i32>} : memref<2x16x128xf32, #tpu.memory_space<vmem>>, vector<16xf32>,
    tpu.vector_store %arg12[%swap3A_477, %swap3A_478, %swap3A_479], %broadcast_in_dim3A_7 {strides = array<i32>} : memref<2x16x128xf32, #tpu.memory_space<vmem>>, vector<16xf32>,
    %swap3A_481 = arith.constant 0 : i32
    %swap3A_482 = arith.constant 9 : i32
    %swap3A_483 = arith.index_cast %swap3A_481 : i32 to index
    %swap3A_484 = arith.index_cast %swap3A_482 : i32 to index
    %swap3A_485 = arith.constant 112 : index
    %swap3A_486 = tpu.vector_load %arg12[%swap3A_483, %swap3A_484, %swap3A_485] {strides = array<i32>} : memref<2x16x128xf32, #tpu.memory_space<vmem>>, vector<16xf32>,
    tpu.vector_store %arg12[%swap3A_483, %swap3A_484, %swap3A_485], %broadcast_in_dim3A_7 {strides = array<i32>} : memref<2x16x128xf32, #tpu.memory_space<vmem>>, vector<16xf32>,
    %swap3A_487 = arith.constant 0 : i32
    %swap3A_488 = arith.constant 10 : i32
    %swap3A_489 = arith.index_cast %swap3A_487 : i32 to index
    %swap3A_490 = arith.index_cast %swap3A_488 : i32 to index
    %swap3A_491 = arith.constant 0 : index
    %swap3A_492 = tpu.vector_load %arg12[%swap3A_489, %swap3A_490, %swap3A_491] {strides = array<i32>} : memref<2x16x128xf32, #tpu.memory_space<vmem>>, vector<16xf32>,
    tpu.vector_store %arg12[%swap3A_489, %swap3A_490, %swap3A_491], %broadcast_in_dim3A_7 {strides = array<i32>} : memref<2x16x128xf32, #tpu.memory_space<vmem>>, vector<16xf32>,
    %swap3A_493 = arith.constant 0 : i32
    %swap3A_494 = arith.constant 10 : i32
    %swap3A_495 = arith.index_cast %swap3A_493 : i32 to index
    %swap3A_496 = arith.index_cast %swap3A_494 : i32 to index
    %swap3A_497 = arith.constant 16 : index
    %swap3A_498 = tpu.vector_load %arg12[%swap3A_495, %swap3A_496, %swap3A_497] {strides = array<i32>} : memref<2x16x128xf32, #tpu.memory_space<vmem>>, vector<16xf32>,
    tpu.vector_store %arg12[%swap3A_495, %swap3A_496, %swap3A_497], %broadcast_in_dim3A_7 {strides = array<i32>} : memref<2x16x128xf32, #tpu.memory_space<vmem>>, vector<16xf32>,
    %swap3A_499 = arith.constant 0 : i32
    %swap3A_500 = arith.constant 10 : i32
    %swap3A_501 = arith.index_cast %swap3A_499 : i32 to index
    %swap3A_502 = arith.index_cast %swap3A_500 : i32 to index
    %swap3A_503 = arith.constant 32 : index
    %swap3A_504 = tpu.vector_load %arg12[%swap3A_501, %swap3A_502, %swap3A_503] {strides = array<i32>} : memref<2x16x128xf32, #tpu.memory_space<vmem>>, vector<16xf32>,
    tpu.vector_store %arg12[%swap3A_501, %swap3A_502, %swap3A_503], %broadcast_in_dim3A_7 {strides = array<i32>} : memref<2x16x128xf32, #tpu.memory_space<vmem>>, vector<16xf32>,
    %swap3A_505 = arith.constant 0 : i32
    %swap3A_506 = arith.constant 10 : i32
    %swap3A_507 = arith.index_cast %swap3A_505 : i32 to index
    %swap3A_508 = arith.index_cast %swap3A_506 : i32 to index
    %swap3A_509 = arith.constant 48 : index
    %swap3A_510 = tpu.vector_load %arg12[%swap3A_507, %swap3A_508, %swap3A_509] {strides = array<i32>} : memref<2x16x128xf32, #tpu.memory_space<vmem>>, vector<16xf32>,
    tpu.vector_store %arg12[%swap3A_507, %swap3A_508, %swap3A_509], %broadcast_in_dim3A_7 {strides = array<i32>} : memref<2x16x128xf32, #tpu.memory_space<vmem>>, vector<16xf32>,
    %swap3A_511 = arith.constant 0 : i32
    %swap3A_512 = arith.constant 10 : i32
    %swap3A_513 = arith.index_cast %swap3A_511 : i32 to index
    %swap3A_514 = arith.index_cast %swap3A_512 : i32 to index
    %swap3A_515 = arith.constant 64 : index
    %swap3A_516 = tpu.vector_load %arg12[%swap3A_513, %swap3A_514, %swap3A_515] {strides = array<i32>} : memref<2x16x128xf32, #tpu.memory_space<vmem>>, vector<16xf32>,
    tpu.vector_store %arg12[%swap3A_513, %swap3A_514, %swap3A_515], %broadcast_in_dim3A_7 {strides = array<i32>} : memref<2x16x128xf32, #tpu.memory_space<vmem>>, vector<16xf32>,
    %swap3A_517 = arith.constant 0 : i32
    %swap3A_518 = arith.constant 10 : i32
    %swap3A_519 = arith.index_cast %swap3A_517 : i32 to index
    %swap3A_520 = arith.index_cast %swap3A_518 : i32 to index
    %swap3A_521 = arith.constant 80 : index
    %swap3A_522 = tpu.vector_load %arg12[%swap3A_519, %swap3A_520, %swap3A_521] {strides = array<i32>} : memref<2x16x128xf32, #tpu.memory_space<vmem>>, vector<16xf32>,
    tpu.vector_store %arg12[%swap3A_519, %swap3A_520, %swap3A_521], %broadcast_in_dim3A_7 {strides = array<i32>} : memref<2x16x128xf32, #tpu.memory_space<vmem>>, vector<16xf32>,
    %swap3A_523 = arith.constant 0 : i32
    %swap3A_524 = arith.constant 10 : i32
    %swap3A_525 = arith.index_cast %swap3A_523 : i32 to index
    %swap3A_526 = arith.index_cast %swap3A_524 : i32 to index
    %swap3A_527 = arith.constant 96 : index
    %swap3A_528 = tpu.vector_load %arg12[%swap3A_525, %swap3A_526, %swap3A_527] {strides = array<i32>} : memref<2x16x128xf32, #tpu.memory_space<vmem>>, vector<16xf32>,
    tpu.vector_store %arg12[%swap3A_525, %swap3A_526, %swap3A_527], %broadcast_in_dim3A_7 {strides = array<i32>} : memref<2x16x128xf32, #tpu.memory_space<vmem>>, vector<16xf32>,
    %swap3A_529 = arith.constant 0 : i32
    %swap3A_530 = arith.constant 10 : i32
    %swap3A_531 = arith.index_cast %swap3A_529 : i32 to index
    %swap3A_532 = arith.index_cast %swap3A_530 : i32 to index
    %swap3A_533 = arith.constant 112 : index
    %swap3A_534 = tpu.vector_load %arg12[%swap3A_531, %swap3A_532, %swap3A_533] {strides = array<i32>} : memref<2x16x128xf32, #tpu.memory_space<vmem>>, vector<16xf32>,
    tpu.vector_store %arg12[%swap3A_531, %swap3A_532, %swap3A_533], %broadcast_in_dim3A_7 {strides = array<i32>} : memref<2x16x128xf32, #tpu.memory_space<vmem>>, vector<16xf32>,
    %swap3A_535 = arith.constant 0 : i32
    %swap3A_536 = arith.constant 11 : i32
    %swap3A_537 = arith.index_cast %swap3A_535 : i32 to index
    %swap3A_538 = arith.index_cast %swap3A_536 : i32 to index
    %swap3A_539 = arith.constant 0 : index
    %swap3A_540 = tpu.vector_load %arg12[%swap3A_537, %swap3A_538, %swap3A_539] {strides = array<i32>} : memref<2x16x128xf32, #tpu.memory_space<vmem>>, vector<16xf32>,
    tpu.vector_store %arg12[%swap3A_537, %swap3A_538, %swap3A_539], %broadcast_in_dim3A_7 {strides = array<i32>} : memref<2x16x128xf32, #tpu.memory_space<vmem>>, vector<16xf32>,
    %swap3A_541 = arith.constant 0 : i32
    %swap3A_542 = arith.constant 11 : i32
    %swap3A_543 = arith.index_cast %swap3A_541 : i32 to index
    %swap3A_544 = arith.index_cast %swap3A_542 : i32 to index
    %swap3A_545 = arith.constant 16 : index
    %swap3A_546 = tpu.vector_load %arg12[%swap3A_543, %swap3A_544, %swap3A_545] {strides = array<i32>} : memref<2x16x128xf32, #tpu.memory_space<vmem>>, vector<16xf32>,
    tpu.vector_store %arg12[%swap3A_543, %swap3A_544, %swap3A_545], %broadcast_in_dim3A_7 {strides = array<i32>} : memref<2x16x128xf32, #tpu.memory_space<vmem>>, vector<16xf32>,
    %swap3A_547 = arith.constant 0 : i32
    %swap3A_548 = arith.constant 11 : i32
    %swap3A_549 = arith.index_cast %swap3A_547 : i32 to index
    %swap3A_550 = arith.index_cast %swap3A_548 : i32 to index
    %swap3A_551 = arith.constant 32 : index
    %swap3A_552 = tpu.vector_load %arg12[%swap3A_549, %swap3A_550, %swap3A_551] {strides = array<i32>} : memref<2x16x128xf32, #tpu.memory_space<vmem>>, vector<16xf32>,
    tpu.vector_store %arg12[%swap3A_549, %swap3A_550, %swap3A_551], %broadcast_in_dim3A_7 {strides = array<i32>} : memref<2x16x128xf32, #tpu.memory_space<vmem>>, vector<16xf32>,
    %swap3A_553 = arith.constant 0 : i32
    %swap3A_554 = arith.constant 11 : i32
    %swap3A_555 = arith.index_cast %swap3A_553 : i32 to index
    %swap3A_556 = arith.index_cast %swap3A_554 : i32 to index
    %swap3A_557 = arith.constant 48 : index
    %swap3A_558 = tpu.vector_load %arg12[%swap3A_555, %swap3A_556, %swap3A_557] {strides = array<i32>} : memref<2x16x128xf32, #tpu.memory_space<vmem>>, vector<16xf32>,
    tpu.vector_store %arg12[%swap3A_555, %swap3A_556, %swap3A_557], %broadcast_in_dim3A_7 {strides = array<i32>} : memref<2x16x128xf32, #tpu.memory_space<vmem>>, vector<16xf32>,
    %swap3A_559 = arith.constant 0 : i32
    %swap3A_560 = arith.constant 11 : i32
    %swap3A_561 = arith.index_cast %swap3A_559 : i32 to index
    %swap3A_562 = arith.index_cast %swap3A_560 : i32 to index
    %swap3A_563 = arith.constant 64 : index
    %swap3A_564 = tpu.vector_load %arg12[%swap3A_561, %swap3A_562, %swap3A_563] {strides = array<i32>} : memref<2x16x128xf32, #tpu.memory_space<vmem>>, vector<16xf32>,
    tpu.vector_store %arg12[%swap3A_561, %swap3A_562, %swap3A_563], %broadcast_in_dim3A_7 {strides = array<i32>} : memref<2x16x128xf32, #tpu.memory_space<vmem>>, vector<16xf32>,
    %swap3A_565 = arith.constant 0 : i32
    %swap3A_566 = arith.constant 11 : i32
    %swap3A_567 = arith.index_cast %swap3A_565 : i32 to index
    %swap3A_568 = arith.index_cast %swap3A_566 : i32 to index
    %swap3A_569 = arith.constant 80 : index
    %swap3A_570 = tpu.vector_load %arg12[%swap3A_567, %swap3A_568, %swap3A_569] {strides = array<i32>} : memref<2x16x128xf32, #tpu.memory_space<vmem>>, vector<16xf32>,
    tpu.vector_store %arg12[%swap3A_567, %swap3A_568, %swap3A_569], %broadcast_in_dim3A_7 {strides = array<i32>} : memref<2x16x128xf32, #tpu.memory_space<vmem>>, vector<16xf32>,
    %swap3A_571 = arith.constant 0 : i32
    %swap3A_572 = arith.constant 11 : i32
    %swap3A_573 = arith.index_cast %swap3A_571 : i32 to index
    %swap3A_574 = arith.index_cast %swap3A_572 : i32 to index
    %swap3A_575 = arith.constant 96 : index
    %swap3A_576 = tpu.vector_load %arg12[%swap3A_573, %swap3A_574, %swap3A_575] {strides = array<i32>} : memref<2x16x128xf32, #tpu.memory_space<vmem>>, vector<16xf32>,
    tpu.vector_store %arg12[%swap3A_573, %swap3A_574, %swap3A_575], %broadcast_in_dim3A_7 {strides = array<i32>} : memref<2x16x128xf32, #tpu.memory_space<vmem>>, vector<16xf32>,
    %swap3A_577 = arith.constant 0 : i32
    %swap3A_578 = arith.constant 11 : i32
    %swap3A_579 = arith.index_cast %swap3A_577 : i32 to index
    %swap3A_580 = arith.index_cast %swap3A_578 : i32 to index
    %swap3A_581 = arith.constant 112 : index
    %swap3A_582 = tpu.vector_load %arg12[%swap3A_579, %swap3A_580, %swap3A_581] {strides = array<i32>} : memref<2x16x128xf32, #tpu.memory_space<vmem>>, vector<16xf32>,
    tpu.vector_store %arg12[%swap3A_579, %swap3A_580, %swap3A_581], %broadcast_in_dim3A_7 {strides = array<i32>} : memref<2x16x128xf32, #tpu.memory_space<vmem>>, vector<16xf32>,
    %swap3A_583 = arith.constant 0 : i32
    %swap3A_584 = arith.constant 12 : i32
    %swap3A_585 = arith.index_cast %swap3A_583 : i32 to index
    %swap3A_586 = arith.index_cast %swap3A_584 : i32 to index
    %swap3A_587 = arith.constant 0 : index
    %swap3A_588 = tpu.vector_load %arg12[%swap3A_585, %swap3A_586, %swap3A_587] {strides = array<i32>} : memref<2x16x128xf32, #tpu.memory_space<vmem>>, vector<16xf32>,
    tpu.vector_store %arg12[%swap3A_585, %swap3A_586, %swap3A_587], %broadcast_in_dim3A_7 {strides = array<i32>} : memref<2x16x128xf32, #tpu.memory_space<vmem>>, vector<16xf32>,
    %swap3A_589 = arith.constant 0 : i32
    %swap3A_590 = arith.constant 12 : i32
    %swap3A_591 = arith.index_cast %swap3A_589 : i32 to index
    %swap3A_592 = arith.index_cast %swap3A_590 : i32 to index
    %swap3A_593 = arith.constant 16 : index
    %swap3A_594 = tpu.vector_load %arg12[%swap3A_591, %swap3A_592, %swap3A_593] {strides = array<i32>} : memref<2x16x128xf32, #tpu.memory_space<vmem>>, vector<16xf32>,
    tpu.vector_store %arg12[%swap3A_591, %swap3A_592, %swap3A_593], %broadcast_in_dim3A_7 {strides = array<i32>} : memref<2x16x128xf32, #tpu.memory_space<vmem>>, vector<16xf32>,
    %swap3A_595 = arith.constant 0 : i32
    %swap3A_596 = arith.constant 12 : i32
    %swap3A_597 = arith.index_cast %swap3A_595 : i32 to index
    %swap3A_598 = arith.index_cast %swap3A_596 : i32 to index
    %swap3A_599 = arith.constant 32 : index
    %swap3A_600 = tpu.vector_load %arg12[%swap3A_597, %swap3A_598, %swap3A_599] {strides = array<i32>} : memref<2x16x128xf32, #tpu.memory_space<vmem>>, vector<16xf32>,
    tpu.vector_store %arg12[%swap3A_597, %swap3A_598, %swap3A_599], %broadcast_in_dim3A_7 {strides = array<i32>} : memref<2x16x128xf32, #tpu.memory_space<vmem>>, vector<16xf32>,
    %swap3A_601 = arith.constant 0 : i32
    %swap3A_602 = arith.constant 12 : i32
    %swap3A_603 = arith.index_cast %swap3A_601 : i32 to index
    %swap3A_604 = arith.index_cast %swap3A_602 : i32 to index
    %swap3A_605 = arith.constant 48 : index
    %swap3A_606 = tpu.vector_load %arg12[%swap3A_603, %swap3A_604, %swap3A_605] {strides = array<i32>} : memref<2x16x128xf32, #tpu.memory_space<vmem>>, vector<16xf32>,
    tpu.vector_store %arg12[%swap3A_603, %swap3A_604, %swap3A_605], %broadcast_in_dim3A_7 {strides = array<i32>} : memref<2x16x128xf32, #tpu.memory_space<vmem>>, vector<16xf32>,
    %swap3A_607 = arith.constant 0 : i32
    %swap3A_608 = arith.constant 12 : i32
    %swap3A_609 = arith.index_cast %swap3A_607 : i32 to index
    %swap3A_610 = arith.index_cast %swap3A_608 : i32 to index
    %swap3A_611 = arith.constant 64 : index
    %swap3A_612 = tpu.vector_load %arg12[%swap3A_609, %swap3A_610, %swap3A_611] {strides = array<i32>} : memref<2x16x128xf32, #tpu.memory_space<vmem>>, vector<16xf32>,
    tpu.vector_store %arg12[%swap3A_609, %swap3A_610, %swap3A_611], %broadcast_in_dim3A_7 {strides = array<i32>} : memref<2x16x128xf32, #tpu.memory_space<vmem>>, vector<16xf32>,
    %swap3A_613 = arith.constant 0 : i32
    %swap3A_614 = arith.constant 12 : i32
    %swap3A_615 = arith.index_cast %swap3A_613 : i32 to index
    %swap3A_616 = arith.index_cast %swap3A_614 : i32 to index
    %swap3A_617 = arith.constant 80 : index
    %swap3A_618 = tpu.vector_load %arg12[%swap3A_615, %swap3A_616, %swap3A_617] {strides = array<i32>} : memref<2x16x128xf32, #tpu.memory_space<vmem>>, vector<16xf32>,
    tpu.vector_store %arg12[%swap3A_615, %swap3A_616, %swap3A_617], %broadcast_in_dim3A_7 {strides = array<i32>} : memref<2x16x128xf32, #tpu.memory_space<vmem>>, vector<16xf32>,
    %swap3A_619 = arith.constant 0 : i32
    %swap3A_620 = arith.constant 12 : i32
    %swap3A_621 = arith.index_cast %swap3A_619 : i32 to index
    %swap3A_622 = arith.index_cast %swap3A_620 : i32 to index
    %swap3A_623 = arith.constant 96 : index
    %swap3A_624 = tpu.vector_load %arg12[%swap3A_621, %swap3A_622, %swap3A_623] {strides = array<i32>} : memref<2x16x128xf32, #tpu.memory_space<vmem>>, vector<16xf32>,
    tpu.vector_store %arg12[%swap3A_621, %swap3A_622, %swap3A_623], %broadcast_in_dim3A_7 {strides = array<i32>} : memref<2x16x128xf32, #tpu.memory_space<vmem>>, vector<16xf32>,
    %swap3A_625 = arith.constant 0 : i32
    %swap3A_626 = arith.constant 12 : i32
    %swap3A_627 = arith.index_cast %swap3A_625 : i32 to index
    %swap3A_628 = arith.index_cast %swap3A_626 : i32 to index
    %swap3A_629 = arith.constant 112 : index
    %swap3A_630 = tpu.vector_load %arg12[%swap3A_627, %swap3A_628, %swap3A_629] {strides = array<i32>} : memref<2x16x128xf32, #tpu.memory_space<vmem>>, vector<16xf32>,
    tpu.vector_store %arg12[%swap3A_627, %swap3A_628, %swap3A_629], %broadcast_in_dim3A_7 {strides = array<i32>} : memref<2x16x128xf32, #tpu.memory_space<vmem>>, vector<16xf32>,
    %swap3A_631 = arith.constant 0 : i32
    %swap3A_632 = arith.constant 13 : i32
    %swap3A_633 = arith.index_cast %swap3A_631 : i32 to index
    %swap3A_634 = arith.index_cast %swap3A_632 : i32 to index
    %swap3A_635 = arith.constant 0 : index
    %swap3A_636 = tpu.vector_load %arg12[%swap3A_633, %swap3A_634, %swap3A_635] {strides = array<i32>} : memref<2x16x128xf32, #tpu.memory_space<vmem>>, vector<16xf32>,
    tpu.vector_store %arg12[%swap3A_633, %swap3A_634, %swap3A_635], %broadcast_in_dim3A_7 {strides = array<i32>} : memref<2x16x128xf32, #tpu.memory_space<vmem>>, vector<16xf32>,
    %swap3A_637 = arith.constant 0 : i32
    %swap3A_638 = arith.constant 13 : i32
    %swap3A_639 = arith.index_cast %swap3A_637 : i32 to index
    %swap3A_640 = arith.index_cast %swap3A_638 : i32 to index
    %swap3A_641 = arith.constant 16 : index
    %swap3A_642 = tpu.vector_load %arg12[%swap3A_639, %swap3A_640, %swap3A_641] {strides = array<i32>} : memref<2x16x128xf32, #tpu.memory_space<vmem>>, vector<16xf32>,
    tpu.vector_store %arg12[%swap3A_639, %swap3A_640, %swap3A_641], %broadcast_in_dim3A_7 {strides = array<i32>} : memref<2x16x128xf32, #tpu.memory_space<vmem>>, vector<16xf32>,
    %swap3A_643 = arith.constant 0 : i32
    %swap3A_644 = arith.constant 13 : i32
    %swap3A_645 = arith.index_cast %swap3A_643 : i32 to index
    %swap3A_646 = arith.index_cast %swap3A_644 : i32 to index
    %swap3A_647 = arith.constant 32 : index
    %swap3A_648 = tpu.vector_load %arg12[%swap3A_645, %swap3A_646, %swap3A_647] {strides = array<i32>} : memref<2x16x128xf32, #tpu.memory_space<vmem>>, vector<16xf32>,
    tpu.vector_store %arg12[%swap3A_645, %swap3A_646, %swap3A_647], %broadcast_in_dim3A_7 {strides = array<i32>} : memref<2x16x128xf32, #tpu.memory_space<vmem>>, vector<16xf32>,
    %swap3A_649 = arith.constant 0 : i32
    %swap3A_650 = arith.constant 13 : i32
    %swap3A_651 = arith.index_cast %swap3A_649 : i32 to index
    %swap3A_652 = arith.index_cast %swap3A_650 : i32 to index
    %swap3A_653 = arith.constant 48 : index
    %swap3A_654 = tpu.vector_load %arg12[%swap3A_651, %swap3A_652, %swap3A_653] {strides = array<i32>} : memref<2x16x128xf32, #tpu.memory_space<vmem>>, vector<16xf32>,
    tpu.vector_store %arg12[%swap3A_651, %swap3A_652, %swap3A_653], %broadcast_in_dim3A_7 {strides = array<i32>} : memref<2x16x128xf32, #tpu.memory_space<vmem>>, vector<16xf32>,
    %swap3A_655 = arith.constant 0 : i32
    %swap3A_656 = arith.constant 13 : i32
    %swap3A_657 = arith.index_cast %swap3A_655 : i32 to index
    %swap3A_658 = arith.index_cast %swap3A_656 : i32 to index
    %swap3A_659 = arith.constant 64 : index
    %swap3A_660 = tpu.vector_load %arg12[%swap3A_657, %swap3A_658, %swap3A_659] {strides = array<i32>} : memref<2x16x128xf32, #tpu.memory_space<vmem>>, vector<16xf32>,
    tpu.vector_store %arg12[%swap3A_657, %swap3A_658, %swap3A_659], %broadcast_in_dim3A_7 {strides = array<i32>} : memref<2x16x128xf32, #tpu.memory_space<vmem>>, vector<16xf32>,
    %swap3A_661 = arith.constant 0 : i32
    %swap3A_662 = arith.constant 13 : i32
    %swap3A_663 = arith.index_cast %swap3A_661 : i32 to index
    %swap3A_664 = arith.index_cast %swap3A_662 : i32 to index
    %swap3A_665 = arith.constant 80 : index
    %swap3A_666 = tpu.vector_load %arg12[%swap3A_663, %swap3A_664, %swap3A_665] {strides = array<i32>} : memref<2x16x128xf32, #tpu.memory_space<vmem>>, vector<16xf32>,
    tpu.vector_store %arg12[%swap3A_663, %swap3A_664, %swap3A_665], %broadcast_in_dim3A_7 {strides = array<i32>} : memref<2x16x128xf32, #tpu.memory_space<vmem>>, vector<16xf32>,
    %swap3A_667 = arith.constant 0 : i32
    %swap3A_668 = arith.constant 13 : i32
    %swap3A_669 = arith.index_cast %swap3A_667 : i32 to index
    %swap3A_670 = arith.index_cast %swap3A_668 : i32 to index
    %swap3A_671 = arith.constant 96 : index
    %swap3A_672 = tpu.vector_load %arg12[%swap3A_669, %swap3A_670, %swap3A_671] {strides = array<i32>} : memref<2x16x128xf32, #tpu.memory_space<vmem>>, vector<16xf32>,
    tpu.vector_store %arg12[%swap3A_669, %swap3A_670, %swap3A_671], %broadcast_in_dim3A_7 {strides = array<i32>} : memref<2x16x128xf32, #tpu.memory_space<vmem>>, vector<16xf32>,
    %swap3A_673 = arith.constant 0 : i32
    %swap3A_674 = arith.constant 13 : i32
    %swap3A_675 = arith.index_cast %swap3A_673 : i32 to index
    %swap3A_676 = arith.index_cast %swap3A_674 : i32 to index
    %swap3A_677 = arith.constant 112 : index
    %swap3A_678 = tpu.vector_load %arg12[%swap3A_675, %swap3A_676, %swap3A_677] {strides = array<i32>} : memref<2x16x128xf32, #tpu.memory_space<vmem>>, vector<16xf32>,
    tpu.vector_store %arg12[%swap3A_675, %swap3A_676, %swap3A_677], %broadcast_in_dim3A_7 {strides = array<i32>} : memref<2x16x128xf32, #tpu.memory_space<vmem>>, vector<16xf32>,
    %swap3A_679 = arith.constant 0 : i32
    %swap3A_680 = arith.constant 14 : i32
    %swap3A_681 = arith.index_cast %swap3A_679 : i32 to index
    %swap3A_682 = arith.index_cast %swap3A_680 : i32 to index
    %swap3A_683 = arith.constant 0 : index
    %swap3A_684 = tpu.vector_load %arg12[%swap3A_681, %swap3A_682, %swap3A_683] {strides = array<i32>} : memref<2x16x128xf32, #tpu.memory_space<vmem>>, vector<16xf32>,
    tpu.vector_store %arg12[%swap3A_681, %swap3A_682, %swap3A_683], %broadcast_in_dim3A_7 {strides = array<i32>} : memref<2x16x128xf32, #tpu.memory_space<vmem>>, vector<16xf32>,
    %swap3A_685 = arith.constant 0 : i32
    %swap3A_686 = arith.constant 14 : i32
    %swap3A_687 = arith.index_cast %swap3A_685 : i32 to index
    %swap3A_688 = arith.index_cast %swap3A_686 : i32 to index
    %swap3A_689 = arith.constant 16 : index
    %swap3A_690 = tpu.vector_load %arg12[%swap3A_687, %swap3A_688, %swap3A_689] {strides = array<i32>} : memref<2x16x128xf32, #tpu.memory_space<vmem>>, vector<16xf32>,
    tpu.vector_store %arg12[%swap3A_687, %swap3A_688, %swap3A_689], %broadcast_in_dim3A_7 {strides = array<i32>} : memref<2x16x128xf32, #tpu.memory_space<vmem>>, vector<16xf32>,
    %swap3A_691 = arith.constant 0 : i32
    %swap3A_692 = arith.constant 14 : i32
    %swap3A_693 = arith.index_cast %swap3A_691 : i32 to index
    %swap3A_694 = arith.index_cast %swap3A_692 : i32 to index
    %swap3A_695 = arith.constant 32 : index
    %swap3A_696 = tpu.vector_load %arg12[%swap3A_693, %swap3A_694, %swap3A_695] {strides = array<i32>} : memref<2x16x128xf32, #tpu.memory_space<vmem>>, vector<16xf32>,
    tpu.vector_store %arg12[%swap3A_693, %swap3A_694, %swap3A_695], %broadcast_in_dim3A_7 {strides = array<i32>} : memref<2x16x128xf32, #tpu.memory_space<vmem>>, vector<16xf32>,
    %swap3A_697 = arith.constant 0 : i32
    %swap3A_698 = arith.constant 14 : i32
    %swap3A_699 = arith.index_cast %swap3A_697 : i32 to index
    %swap3A_700 = arith.index_cast %swap3A_698 : i32 to index
    %swap3A_701 = arith.constant 48 : index
    %swap3A_702 = tpu.vector_load %arg12[%swap3A_699, %swap3A_700, %swap3A_701] {strides = array<i32>} : memref<2x16x128xf32, #tpu.memory_space<vmem>>, vector<16xf32>,
    tpu.vector_store %arg12[%swap3A_699, %swap3A_700, %swap3A_701], %broadcast_in_dim3A_7 {strides = array<i32>} : memref<2x16x128xf32, #tpu.memory_space<vmem>>, vector<16xf32>,
    %swap3A_703 = arith.constant 0 : i32
    %swap3A_704 = arith.constant 14 : i32
    %swap3A_705 = arith.index_cast %swap3A_703 : i32 to index
    %swap3A_706 = arith.index_cast %swap3A_704 : i32 to index
    %swap3A_707 = arith.constant 64 : index
    %swap3A_708 = tpu.vector_load %arg12[%swap3A_705, %swap3A_706, %swap3A_707] {strides = array<i32>} : memref<2x16x128xf32, #tpu.memory_space<vmem>>, vector<16xf32>,
    tpu.vector_store %arg12[%swap3A_705, %swap3A_706, %swap3A_707], %broadcast_in_dim3A_7 {strides = array<i32>} : memref<2x16x128xf32, #tpu.memory_space<vmem>>, vector<16xf32>,
    %swap3A_709 = arith.constant 0 : i32
    %swap3A_710 = arith.constant 14 : i32
    %swap3A_711 = arith.index_cast %swap3A_709 : i32 to index
    %swap3A_712 = arith.index_cast %swap3A_710 : i32 to index
    %swap3A_713 = arith.constant 80 : index
    %swap3A_714 = tpu.vector_load %arg12[%swap3A_711, %swap3A_712, %swap3A_713] {strides = array<i32>} : memref<2x16x128xf32, #tpu.memory_space<vmem>>, vector<16xf32>,
    tpu.vector_store %arg12[%swap3A_711, %swap3A_712, %swap3A_713], %broadcast_in_dim3A_7 {strides = array<i32>} : memref<2x16x128xf32, #tpu.memory_space<vmem>>, vector<16xf32>,
    %swap3A_715 = arith.constant 0 : i32
    %swap3A_716 = arith.constant 14 : i32
    %swap3A_717 = arith.index_cast %swap3A_715 : i32 to index
    %swap3A_718 = arith.index_cast %swap3A_716 : i32 to index
    %swap3A_719 = arith.constant 96 : index
    %swap3A_720 = tpu.vector_load %arg12[%swap3A_717, %swap3A_718, %swap3A_719] {strides = array<i32>} : memref<2x16x128xf32, #tpu.memory_space<vmem>>, vector<16xf32>,
    tpu.vector_store %arg12[%swap3A_717, %swap3A_718, %swap3A_719], %broadcast_in_dim3A_7 {strides = array<i32>} : memref<2x16x128xf32, #tpu.memory_space<vmem>>, vector<16xf32>,
    %swap3A_721 = arith.constant 0 : i32
    %swap3A_722 = arith.constant 14 : i32
    %swap3A_723 = arith.index_cast %swap3A_721 : i32 to index
    %swap3A_724 = arith.index_cast %swap3A_722 : i32 to index
    %swap3A_725 = arith.constant 112 : index
    %swap3A_726 = tpu.vector_load %arg12[%swap3A_723, %swap3A_724, %swap3A_725] {strides = array<i32>} : memref<2x16x128xf32, #tpu.memory_space<vmem>>, vector<16xf32>,
    tpu.vector_store %arg12[%swap3A_723, %swap3A_724, %swap3A_725], %broadcast_in_dim3A_7 {strides = array<i32>} : memref<2x16x128xf32, #tpu.memory_space<vmem>>, vector<16xf32>,
    %swap3A_727 = arith.constant 0 : i32
    %swap3A_728 = arith.constant 15 : i32
    %swap3A_729 = arith.index_cast %swap3A_727 : i32 to index
    %swap3A_730 = arith.index_cast %swap3A_728 : i32 to index
    %swap3A_731 = arith.constant 0 : index
    %swap3A_732 = tpu.vector_load %arg12[%swap3A_729, %swap3A_730, %swap3A_731] {strides = array<i32>} : memref<2x16x128xf32, #tpu.memory_space<vmem>>, vector<16xf32>,
    tpu.vector_store %arg12[%swap3A_729, %swap3A_730, %swap3A_731], %broadcast_in_dim3A_7 {strides = array<i32>} : memref<2x16x128xf32, #tpu.memory_space<vmem>>, vector<16xf32>,
    %swap3A_733 = arith.constant 0 : i32
    %swap3A_734 = arith.constant 15 : i32
    %swap3A_735 = arith.index_cast %swap3A_733 : i32 to index
    %swap3A_736 = arith.index_cast %swap3A_734 : i32 to index
    %swap3A_737 = arith.constant 16 : index
    %swap3A_738 = tpu.vector_load %arg12[%swap3A_735, %swap3A_736, %swap3A_737] {strides = array<i32>} : memref<2x16x128xf32, #tpu.memory_space<vmem>>, vector<16xf32>,
    tpu.vector_store %arg12[%swap3A_735, %swap3A_736, %swap3A_737], %broadcast_in_dim3A_7 {strides = array<i32>} : memref<2x16x128xf32, #tpu.memory_space<vmem>>, vector<16xf32>,
    %swap3A_739 = arith.constant 0 : i32
    %swap3A_740 = arith.constant 15 : i32
    %swap3A_741 = arith.index_cast %swap3A_739 : i32 to index
    %swap3A_742 = arith.index_cast %swap3A_740 : i32 to index
    %swap3A_743 = arith.constant 32 : index
    %swap3A_744 = tpu.vector_load %arg12[%swap3A_741, %swap3A_742, %swap3A_743] {strides = array<i32>} : memref<2x16x128xf32, #tpu.memory_space<vmem>>, vector<16xf32>,
    tpu.vector_store %arg12[%swap3A_741, %swap3A_742, %swap3A_743], %broadcast_in_dim3A_7 {strides = array<i32>} : memref<2x16x128xf32, #tpu.memory_space<vmem>>, vector<16xf32>,
    %swap3A_745 = arith.constant 0 : i32
    %swap3A_746 = arith.constant 15 : i32
    %swap3A_747 = arith.index_cast %swap3A_745 : i32 to index
    %swap3A_748 = arith.index_cast %swap3A_746 : i32 to index
    %swap3A_749 = arith.constant 48 : index
    %swap3A_750 = tpu.vector_load %arg12[%swap3A_747, %swap3A_748, %swap3A_749] {strides = array<i32>} : memref<2x16x128xf32, #tpu.memory_space<vmem>>, vector<16xf32>,
    tpu.vector_store %arg12[%swap3A_747, %swap3A_748, %swap3A_749], %broadcast_in_dim3A_7 {strides = array<i32>} : memref<2x16x128xf32, #tpu.memory_space<vmem>>, vector<16xf32>,
    %swap3A_751 = arith.constant 0 : i32
    %swap3A_752 = arith.constant 15 : i32
    %swap3A_753 = arith.index_cast %swap3A_751 : i32 to index
    %swap3A_754 = arith.index_cast %swap3A_752 : i32 to index
    %swap3A_755 = arith.constant 64 : index
    %swap3A_756 = tpu.vector_load %arg12[%swap3A_753, %swap3A_754, %swap3A_755] {strides = array<i32>} : memref<2x16x128xf32, #tpu.memory_space<vmem>>, vector<16xf32>,
    tpu.vector_store %arg12[%swap3A_753, %swap3A_754, %swap3A_755], %broadcast_in_dim3A_7 {strides = array<i32>} : memref<2x16x128xf32, #tpu.memory_space<vmem>>, vector<16xf32>,
    %swap3A_757 = arith.constant 0 : i32
    %swap3A_758 = arith.constant 15 : i32
    %swap3A_759 = arith.index_cast %swap3A_757 : i32 to index
    %swap3A_760 = arith.index_cast %swap3A_758 : i32 to index
    %swap3A_761 = arith.constant 80 : index
    %swap3A_762 = tpu.vector_load %arg12[%swap3A_759, %swap3A_760, %swap3A_761] {strides = array<i32>} : memref<2x16x128xf32, #tpu.memory_space<vmem>>, vector<16xf32>,
    tpu.vector_store %arg12[%swap3A_759, %swap3A_760, %swap3A_761], %broadcast_in_dim3A_7 {strides = array<i32>} : memref<2x16x128xf32, #tpu.memory_space<vmem>>, vector<16xf32>,
    %swap3A_763 = arith.constant 0 : i32
    %swap3A_764 = arith.constant 15 : i32
    %swap3A_765 = arith.index_cast %swap3A_763 : i32 to index
    %swap3A_766 = arith.index_cast %swap3A_764 : i32 to index
    %swap3A_767 = arith.constant 96 : index
    %swap3A_768 = tpu.vector_load %arg12[%swap3A_765, %swap3A_766, %swap3A_767] {strides = array<i32>} : memref<2x16x128xf32, #tpu.memory_space<vmem>>, vector<16xf32>,
    tpu.vector_store %arg12[%swap3A_765, %swap3A_766, %swap3A_767], %broadcast_in_dim3A_7 {strides = array<i32>} : memref<2x16x128xf32, #tpu.memory_space<vmem>>, vector<16xf32>,
    %swap3A_769 = arith.constant 0 : i32
    %swap3A_770 = arith.constant 15 : i32
    %swap3A_771 = arith.index_cast %swap3A_769 : i32 to index
    %swap3A_772 = arith.index_cast %swap3A_770 : i32 to index
    %swap3A_773 = arith.constant 112 : index
    %swap3A_774 = tpu.vector_load %arg12[%swap3A_771, %swap3A_772, %swap3A_773] {strides = array<i32>} : memref<2x16x128xf32, #tpu.memory_space<vmem>>, vector<16xf32>,
    tpu.vector_store %arg12[%swap3A_771, %swap3A_772, %swap3A_773], %broadcast_in_dim3A_7 {strides = array<i32>} : memref<2x16x128xf32, #tpu.memory_space<vmem>>, vector<16xf32>,
    %while3A = arith.constant 0 : i32
    %while3A_775 = arith.constant 0 : i32
    %while3A_776 = arith.subi %select_n3A, %while3A_775 : i32
    %while3A_777 = arith.addi %while3A_775, %while3A_776 : i32
    %while3A_778 = arith.constant 1 : i32
    %while3A_779 = arith.divsi %while3A_776, %while3A_778 : i32
    %while3A_780 = arith.muli %while3A_779, %while3A_778 : i32
    %while3A_781 = arith.addi %while3A_775, %while3A_780 : i32
    %while3A_782 = arith.constant 1 : i32
    scf.for %while3A_857 = %while3A_775 to %while3A_781 step %while3A_782  : i32 {
      %mul3A_858 = arith.constant 16 : i32
      %mul3A_859 = arith.muli %while3A_857, %mul3A_858 : i32
      %add3A_860 = arith.addi %mul3A_4, %mul3A_859 : i32
      %run_scoped3A = arith.constant 0 : i32
      "tpu.region"() ({
        %run_scoped3A_861 = tpu.sem_alloc : memref<!tpu.dma_semaphore, #tpu.memory_space<semaphore_mem>>
        %dma_start3A = arith.constant 0 : i32
        %dma_start3A_862 = arith.constant 0 : i32
        %dma_start3A_863 = tpu.memref_slice %arg12[%run_scoped3A, %dma_start3A, %dma_start3A_862] : memref<2x16x128xf32, #tpu.memory_space<vmem>> -> memref<1x16x128xf32, #tpu.memory_space<vmem>>
        %dma_start3A_864 = tpu.memref_squeeze %dma_start3A_863 : memref<1x16x128xf32, #tpu.memory_space<vmem>> -> memref<16x128xf32, #tpu.memory_space<vmem>>
        %dma_start3A_865 = arith.constant 0 : i32
        %dma_start3A_866 = tpu.memref_slice %arg18[%add3A_860, %dma_start3A_865] : memref<10000x128xf32, #tpu.memory_space<vmem_shared>> -> memref<16x128xf32, #tpu.memory_space<vmem_shared>>
        %dma_start3A_867 = arith.constant 0 : i32
        %dma_start3A_868 = tpu.memref_slice %arg18[%add3A_860, %dma_start3A_867] : memref<10000x128xf32, #tpu.memory_space<vmem_shared>> -> memref<16x128xf32, #tpu.memory_space<vmem_shared>>
        %dma_start3A_869 = arith.constant 0 : i32
        %dma_start3A_870 = arith.constant 0 : i32
        %dma_start3A_871 = tpu.memref_slice %arg12[%run_scoped3A, %dma_start3A_869, %dma_start3A_870] : memref<2x16x128xf32, #tpu.memory_space<vmem>> -> memref<1x16x128xf32, #tpu.memory_space<vmem>>
        %dma_start3A_872 = tpu.memref_squeeze %dma_start3A_871 : memref<1x16x128xf32, #tpu.memory_space<vmem>> -> memref<16x128xf32, #tpu.memory_space<vmem>>
        tpu.enqueue_dma source(%dma_start3A_872 : memref<16x128xf32, #tpu.memory_space<vmem>>) target(%dma_start3A_868 : memref<16x128xf32, #tpu.memory_space<vmem_shared>>) target_semaphore(%run_scoped3A_861 : memref<!tpu.dma_semaphore, #tpu.memory_space<semaphore_mem>>)
        %dma_wait3A_873 = arith.constant 0 : i32
        %dma_wait3A_874 = arith.constant 0 : i32
        %dma_wait3A_875 = tpu.memref_slice %arg12[%run_scoped3A, %dma_wait3A_873, %dma_wait3A_874] : memref<2x16x128xf32, #tpu.memory_space<vmem>> -> memref<1x16x128xf32, #tpu.memory_space<vmem>>
        %dma_wait3A_876 = tpu.memref_squeeze %dma_wait3A_875 : memref<1x16x128xf32, #tpu.memory_space<vmem>> -> memref<16x128xf32, #tpu.memory_space<vmem>>
        %dma_wait3A_877 = arith.constant 0 : i32
        %dma_wait3A_878 = tpu.memref_slice %arg18[%add3A_860, %dma_wait3A_877] : memref<10000x128xf32, #tpu.memory_space<vmem_shared>> -> memref<16x128xf32, #tpu.memory_space<vmem_shared>>
        %dma_wait3A_879 = arith.constant 0 : i32
        %dma_wait3A_880 = tpu.memref_slice %arg18[%add3A_860, %dma_wait3A_879] : memref<10000x128xf32, #tpu.memory_space<vmem_shared>> -> memref<16x128xf32, #tpu.memory_space<vmem_shared>>
        %dma_wait3A_881 = arith.constant 0 : i32
        %dma_wait3A_882 = arith.constant 0 : i32
        %dma_wait3A_883 = tpu.memref_slice %arg12[%run_scoped3A, %dma_wait3A_881, %dma_wait3A_882] : memref<2x16x128xf32, #tpu.memory_space<vmem>> -> memref<1x16x128xf32, #tpu.memory_space<vmem>>
        %dma_wait3A_884 = tpu.memref_squeeze %dma_wait3A_883 : memref<1x16x128xf32, #tpu.memory_space<vmem>> -> memref<16x128xf32, #tpu.memory_space<vmem>>
        tpu.wait_dma2 semaphore(%run_scoped3A_861 : memref<!tpu.dma_semaphore, #tpu.memory_space<semaphore_mem>>) src(%dma_wait3A_884 : memref<16x128xf32, #tpu.memory_space<vmem>>) dst(%dma_wait3A_880 : memref<16x128xf32, #tpu.memory_space<vmem_shared>>)
        tpu.yield
      }) : () -> ()
    }
    %while3A_783 = arith.constant 1 : i32
    scf.for %while3A_857 = %while3A_781 to %while3A_777 step %while3A_783  : i32 {
      %mul3A_858 = arith.constant 16 : i32
      %mul3A_859 = arith.muli %while3A_857, %mul3A_858 : i32
      %add3A_860 = arith.addi %mul3A_4, %mul3A_859 : i32
      %run_scoped3A = arith.constant 0 : i32
      "tpu.region"() ({
        %run_scoped3A_861 = tpu.sem_alloc : memref<!tpu.dma_semaphore, #tpu.memory_space<semaphore_mem>>
        %dma_start3A = arith.constant 0 : i32
        %dma_start3A_862 = arith.constant 0 : i32
        %dma_start3A_863 = tpu.memref_slice %arg12[%run_scoped3A, %dma_start3A, %dma_start3A_862] : memref<2x16x128xf32, #tpu.memory_space<vmem>> -> memref<1x16x128xf32, #tpu.memory_space<vmem>>
        %dma_start3A_864 = tpu.memref_squeeze %dma_start3A_863 : memref<1x16x128xf32, #tpu.memory_space<vmem>> -> memref<16x128xf32, #tpu.memory_space<vmem>>
        %dma_start3A_865 = arith.constant 0 : i32
        %dma_start3A_866 = tpu.memref_slice %arg18[%add3A_860, %dma_start3A_865] : memref<10000x128xf32, #tpu.memory_space<vmem_shared>> -> memref<16x128xf32, #tpu.memory_space<vmem_shared>>
        %dma_start3A_867 = arith.constant 0 : i32
        %dma_start3A_868 = tpu.memref_slice %arg18[%add3A_860, %dma_start3A_867] : memref<10000x128xf32, #tpu.memory_space<vmem_shared>> -> memref<16x128xf32, #tpu.memory_space<vmem_shared>>
        %dma_start3A_869 = arith.constant 0 : i32
        %dma_start3A_870 = arith.constant 0 : i32
        %dma_start3A_871 = tpu.memref_slice %arg12[%run_scoped3A, %dma_start3A_869, %dma_start3A_870] : memref<2x16x128xf32, #tpu.memory_space<vmem>> -> memref<1x16x128xf32, #tpu.memory_space<vmem>>
        %dma_start3A_872 = tpu.memref_squeeze %dma_start3A_871 : memref<1x16x128xf32, #tpu.memory_space<vmem>> -> memref<16x128xf32, #tpu.memory_space<vmem>>
        tpu.enqueue_dma source(%dma_start3A_872 : memref<16x128xf32, #tpu.memory_space<vmem>>) target(%dma_start3A_868 : memref<16x128xf32, #tpu.memory_space<vmem_shared>>) target_semaphore(%run_scoped3A_861 : memref<!tpu.dma_semaphore, #tpu.memory_space<semaphore_mem>>)
        %dma_wait3A_873 = arith.constant 0 : i32
        %dma_wait3A_874 = arith.constant 0 : i32
        %dma_wait3A_875 = tpu.memref_slice %arg12[%run_scoped3A, %dma_wait3A_873, %dma_wait3A_874] : memref<2x16x128xf32, #tpu.memory_space<vmem>> -> memref<1x16x128xf32, #tpu.memory_space<vmem>>
        %dma_wait3A_876 = tpu.memref_squeeze %dma_wait3A_875 : memref<1x16x128xf32, #tpu.memory_space<vmem>> -> memref<16x128xf32, #tpu.memory_space<vmem>>
        %dma_wait3A_877 = arith.constant 0 : i32
        %dma_wait3A_878 = tpu.memref_slice %arg18[%add3A_860, %dma_wait3A_877] : memref<10000x128xf32, #tpu.memory_space<vmem_shared>> -> memref<16x128xf32, #tpu.memory_space<vmem_shared>>
        %dma_wait3A_879 = arith.constant 0 : i32
        %dma_wait3A_880 = tpu.memref_slice %arg18[%add3A_860, %dma_wait3A_879] : memref<10000x128xf32, #tpu.memory_space<vmem_shared>> -> memref<16x128xf32, #tpu.memory_space<vmem_shared>>
        %dma_wait3A_881 = arith.constant 0 : i32
        %dma_wait3A_882 = arith.constant 0 : i32
        %dma_wait3A_883 = tpu.memref_slice %arg12[%run_scoped3A, %dma_wait3A_881, %dma_wait3A_882] : memref<2x16x128xf32, #tpu.memory_space<vmem>> -> memref<1x16x128xf32, #tpu.memory_space<vmem>>
        %dma_wait3A_884 = tpu.memref_squeeze %dma_wait3A_883 : memref<1x16x128xf32, #tpu.memory_space<vmem>> -> memref<16x128xf32, #tpu.memory_space<vmem>>
        tpu.wait_dma2 semaphore(%run_scoped3A_861 : memref<!tpu.dma_semaphore, #tpu.memory_space<semaphore_mem>>) src(%dma_wait3A_884 : memref<16x128xf32, #tpu.memory_space<vmem>>) dst(%dma_wait3A_880 : memref<16x128xf32, #tpu.memory_space<vmem_shared>>)
        tpu.yield
      }) : () -> ()
    }
    %lt3A = arith.constant 5 : i32
    %lt3A_784 = arith.cmpi slt, %arg1, %lt3A : i32
    %convert_element_type3A = arith.extui %lt3A_784 : i1 to i32
    %cond3A = arith.constant 0 : i32
    %cond3A_785 = arith.cmpi ne, %convert_element_type3A, %cond3A : i32
    scf.if %cond3A_785 {
      %mul3A_857 = arith.constant 16 : i32
      %mul3A_858 = arith.muli %arg1, %mul3A_857 : i32
      %run_scoped3A = arith.constant 0 : i32
      "tpu.region"() ({
        %run_scoped3A_859 = tpu.sem_alloc : memref<!tpu.dma_semaphore, #tpu.memory_space<semaphore_mem>>
        %dma_start3A = arith.constant 0 : i32
        %dma_start3A_860 = arith.constant 0 : i32
        %dma_start3A_861 = tpu.memref_slice %arg12[%run_scoped3A, %dma_start3A, %dma_start3A_860] : memref<2x16x128xf32, #tpu.memory_space<vmem>> -> memref<1x16x128xf32, #tpu.memory_space<vmem>>
        %dma_start3A_862 = tpu.memref_squeeze %dma_start3A_861 : memref<1x16x128xf32, #tpu.memory_space<vmem>> -> memref<16x128xf32, #tpu.memory_space<vmem>>
        %dma_start3A_863 = arith.constant 0 : i32
        %dma_start3A_864 = tpu.memref_slice %arg19[%mul3A_858, %dma_start3A_863] : memref<80x128xf32, #tpu.memory_space<vmem_shared>> -> memref<16x128xf32, #tpu.memory_space<vmem_shared>>
        %dma_start3A_865 = arith.constant 0 : i32
        %dma_start3A_866 = tpu.memref_slice %arg19[%mul3A_858, %dma_start3A_865] : memref<80x128xf32, #tpu.memory_space<vmem_shared>> -> memref<16x128xf32, #tpu.memory_space<vmem_shared>>
        %dma_start3A_867 = arith.constant 0 : i32
        %dma_start3A_868 = arith.constant 0 : i32
        %dma_start3A_869 = tpu.memref_slice %arg12[%run_scoped3A, %dma_start3A_867, %dma_start3A_868] : memref<2x16x128xf32, #tpu.memory_space<vmem>> -> memref<1x16x128xf32, #tpu.memory_space<vmem>>
        %dma_start3A_870 = tpu.memref_squeeze %dma_start3A_869 : memref<1x16x128xf32, #tpu.memory_space<vmem>> -> memref<16x128xf32, #tpu.memory_space<vmem>>
        tpu.enqueue_dma source(%dma_start3A_870 : memref<16x128xf32, #tpu.memory_space<vmem>>) target(%dma_start3A_866 : memref<16x128xf32, #tpu.memory_space<vmem_shared>>) target_semaphore(%run_scoped3A_859 : memref<!tpu.dma_semaphore, #tpu.memory_space<semaphore_mem>>)
        %dma_wait3A_871 = arith.constant 0 : i32
        %dma_wait3A_872 = arith.constant 0 : i32
        %dma_wait3A_873 = tpu.memref_slice %arg12[%run_scoped3A, %dma_wait3A_871, %dma_wait3A_872] : memref<2x16x128xf32, #tpu.memory_space<vmem>> -> memref<1x16x128xf32, #tpu.memory_space<vmem>>
        %dma_wait3A_874 = tpu.memref_squeeze %dma_wait3A_873 : memref<1x16x128xf32, #tpu.memory_space<vmem>> -> memref<16x128xf32, #tpu.memory_space<vmem>>
        %dma_wait3A_875 = arith.constant 0 : i32
        %dma_wait3A_876 = tpu.memref_slice %arg19[%mul3A_858, %dma_wait3A_875] : memref<80x128xf32, #tpu.memory_space<vmem_shared>> -> memref<16x128xf32, #tpu.memory_space<vmem_shared>>
        %dma_wait3A_877 = arith.constant 0 : i32
        %dma_wait3A_878 = tpu.memref_slice %arg19[%mul3A_858, %dma_wait3A_877] : memref<80x128xf32, #tpu.memory_space<vmem_shared>> -> memref<16x128xf32, #tpu.memory_space<vmem_shared>>
        %dma_wait3A_879 = arith.constant 0 : i32
        %dma_wait3A_880 = arith.constant 0 : i32
        %dma_wait3A_881 = tpu.memref_slice %arg12[%run_scoped3A, %dma_wait3A_879, %dma_wait3A_880] : memref<2x16x128xf32, #tpu.memory_space<vmem>> -> memref<1x16x128xf32, #tpu.memory_space<vmem>>
        %dma_wait3A_882 = tpu.memref_squeeze %dma_wait3A_881 : memref<1x16x128xf32, #tpu.memory_space<vmem>> -> memref<16x128xf32, #tpu.memory_space<vmem>>
        tpu.wait_dma2 semaphore(%run_scoped3A_859 : memref<!tpu.dma_semaphore, #tpu.memory_space<semaphore_mem>>) src(%dma_wait3A_882 : memref<16x128xf32, #tpu.memory_space<vmem>>) dst(%dma_wait3A_878 : memref<16x128xf32, #tpu.memory_space<vmem_shared>>)
        tpu.yield
      }) : () -> ()
    } else {
    }
    %barrier3A = arith.constant 0 : index
    tpu.barrier barrier_id(%barrier3A)
    %iota3A = tpu.iota {dimensions = array<i32: 0>} : vector<16xi32>
    %lt3A_786 = arith.constant 8 : i32
    %lt3A_787 = vector.broadcast %lt3A_786 : i32 to vector<16xi32>
    %lt3A_788 = arith.cmpi slt, %iota3A, %lt3A_787 : vector<16xi32>
    %scan3A = arith.constant 0 : i32
    %scan3A_789 = arith.constant 0 : i32
    %scan3A_790 = arith.constant 8 : i32
    %scan3A_791 = arith.addi %scan3A_789, %scan3A_790 : i32
    %scan3A_792 = arith.constant 1 : i32
    scf.for %scan3A_857 = %scan3A_789 to %scan3A_791 step %scan3A_792  : i32 {
      %mul3A_858 = arith.constant 1280 : i32
      %mul3A_859 = arith.muli %scan3A_857, %mul3A_858 : i32
      %add3A_860 = arith.addi %mul3A_2, %mul3A_859 : i32
      "tpu.region"() ({
        %run_scoped3A = tpu.sem_alloc : memref<!tpu.dma_semaphore, #tpu.memory_space<semaphore_mem>>
        %dma_start3A_906 = tpu.memref_slice %arg4[%add3A_860] : memref<327680xi32, #tpu.memory_space<hbm>> -> memref<1280xi32, #tpu.memory_space<hbm>>
        %dma_start3A_907 = tpu.memref_slice %arg4[%add3A_860] : memref<327680xi32, #tpu.memory_space<hbm>> -> memref<1280xi32, #tpu.memory_space<hbm>>
        tpu.enqueue_dma source(%dma_start3A_907 : memref<1280xi32, #tpu.memory_space<hbm>>) target(%arg8 : memref<1280xi32, #tpu.memory_space<vmem>>) target_semaphore(%run_scoped3A : memref<!tpu.dma_semaphore, #tpu.memory_space<semaphore_mem>>)
        %dma_wait3A_908 = tpu.memref_slice %arg4[%add3A_860] : memref<327680xi32, #tpu.memory_space<hbm>> -> memref<1280xi32, #tpu.memory_space<hbm>>
        %dma_wait3A_909 = tpu.memref_slice %arg4[%add3A_860] : memref<327680xi32, #tpu.memory_space<hbm>> -> memref<1280xi32, #tpu.memory_space<hbm>>
        tpu.wait_dma2 semaphore(%run_scoped3A : memref<!tpu.dma_semaphore, #tpu.memory_space<semaphore_mem>>) src(%dma_wait3A_909 : memref<1280xi32, #tpu.memory_space<hbm>>) dst(%arg8 : memref<1280xi32, #tpu.memory_space<vmem>>)
        tpu.yield
      }) : () -> ()
      "tpu.region"() ({
        %run_scoped3A = tpu.sem_alloc : memref<!tpu.dma_semaphore, #tpu.memory_space<semaphore_mem>>
        %dma_start3A_906 = tpu.memref_slice %arg5[%add3A_860] : memref<327680xi32, #tpu.memory_space<hbm>> -> memref<1280xi32, #tpu.memory_space<hbm>>
        %dma_start3A_907 = tpu.memref_slice %arg5[%add3A_860] : memref<327680xi32, #tpu.memory_space<hbm>> -> memref<1280xi32, #tpu.memory_space<hbm>>
        tpu.enqueue_dma source(%dma_start3A_907 : memref<1280xi32, #tpu.memory_space<hbm>>) target(%arg9 : memref<1280xi32, #tpu.memory_space<vmem>>) target_semaphore(%run_scoped3A : memref<!tpu.dma_semaphore, #tpu.memory_space<semaphore_mem>>)
        %dma_wait3A_908 = tpu.memref_slice %arg5[%add3A_860] : memref<327680xi32, #tpu.memory_space<hbm>> -> memref<1280xi32, #tpu.memory_space<hbm>>
        %dma_wait3A_909 = tpu.memref_slice %arg5[%add3A_860] : memref<327680xi32, #tpu.memory_space<hbm>> -> memref<1280xi32, #tpu.memory_space<hbm>>
        tpu.wait_dma2 semaphore(%run_scoped3A : memref<!tpu.dma_semaphore, #tpu.memory_space<semaphore_mem>>) src(%dma_wait3A_909 : memref<1280xi32, #tpu.memory_space<hbm>>) dst(%arg9 : memref<1280xi32, #tpu.memory_space<vmem>>)
        tpu.yield
      }) : () -> ()
      %dma_start3A = arith.constant 0 : i32
      %dma_start3A_861 = arith.constant 0 : i32
      %dma_start3A_862 = arith.constant 0 : i32
      %dma_start3A_863 = tpu.memref_slice %arg10[%dma_start3A, %dma_start3A_861, %dma_start3A_862] : memref<2x16x128xf32, #tpu.memory_space<vmem>> -> memref<1x16x128xf32, #tpu.memory_space<vmem>>
      %dma_start3A_864 = tpu.memref_squeeze %dma_start3A_863 : memref<1x16x128xf32, #tpu.memory_space<vmem>> -> memref<16x128xf32, #tpu.memory_space<vmem>>
      %dma_start3A_865 = arith.constant 0 : i32
      %dma_start3A_866 = tpu.memref_slice %arg9[%dma_start3A_865] : memref<1280xi32, #tpu.memory_space<vmem>> -> memref<16xi32, #tpu.memory_space<vmem>>
      %dma_start3A_867 = arith.constant 0 : i32
      %dma_start3A_868 = arith.constant 0 : i32
      %dma_start3A_869 = tpu.memref_slice %arg2[%dma_start3A_867, %dma_start3A_868] : memref<10000x128xf32, #tpu.memory_space<hbm>> -> memref<10000x128xf32, #tpu.memory_space<hbm>>
      tpu.enqueue_indirect_dma source(%dma_start3A_869 : memref<10000x128xf32, #tpu.memory_space<hbm>>) target(%dma_start3A_864 : memref<16x128xf32, #tpu.memory_space<vmem>>) offsets(%dma_start3A_866 : memref<16xi32, #tpu.memory_space<vmem>>) semaphore(%arg20 : memref<!tpu.dma_semaphore, #tpu.memory_space<semaphore_mem>>)
      %dma_start3A_870 = arith.constant 0 : i32
      %dma_start3A_871 = arith.constant 0 : i32
      %dma_start3A_872 = arith.constant 0 : i32
      %dma_start3A_873 = tpu.memref_slice %arg11[%dma_start3A_870, %dma_start3A_871, %dma_start3A_872] : memref<2x16x640xi32, #tpu.memory_space<vmem>> -> memref<1x16x640xi32, #tpu.memory_space<vmem>>
      %dma_start3A_874 = tpu.memref_squeeze %dma_start3A_873 : memref<1x16x640xi32, #tpu.memory_space<vmem>> -> memref<16x640xi32, #tpu.memory_space<vmem>>
      %dma_start3A_875 = arith.constant 0 : i32
      %dma_start3A_876 = tpu.memref_slice %arg8[%dma_start3A_875] : memref<1280xi32, #tpu.memory_space<vmem>> -> memref<16xi32, #tpu.memory_space<vmem>>
      %dma_start3A_877 = arith.constant 0 : i32
      %dma_start3A_878 = arith.constant 0 : i32
      %dma_start3A_879 = tpu.memref_slice %arg3[%dma_start3A_877, %dma_start3A_878] : memref<10000x640xi32, #tpu.memory_space<hbm>> -> memref<10000x640xi32, #tpu.memory_space<hbm>>
      tpu.enqueue_indirect_dma source(%dma_start3A_879 : memref<10000x640xi32, #tpu.memory_space<hbm>>) target(%dma_start3A_874 : memref<16x640xi32, #tpu.memory_space<vmem>>) offsets(%dma_start3A_876 : memref<16xi32, #tpu.memory_space<vmem>>) semaphore(%arg20 : memref<!tpu.dma_semaphore, #tpu.memory_space<semaphore_mem>>)
      %dma_start3A_880 = arith.constant 1 : i32
      %dma_start3A_881 = arith.constant 0 : i32
      %dma_start3A_882 = arith.constant 0 : i32
      %dma_start3A_883 = tpu.memref_slice %arg10[%dma_start3A_880, %dma_start3A_881, %dma_start3A_882] : memref<2x16x128xf32, #tpu.memory_space<vmem>> -> memref<1x16x128xf32, #tpu.memory_space<vmem>>
      %dma_start3A_884 = tpu.memref_squeeze %dma_start3A_883 : memref<1x16x128xf32, #tpu.memory_space<vmem>> -> memref<16x128xf32, #tpu.memory_space<vmem>>
      %dma_start3A_885 = arith.constant 16 : i32
      %dma_start3A_886 = tpu.memref_slice %arg9[%dma_start3A_885] : memref<1280xi32, #tpu.memory_space<vmem>> -> memref<16xi32, #tpu.memory_space<vmem>>
      %dma_start3A_887 = arith.constant 0 : i32
      %dma_start3A_888 = arith.constant 0 : i32
      %dma_start3A_889 = tpu.memref_slice %arg2[%dma_start3A_887, %dma_start3A_888] : memref<10000x128xf32, #tpu.memory_space<hbm>> -> memref<10000x128xf32, #tpu.memory_space<hbm>>
      tpu.enqueue_indirect_dma source(%dma_start3A_889 : memref<10000x128xf32, #tpu.memory_space<hbm>>) target(%dma_start3A_884 : memref<16x128xf32, #tpu.memory_space<vmem>>) offsets(%dma_start3A_886 : memref<16xi32, #tpu.memory_space<vmem>>) semaphore(%arg21 : memref<!tpu.dma_semaphore, #tpu.memory_space<semaphore_mem>>)
      %dma_start3A_890 = arith.constant 1 : i32
      %dma_start3A_891 = arith.constant 0 : i32
      %dma_start3A_892 = arith.constant 0 : i32
      %dma_start3A_893 = tpu.memref_slice %arg11[%dma_start3A_890, %dma_start3A_891, %dma_start3A_892] : memref<2x16x640xi32, #tpu.memory_space<vmem>> -> memref<1x16x640xi32, #tpu.memory_space<vmem>>
      %dma_start3A_894 = tpu.memref_squeeze %dma_start3A_893 : memref<1x16x640xi32, #tpu.memory_space<vmem>> -> memref<16x640xi32, #tpu.memory_space<vmem>>
      %dma_start3A_895 = arith.constant 16 : i32
      %dma_start3A_896 = tpu.memref_slice %arg8[%dma_start3A_895] : memref<1280xi32, #tpu.memory_space<vmem>> -> memref<16xi32, #tpu.memory_space<vmem>>
      %dma_start3A_897 = arith.constant 0 : i32
      %dma_start3A_898 = arith.constant 0 : i32
      %dma_start3A_899 = tpu.memref_slice %arg3[%dma_start3A_897, %dma_start3A_898] : memref<10000x640xi32, #tpu.memory_space<hbm>> -> memref<10000x640xi32, #tpu.memory_space<hbm>>
      tpu.enqueue_indirect_dma source(%dma_start3A_899 : memref<10000x640xi32, #tpu.memory_space<hbm>>) target(%dma_start3A_894 : memref<16x640xi32, #tpu.memory_space<vmem>>) offsets(%dma_start3A_896 : memref<16xi32, #tpu.memory_space<vmem>>) semaphore(%arg21 : memref<!tpu.dma_semaphore, #tpu.memory_space<semaphore_mem>>)
      %scan3A_900 = arith.constant 0 : i32
      %scan3A_901 = arith.constant 0 : i32
      %scan3A_902 = arith.constant 40 : i32
      %scan3A_903 = arith.addi %scan3A_901, %scan3A_902 : i32
      %scan3A_904 = arith.constant 1 : i32
      scf.for %scan3A_906 = %scan3A_901 to %scan3A_903 step %scan3A_904  : i32 {
        %mul3A_907 = arith.constant 2 : i32
        %mul3A_908 = arith.muli %mul3A_907, %scan3A_906 : i32
        %add3A_909 = arith.constant 0 : i32
        %add3A_910 = arith.addi %mul3A_908, %add3A_909 : i32
        %mul3A_911 = arith.constant 16 : i32
        %mul3A_912 = arith.muli %add3A_910, %mul3A_911 : i32
        %dma_wait3A_913 = arith.constant 0 : i32
        %dma_wait3A_914 = arith.constant 0 : i32
        %dma_wait3A_915 = arith.constant 0 : i32
        %dma_wait3A_916 = tpu.memref_slice %arg10[%dma_wait3A_913, %dma_wait3A_914, %dma_wait3A_915] : memref<2x16x128xf32, #tpu.memory_space<vmem>> -> memref<1x16x128xf32, #tpu.memory_space<vmem>>
        %dma_wait3A_917 = tpu.memref_squeeze %dma_wait3A_916 : memref<1x16x128xf32, #tpu.memory_space<vmem>> -> memref<16x128xf32, #tpu.memory_space<vmem>>
        %dma_wait3A_918 = tpu.memref_slice %arg9[%mul3A_912] : memref<1280xi32, #tpu.memory_space<vmem>> -> memref<16xi32, #tpu.memory_space<vmem>>
        %dma_wait3A_919 = arith.constant 0 : i32
        %dma_wait3A_920 = arith.constant 0 : i32
        %dma_wait3A_921 = tpu.memref_slice %arg2[%dma_wait3A_919, %dma_wait3A_920] : memref<10000x128xf32, #tpu.memory_space<hbm>> -> memref<10000x128xf32, #tpu.memory_space<hbm>>
        tpu.wait_indirect_dma semaphore(%arg20 : memref<!tpu.dma_semaphore, #tpu.memory_space<semaphore_mem>>) src(%dma_wait3A_921 : memref<10000x128xf32, #tpu.memory_space<hbm>>) dst(%dma_wait3A_917 : memref<16x128xf32, #tpu.memory_space<vmem>>)
        %mul3A_922 = arith.constant 16 : i32
        %mul3A_923 = arith.muli %add3A_910, %mul3A_922 : i32
        %dma_wait3A_924 = arith.constant 0 : i32
        %dma_wait3A_925 = arith.constant 0 : i32
        %dma_wait3A_926 = arith.constant 0 : i32
        %dma_wait3A_927 = tpu.memref_slice %arg11[%dma_wait3A_924, %dma_wait3A_925, %dma_wait3A_926] : memref<2x16x640xi32, #tpu.memory_space<vmem>> -> memref<1x16x640xi32, #tpu.memory_space<vmem>>
        %dma_wait3A_928 = tpu.memref_squeeze %dma_wait3A_927 : memref<1x16x640xi32, #tpu.memory_space<vmem>> -> memref<16x640xi32, #tpu.memory_space<vmem>>
        %dma_wait3A_929 = tpu.memref_slice %arg8[%mul3A_923] : memref<1280xi32, #tpu.memory_space<vmem>> -> memref<16xi32, #tpu.memory_space<vmem>>
        %dma_wait3A_930 = arith.constant 0 : i32
        %dma_wait3A_931 = arith.constant 0 : i32
        %dma_wait3A_932 = tpu.memref_slice %arg3[%dma_wait3A_930, %dma_wait3A_931] : memref<10000x640xi32, #tpu.memory_space<hbm>> -> memref<10000x640xi32, #tpu.memory_space<hbm>>
        tpu.wait_indirect_dma semaphore(%arg20 : memref<!tpu.dma_semaphore, #tpu.memory_space<semaphore_mem>>) src(%dma_wait3A_932 : memref<10000x640xi32, #tpu.memory_space<hbm>>) dst(%dma_wait3A_928 : memref<16x640xi32, #tpu.memory_space<vmem>>)
        %add3A_933 = arith.addi %scan3A_857, %scan3A_906 : i32
        %ge3A = arith.constant 1 : i32
        %ge3A_934 = arith.cmpi sge, %add3A_933, %ge3A : i32
        %convert_element_type3A_935 = arith.extui %ge3A_934 : i1 to i32
        %cond3A_936 = arith.constant 0 : i32
        %cond3A_937 = arith.cmpi ne, %convert_element_type3A_935, %cond3A_936 : i32
        scf.if %cond3A_937 {
          %dma_wait3A_1088 = arith.constant 0 : i32
          %dma_wait3A_1089 = arith.constant 0 : i32
          %dma_wait3A_1090 = arith.constant 0 : i32
          %dma_wait3A_1091 = arith.constant 0 : i32
          %dma_wait3A_1092 = tpu.memref_slice %arg12[%dma_wait3A_1088, %dma_wait3A_1090, %dma_wait3A_1091] : memref<2x16x128xf32, #tpu.memory_space<vmem>> -> memref<1x16x128xf32, #tpu.memory_space<vmem>>
          %dma_wait3A_1093 = tpu.memref_squeeze %dma_wait3A_1092 : memref<1x16x128xf32, #tpu.memory_space<vmem>> -> memref<16x128xf32, #tpu.memory_space<vmem>>
          %dma_wait3A_1094 = arith.constant 0 : i32
          %dma_wait3A_1095 = tpu.memref_slice %arg14[%dma_wait3A_1089, %dma_wait3A_1094] : memref<2x16xi32, #tpu.memory_space<vmem>> -> memref<1x16xi32, #tpu.memory_space<vmem>>
          %dma_wait3A_1096 = tpu.memref_squeeze %dma_wait3A_1095 : memref<1x16xi32, #tpu.memory_space<vmem>> -> memref<16xi32, #tpu.memory_space<vmem>>
          %dma_wait3A_1097 = arith.constant 0 : i32
          %dma_wait3A_1098 = arith.constant 0 : i32
          %dma_wait3A_1099 = tpu.memref_slice %arg18[%dma_wait3A_1097, %dma_wait3A_1098] : memref<10000x128xf32, #tpu.memory_space<vmem_shared>> -> memref<10000x128xf32, #tpu.memory_space<vmem_shared>>
          tpu.wait_indirect_dma semaphore(%arg22 : memref<!tpu.dma_semaphore, #tpu.memory_space<semaphore_mem>>) src(%dma_wait3A_1093 : memref<16x128xf32, #tpu.memory_space<vmem>>) dst(%dma_wait3A_1099 : memref<10000x128xf32, #tpu.memory_space<vmem_shared>>)
          %dma_wait3A_1100 = arith.constant 0 : i32
          %dma_wait3A_1101 = arith.constant 0 : i32
          %dma_wait3A_1102 = arith.constant 0 : i32
          %dma_wait3A_1103 = arith.constant 0 : i32
          %dma_wait3A_1104 = tpu.memref_slice %arg13[%dma_wait3A_1100, %dma_wait3A_1102, %dma_wait3A_1103] : memref<2x16x128xf32, #tpu.memory_space<vmem>> -> memref<1x16x128xf32, #tpu.memory_space<vmem>>
          %dma_wait3A_1105 = tpu.memref_squeeze %dma_wait3A_1104 : memref<1x16x128xf32, #tpu.memory_space<vmem>> -> memref<16x128xf32, #tpu.memory_space<vmem>>
          %dma_wait3A_1106 = arith.constant 0 : i32
          %dma_wait3A_1107 = tpu.memref_slice %arg15[%dma_wait3A_1101, %dma_wait3A_1106] : memref<2x16xi32, #tpu.memory_space<vmem>> -> memref<1x16xi32, #tpu.memory_space<vmem>>
          %dma_wait3A_1108 = tpu.memref_squeeze %dma_wait3A_1107 : memref<1x16xi32, #tpu.memory_space<vmem>> -> memref<16xi32, #tpu.memory_space<vmem>>
          %dma_wait3A_1109 = arith.constant 0 : i32
          %dma_wait3A_1110 = arith.constant 0 : i32
          %dma_wait3A_1111 = tpu.memref_slice %arg19[%dma_wait3A_1109, %dma_wait3A_1110] : memref<80x128xf32, #tpu.memory_space<vmem_shared>> -> memref<80x128xf32, #tpu.memory_space<vmem_shared>>
          tpu.wait_indirect_dma semaphore(%arg22 : memref<!tpu.dma_semaphore, #tpu.memory_space<semaphore_mem>>) src(%dma_wait3A_1105 : memref<16x128xf32, #tpu.memory_space<vmem>>) dst(%dma_wait3A_1111 : memref<80x128xf32, #tpu.memory_space<vmem_shared>>)
        } else {
        }
        %mul3A_938 = arith.constant 16 : i32
        %mul3A_939 = arith.muli %add3A_910, %mul3A_938 : i32
        %get3A = arith.index_cast %mul3A_939 : i32 to index
        %get3A_940 = tpu.vector_load %arg8[%get3A] {strides = array<i32>} : memref<1280xi32, #tpu.memory_space<vmem>>, vector<16xi32>,
        %mul3A_941 = arith.constant 16 : i32
        %mul3A_942 = arith.muli %add3A_910, %mul3A_941 : i32
        %get3A_943 = arith.index_cast %mul3A_942 : i32 to index
        %get3A_944 = tpu.vector_load %arg9[%get3A_943] {strides = array<i32>} : memref<1280xi32, #tpu.memory_space<vmem>>, vector<16xi32>,
        %ne3A = arith.cmpi ne, %get3A_940, %get3A_944 : vector<16xi32>
        %jit3A_945 = arith.constant 1.000000e+00 : f32
        %jit3A_946 = arith.constant 0.000000e+00 : f32
        %broadcast_in_dim3A_947 = vector.broadcast %jit3A_945 : f32 to vector<16xf32>
        %broadcast_in_dim3A_948 = vector.broadcast %jit3A_946 : f32 to vector<16xf32>
        %select_n3A_949 = arith.select %ne3A, %broadcast_in_dim3A_947, %broadcast_in_dim3A_948 : vector<16xi1>, vector<16xf32>
        %swap3A_950 = arith.constant 0 : index
        %swap3A_951 = tpu.vector_load %arg17[%swap3A_950] {strides = array<i32>} : memref<32xf32, #tpu.memory_space<vmem>>, vector<16xf32>,
        tpu.vector_store %arg17[%swap3A_950], %select_n3A_949 {strides = array<i32>} : memref<32xf32, #tpu.memory_space<vmem>>, vector<16xf32>,
        %swap3A_952 = arith.constant 0 : index
        %swap3A_953 = tpu.vector_load %arg16[%swap3A_952] {strides = array<i32>} : memref<32xi32, #tpu.memory_space<vmem>>, vector<16xi32>,
        tpu.vector_store %arg16[%swap3A_952], %get3A_944 {strides = array<i32>} : memref<32xi32, #tpu.memory_space<vmem>>, vector<16xi32>,
        %swap3A_954 = arith.constant 0 : i32
        %swap3A_955 = arith.index_cast %swap3A_954 : i32 to index
        %swap3A_956 = arith.constant 0 : index
        %swap3A_957 = tpu.vector_load %arg14[%swap3A_955, %swap3A_956] {strides = array<i32>} : memref<2x16xi32, #tpu.memory_space<vmem>>, vector<16xi32>,
        tpu.vector_store %arg14[%swap3A_955, %swap3A_956], %get3A_944 {strides = array<i32>} : memref<2x16xi32, #tpu.memory_space<vmem>>, vector<16xi32>,
        %shift_right_logical3A = arith.constant 7 : i32
        %shift_right_logical3A_958 = vector.broadcast %shift_right_logical3A : i32 to vector<16xi32>
        %shift_right_logical3A_959 = arith.shrui %get3A_944, %shift_right_logical3A_958 : vector<16xi32>
        %swap3A_960 = arith.constant 0 : i32
        %swap3A_961 = arith.index_cast %swap3A_960 : i32 to index
        %swap3A_962 = arith.constant 0 : index
        %swap3A_963 = tpu.vector_load %arg15[%swap3A_961, %swap3A_962] {strides = array<i32>} : memref<2x16xi32, #tpu.memory_space<vmem>>, vector<16xi32>,
        tpu.vector_store %arg15[%swap3A_961, %swap3A_962], %shift_right_logical3A_959 {strides = array<i32>} : memref<2x16xi32, #tpu.memory_space<vmem>>, vector<16xi32>,
        %parallel_loop3A = arith.constant 0 : i32
        %parallel_loop3A_964 = arith.constant 16 : i32
        %parallel_loop3A_965 = arith.constant 1 : i32
        scf.for %parallel_loop3A_1088 = %parallel_loop3A to %parallel_loop3A_964 step %parallel_loop3A_965  : i32 {
          %parallel_loop3A_1089 = arith.constant 0 : i32
          %parallel_loop3A_1090 = arith.index_cast %parallel_loop3A_1089 : i32 to index
          %parallel_loop3A_1091 = arith.index_cast %parallel_loop3A_1088 : i32 to index
          %parallel_loop3A_1092 = arith.constant 512 : index
          %parallel_loop3A_1093 = tpu.vector_load %arg11[%parallel_loop3A_1090, %parallel_loop3A_1091, %parallel_loop3A_1092] {strides = array<i32>} : memref<2x16x640xi32, #tpu.memory_space<vmem>>, vector<16xi32>,
          %parallel_loop3A_1094 = vector.bitcast %parallel_loop3A_1093 : vector<16xi32> to vector<16xf32>
          %parallel_loop3A_1095 = arith.constant 0 : i32
          %parallel_loop3A_1096 = arith.index_cast %parallel_loop3A_1095 : i32 to index
          %parallel_loop3A_1097 = arith.index_cast %parallel_loop3A_1088 : i32 to index
          %parallel_loop3A_1098 = arith.constant 0 : index
          %parallel_loop3A_1099 = tpu.vector_load %arg10[%parallel_loop3A_1096, %parallel_loop3A_1097, %parallel_loop3A_1098] {strides = array<i32>} : memref<2x16x128xf32, #tpu.memory_space<vmem>>, vector<16xf32>,
          %parallel_loop3A_1100 = arith.subf %parallel_loop3A_1099, %parallel_loop3A_1094 : vector<16xf32>
          %parallel_loop3A_1101 = arith.constant -1.000000e+30 : f32
          %parallel_loop3A_1102 = vector.broadcast %parallel_loop3A_1101 : f32 to vector<16xf32>
          %parallel_loop3A_1103 = arith.select %lt3A_788, %parallel_loop3A_1100, %parallel_loop3A_1102 : vector<16xi1>, vector<16xf32>
          %parallel_loop3A_1104 = arith.constant true
          %parallel_loop3A_1105 = vector.broadcast %parallel_loop3A_1104 : i1 to vector<16xi1>
          %parallel_loop3A_1106 = tpu.scan <max>, %parallel_loop3A_1103 masked %parallel_loop3A_1105 : vector<16xf32>, vector<16xi1> -> vector<16xf32>
          %parallel_loop3A_1107 = vector.extract %parallel_loop3A_1106[15] : f32 from vector<16xf32>
          %parallel_loop3A_1108 = vector.broadcast %parallel_loop3A_1107 : f32 to vector<16xf32>
          %parallel_loop3A_1109 = arith.subf %parallel_loop3A_1103, %parallel_loop3A_1108 : vector<16xf32>
          %parallel_loop3A_1110 = math.exp %parallel_loop3A_1109 : vector<16xf32>
          %parallel_loop3A_1111 = arith.constant true
          %parallel_loop3A_1112 = vector.broadcast %parallel_loop3A_1111 : i1 to vector<16xi1>
          %parallel_loop3A_1113 = tpu.scan <sum>, %parallel_loop3A_1110 masked %parallel_loop3A_1112 : vector<16xf32>, vector<16xi1> -> vector<16xf32>
          %parallel_loop3A_1114 = vector.extract %parallel_loop3A_1113[15] : f32 from vector<16xf32>
          %parallel_loop3A_1115 = arith.index_cast %parallel_loop3A_1088 : i32 to index
          %parallel_loop3A_1116 = tpu.vector_load %arg17[%parallel_loop3A_1115] {strides = array<i32>} : memref<32xf32, #tpu.memory_space<vmem>>, vector<16xf32>,
          %parallel_loop3A_1117 = vector.extract_strided_slice %parallel_loop3A_1116 {offsets = [0], sizes = [1], strides = [1]} : vector<16xf32> to vector<1xf32>
          %parallel_loop3A_1118 = vector.extract %parallel_loop3A_1117[0] : f32 from vector<1xf32>
          %parallel_loop3A_1119 = vector.broadcast %parallel_loop3A_1118 : f32 to vector<16xf32>
          %parallel_loop3A_1120 = vector.broadcast %parallel_loop3A_1114 : f32 to vector<16xf32>
          %parallel_loop3A_1121 = arith.divf %parallel_loop3A_1119, %parallel_loop3A_1120 : vector<16xf32>
          %parallel_loop3A_1122 = arith.mulf %parallel_loop3A_1110, %parallel_loop3A_1121 : vector<16xf32>
          %parallel_loop3A_1123 = vector.extract_strided_slice %parallel_loop3A_1122 {offsets = [0], sizes = [1], strides = [1]} : vector<16xf32> to vector<1xf32>
          %parallel_loop3A_1124 = vector.extract %parallel_loop3A_1123[0] : f32 from vector<1xf32>
          %parallel_loop3A_1125 = vector.broadcast %parallel_loop3A_1124 : f32 to vector<16xf32>
          %parallel_loop3A_1126 = tpu.pack_subelements %parallel_loop3A_1125, %parallel_loop3A_1125 {pack_format = #tpu.pack_format<interleaved>, positions = array<i32: 0, 1>} : vector<16xf32>, vector<16xf32> -> vector<32xbf16>
          %parallel_loop3A_1127 = arith.constant 0 : i32
          %parallel_loop3A_1128 = arith.index_cast %parallel_loop3A_1127 : i32 to index
          %parallel_loop3A_1129 = arith.index_cast %parallel_loop3A_1088 : i32 to index
          %parallel_loop3A_1130 = arith.constant 0 : index
          %parallel_loop3A_1131 = tpu.vector_load %arg11[%parallel_loop3A_1128, %parallel_loop3A_1129, %parallel_loop3A_1130] {strides = array<i32>} : memref<2x16x640xi32, #tpu.memory_space<vmem>>, vector<16xi32>,
          %parallel_loop3A_1132 = vector.bitcast %parallel_loop3A_1131 : vector<16xi32> to vector<32xbf16>
          %parallel_loop3A_1133 = arith.mulf %parallel_loop3A_1126, %parallel_loop3A_1132 : vector<32xbf16>
          %parallel_loop3A_1134 = arith.constant 0 : i32
          %parallel_loop3A_1135 = arith.index_cast %parallel_loop3A_1134 : i32 to index
          %parallel_loop3A_1136 = arith.index_cast %parallel_loop3A_1088 : i32 to index
          %parallel_loop3A_1137 = arith.constant 16 : index
          %parallel_loop3A_1138 = tpu.vector_load %arg11[%parallel_loop3A_1135, %parallel_loop3A_1136, %parallel_loop3A_1137] {strides = array<i32>} : memref<2x16x640xi32, #tpu.memory_space<vmem>>, vector<16xi32>,
          %parallel_loop3A_1139 = vector.bitcast %parallel_loop3A_1138 : vector<16xi32> to vector<32xbf16>
          %parallel_loop3A_1140 = arith.mulf %parallel_loop3A_1126, %parallel_loop3A_1139 : vector<32xbf16>
          %parallel_loop3A_1141 = arith.constant 0 : i32
          %parallel_loop3A_1142 = arith.index_cast %parallel_loop3A_1141 : i32 to index
          %parallel_loop3A_1143 = arith.index_cast %parallel_loop3A_1088 : i32 to index
          %parallel_loop3A_1144 = arith.constant 32 : index
          %parallel_loop3A_1145 = tpu.vector_load %arg11[%parallel_loop3A_1142, %parallel_loop3A_1143, %parallel_loop3A_1144] {strides = array<i32>} : memref<2x16x640xi32, #tpu.memory_space<vmem>>, vector<16xi32>,
          %parallel_loop3A_1146 = vector.bitcast %parallel_loop3A_1145 : vector<16xi32> to vector<32xbf16>
          %parallel_loop3A_1147 = arith.mulf %parallel_loop3A_1126, %parallel_loop3A_1146 : vector<32xbf16>
          %parallel_loop3A_1148 = arith.constant 0 : i32
          %parallel_loop3A_1149 = arith.index_cast %parallel_loop3A_1148 : i32 to index
          %parallel_loop3A_1150 = arith.index_cast %parallel_loop3A_1088 : i32 to index
          %parallel_loop3A_1151 = arith.constant 48 : index
          %parallel_loop3A_1152 = tpu.vector_load %arg11[%parallel_loop3A_1149, %parallel_loop3A_1150, %parallel_loop3A_1151] {strides = array<i32>} : memref<2x16x640xi32, #tpu.memory_space<vmem>>, vector<16xi32>,
          %parallel_loop3A_1153 = vector.bitcast %parallel_loop3A_1152 : vector<16xi32> to vector<32xbf16>
          %parallel_loop3A_1154 = arith.mulf %parallel_loop3A_1126, %parallel_loop3A_1153 : vector<32xbf16>
          %parallel_loop3A_1155 = vector.extract_strided_slice %parallel_loop3A_1122 {offsets = [1], sizes = [1], strides = [1]} : vector<16xf32> to vector<1xf32>
          %parallel_loop3A_1156 = vector.extract %parallel_loop3A_1155[0] : f32 from vector<1xf32>
          %parallel_loop3A_1157 = vector.broadcast %parallel_loop3A_1156 : f32 to vector<16xf32>
          %parallel_loop3A_1158 = tpu.pack_subelements %parallel_loop3A_1157, %parallel_loop3A_1157 {pack_format = #tpu.pack_format<interleaved>, positions = array<i32: 0, 1>} : vector<16xf32>, vector<16xf32> -> vector<32xbf16>
          %parallel_loop3A_1159 = arith.constant 0 : i32
          %parallel_loop3A_1160 = arith.index_cast %parallel_loop3A_1159 : i32 to index
          %parallel_loop3A_1161 = arith.index_cast %parallel_loop3A_1088 : i32 to index
          %parallel_loop3A_1162 = arith.constant 64 : index
          %parallel_loop3A_1163 = tpu.vector_load %arg11[%parallel_loop3A_1160, %parallel_loop3A_1161, %parallel_loop3A_1162] {strides = array<i32>} : memref<2x16x640xi32, #tpu.memory_space<vmem>>, vector<16xi32>,
          %parallel_loop3A_1164 = vector.bitcast %parallel_loop3A_1163 : vector<16xi32> to vector<32xbf16>
          %parallel_loop3A_1165 = arith.mulf %parallel_loop3A_1158, %parallel_loop3A_1164 : vector<32xbf16>
          %parallel_loop3A_1166 = arith.addf %parallel_loop3A_1133, %parallel_loop3A_1165 : vector<32xbf16>
          %parallel_loop3A_1167 = arith.constant 0 : i32
          %parallel_loop3A_1168 = arith.index_cast %parallel_loop3A_1167 : i32 to index
          %parallel_loop3A_1169 = arith.index_cast %parallel_loop3A_1088 : i32 to index
          %parallel_loop3A_1170 = arith.constant 80 : index
          %parallel_loop3A_1171 = tpu.vector_load %arg11[%parallel_loop3A_1168, %parallel_loop3A_1169, %parallel_loop3A_1170] {strides = array<i32>} : memref<2x16x640xi32, #tpu.memory_space<vmem>>, vector<16xi32>,
          %parallel_loop3A_1172 = vector.bitcast %parallel_loop3A_1171 : vector<16xi32> to vector<32xbf16>
          %parallel_loop3A_1173 = arith.mulf %parallel_loop3A_1158, %parallel_loop3A_1172 : vector<32xbf16>
          %parallel_loop3A_1174 = arith.addf %parallel_loop3A_1140, %parallel_loop3A_1173 : vector<32xbf16>
          %parallel_loop3A_1175 = arith.constant 0 : i32
          %parallel_loop3A_1176 = arith.index_cast %parallel_loop3A_1175 : i32 to index
          %parallel_loop3A_1177 = arith.index_cast %parallel_loop3A_1088 : i32 to index
          %parallel_loop3A_1178 = arith.constant 96 : index
          %parallel_loop3A_1179 = tpu.vector_load %arg11[%parallel_loop3A_1176, %parallel_loop3A_1177, %parallel_loop3A_1178] {strides = array<i32>} : memref<2x16x640xi32, #tpu.memory_space<vmem>>, vector<16xi32>,
          %parallel_loop3A_1180 = vector.bitcast %parallel_loop3A_1179 : vector<16xi32> to vector<32xbf16>
          %parallel_loop3A_1181 = arith.mulf %parallel_loop3A_1158, %parallel_loop3A_1180 : vector<32xbf16>
          %parallel_loop3A_1182 = arith.addf %parallel_loop3A_1147, %parallel_loop3A_1181 : vector<32xbf16>
          %parallel_loop3A_1183 = arith.constant 0 : i32
          %parallel_loop3A_1184 = arith.index_cast %parallel_loop3A_1183 : i32 to index
          %parallel_loop3A_1185 = arith.index_cast %parallel_loop3A_1088 : i32 to index
          %parallel_loop3A_1186 = arith.constant 112 : index
          %parallel_loop3A_1187 = tpu.vector_load %arg11[%parallel_loop3A_1184, %parallel_loop3A_1185, %parallel_loop3A_1186] {strides = array<i32>} : memref<2x16x640xi32, #tpu.memory_space<vmem>>, vector<16xi32>,
          %parallel_loop3A_1188 = vector.bitcast %parallel_loop3A_1187 : vector<16xi32> to vector<32xbf16>
          %parallel_loop3A_1189 = arith.mulf %parallel_loop3A_1158, %parallel_loop3A_1188 : vector<32xbf16>
          %parallel_loop3A_1190 = arith.addf %parallel_loop3A_1154, %parallel_loop3A_1189 : vector<32xbf16>
          %parallel_loop3A_1191 = vector.extract_strided_slice %parallel_loop3A_1122 {offsets = [2], sizes = [1], strides = [1]} : vector<16xf32> to vector<1xf32>
          %parallel_loop3A_1192 = vector.extract %parallel_loop3A_1191[0] : f32 from vector<1xf32>
          %parallel_loop3A_1193 = vector.broadcast %parallel_loop3A_1192 : f32 to vector<16xf32>
          %parallel_loop3A_1194 = tpu.pack_subelements %parallel_loop3A_1193, %parallel_loop3A_1193 {pack_format = #tpu.pack_format<interleaved>, positions = array<i32: 0, 1>} : vector<16xf32>, vector<16xf32> -> vector<32xbf16>
          %parallel_loop3A_1195 = arith.constant 0 : i32
          %parallel_loop3A_1196 = arith.index_cast %parallel_loop3A_1195 : i32 to index
          %parallel_loop3A_1197 = arith.index_cast %parallel_loop3A_1088 : i32 to index
          %parallel_loop3A_1198 = arith.constant 128 : index
          %parallel_loop3A_1199 = tpu.vector_load %arg11[%parallel_loop3A_1196, %parallel_loop3A_1197, %parallel_loop3A_1198] {strides = array<i32>} : memref<2x16x640xi32, #tpu.memory_space<vmem>>, vector<16xi32>,
          %parallel_loop3A_1200 = vector.bitcast %parallel_loop3A_1199 : vector<16xi32> to vector<32xbf16>
          %parallel_loop3A_1201 = arith.mulf %parallel_loop3A_1194, %parallel_loop3A_1200 : vector<32xbf16>
          %parallel_loop3A_1202 = arith.addf %parallel_loop3A_1166, %parallel_loop3A_1201 : vector<32xbf16>
          %parallel_loop3A_1203 = arith.constant 0 : i32
          %parallel_loop3A_1204 = arith.index_cast %parallel_loop3A_1203 : i32 to index
          %parallel_loop3A_1205 = arith.index_cast %parallel_loop3A_1088 : i32 to index
          %parallel_loop3A_1206 = arith.constant 144 : index
          %parallel_loop3A_1207 = tpu.vector_load %arg11[%parallel_loop3A_1204, %parallel_loop3A_1205, %parallel_loop3A_1206] {strides = array<i32>} : memref<2x16x640xi32, #tpu.memory_space<vmem>>, vector<16xi32>,
          %parallel_loop3A_1208 = vector.bitcast %parallel_loop3A_1207 : vector<16xi32> to vector<32xbf16>
          %parallel_loop3A_1209 = arith.mulf %parallel_loop3A_1194, %parallel_loop3A_1208 : vector<32xbf16>
          %parallel_loop3A_1210 = arith.addf %parallel_loop3A_1174, %parallel_loop3A_1209 : vector<32xbf16>
          %parallel_loop3A_1211 = arith.constant 0 : i32
          %parallel_loop3A_1212 = arith.index_cast %parallel_loop3A_1211 : i32 to index
          %parallel_loop3A_1213 = arith.index_cast %parallel_loop3A_1088 : i32 to index
          %parallel_loop3A_1214 = arith.constant 160 : index
          %parallel_loop3A_1215 = tpu.vector_load %arg11[%parallel_loop3A_1212, %parallel_loop3A_1213, %parallel_loop3A_1214] {strides = array<i32>} : memref<2x16x640xi32, #tpu.memory_space<vmem>>, vector<16xi32>,
          %parallel_loop3A_1216 = vector.bitcast %parallel_loop3A_1215 : vector<16xi32> to vector<32xbf16>
          %parallel_loop3A_1217 = arith.mulf %parallel_loop3A_1194, %parallel_loop3A_1216 : vector<32xbf16>
          %parallel_loop3A_1218 = arith.addf %parallel_loop3A_1182, %parallel_loop3A_1217 : vector<32xbf16>
          %parallel_loop3A_1219 = arith.constant 0 : i32
          %parallel_loop3A_1220 = arith.index_cast %parallel_loop3A_1219 : i32 to index
          %parallel_loop3A_1221 = arith.index_cast %parallel_loop3A_1088 : i32 to index
          %parallel_loop3A_1222 = arith.constant 176 : index
          %parallel_loop3A_1223 = tpu.vector_load %arg11[%parallel_loop3A_1220, %parallel_loop3A_1221, %parallel_loop3A_1222] {strides = array<i32>} : memref<2x16x640xi32, #tpu.memory_space<vmem>>, vector<16xi32>,
          %parallel_loop3A_1224 = vector.bitcast %parallel_loop3A_1223 : vector<16xi32> to vector<32xbf16>
          %parallel_loop3A_1225 = arith.mulf %parallel_loop3A_1194, %parallel_loop3A_1224 : vector<32xbf16>
          %parallel_loop3A_1226 = arith.addf %parallel_loop3A_1190, %parallel_loop3A_1225 : vector<32xbf16>
          %parallel_loop3A_1227 = vector.extract_strided_slice %parallel_loop3A_1122 {offsets = [3], sizes = [1], strides = [1]} : vector<16xf32> to vector<1xf32>
          %parallel_loop3A_1228 = vector.extract %parallel_loop3A_1227[0] : f32 from vector<1xf32>
          %parallel_loop3A_1229 = vector.broadcast %parallel_loop3A_1228 : f32 to vector<16xf32>
          %parallel_loop3A_1230 = tpu.pack_subelements %parallel_loop3A_1229, %parallel_loop3A_1229 {pack_format = #tpu.pack_format<interleaved>, positions = array<i32: 0, 1>} : vector<16xf32>, vector<16xf32> -> vector<32xbf16>
          %parallel_loop3A_1231 = arith.constant 0 : i32
          %parallel_loop3A_1232 = arith.index_cast %parallel_loop3A_1231 : i32 to index
          %parallel_loop3A_1233 = arith.index_cast %parallel_loop3A_1088 : i32 to index
          %parallel_loop3A_1234 = arith.constant 192 : index
          %parallel_loop3A_1235 = tpu.vector_load %arg11[%parallel_loop3A_1232, %parallel_loop3A_1233, %parallel_loop3A_1234] {strides = array<i32>} : memref<2x16x640xi32, #tpu.memory_space<vmem>>, vector<16xi32>,
          %parallel_loop3A_1236 = vector.bitcast %parallel_loop3A_1235 : vector<16xi32> to vector<32xbf16>
          %parallel_loop3A_1237 = arith.mulf %parallel_loop3A_1230, %parallel_loop3A_1236 : vector<32xbf16>
          %parallel_loop3A_1238 = arith.addf %parallel_loop3A_1202, %parallel_loop3A_1237 : vector<32xbf16>
          %parallel_loop3A_1239 = arith.constant 0 : i32
          %parallel_loop3A_1240 = arith.index_cast %parallel_loop3A_1239 : i32 to index
          %parallel_loop3A_1241 = arith.index_cast %parallel_loop3A_1088 : i32 to index
          %parallel_loop3A_1242 = arith.constant 208 : index
          %parallel_loop3A_1243 = tpu.vector_load %arg11[%parallel_loop3A_1240, %parallel_loop3A_1241, %parallel_loop3A_1242] {strides = array<i32>} : memref<2x16x640xi32, #tpu.memory_space<vmem>>, vector<16xi32>,
          %parallel_loop3A_1244 = vector.bitcast %parallel_loop3A_1243 : vector<16xi32> to vector<32xbf16>
          %parallel_loop3A_1245 = arith.mulf %parallel_loop3A_1230, %parallel_loop3A_1244 : vector<32xbf16>
          %parallel_loop3A_1246 = arith.addf %parallel_loop3A_1210, %parallel_loop3A_1245 : vector<32xbf16>
          %parallel_loop3A_1247 = arith.constant 0 : i32
          %parallel_loop3A_1248 = arith.index_cast %parallel_loop3A_1247 : i32 to index
          %parallel_loop3A_1249 = arith.index_cast %parallel_loop3A_1088 : i32 to index
          %parallel_loop3A_1250 = arith.constant 224 : index
          %parallel_loop3A_1251 = tpu.vector_load %arg11[%parallel_loop3A_1248, %parallel_loop3A_1249, %parallel_loop3A_1250] {strides = array<i32>} : memref<2x16x640xi32, #tpu.memory_space<vmem>>, vector<16xi32>,
          %parallel_loop3A_1252 = vector.bitcast %parallel_loop3A_1251 : vector<16xi32> to vector<32xbf16>
          %parallel_loop3A_1253 = arith.mulf %parallel_loop3A_1230, %parallel_loop3A_1252 : vector<32xbf16>
          %parallel_loop3A_1254 = arith.addf %parallel_loop3A_1218, %parallel_loop3A_1253 : vector<32xbf16>
          %parallel_loop3A_1255 = arith.constant 0 : i32
          %parallel_loop3A_1256 = arith.index_cast %parallel_loop3A_1255 : i32 to index
          %parallel_loop3A_1257 = arith.index_cast %parallel_loop3A_1088 : i32 to index
          %parallel_loop3A_1258 = arith.constant 240 : index
          %parallel_loop3A_1259 = tpu.vector_load %arg11[%parallel_loop3A_1256, %parallel_loop3A_1257, %parallel_loop3A_1258] {strides = array<i32>} : memref<2x16x640xi32, #tpu.memory_space<vmem>>, vector<16xi32>,
          %parallel_loop3A_1260 = vector.bitcast %parallel_loop3A_1259 : vector<16xi32> to vector<32xbf16>
          %parallel_loop3A_1261 = arith.mulf %parallel_loop3A_1230, %parallel_loop3A_1260 : vector<32xbf16>
          %parallel_loop3A_1262 = arith.addf %parallel_loop3A_1226, %parallel_loop3A_1261 : vector<32xbf16>
          %parallel_loop3A_1263 = vector.extract_strided_slice %parallel_loop3A_1122 {offsets = [4], sizes = [1], strides = [1]} : vector<16xf32> to vector<1xf32>
          %parallel_loop3A_1264 = vector.extract %parallel_loop3A_1263[0] : f32 from vector<1xf32>
          %parallel_loop3A_1265 = vector.broadcast %parallel_loop3A_1264 : f32 to vector<16xf32>
          %parallel_loop3A_1266 = tpu.pack_subelements %parallel_loop3A_1265, %parallel_loop3A_1265 {pack_format = #tpu.pack_format<interleaved>, positions = array<i32: 0, 1>} : vector<16xf32>, vector<16xf32> -> vector<32xbf16>
          %parallel_loop3A_1267 = arith.constant 0 : i32
          %parallel_loop3A_1268 = arith.index_cast %parallel_loop3A_1267 : i32 to index
          %parallel_loop3A_1269 = arith.index_cast %parallel_loop3A_1088 : i32 to index
          %parallel_loop3A_1270 = arith.constant 256 : index
          %parallel_loop3A_1271 = tpu.vector_load %arg11[%parallel_loop3A_1268, %parallel_loop3A_1269, %parallel_loop3A_1270] {strides = array<i32>} : memref<2x16x640xi32, #tpu.memory_space<vmem>>, vector<16xi32>,
          %parallel_loop3A_1272 = vector.bitcast %parallel_loop3A_1271 : vector<16xi32> to vector<32xbf16>
          %parallel_loop3A_1273 = arith.mulf %parallel_loop3A_1266, %parallel_loop3A_1272 : vector<32xbf16>
          %parallel_loop3A_1274 = arith.addf %parallel_loop3A_1238, %parallel_loop3A_1273 : vector<32xbf16>
          %parallel_loop3A_1275 = arith.constant 0 : i32
          %parallel_loop3A_1276 = arith.index_cast %parallel_loop3A_1275 : i32 to index
          %parallel_loop3A_1277 = arith.index_cast %parallel_loop3A_1088 : i32 to index
          %parallel_loop3A_1278 = arith.constant 272 : index
          %parallel_loop3A_1279 = tpu.vector_load %arg11[%parallel_loop3A_1276, %parallel_loop3A_1277, %parallel_loop3A_1278] {strides = array<i32>} : memref<2x16x640xi32, #tpu.memory_space<vmem>>, vector<16xi32>,
          %parallel_loop3A_1280 = vector.bitcast %parallel_loop3A_1279 : vector<16xi32> to vector<32xbf16>
          %parallel_loop3A_1281 = arith.mulf %parallel_loop3A_1266, %parallel_loop3A_1280 : vector<32xbf16>
          %parallel_loop3A_1282 = arith.addf %parallel_loop3A_1246, %parallel_loop3A_1281 : vector<32xbf16>
          %parallel_loop3A_1283 = arith.constant 0 : i32
          %parallel_loop3A_1284 = arith.index_cast %parallel_loop3A_1283 : i32 to index
          %parallel_loop3A_1285 = arith.index_cast %parallel_loop3A_1088 : i32 to index
          %parallel_loop3A_1286 = arith.constant 288 : index
          %parallel_loop3A_1287 = tpu.vector_load %arg11[%parallel_loop3A_1284, %parallel_loop3A_1285, %parallel_loop3A_1286] {strides = array<i32>} : memref<2x16x640xi32, #tpu.memory_space<vmem>>, vector<16xi32>,
          %parallel_loop3A_1288 = vector.bitcast %parallel_loop3A_1287 : vector<16xi32> to vector<32xbf16>
          %parallel_loop3A_1289 = arith.mulf %parallel_loop3A_1266, %parallel_loop3A_1288 : vector<32xbf16>
          %parallel_loop3A_1290 = arith.addf %parallel_loop3A_1254, %parallel_loop3A_1289 : vector<32xbf16>
          %parallel_loop3A_1291 = arith.constant 0 : i32
          %parallel_loop3A_1292 = arith.index_cast %parallel_loop3A_1291 : i32 to index
          %parallel_loop3A_1293 = arith.index_cast %parallel_loop3A_1088 : i32 to index
          %parallel_loop3A_1294 = arith.constant 304 : index
          %parallel_loop3A_1295 = tpu.vector_load %arg11[%parallel_loop3A_1292, %parallel_loop3A_1293, %parallel_loop3A_1294] {strides = array<i32>} : memref<2x16x640xi32, #tpu.memory_space<vmem>>, vector<16xi32>,
          %parallel_loop3A_1296 = vector.bitcast %parallel_loop3A_1295 : vector<16xi32> to vector<32xbf16>
          %parallel_loop3A_1297 = arith.mulf %parallel_loop3A_1266, %parallel_loop3A_1296 : vector<32xbf16>
          %parallel_loop3A_1298 = arith.addf %parallel_loop3A_1262, %parallel_loop3A_1297 : vector<32xbf16>
          %parallel_loop3A_1299 = vector.extract_strided_slice %parallel_loop3A_1122 {offsets = [5], sizes = [1], strides = [1]} : vector<16xf32> to vector<1xf32>
          %parallel_loop3A_1300 = vector.extract %parallel_loop3A_1299[0] : f32 from vector<1xf32>
          %parallel_loop3A_1301 = vector.broadcast %parallel_loop3A_1300 : f32 to vector<16xf32>
          %parallel_loop3A_1302 = tpu.pack_subelements %parallel_loop3A_1301, %parallel_loop3A_1301 {pack_format = #tpu.pack_format<interleaved>, positions = array<i32: 0, 1>} : vector<16xf32>, vector<16xf32> -> vector<32xbf16>
          %parallel_loop3A_1303 = arith.constant 0 : i32
          %parallel_loop3A_1304 = arith.index_cast %parallel_loop3A_1303 : i32 to index
          %parallel_loop3A_1305 = arith.index_cast %parallel_loop3A_1088 : i32 to index
          %parallel_loop3A_1306 = arith.constant 320 : index
          %parallel_loop3A_1307 = tpu.vector_load %arg11[%parallel_loop3A_1304, %parallel_loop3A_1305, %parallel_loop3A_1306] {strides = array<i32>} : memref<2x16x640xi32, #tpu.memory_space<vmem>>, vector<16xi32>,
          %parallel_loop3A_1308 = vector.bitcast %parallel_loop3A_1307 : vector<16xi32> to vector<32xbf16>
          %parallel_loop3A_1309 = arith.mulf %parallel_loop3A_1302, %parallel_loop3A_1308 : vector<32xbf16>
          %parallel_loop3A_1310 = arith.addf %parallel_loop3A_1274, %parallel_loop3A_1309 : vector<32xbf16>
          %parallel_loop3A_1311 = arith.constant 0 : i32
          %parallel_loop3A_1312 = arith.index_cast %parallel_loop3A_1311 : i32 to index
          %parallel_loop3A_1313 = arith.index_cast %parallel_loop3A_1088 : i32 to index
          %parallel_loop3A_1314 = arith.constant 336 : index
          %parallel_loop3A_1315 = tpu.vector_load %arg11[%parallel_loop3A_1312, %parallel_loop3A_1313, %parallel_loop3A_1314] {strides = array<i32>} : memref<2x16x640xi32, #tpu.memory_space<vmem>>, vector<16xi32>,
          %parallel_loop3A_1316 = vector.bitcast %parallel_loop3A_1315 : vector<16xi32> to vector<32xbf16>
          %parallel_loop3A_1317 = arith.mulf %parallel_loop3A_1302, %parallel_loop3A_1316 : vector<32xbf16>
          %parallel_loop3A_1318 = arith.addf %parallel_loop3A_1282, %parallel_loop3A_1317 : vector<32xbf16>
          %parallel_loop3A_1319 = arith.constant 0 : i32
          %parallel_loop3A_1320 = arith.index_cast %parallel_loop3A_1319 : i32 to index
          %parallel_loop3A_1321 = arith.index_cast %parallel_loop3A_1088 : i32 to index
          %parallel_loop3A_1322 = arith.constant 352 : index
          %parallel_loop3A_1323 = tpu.vector_load %arg11[%parallel_loop3A_1320, %parallel_loop3A_1321, %parallel_loop3A_1322] {strides = array<i32>} : memref<2x16x640xi32, #tpu.memory_space<vmem>>, vector<16xi32>,
          %parallel_loop3A_1324 = vector.bitcast %parallel_loop3A_1323 : vector<16xi32> to vector<32xbf16>
          %parallel_loop3A_1325 = arith.mulf %parallel_loop3A_1302, %parallel_loop3A_1324 : vector<32xbf16>
          %parallel_loop3A_1326 = arith.addf %parallel_loop3A_1290, %parallel_loop3A_1325 : vector<32xbf16>
          %parallel_loop3A_1327 = arith.constant 0 : i32
          %parallel_loop3A_1328 = arith.index_cast %parallel_loop3A_1327 : i32 to index
          %parallel_loop3A_1329 = arith.index_cast %parallel_loop3A_1088 : i32 to index
          %parallel_loop3A_1330 = arith.constant 368 : index
          %parallel_loop3A_1331 = tpu.vector_load %arg11[%parallel_loop3A_1328, %parallel_loop3A_1329, %parallel_loop3A_1330] {strides = array<i32>} : memref<2x16x640xi32, #tpu.memory_space<vmem>>, vector<16xi32>,
          %parallel_loop3A_1332 = vector.bitcast %parallel_loop3A_1331 : vector<16xi32> to vector<32xbf16>
          %parallel_loop3A_1333 = arith.mulf %parallel_loop3A_1302, %parallel_loop3A_1332 : vector<32xbf16>
          %parallel_loop3A_1334 = arith.addf %parallel_loop3A_1298, %parallel_loop3A_1333 : vector<32xbf16>
          %parallel_loop3A_1335 = vector.extract_strided_slice %parallel_loop3A_1122 {offsets = [6], sizes = [1], strides = [1]} : vector<16xf32> to vector<1xf32>
          %parallel_loop3A_1336 = vector.extract %parallel_loop3A_1335[0] : f32 from vector<1xf32>
          %parallel_loop3A_1337 = vector.broadcast %parallel_loop3A_1336 : f32 to vector<16xf32>
          %parallel_loop3A_1338 = tpu.pack_subelements %parallel_loop3A_1337, %parallel_loop3A_1337 {pack_format = #tpu.pack_format<interleaved>, positions = array<i32: 0, 1>} : vector<16xf32>, vector<16xf32> -> vector<32xbf16>
          %parallel_loop3A_1339 = arith.constant 0 : i32
          %parallel_loop3A_1340 = arith.index_cast %parallel_loop3A_1339 : i32 to index
          %parallel_loop3A_1341 = arith.index_cast %parallel_loop3A_1088 : i32 to index
          %parallel_loop3A_1342 = arith.constant 384 : index
          %parallel_loop3A_1343 = tpu.vector_load %arg11[%parallel_loop3A_1340, %parallel_loop3A_1341, %parallel_loop3A_1342] {strides = array<i32>} : memref<2x16x640xi32, #tpu.memory_space<vmem>>, vector<16xi32>,
          %parallel_loop3A_1344 = vector.bitcast %parallel_loop3A_1343 : vector<16xi32> to vector<32xbf16>
          %parallel_loop3A_1345 = arith.mulf %parallel_loop3A_1338, %parallel_loop3A_1344 : vector<32xbf16>
          %parallel_loop3A_1346 = arith.addf %parallel_loop3A_1310, %parallel_loop3A_1345 : vector<32xbf16>
          %parallel_loop3A_1347 = arith.constant 0 : i32
          %parallel_loop3A_1348 = arith.index_cast %parallel_loop3A_1347 : i32 to index
          %parallel_loop3A_1349 = arith.index_cast %parallel_loop3A_1088 : i32 to index
          %parallel_loop3A_1350 = arith.constant 400 : index
          %parallel_loop3A_1351 = tpu.vector_load %arg11[%parallel_loop3A_1348, %parallel_loop3A_1349, %parallel_loop3A_1350] {strides = array<i32>} : memref<2x16x640xi32, #tpu.memory_space<vmem>>, vector<16xi32>,
          %parallel_loop3A_1352 = vector.bitcast %parallel_loop3A_1351 : vector<16xi32> to vector<32xbf16>
          %parallel_loop3A_1353 = arith.mulf %parallel_loop3A_1338, %parallel_loop3A_1352 : vector<32xbf16>
          %parallel_loop3A_1354 = arith.addf %parallel_loop3A_1318, %parallel_loop3A_1353 : vector<32xbf16>
          %parallel_loop3A_1355 = arith.constant 0 : i32
          %parallel_loop3A_1356 = arith.index_cast %parallel_loop3A_1355 : i32 to index
          %parallel_loop3A_1357 = arith.index_cast %parallel_loop3A_1088 : i32 to index
          %parallel_loop3A_1358 = arith.constant 416 : index
          %parallel_loop3A_1359 = tpu.vector_load %arg11[%parallel_loop3A_1356, %parallel_loop3A_1357, %parallel_loop3A_1358] {strides = array<i32>} : memref<2x16x640xi32, #tpu.memory_space<vmem>>, vector<16xi32>,
          %parallel_loop3A_1360 = vector.bitcast %parallel_loop3A_1359 : vector<16xi32> to vector<32xbf16>
          %parallel_loop3A_1361 = arith.mulf %parallel_loop3A_1338, %parallel_loop3A_1360 : vector<32xbf16>
          %parallel_loop3A_1362 = arith.addf %parallel_loop3A_1326, %parallel_loop3A_1361 : vector<32xbf16>
          %parallel_loop3A_1363 = arith.constant 0 : i32
          %parallel_loop3A_1364 = arith.index_cast %parallel_loop3A_1363 : i32 to index
          %parallel_loop3A_1365 = arith.index_cast %parallel_loop3A_1088 : i32 to index
          %parallel_loop3A_1366 = arith.constant 432 : index
          %parallel_loop3A_1367 = tpu.vector_load %arg11[%parallel_loop3A_1364, %parallel_loop3A_1365, %parallel_loop3A_1366] {strides = array<i32>} : memref<2x16x640xi32, #tpu.memory_space<vmem>>, vector<16xi32>,
          %parallel_loop3A_1368 = vector.bitcast %parallel_loop3A_1367 : vector<16xi32> to vector<32xbf16>
          %parallel_loop3A_1369 = arith.mulf %parallel_loop3A_1338, %parallel_loop3A_1368 : vector<32xbf16>
          %parallel_loop3A_1370 = arith.addf %parallel_loop3A_1334, %parallel_loop3A_1369 : vector<32xbf16>
          %parallel_loop3A_1371 = vector.extract_strided_slice %parallel_loop3A_1122 {offsets = [7], sizes = [1], strides = [1]} : vector<16xf32> to vector<1xf32>
          %parallel_loop3A_1372 = vector.extract %parallel_loop3A_1371[0] : f32 from vector<1xf32>
          %parallel_loop3A_1373 = vector.broadcast %parallel_loop3A_1372 : f32 to vector<16xf32>
          %parallel_loop3A_1374 = tpu.pack_subelements %parallel_loop3A_1373, %parallel_loop3A_1373 {pack_format = #tpu.pack_format<interleaved>, positions = array<i32: 0, 1>} : vector<16xf32>, vector<16xf32> -> vector<32xbf16>
          %parallel_loop3A_1375 = arith.constant 0 : i32
          %parallel_loop3A_1376 = arith.index_cast %parallel_loop3A_1375 : i32 to index
          %parallel_loop3A_1377 = arith.index_cast %parallel_loop3A_1088 : i32 to index
          %parallel_loop3A_1378 = arith.constant 448 : index
          %parallel_loop3A_1379 = tpu.vector_load %arg11[%parallel_loop3A_1376, %parallel_loop3A_1377, %parallel_loop3A_1378] {strides = array<i32>} : memref<2x16x640xi32, #tpu.memory_space<vmem>>, vector<16xi32>,
          %parallel_loop3A_1380 = vector.bitcast %parallel_loop3A_1379 : vector<16xi32> to vector<32xbf16>
          %parallel_loop3A_1381 = arith.mulf %parallel_loop3A_1374, %parallel_loop3A_1380 : vector<32xbf16>
          %parallel_loop3A_1382 = arith.addf %parallel_loop3A_1346, %parallel_loop3A_1381 : vector<32xbf16>
          %parallel_loop3A_1383 = arith.constant 0 : i32
          %parallel_loop3A_1384 = arith.index_cast %parallel_loop3A_1383 : i32 to index
          %parallel_loop3A_1385 = arith.index_cast %parallel_loop3A_1088 : i32 to index
          %parallel_loop3A_1386 = arith.constant 464 : index
          %parallel_loop3A_1387 = tpu.vector_load %arg11[%parallel_loop3A_1384, %parallel_loop3A_1385, %parallel_loop3A_1386] {strides = array<i32>} : memref<2x16x640xi32, #tpu.memory_space<vmem>>, vector<16xi32>,
          %parallel_loop3A_1388 = vector.bitcast %parallel_loop3A_1387 : vector<16xi32> to vector<32xbf16>
          %parallel_loop3A_1389 = arith.mulf %parallel_loop3A_1374, %parallel_loop3A_1388 : vector<32xbf16>
          %parallel_loop3A_1390 = arith.addf %parallel_loop3A_1354, %parallel_loop3A_1389 : vector<32xbf16>
          %parallel_loop3A_1391 = arith.constant 0 : i32
          %parallel_loop3A_1392 = arith.index_cast %parallel_loop3A_1391 : i32 to index
          %parallel_loop3A_1393 = arith.index_cast %parallel_loop3A_1088 : i32 to index
          %parallel_loop3A_1394 = arith.constant 480 : index
          %parallel_loop3A_1395 = tpu.vector_load %arg11[%parallel_loop3A_1392, %parallel_loop3A_1393, %parallel_loop3A_1394] {strides = array<i32>} : memref<2x16x640xi32, #tpu.memory_space<vmem>>, vector<16xi32>,
          %parallel_loop3A_1396 = vector.bitcast %parallel_loop3A_1395 : vector<16xi32> to vector<32xbf16>
          %parallel_loop3A_1397 = arith.mulf %parallel_loop3A_1374, %parallel_loop3A_1396 : vector<32xbf16>
          %parallel_loop3A_1398 = arith.addf %parallel_loop3A_1362, %parallel_loop3A_1397 : vector<32xbf16>
          %parallel_loop3A_1399 = arith.constant 0 : i32
          %parallel_loop3A_1400 = arith.index_cast %parallel_loop3A_1399 : i32 to index
          %parallel_loop3A_1401 = arith.index_cast %parallel_loop3A_1088 : i32 to index
          %parallel_loop3A_1402 = arith.constant 496 : index
          %parallel_loop3A_1403 = tpu.vector_load %arg11[%parallel_loop3A_1400, %parallel_loop3A_1401, %parallel_loop3A_1402] {strides = array<i32>} : memref<2x16x640xi32, #tpu.memory_space<vmem>>, vector<16xi32>,
          %parallel_loop3A_1404 = vector.bitcast %parallel_loop3A_1403 : vector<16xi32> to vector<32xbf16>
          %parallel_loop3A_1405 = arith.mulf %parallel_loop3A_1374, %parallel_loop3A_1404 : vector<32xbf16>
          %parallel_loop3A_1406 = arith.addf %parallel_loop3A_1370, %parallel_loop3A_1405 : vector<32xbf16>
          %parallel_loop3A_1407 = tpu.unpack_subelements %parallel_loop3A_1382, 0 {pack_format = #tpu.pack_format<interleaved>} : vector<32xbf16> -> vector<16xf32>
          %parallel_loop3A_1408 = tpu.unpack_subelements %parallel_loop3A_1382, 1 {pack_format = #tpu.pack_format<interleaved>} : vector<32xbf16> -> vector<16xf32>
          %parallel_loop3A_1409 = arith.constant 0 : i32
          %parallel_loop3A_1410 = arith.index_cast %parallel_loop3A_1409 : i32 to index
          %parallel_loop3A_1411 = arith.index_cast %parallel_loop3A_1088 : i32 to index
          %parallel_loop3A_1412 = arith.constant 0 : index
          %parallel_loop3A_1413 = tpu.vector_load %arg12[%parallel_loop3A_1410, %parallel_loop3A_1411, %parallel_loop3A_1412] {strides = array<i32>} : memref<2x16x128xf32, #tpu.memory_space<vmem>>, vector<16xf32>,
          tpu.vector_store %arg12[%parallel_loop3A_1410, %parallel_loop3A_1411, %parallel_loop3A_1412], %parallel_loop3A_1407 {strides = array<i32>} : memref<2x16x128xf32, #tpu.memory_space<vmem>>, vector<16xf32>,
          %parallel_loop3A_1414 = arith.constant 0 : i32
          %parallel_loop3A_1415 = arith.index_cast %parallel_loop3A_1414 : i32 to index
          %parallel_loop3A_1416 = arith.index_cast %parallel_loop3A_1088 : i32 to index
          %parallel_loop3A_1417 = arith.constant 16 : index
          %parallel_loop3A_1418 = tpu.vector_load %arg12[%parallel_loop3A_1415, %parallel_loop3A_1416, %parallel_loop3A_1417] {strides = array<i32>} : memref<2x16x128xf32, #tpu.memory_space<vmem>>, vector<16xf32>,
          tpu.vector_store %arg12[%parallel_loop3A_1415, %parallel_loop3A_1416, %parallel_loop3A_1417], %parallel_loop3A_1408 {strides = array<i32>} : memref<2x16x128xf32, #tpu.memory_space<vmem>>, vector<16xf32>,
          %parallel_loop3A_1419 = tpu.unpack_subelements %parallel_loop3A_1390, 0 {pack_format = #tpu.pack_format<interleaved>} : vector<32xbf16> -> vector<16xf32>
          %parallel_loop3A_1420 = tpu.unpack_subelements %parallel_loop3A_1390, 1 {pack_format = #tpu.pack_format<interleaved>} : vector<32xbf16> -> vector<16xf32>
          %parallel_loop3A_1421 = arith.constant 0 : i32
          %parallel_loop3A_1422 = arith.index_cast %parallel_loop3A_1421 : i32 to index
          %parallel_loop3A_1423 = arith.index_cast %parallel_loop3A_1088 : i32 to index
          %parallel_loop3A_1424 = arith.constant 32 : index
          %parallel_loop3A_1425 = tpu.vector_load %arg12[%parallel_loop3A_1422, %parallel_loop3A_1423, %parallel_loop3A_1424] {strides = array<i32>} : memref<2x16x128xf32, #tpu.memory_space<vmem>>, vector<16xf32>,
          tpu.vector_store %arg12[%parallel_loop3A_1422, %parallel_loop3A_1423, %parallel_loop3A_1424], %parallel_loop3A_1419 {strides = array<i32>} : memref<2x16x128xf32, #tpu.memory_space<vmem>>, vector<16xf32>,
          %parallel_loop3A_1426 = arith.constant 0 : i32
          %parallel_loop3A_1427 = arith.index_cast %parallel_loop3A_1426 : i32 to index
          %parallel_loop3A_1428 = arith.index_cast %parallel_loop3A_1088 : i32 to index
          %parallel_loop3A_1429 = arith.constant 48 : index
          %parallel_loop3A_1430 = tpu.vector_load %arg12[%parallel_loop3A_1427, %parallel_loop3A_1428, %parallel_loop3A_1429] {strides = array<i32>} : memref<2x16x128xf32, #tpu.memory_space<vmem>>, vector<16xf32>,
          tpu.vector_store %arg12[%parallel_loop3A_1427, %parallel_loop3A_1428, %parallel_loop3A_1429], %parallel_loop3A_1420 {strides = array<i32>} : memref<2x16x128xf32, #tpu.memory_space<vmem>>, vector<16xf32>,
          %parallel_loop3A_1431 = tpu.unpack_subelements %parallel_loop3A_1398, 0 {pack_format = #tpu.pack_format<interleaved>} : vector<32xbf16> -> vector<16xf32>
          %parallel_loop3A_1432 = tpu.unpack_subelements %parallel_loop3A_1398, 1 {pack_format = #tpu.pack_format<interleaved>} : vector<32xbf16> -> vector<16xf32>
          %parallel_loop3A_1433 = arith.constant 0 : i32
          %parallel_loop3A_1434 = arith.index_cast %parallel_loop3A_1433 : i32 to index
          %parallel_loop3A_1435 = arith.index_cast %parallel_loop3A_1088 : i32 to index
          %parallel_loop3A_1436 = arith.constant 64 : index
          %parallel_loop3A_1437 = tpu.vector_load %arg12[%parallel_loop3A_1434, %parallel_loop3A_1435, %parallel_loop3A_1436] {strides = array<i32>} : memref<2x16x128xf32, #tpu.memory_space<vmem>>, vector<16xf32>,
          tpu.vector_store %arg12[%parallel_loop3A_1434, %parallel_loop3A_1435, %parallel_loop3A_1436], %parallel_loop3A_1431 {strides = array<i32>} : memref<2x16x128xf32, #tpu.memory_space<vmem>>, vector<16xf32>,
          %parallel_loop3A_1438 = arith.constant 0 : i32
          %parallel_loop3A_1439 = arith.index_cast %parallel_loop3A_1438 : i32 to index
          %parallel_loop3A_1440 = arith.index_cast %parallel_loop3A_1088 : i32 to index
          %parallel_loop3A_1441 = arith.constant 80 : index
          %parallel_loop3A_1442 = tpu.vector_load %arg12[%parallel_loop3A_1439, %parallel_loop3A_1440, %parallel_loop3A_1441] {strides = array<i32>} : memref<2x16x128xf32, #tpu.memory_space<vmem>>, vector<16xf32>,
          tpu.vector_store %arg12[%parallel_loop3A_1439, %parallel_loop3A_1440, %parallel_loop3A_1441], %parallel_loop3A_1432 {strides = array<i32>} : memref<2x16x128xf32, #tpu.memory_space<vmem>>, vector<16xf32>,
          %parallel_loop3A_1443 = tpu.unpack_subelements %parallel_loop3A_1406, 0 {pack_format = #tpu.pack_format<interleaved>} : vector<32xbf16> -> vector<16xf32>
          %parallel_loop3A_1444 = tpu.unpack_subelements %parallel_loop3A_1406, 1 {pack_format = #tpu.pack_format<interleaved>} : vector<32xbf16> -> vector<16xf32>
          %parallel_loop3A_1445 = arith.constant 0 : i32
          %parallel_loop3A_1446 = arith.index_cast %parallel_loop3A_1445 : i32 to index
          %parallel_loop3A_1447 = arith.index_cast %parallel_loop3A_1088 : i32 to index
          %parallel_loop3A_1448 = arith.constant 96 : index
          %parallel_loop3A_1449 = tpu.vector_load %arg12[%parallel_loop3A_1446, %parallel_loop3A_1447, %parallel_loop3A_1448] {strides = array<i32>} : memref<2x16x128xf32, #tpu.memory_space<vmem>>, vector<16xf32>,
          tpu.vector_store %arg12[%parallel_loop3A_1446, %parallel_loop3A_1447, %parallel_loop3A_1448], %parallel_loop3A_1443 {strides = array<i32>} : memref<2x16x128xf32, #tpu.memory_space<vmem>>, vector<16xf32>,
          %parallel_loop3A_1450 = arith.constant 0 : i32
          %parallel_loop3A_1451 = arith.index_cast %parallel_loop3A_1450 : i32 to index
          %parallel_loop3A_1452 = arith.index_cast %parallel_loop3A_1088 : i32 to index
          %parallel_loop3A_1453 = arith.constant 112 : index
          %parallel_loop3A_1454 = tpu.vector_load %arg12[%parallel_loop3A_1451, %parallel_loop3A_1452, %parallel_loop3A_1453] {strides = array<i32>} : memref<2x16x128xf32, #tpu.memory_space<vmem>>, vector<16xf32>,
          tpu.vector_store %arg12[%parallel_loop3A_1451, %parallel_loop3A_1452, %parallel_loop3A_1453], %parallel_loop3A_1444 {strides = array<i32>} : memref<2x16x128xf32, #tpu.memory_space<vmem>>, vector<16xf32>,
          %parallel_loop3A_1455 = arith.index_cast %parallel_loop3A_1088 : i32 to index
          %parallel_loop3A_1456 = tpu.vector_load %arg16[%parallel_loop3A_1455] {strides = array<i32>} : memref<32xi32, #tpu.memory_space<vmem>>, vector<16xi32>,
          %parallel_loop3A_1457 = vector.extract_strided_slice %parallel_loop3A_1456 {offsets = [0], sizes = [1], strides = [1]} : vector<16xi32> to vector<1xi32>
          %parallel_loop3A_1458 = vector.extract %parallel_loop3A_1457[0] : i32 from vector<1xi32>
          %parallel_loop3A_1459 = arith.constant 0 : i32
          %parallel_loop3A_1460 = arith.index_cast %parallel_loop3A_1459 : i32 to index
          %parallel_loop3A_1461 = arith.index_cast %parallel_loop3A_1088 : i32 to index
          %parallel_loop3A_1462 = arith.constant 0 : index
          %parallel_loop3A_1463 = tpu.vector_load %arg13[%parallel_loop3A_1460, %parallel_loop3A_1461, %parallel_loop3A_1462] {strides = array<i32>} : memref<2x16x128xf32, #tpu.memory_space<vmem>>, vector<16xf32>,
          tpu.vector_store %arg13[%parallel_loop3A_1460, %parallel_loop3A_1461, %parallel_loop3A_1462], %broadcast_in_dim3A_7 {strides = array<i32>} : memref<2x16x128xf32, #tpu.memory_space<vmem>>, vector<16xf32>,
          %parallel_loop3A_1464 = arith.constant 0 : i32
          %parallel_loop3A_1465 = arith.index_cast %parallel_loop3A_1464 : i32 to index
          %parallel_loop3A_1466 = arith.index_cast %parallel_loop3A_1088 : i32 to index
          %parallel_loop3A_1467 = arith.constant 16 : index
          %parallel_loop3A_1468 = tpu.vector_load %arg13[%parallel_loop3A_1465, %parallel_loop3A_1466, %parallel_loop3A_1467] {strides = array<i32>} : memref<2x16x128xf32, #tpu.memory_space<vmem>>, vector<16xf32>,
          tpu.vector_store %arg13[%parallel_loop3A_1465, %parallel_loop3A_1466, %parallel_loop3A_1467], %broadcast_in_dim3A_7 {strides = array<i32>} : memref<2x16x128xf32, #tpu.memory_space<vmem>>, vector<16xf32>,
          %parallel_loop3A_1469 = arith.constant 0 : i32
          %parallel_loop3A_1470 = arith.index_cast %parallel_loop3A_1469 : i32 to index
          %parallel_loop3A_1471 = arith.index_cast %parallel_loop3A_1088 : i32 to index
          %parallel_loop3A_1472 = arith.constant 32 : index
          %parallel_loop3A_1473 = tpu.vector_load %arg13[%parallel_loop3A_1470, %parallel_loop3A_1471, %parallel_loop3A_1472] {strides = array<i32>} : memref<2x16x128xf32, #tpu.memory_space<vmem>>, vector<16xf32>,
          tpu.vector_store %arg13[%parallel_loop3A_1470, %parallel_loop3A_1471, %parallel_loop3A_1472], %broadcast_in_dim3A_7 {strides = array<i32>} : memref<2x16x128xf32, #tpu.memory_space<vmem>>, vector<16xf32>,
          %parallel_loop3A_1474 = arith.constant 0 : i32
          %parallel_loop3A_1475 = arith.index_cast %parallel_loop3A_1474 : i32 to index
          %parallel_loop3A_1476 = arith.index_cast %parallel_loop3A_1088 : i32 to index
          %parallel_loop3A_1477 = arith.constant 48 : index
          %parallel_loop3A_1478 = tpu.vector_load %arg13[%parallel_loop3A_1475, %parallel_loop3A_1476, %parallel_loop3A_1477] {strides = array<i32>} : memref<2x16x128xf32, #tpu.memory_space<vmem>>, vector<16xf32>,
          tpu.vector_store %arg13[%parallel_loop3A_1475, %parallel_loop3A_1476, %parallel_loop3A_1477], %broadcast_in_dim3A_7 {strides = array<i32>} : memref<2x16x128xf32, #tpu.memory_space<vmem>>, vector<16xf32>,
          %parallel_loop3A_1479 = arith.constant 0 : i32
          %parallel_loop3A_1480 = arith.index_cast %parallel_loop3A_1479 : i32 to index
          %parallel_loop3A_1481 = arith.index_cast %parallel_loop3A_1088 : i32 to index
          %parallel_loop3A_1482 = arith.constant 64 : index
          %parallel_loop3A_1483 = tpu.vector_load %arg13[%parallel_loop3A_1480, %parallel_loop3A_1481, %parallel_loop3A_1482] {strides = array<i32>} : memref<2x16x128xf32, #tpu.memory_space<vmem>>, vector<16xf32>,
          tpu.vector_store %arg13[%parallel_loop3A_1480, %parallel_loop3A_1481, %parallel_loop3A_1482], %broadcast_in_dim3A_7 {strides = array<i32>} : memref<2x16x128xf32, #tpu.memory_space<vmem>>, vector<16xf32>,
          %parallel_loop3A_1484 = arith.constant 0 : i32
          %parallel_loop3A_1485 = arith.index_cast %parallel_loop3A_1484 : i32 to index
          %parallel_loop3A_1486 = arith.index_cast %parallel_loop3A_1088 : i32 to index
          %parallel_loop3A_1487 = arith.constant 80 : index
          %parallel_loop3A_1488 = tpu.vector_load %arg13[%parallel_loop3A_1485, %parallel_loop3A_1486, %parallel_loop3A_1487] {strides = array<i32>} : memref<2x16x128xf32, #tpu.memory_space<vmem>>, vector<16xf32>,
          tpu.vector_store %arg13[%parallel_loop3A_1485, %parallel_loop3A_1486, %parallel_loop3A_1487], %broadcast_in_dim3A_7 {strides = array<i32>} : memref<2x16x128xf32, #tpu.memory_space<vmem>>, vector<16xf32>,
          %parallel_loop3A_1489 = arith.constant 0 : i32
          %parallel_loop3A_1490 = arith.index_cast %parallel_loop3A_1489 : i32 to index
          %parallel_loop3A_1491 = arith.index_cast %parallel_loop3A_1088 : i32 to index
          %parallel_loop3A_1492 = arith.constant 96 : index
          %parallel_loop3A_1493 = tpu.vector_load %arg13[%parallel_loop3A_1490, %parallel_loop3A_1491, %parallel_loop3A_1492] {strides = array<i32>} : memref<2x16x128xf32, #tpu.memory_space<vmem>>, vector<16xf32>,
          tpu.vector_store %arg13[%parallel_loop3A_1490, %parallel_loop3A_1491, %parallel_loop3A_1492], %broadcast_in_dim3A_7 {strides = array<i32>} : memref<2x16x128xf32, #tpu.memory_space<vmem>>, vector<16xf32>,
          %parallel_loop3A_1494 = arith.constant 0 : i32
          %parallel_loop3A_1495 = arith.index_cast %parallel_loop3A_1494 : i32 to index
          %parallel_loop3A_1496 = arith.index_cast %parallel_loop3A_1088 : i32 to index
          %parallel_loop3A_1497 = arith.constant 112 : index
          %parallel_loop3A_1498 = tpu.vector_load %arg13[%parallel_loop3A_1495, %parallel_loop3A_1496, %parallel_loop3A_1497] {strides = array<i32>} : memref<2x16x128xf32, #tpu.memory_space<vmem>>, vector<16xf32>,
          tpu.vector_store %arg13[%parallel_loop3A_1495, %parallel_loop3A_1496, %parallel_loop3A_1497], %broadcast_in_dim3A_7 {strides = array<i32>} : memref<2x16x128xf32, #tpu.memory_space<vmem>>, vector<16xf32>,
          %parallel_loop3A_1499 = arith.constant 15 : i32
          %parallel_loop3A_1500 = arith.andi %parallel_loop3A_1458, %parallel_loop3A_1499 : i32
          %parallel_loop3A_1501 = arith.constant 4 : i32
          %parallel_loop3A_1502 = arith.shrui %parallel_loop3A_1458, %parallel_loop3A_1501 : i32
          %parallel_loop3A_1503 = arith.constant 7 : i32
          %parallel_loop3A_1504 = arith.andi %parallel_loop3A_1502, %parallel_loop3A_1503 : i32
          %parallel_loop3A_1505 = vector.broadcast %parallel_loop3A_1500 : i32 to vector<16xi32>
          %parallel_loop3A_1506 = arith.cmpi eq, %iota3A, %parallel_loop3A_1505 : vector<16xi32>
          %parallel_loop3A_1507 = vector.broadcast %parallel_loop3A_1118 : f32 to vector<16xf32>
          %parallel_loop3A_1508 = arith.constant 0.000000e+00 : f32
          %parallel_loop3A_1509 = vector.broadcast %parallel_loop3A_1508 : f32 to vector<16xf32>
          %parallel_loop3A_1510 = arith.select %parallel_loop3A_1506, %parallel_loop3A_1507, %parallel_loop3A_1509 : vector<16xi1>, vector<16xf32>
          %parallel_loop3A_1511 = arith.constant 16 : i32
          %parallel_loop3A_1512 = arith.muli %parallel_loop3A_1504, %parallel_loop3A_1511 : i32
          %parallel_loop3A_1513 = arith.constant 0 : i32
          %parallel_loop3A_1514 = arith.index_cast %parallel_loop3A_1513 : i32 to index
          %parallel_loop3A_1515 = arith.index_cast %parallel_loop3A_1088 : i32 to index
          %parallel_loop3A_1516 = arith.index_cast %parallel_loop3A_1512 : i32 to index
          %parallel_loop3A_1517 = tpu.vector_load %arg13[%parallel_loop3A_1514, %parallel_loop3A_1515, %parallel_loop3A_1516] {strides = array<i32>} : memref<2x16x128xf32, #tpu.memory_space<vmem>>, vector<16xf32>,
          tpu.vector_store %arg13[%parallel_loop3A_1514, %parallel_loop3A_1515, %parallel_loop3A_1516], %parallel_loop3A_1510 {strides = array<i32>} : memref<2x16x128xf32, #tpu.memory_space<vmem>>, vector<16xf32>,
        } {sc.loop_unroll_factor = 8 : i64, sc.parallel_access}
        %dma_start3A_966 = arith.constant 0 : i32
        %dma_start3A_967 = arith.constant 0 : i32
        %dma_start3A_968 = arith.constant 0 : i32
        %dma_start3A_969 = arith.constant 0 : i32
        %dma_start3A_970 = tpu.memref_slice %arg12[%dma_start3A_966, %dma_start3A_968, %dma_start3A_969] : memref<2x16x128xf32, #tpu.memory_space<vmem>> -> memref<1x16x128xf32, #tpu.memory_space<vmem>>
        %dma_start3A_971 = tpu.memref_squeeze %dma_start3A_970 : memref<1x16x128xf32, #tpu.memory_space<vmem>> -> memref<16x128xf32, #tpu.memory_space<vmem>>
        %dma_start3A_972 = arith.constant 0 : i32
        %dma_start3A_973 = tpu.memref_slice %arg14[%dma_start3A_967, %dma_start3A_972] : memref<2x16xi32, #tpu.memory_space<vmem>> -> memref<1x16xi32, #tpu.memory_space<vmem>>
        %dma_start3A_974 = tpu.memref_squeeze %dma_start3A_973 : memref<1x16xi32, #tpu.memory_space<vmem>> -> memref<16xi32, #tpu.memory_space<vmem>>
        %dma_start3A_975 = arith.constant 0 : i32
        %dma_start3A_976 = arith.constant 0 : i32
        %dma_start3A_977 = tpu.memref_slice %arg18[%dma_start3A_975, %dma_start3A_976] : memref<10000x128xf32, #tpu.memory_space<vmem_shared>> -> memref<10000x128xf32, #tpu.memory_space<vmem_shared>>
        tpu.enqueue_indirect_dma source(%dma_start3A_971 : memref<16x128xf32, #tpu.memory_space<vmem>>) target(%dma_start3A_977 : memref<10000x128xf32, #tpu.memory_space<vmem_shared>>) offsets(%dma_start3A_974 : memref<16xi32, #tpu.memory_space<vmem>>) semaphore(%arg22 : memref<!tpu.dma_semaphore, #tpu.memory_space<semaphore_mem>>) {add = true}
        %dma_start3A_978 = arith.constant 0 : i32
        %dma_start3A_979 = arith.constant 0 : i32
        %dma_start3A_980 = arith.constant 0 : i32
        %dma_start3A_981 = arith.constant 0 : i32
        %dma_start3A_982 = tpu.memref_slice %arg13[%dma_start3A_978, %dma_start3A_980, %dma_start3A_981] : memref<2x16x128xf32, #tpu.memory_space<vmem>> -> memref<1x16x128xf32, #tpu.memory_space<vmem>>
        %dma_start3A_983 = tpu.memref_squeeze %dma_start3A_982 : memref<1x16x128xf32, #tpu.memory_space<vmem>> -> memref<16x128xf32, #tpu.memory_space<vmem>>
        %dma_start3A_984 = arith.constant 0 : i32
        %dma_start3A_985 = tpu.memref_slice %arg15[%dma_start3A_979, %dma_start3A_984] : memref<2x16xi32, #tpu.memory_space<vmem>> -> memref<1x16xi32, #tpu.memory_space<vmem>>
        %dma_start3A_986 = tpu.memref_squeeze %dma_start3A_985 : memref<1x16xi32, #tpu.memory_space<vmem>> -> memref<16xi32, #tpu.memory_space<vmem>>
        %dma_start3A_987 = arith.constant 0 : i32
        %dma_start3A_988 = arith.constant 0 : i32
        %dma_start3A_989 = tpu.memref_slice %arg19[%dma_start3A_987, %dma_start3A_988] : memref<80x128xf32, #tpu.memory_space<vmem_shared>> -> memref<80x128xf32, #tpu.memory_space<vmem_shared>>
        tpu.enqueue_indirect_dma source(%dma_start3A_983 : memref<16x128xf32, #tpu.memory_space<vmem>>) target(%dma_start3A_989 : memref<80x128xf32, #tpu.memory_space<vmem_shared>>) offsets(%dma_start3A_986 : memref<16xi32, #tpu.memory_space<vmem>>) semaphore(%arg22 : memref<!tpu.dma_semaphore, #tpu.memory_space<semaphore_mem>>) {add = true}
        %lt3A_990 = arith.constant 39 : i32
        %lt3A_991 = arith.cmpi slt, %scan3A_906, %lt3A_990 : i32
        %convert_element_type3A_992 = arith.extui %lt3A_991 : i1 to i32
        %cond3A_993 = arith.constant 0 : i32
        %cond3A_994 = arith.cmpi ne, %convert_element_type3A_992, %cond3A_993 : i32
        scf.if %cond3A_994 {
          %add3A_1088 = arith.constant 2 : i32
          %add3A_1089 = arith.addi %add3A_910, %add3A_1088 : i32
          %mul3A_1090 = arith.constant 16 : i32
          %mul3A_1091 = arith.muli %add3A_1089, %mul3A_1090 : i32
          %dma_start3A_1092 = arith.constant 0 : i32
          %dma_start3A_1093 = arith.constant 0 : i32
          %dma_start3A_1094 = arith.constant 0 : i32
          %dma_start3A_1095 = tpu.memref_slice %arg10[%dma_start3A_1092, %dma_start3A_1093, %dma_start3A_1094] : memref<2x16x128xf32, #tpu.memory_space<vmem>> -> memref<1x16x128xf32, #tpu.memory_space<vmem>>
          %dma_start3A_1096 = tpu.memref_squeeze %dma_start3A_1095 : memref<1x16x128xf32, #tpu.memory_space<vmem>> -> memref<16x128xf32, #tpu.memory_space<vmem>>
          %dma_start3A_1097 = tpu.memref_slice %arg9[%mul3A_1091] : memref<1280xi32, #tpu.memory_space<vmem>> -> memref<16xi32, #tpu.memory_space<vmem>>
          %dma_start3A_1098 = arith.constant 0 : i32
          %dma_start3A_1099 = arith.constant 0 : i32
          %dma_start3A_1100 = tpu.memref_slice %arg2[%dma_start3A_1098, %dma_start3A_1099] : memref<10000x128xf32, #tpu.memory_space<hbm>> -> memref<10000x128xf32, #tpu.memory_space<hbm>>
          tpu.enqueue_indirect_dma source(%dma_start3A_1100 : memref<10000x128xf32, #tpu.memory_space<hbm>>) target(%dma_start3A_1096 : memref<16x128xf32, #tpu.memory_space<vmem>>) offsets(%dma_start3A_1097 : memref<16xi32, #tpu.memory_space<vmem>>) semaphore(%arg20 : memref<!tpu.dma_semaphore, #tpu.memory_space<semaphore_mem>>)
          %mul3A_1101 = arith.constant 16 : i32
          %mul3A_1102 = arith.muli %add3A_1089, %mul3A_1101 : i32
          %dma_start3A_1103 = arith.constant 0 : i32
          %dma_start3A_1104 = arith.constant 0 : i32
          %dma_start3A_1105 = arith.constant 0 : i32
          %dma_start3A_1106 = tpu.memref_slice %arg11[%dma_start3A_1103, %dma_start3A_1104, %dma_start3A_1105] : memref<2x16x640xi32, #tpu.memory_space<vmem>> -> memref<1x16x640xi32, #tpu.memory_space<vmem>>
          %dma_start3A_1107 = tpu.memref_squeeze %dma_start3A_1106 : memref<1x16x640xi32, #tpu.memory_space<vmem>> -> memref<16x640xi32, #tpu.memory_space<vmem>>
          %dma_start3A_1108 = tpu.memref_slice %arg8[%mul3A_1102] : memref<1280xi32, #tpu.memory_space<vmem>> -> memref<16xi32, #tpu.memory_space<vmem>>
          %dma_start3A_1109 = arith.constant 0 : i32
          %dma_start3A_1110 = arith.constant 0 : i32
          %dma_start3A_1111 = tpu.memref_slice %arg3[%dma_start3A_1109, %dma_start3A_1110] : memref<10000x640xi32, #tpu.memory_space<hbm>> -> memref<10000x640xi32, #tpu.memory_space<hbm>>
          tpu.enqueue_indirect_dma source(%dma_start3A_1111 : memref<10000x640xi32, #tpu.memory_space<hbm>>) target(%dma_start3A_1107 : memref<16x640xi32, #tpu.memory_space<vmem>>) offsets(%dma_start3A_1108 : memref<16xi32, #tpu.memory_space<vmem>>) semaphore(%arg20 : memref<!tpu.dma_semaphore, #tpu.memory_space<semaphore_mem>>)
        } else {
        }
        %mul3A_995 = arith.constant 2 : i32
        %mul3A_996 = arith.muli %mul3A_995, %scan3A_906 : i32
        %add3A_997 = arith.constant 1 : i32
        %add3A_998 = arith.addi %mul3A_996, %add3A_997 : i32
        %mul3A_999 = arith.constant 16 : i32
        %mul3A_1000 = arith.muli %add3A_998, %mul3A_999 : i32
        %dma_wait3A_1001 = arith.constant 1 : i32
        %dma_wait3A_1002 = arith.constant 0 : i32
        %dma_wait3A_1003 = arith.constant 0 : i32
        %dma_wait3A_1004 = tpu.memref_slice %arg10[%dma_wait3A_1001, %dma_wait3A_1002, %dma_wait3A_1003] : memref<2x16x128xf32, #tpu.memory_space<vmem>> -> memref<1x16x128xf32, #tpu.memory_space<vmem>>
        %dma_wait3A_1005 = tpu.memref_squeeze %dma_wait3A_1004 : memref<1x16x128xf32, #tpu.memory_space<vmem>> -> memref<16x128xf32, #tpu.memory_space<vmem>>
        %dma_wait3A_1006 = tpu.memref_slice %arg9[%mul3A_1000] : memref<1280xi32, #tpu.memory_space<vmem>> -> memref<16xi32, #tpu.memory_space<vmem>>
        %dma_wait3A_1007 = arith.constant 0 : i32
        %dma_wait3A_1008 = arith.constant 0 : i32
        %dma_wait3A_1009 = tpu.memref_slice %arg2[%dma_wait3A_1007, %dma_wait3A_1008] : memref<10000x128xf32, #tpu.memory_space<hbm>> -> memref<10000x128xf32, #tpu.memory_space<hbm>>
        tpu.wait_indirect_dma semaphore(%arg21 : memref<!tpu.dma_semaphore, #tpu.memory_space<semaphore_mem>>) src(%dma_wait3A_1009 : memref<10000x128xf32, #tpu.memory_space<hbm>>) dst(%dma_wait3A_1005 : memref<16x128xf32, #tpu.memory_space<vmem>>)
        %mul3A_1010 = arith.constant 16 : i32
        %mul3A_1011 = arith.muli %add3A_998, %mul3A_1010 : i32
        %dma_wait3A_1012 = arith.constant 1 : i32
        %dma_wait3A_1013 = arith.constant 0 : i32
        %dma_wait3A_1014 = arith.constant 0 : i32
        %dma_wait3A_1015 = tpu.memref_slice %arg11[%dma_wait3A_1012, %dma_wait3A_1013, %dma_wait3A_1014] : memref<2x16x640xi32, #tpu.memory_space<vmem>> -> memref<1x16x640xi32, #tpu.memory_space<vmem>>
        %dma_wait3A_1016 = tpu.memref_squeeze %dma_wait3A_1015 : memref<1x16x640xi32, #tpu.memory_space<vmem>> -> memref<16x640xi32, #tpu.memory_space<vmem>>
        %dma_wait3A_1017 = tpu.memref_slice %arg8[%mul3A_1011] : memref<1280xi32, #tpu.memory_space<vmem>> -> memref<16xi32, #tpu.memory_space<vmem>>
        %dma_wait3A_1018 = arith.constant 0 : i32
        %dma_wait3A_1019 = arith.constant 0 : i32
        %dma_wait3A_1020 = tpu.memref_slice %arg3[%dma_wait3A_1018, %dma_wait3A_1019] : memref<10000x640xi32, #tpu.memory_space<hbm>> -> memref<10000x640xi32, #tpu.memory_space<hbm>>
        tpu.wait_indirect_dma semaphore(%arg21 : memref<!tpu.dma_semaphore, #tpu.memory_space<semaphore_mem>>) src(%dma_wait3A_1020 : memref<10000x640xi32, #tpu.memory_space<hbm>>) dst(%dma_wait3A_1016 : memref<16x640xi32, #tpu.memory_space<vmem>>)
        %add3A_1021 = arith.addi %scan3A_857, %scan3A_906 : i32
        %ge3A_1022 = arith.constant 1 : i32
        %ge3A_1023 = arith.cmpi sge, %add3A_1021, %ge3A_1022 : i32
        %convert_element_type3A_1024 = arith.extui %ge3A_1023 : i1 to i32
        %cond3A_1025 = arith.constant 0 : i32
        %cond3A_1026 = arith.cmpi ne, %convert_element_type3A_1024, %cond3A_1025 : i32
        scf.if %cond3A_1026 {
          %dma_wait3A_1088 = arith.constant 1 : i32
          %dma_wait3A_1089 = arith.constant 1 : i32
          %dma_wait3A_1090 = arith.constant 0 : i32
          %dma_wait3A_1091 = arith.constant 0 : i32
          %dma_wait3A_1092 = tpu.memref_slice %arg12[%dma_wait3A_1088, %dma_wait3A_1090, %dma_wait3A_1091] : memref<2x16x128xf32, #tpu.memory_space<vmem>> -> memref<1x16x128xf32, #tpu.memory_space<vmem>>
          %dma_wait3A_1093 = tpu.memref_squeeze %dma_wait3A_1092 : memref<1x16x128xf32, #tpu.memory_space<vmem>> -> memref<16x128xf32, #tpu.memory_space<vmem>>
          %dma_wait3A_1094 = arith.constant 0 : i32
          %dma_wait3A_1095 = tpu.memref_slice %arg14[%dma_wait3A_1089, %dma_wait3A_1094] : memref<2x16xi32, #tpu.memory_space<vmem>> -> memref<1x16xi32, #tpu.memory_space<vmem>>
          %dma_wait3A_1096 = tpu.memref_squeeze %dma_wait3A_1095 : memref<1x16xi32, #tpu.memory_space<vmem>> -> memref<16xi32, #tpu.memory_space<vmem>>
          %dma_wait3A_1097 = arith.constant 0 : i32
          %dma_wait3A_1098 = arith.constant 0 : i32
          %dma_wait3A_1099 = tpu.memref_slice %arg18[%dma_wait3A_1097, %dma_wait3A_1098] : memref<10000x128xf32, #tpu.memory_space<vmem_shared>> -> memref<10000x128xf32, #tpu.memory_space<vmem_shared>>
          tpu.wait_indirect_dma semaphore(%arg23 : memref<!tpu.dma_semaphore, #tpu.memory_space<semaphore_mem>>) src(%dma_wait3A_1093 : memref<16x128xf32, #tpu.memory_space<vmem>>) dst(%dma_wait3A_1099 : memref<10000x128xf32, #tpu.memory_space<vmem_shared>>)
          %dma_wait3A_1100 = arith.constant 1 : i32
          %dma_wait3A_1101 = arith.constant 1 : i32
          %dma_wait3A_1102 = arith.constant 0 : i32
          %dma_wait3A_1103 = arith.constant 0 : i32
          %dma_wait3A_1104 = tpu.memref_slice %arg13[%dma_wait3A_1100, %dma_wait3A_1102, %dma_wait3A_1103] : memref<2x16x128xf32, #tpu.memory_space<vmem>> -> memref<1x16x128xf32, #tpu.memory_space<vmem>>
          %dma_wait3A_1105 = tpu.memref_squeeze %dma_wait3A_1104 : memref<1x16x128xf32, #tpu.memory_space<vmem>> -> memref<16x128xf32, #tpu.memory_space<vmem>>
          %dma_wait3A_1106 = arith.constant 0 : i32
          %dma_wait3A_1107 = tpu.memref_slice %arg15[%dma_wait3A_1101, %dma_wait3A_1106] : memref<2x16xi32, #tpu.memory_space<vmem>> -> memref<1x16xi32, #tpu.memory_space<vmem>>
          %dma_wait3A_1108 = tpu.memref_squeeze %dma_wait3A_1107 : memref<1x16xi32, #tpu.memory_space<vmem>> -> memref<16xi32, #tpu.memory_space<vmem>>
          %dma_wait3A_1109 = arith.constant 0 : i32
          %dma_wait3A_1110 = arith.constant 0 : i32
          %dma_wait3A_1111 = tpu.memref_slice %arg19[%dma_wait3A_1109, %dma_wait3A_1110] : memref<80x128xf32, #tpu.memory_space<vmem_shared>> -> memref<80x128xf32, #tpu.memory_space<vmem_shared>>
          tpu.wait_indirect_dma semaphore(%arg23 : memref<!tpu.dma_semaphore, #tpu.memory_space<semaphore_mem>>) src(%dma_wait3A_1105 : memref<16x128xf32, #tpu.memory_space<vmem>>) dst(%dma_wait3A_1111 : memref<80x128xf32, #tpu.memory_space<vmem_shared>>)
        } else {
        }
        %mul3A_1027 = arith.constant 16 : i32
        %mul3A_1028 = arith.muli %add3A_998, %mul3A_1027 : i32
        %get3A_1029 = arith.index_cast %mul3A_1028 : i32 to index
        %get3A_1030 = tpu.vector_load %arg8[%get3A_1029] {strides = array<i32>} : memref<1280xi32, #tpu.memory_space<vmem>>, vector<16xi32>,
        %mul3A_1031 = arith.constant 16 : i32
        %mul3A_1032 = arith.muli %add3A_998, %mul3A_1031 : i32
        %get3A_1033 = arith.index_cast %mul3A_1032 : i32 to index
        %get3A_1034 = tpu.vector_load %arg9[%get3A_1033] {strides = array<i32>} : memref<1280xi32, #tpu.memory_space<vmem>>, vector<16xi32>,
        %ne3A_1035 = arith.cmpi ne, %get3A_1030, %get3A_1034 : vector<16xi32>
        %jit3A_1036 = arith.constant 1.000000e+00 : f32
        %jit3A_1037 = arith.constant 0.000000e+00 : f32
        %broadcast_in_dim3A_1038 = vector.broadcast %jit3A_1036 : f32 to vector<16xf32>
        %broadcast_in_dim3A_1039 = vector.broadcast %jit3A_1037 : f32 to vector<16xf32>
        %select_n3A_1040 = arith.select %ne3A_1035, %broadcast_in_dim3A_1038, %broadcast_in_dim3A_1039 : vector<16xi1>, vector<16xf32>
        %swap3A_1041 = arith.constant 0 : index
        %swap3A_1042 = tpu.vector_load %arg17[%swap3A_1041] {strides = array<i32>} : memref<32xf32, #tpu.memory_space<vmem>>, vector<16xf32>,
        tpu.vector_store %arg17[%swap3A_1041], %select_n3A_1040 {strides = array<i32>} : memref<32xf32, #tpu.memory_space<vmem>>, vector<16xf32>,
        %swap3A_1043 = arith.constant 0 : index
        %swap3A_1044 = tpu.vector_load %arg16[%swap3A_1043] {strides = array<i32>} : memref<32xi32, #tpu.memory_space<vmem>>, vector<16xi32>,
        tpu.vector_store %arg16[%swap3A_1043], %get3A_1034 {strides = array<i32>} : memref<32xi32, #tpu.memory_space<vmem>>, vector<16xi32>,
        %swap3A_1045 = arith.constant 1 : i32
        %swap3A_1046 = arith.index_cast %swap3A_1045 : i32 to index
        %swap3A_1047 = arith.constant 0 : index
        %swap3A_1048 = tpu.vector_load %arg14[%swap3A_1046, %swap3A_1047] {strides = array<i32>} : memref<2x16xi32, #tpu.memory_space<vmem>>, vector<16xi32>,
        tpu.vector_store %arg14[%swap3A_1046, %swap3A_1047], %get3A_1034 {strides = array<i32>} : memref<2x16xi32, #tpu.memory_space<vmem>>, vector<16xi32>,
        %shift_right_logical3A_1049 = arith.constant 7 : i32
        %shift_right_logical3A_1050 = vector.broadcast %shift_right_logical3A_1049 : i32 to vector<16xi32>
        %shift_right_logical3A_1051 = arith.shrui %get3A_1034, %shift_right_logical3A_1050 : vector<16xi32>
        %swap3A_1052 = arith.constant 1 : i32
        %swap3A_1053 = arith.index_cast %swap3A_1052 : i32 to index
        %swap3A_1054 = arith.constant 0 : index
        %swap3A_1055 = tpu.vector_load %arg15[%swap3A_1053, %swap3A_1054] {strides = array<i32>} : memref<2x16xi32, #tpu.memory_space<vmem>>, vector<16xi32>,
        tpu.vector_store %arg15[%swap3A_1053, %swap3A_1054], %shift_right_logical3A_1051 {strides = array<i32>} : memref<2x16xi32, #tpu.memory_space<vmem>>, vector<16xi32>,
        %parallel_loop3A_1056 = arith.constant 0 : i32
        %parallel_loop3A_1057 = arith.constant 16 : i32
        %parallel_loop3A_1058 = arith.constant 1 : i32
        scf.for %parallel_loop3A_1088 = %parallel_loop3A_1056 to %parallel_loop3A_1057 step %parallel_loop3A_1058  : i32 {
          %parallel_loop3A_1089 = arith.constant 1 : i32
          %parallel_loop3A_1090 = arith.index_cast %parallel_loop3A_1089 : i32 to index
          %parallel_loop3A_1091 = arith.index_cast %parallel_loop3A_1088 : i32 to index
          %parallel_loop3A_1092 = arith.constant 512 : index
          %parallel_loop3A_1093 = tpu.vector_load %arg11[%parallel_loop3A_1090, %parallel_loop3A_1091, %parallel_loop3A_1092] {strides = array<i32>} : memref<2x16x640xi32, #tpu.memory_space<vmem>>, vector<16xi32>,
          %parallel_loop3A_1094 = vector.bitcast %parallel_loop3A_1093 : vector<16xi32> to vector<16xf32>
          %parallel_loop3A_1095 = arith.constant 1 : i32
          %parallel_loop3A_1096 = arith.index_cast %parallel_loop3A_1095 : i32 to index
          %parallel_loop3A_1097 = arith.index_cast %parallel_loop3A_1088 : i32 to index
          %parallel_loop3A_1098 = arith.constant 0 : index
          %parallel_loop3A_1099 = tpu.vector_load %arg10[%parallel_loop3A_1096, %parallel_loop3A_1097, %parallel_loop3A_1098] {strides = array<i32>} : memref<2x16x128xf32, #tpu.memory_space<vmem>>, vector<16xf32>,
          %parallel_loop3A_1100 = arith.subf %parallel_loop3A_1099, %parallel_loop3A_1094 : vector<16xf32>
          %parallel_loop3A_1101 = arith.constant -1.000000e+30 : f32
          %parallel_loop3A_1102 = vector.broadcast %parallel_loop3A_1101 : f32 to vector<16xf32>
          %parallel_loop3A_1103 = arith.select %lt3A_788, %parallel_loop3A_1100, %parallel_loop3A_1102 : vector<16xi1>, vector<16xf32>
          %parallel_loop3A_1104 = arith.constant true
          %parallel_loop3A_1105 = vector.broadcast %parallel_loop3A_1104 : i1 to vector<16xi1>
          %parallel_loop3A_1106 = tpu.scan <max>, %parallel_loop3A_1103 masked %parallel_loop3A_1105 : vector<16xf32>, vector<16xi1> -> vector<16xf32>
          %parallel_loop3A_1107 = vector.extract %parallel_loop3A_1106[15] : f32 from vector<16xf32>
          %parallel_loop3A_1108 = vector.broadcast %parallel_loop3A_1107 : f32 to vector<16xf32>
          %parallel_loop3A_1109 = arith.subf %parallel_loop3A_1103, %parallel_loop3A_1108 : vector<16xf32>
          %parallel_loop3A_1110 = math.exp %parallel_loop3A_1109 : vector<16xf32>
          %parallel_loop3A_1111 = arith.constant true
          %parallel_loop3A_1112 = vector.broadcast %parallel_loop3A_1111 : i1 to vector<16xi1>
          %parallel_loop3A_1113 = tpu.scan <sum>, %parallel_loop3A_1110 masked %parallel_loop3A_1112 : vector<16xf32>, vector<16xi1> -> vector<16xf32>
          %parallel_loop3A_1114 = vector.extract %parallel_loop3A_1113[15] : f32 from vector<16xf32>
          %parallel_loop3A_1115 = arith.index_cast %parallel_loop3A_1088 : i32 to index
          %parallel_loop3A_1116 = tpu.vector_load %arg17[%parallel_loop3A_1115] {strides = array<i32>} : memref<32xf32, #tpu.memory_space<vmem>>, vector<16xf32>,
          %parallel_loop3A_1117 = vector.extract_strided_slice %parallel_loop3A_1116 {offsets = [0], sizes = [1], strides = [1]} : vector<16xf32> to vector<1xf32>
          %parallel_loop3A_1118 = vector.extract %parallel_loop3A_1117[0] : f32 from vector<1xf32>
          %parallel_loop3A_1119 = vector.broadcast %parallel_loop3A_1118 : f32 to vector<16xf32>
          %parallel_loop3A_1120 = vector.broadcast %parallel_loop3A_1114 : f32 to vector<16xf32>
          %parallel_loop3A_1121 = arith.divf %parallel_loop3A_1119, %parallel_loop3A_1120 : vector<16xf32>
          %parallel_loop3A_1122 = arith.mulf %parallel_loop3A_1110, %parallel_loop3A_1121 : vector<16xf32>
          %parallel_loop3A_1123 = vector.extract_strided_slice %parallel_loop3A_1122 {offsets = [0], sizes = [1], strides = [1]} : vector<16xf32> to vector<1xf32>
          %parallel_loop3A_1124 = vector.extract %parallel_loop3A_1123[0] : f32 from vector<1xf32>
          %parallel_loop3A_1125 = vector.broadcast %parallel_loop3A_1124 : f32 to vector<16xf32>
          %parallel_loop3A_1126 = tpu.pack_subelements %parallel_loop3A_1125, %parallel_loop3A_1125 {pack_format = #tpu.pack_format<interleaved>, positions = array<i32: 0, 1>} : vector<16xf32>, vector<16xf32> -> vector<32xbf16>
          %parallel_loop3A_1127 = arith.constant 1 : i32
          %parallel_loop3A_1128 = arith.index_cast %parallel_loop3A_1127 : i32 to index
          %parallel_loop3A_1129 = arith.index_cast %parallel_loop3A_1088 : i32 to index
          %parallel_loop3A_1130 = arith.constant 0 : index
          %parallel_loop3A_1131 = tpu.vector_load %arg11[%parallel_loop3A_1128, %parallel_loop3A_1129, %parallel_loop3A_1130] {strides = array<i32>} : memref<2x16x640xi32, #tpu.memory_space<vmem>>, vector<16xi32>,
          %parallel_loop3A_1132 = vector.bitcast %parallel_loop3A_1131 : vector<16xi32> to vector<32xbf16>
          %parallel_loop3A_1133 = arith.mulf %parallel_loop3A_1126, %parallel_loop3A_1132 : vector<32xbf16>
          %parallel_loop3A_1134 = arith.constant 1 : i32
          %parallel_loop3A_1135 = arith.index_cast %parallel_loop3A_1134 : i32 to index
          %parallel_loop3A_1136 = arith.index_cast %parallel_loop3A_1088 : i32 to index
          %parallel_loop3A_1137 = arith.constant 16 : index
          %parallel_loop3A_1138 = tpu.vector_load %arg11[%parallel_loop3A_1135, %parallel_loop3A_1136, %parallel_loop3A_1137] {strides = array<i32>} : memref<2x16x640xi32, #tpu.memory_space<vmem>>, vector<16xi32>,
          %parallel_loop3A_1139 = vector.bitcast %parallel_loop3A_1138 : vector<16xi32> to vector<32xbf16>
          %parallel_loop3A_1140 = arith.mulf %parallel_loop3A_1126, %parallel_loop3A_1139 : vector<32xbf16>
          %parallel_loop3A_1141 = arith.constant 1 : i32
          %parallel_loop3A_1142 = arith.index_cast %parallel_loop3A_1141 : i32 to index
          %parallel_loop3A_1143 = arith.index_cast %parallel_loop3A_1088 : i32 to index
          %parallel_loop3A_1144 = arith.constant 32 : index
          %parallel_loop3A_1145 = tpu.vector_load %arg11[%parallel_loop3A_1142, %parallel_loop3A_1143, %parallel_loop3A_1144] {strides = array<i32>} : memref<2x16x640xi32, #tpu.memory_space<vmem>>, vector<16xi32>,
          %parallel_loop3A_1146 = vector.bitcast %parallel_loop3A_1145 : vector<16xi32> to vector<32xbf16>
          %parallel_loop3A_1147 = arith.mulf %parallel_loop3A_1126, %parallel_loop3A_1146 : vector<32xbf16>
          %parallel_loop3A_1148 = arith.constant 1 : i32
          %parallel_loop3A_1149 = arith.index_cast %parallel_loop3A_1148 : i32 to index
          %parallel_loop3A_1150 = arith.index_cast %parallel_loop3A_1088 : i32 to index
          %parallel_loop3A_1151 = arith.constant 48 : index
          %parallel_loop3A_1152 = tpu.vector_load %arg11[%parallel_loop3A_1149, %parallel_loop3A_1150, %parallel_loop3A_1151] {strides = array<i32>} : memref<2x16x640xi32, #tpu.memory_space<vmem>>, vector<16xi32>,
          %parallel_loop3A_1153 = vector.bitcast %parallel_loop3A_1152 : vector<16xi32> to vector<32xbf16>
          %parallel_loop3A_1154 = arith.mulf %parallel_loop3A_1126, %parallel_loop3A_1153 : vector<32xbf16>
          %parallel_loop3A_1155 = vector.extract_strided_slice %parallel_loop3A_1122 {offsets = [1], sizes = [1], strides = [1]} : vector<16xf32> to vector<1xf32>
          %parallel_loop3A_1156 = vector.extract %parallel_loop3A_1155[0] : f32 from vector<1xf32>
          %parallel_loop3A_1157 = vector.broadcast %parallel_loop3A_1156 : f32 to vector<16xf32>
          %parallel_loop3A_1158 = tpu.pack_subelements %parallel_loop3A_1157, %parallel_loop3A_1157 {pack_format = #tpu.pack_format<interleaved>, positions = array<i32: 0, 1>} : vector<16xf32>, vector<16xf32> -> vector<32xbf16>
          %parallel_loop3A_1159 = arith.constant 1 : i32
          %parallel_loop3A_1160 = arith.index_cast %parallel_loop3A_1159 : i32 to index
          %parallel_loop3A_1161 = arith.index_cast %parallel_loop3A_1088 : i32 to index
          %parallel_loop3A_1162 = arith.constant 64 : index
          %parallel_loop3A_1163 = tpu.vector_load %arg11[%parallel_loop3A_1160, %parallel_loop3A_1161, %parallel_loop3A_1162] {strides = array<i32>} : memref<2x16x640xi32, #tpu.memory_space<vmem>>, vector<16xi32>,
          %parallel_loop3A_1164 = vector.bitcast %parallel_loop3A_1163 : vector<16xi32> to vector<32xbf16>
          %parallel_loop3A_1165 = arith.mulf %parallel_loop3A_1158, %parallel_loop3A_1164 : vector<32xbf16>
          %parallel_loop3A_1166 = arith.addf %parallel_loop3A_1133, %parallel_loop3A_1165 : vector<32xbf16>
          %parallel_loop3A_1167 = arith.constant 1 : i32
          %parallel_loop3A_1168 = arith.index_cast %parallel_loop3A_1167 : i32 to index
          %parallel_loop3A_1169 = arith.index_cast %parallel_loop3A_1088 : i32 to index
          %parallel_loop3A_1170 = arith.constant 80 : index
          %parallel_loop3A_1171 = tpu.vector_load %arg11[%parallel_loop3A_1168, %parallel_loop3A_1169, %parallel_loop3A_1170] {strides = array<i32>} : memref<2x16x640xi32, #tpu.memory_space<vmem>>, vector<16xi32>,
          %parallel_loop3A_1172 = vector.bitcast %parallel_loop3A_1171 : vector<16xi32> to vector<32xbf16>
          %parallel_loop3A_1173 = arith.mulf %parallel_loop3A_1158, %parallel_loop3A_1172 : vector<32xbf16>
          %parallel_loop3A_1174 = arith.addf %parallel_loop3A_1140, %parallel_loop3A_1173 : vector<32xbf16>
          %parallel_loop3A_1175 = arith.constant 1 : i32
          %parallel_loop3A_1176 = arith.index_cast %parallel_loop3A_1175 : i32 to index
          %parallel_loop3A_1177 = arith.index_cast %parallel_loop3A_1088 : i32 to index
          %parallel_loop3A_1178 = arith.constant 96 : index
          %parallel_loop3A_1179 = tpu.vector_load %arg11[%parallel_loop3A_1176, %parallel_loop3A_1177, %parallel_loop3A_1178] {strides = array<i32>} : memref<2x16x640xi32, #tpu.memory_space<vmem>>, vector<16xi32>,
          %parallel_loop3A_1180 = vector.bitcast %parallel_loop3A_1179 : vector<16xi32> to vector<32xbf16>
          %parallel_loop3A_1181 = arith.mulf %parallel_loop3A_1158, %parallel_loop3A_1180 : vector<32xbf16>
          %parallel_loop3A_1182 = arith.addf %parallel_loop3A_1147, %parallel_loop3A_1181 : vector<32xbf16>
          %parallel_loop3A_1183 = arith.constant 1 : i32
          %parallel_loop3A_1184 = arith.index_cast %parallel_loop3A_1183 : i32 to index
          %parallel_loop3A_1185 = arith.index_cast %parallel_loop3A_1088 : i32 to index
          %parallel_loop3A_1186 = arith.constant 112 : index
          %parallel_loop3A_1187 = tpu.vector_load %arg11[%parallel_loop3A_1184, %parallel_loop3A_1185, %parallel_loop3A_1186] {strides = array<i32>} : memref<2x16x640xi32, #tpu.memory_space<vmem>>, vector<16xi32>,
          %parallel_loop3A_1188 = vector.bitcast %parallel_loop3A_1187 : vector<16xi32> to vector<32xbf16>
          %parallel_loop3A_1189 = arith.mulf %parallel_loop3A_1158, %parallel_loop3A_1188 : vector<32xbf16>
          %parallel_loop3A_1190 = arith.addf %parallel_loop3A_1154, %parallel_loop3A_1189 : vector<32xbf16>
          %parallel_loop3A_1191 = vector.extract_strided_slice %parallel_loop3A_1122 {offsets = [2], sizes = [1], strides = [1]} : vector<16xf32> to vector<1xf32>
          %parallel_loop3A_1192 = vector.extract %parallel_loop3A_1191[0] : f32 from vector<1xf32>
          %parallel_loop3A_1193 = vector.broadcast %parallel_loop3A_1192 : f32 to vector<16xf32>
          %parallel_loop3A_1194 = tpu.pack_subelements %parallel_loop3A_1193, %parallel_loop3A_1193 {pack_format = #tpu.pack_format<interleaved>, positions = array<i32: 0, 1>} : vector<16xf32>, vector<16xf32> -> vector<32xbf16>
          %parallel_loop3A_1195 = arith.constant 1 : i32
          %parallel_loop3A_1196 = arith.index_cast %parallel_loop3A_1195 : i32 to index
          %parallel_loop3A_1197 = arith.index_cast %parallel_loop3A_1088 : i32 to index
          %parallel_loop3A_1198 = arith.constant 128 : index
          %parallel_loop3A_1199 = tpu.vector_load %arg11[%parallel_loop3A_1196, %parallel_loop3A_1197, %parallel_loop3A_1198] {strides = array<i32>} : memref<2x16x640xi32, #tpu.memory_space<vmem>>, vector<16xi32>,
          %parallel_loop3A_1200 = vector.bitcast %parallel_loop3A_1199 : vector<16xi32> to vector<32xbf16>
          %parallel_loop3A_1201 = arith.mulf %parallel_loop3A_1194, %parallel_loop3A_1200 : vector<32xbf16>
          %parallel_loop3A_1202 = arith.addf %parallel_loop3A_1166, %parallel_loop3A_1201 : vector<32xbf16>
          %parallel_loop3A_1203 = arith.constant 1 : i32
          %parallel_loop3A_1204 = arith.index_cast %parallel_loop3A_1203 : i32 to index
          %parallel_loop3A_1205 = arith.index_cast %parallel_loop3A_1088 : i32 to index
          %parallel_loop3A_1206 = arith.constant 144 : index
          %parallel_loop3A_1207 = tpu.vector_load %arg11[%parallel_loop3A_1204, %parallel_loop3A_1205, %parallel_loop3A_1206] {strides = array<i32>} : memref<2x16x640xi32, #tpu.memory_space<vmem>>, vector<16xi32>,
          %parallel_loop3A_1208 = vector.bitcast %parallel_loop3A_1207 : vector<16xi32> to vector<32xbf16>
          %parallel_loop3A_1209 = arith.mulf %parallel_loop3A_1194, %parallel_loop3A_1208 : vector<32xbf16>
          %parallel_loop3A_1210 = arith.addf %parallel_loop3A_1174, %parallel_loop3A_1209 : vector<32xbf16>
          %parallel_loop3A_1211 = arith.constant 1 : i32
          %parallel_loop3A_1212 = arith.index_cast %parallel_loop3A_1211 : i32 to index
          %parallel_loop3A_1213 = arith.index_cast %parallel_loop3A_1088 : i32 to index
          %parallel_loop3A_1214 = arith.constant 160 : index
          %parallel_loop3A_1215 = tpu.vector_load %arg11[%parallel_loop3A_1212, %parallel_loop3A_1213, %parallel_loop3A_1214] {strides = array<i32>} : memref<2x16x640xi32, #tpu.memory_space<vmem>>, vector<16xi32>,
          %parallel_loop3A_1216 = vector.bitcast %parallel_loop3A_1215 : vector<16xi32> to vector<32xbf16>
          %parallel_loop3A_1217 = arith.mulf %parallel_loop3A_1194, %parallel_loop3A_1216 : vector<32xbf16>
          %parallel_loop3A_1218 = arith.addf %parallel_loop3A_1182, %parallel_loop3A_1217 : vector<32xbf16>
          %parallel_loop3A_1219 = arith.constant 1 : i32
          %parallel_loop3A_1220 = arith.index_cast %parallel_loop3A_1219 : i32 to index
          %parallel_loop3A_1221 = arith.index_cast %parallel_loop3A_1088 : i32 to index
          %parallel_loop3A_1222 = arith.constant 176 : index
          %parallel_loop3A_1223 = tpu.vector_load %arg11[%parallel_loop3A_1220, %parallel_loop3A_1221, %parallel_loop3A_1222] {strides = array<i32>} : memref<2x16x640xi32, #tpu.memory_space<vmem>>, vector<16xi32>,
          %parallel_loop3A_1224 = vector.bitcast %parallel_loop3A_1223 : vector<16xi32> to vector<32xbf16>
          %parallel_loop3A_1225 = arith.mulf %parallel_loop3A_1194, %parallel_loop3A_1224 : vector<32xbf16>
          %parallel_loop3A_1226 = arith.addf %parallel_loop3A_1190, %parallel_loop3A_1225 : vector<32xbf16>
          %parallel_loop3A_1227 = vector.extract_strided_slice %parallel_loop3A_1122 {offsets = [3], sizes = [1], strides = [1]} : vector<16xf32> to vector<1xf32>
          %parallel_loop3A_1228 = vector.extract %parallel_loop3A_1227[0] : f32 from vector<1xf32>
          %parallel_loop3A_1229 = vector.broadcast %parallel_loop3A_1228 : f32 to vector<16xf32>
          %parallel_loop3A_1230 = tpu.pack_subelements %parallel_loop3A_1229, %parallel_loop3A_1229 {pack_format = #tpu.pack_format<interleaved>, positions = array<i32: 0, 1>} : vector<16xf32>, vector<16xf32> -> vector<32xbf16>
          %parallel_loop3A_1231 = arith.constant 1 : i32
          %parallel_loop3A_1232 = arith.index_cast %parallel_loop3A_1231 : i32 to index
          %parallel_loop3A_1233 = arith.index_cast %parallel_loop3A_1088 : i32 to index
          %parallel_loop3A_1234 = arith.constant 192 : index
          %parallel_loop3A_1235 = tpu.vector_load %arg11[%parallel_loop3A_1232, %parallel_loop3A_1233, %parallel_loop3A_1234] {strides = array<i32>} : memref<2x16x640xi32, #tpu.memory_space<vmem>>, vector<16xi32>,
          %parallel_loop3A_1236 = vector.bitcast %parallel_loop3A_1235 : vector<16xi32> to vector<32xbf16>
          %parallel_loop3A_1237 = arith.mulf %parallel_loop3A_1230, %parallel_loop3A_1236 : vector<32xbf16>
          %parallel_loop3A_1238 = arith.addf %parallel_loop3A_1202, %parallel_loop3A_1237 : vector<32xbf16>
          %parallel_loop3A_1239 = arith.constant 1 : i32
          %parallel_loop3A_1240 = arith.index_cast %parallel_loop3A_1239 : i32 to index
          %parallel_loop3A_1241 = arith.index_cast %parallel_loop3A_1088 : i32 to index
          %parallel_loop3A_1242 = arith.constant 208 : index
          %parallel_loop3A_1243 = tpu.vector_load %arg11[%parallel_loop3A_1240, %parallel_loop3A_1241, %parallel_loop3A_1242] {strides = array<i32>} : memref<2x16x640xi32, #tpu.memory_space<vmem>>, vector<16xi32>,
          %parallel_loop3A_1244 = vector.bitcast %parallel_loop3A_1243 : vector<16xi32> to vector<32xbf16>
          %parallel_loop3A_1245 = arith.mulf %parallel_loop3A_1230, %parallel_loop3A_1244 : vector<32xbf16>
          %parallel_loop3A_1246 = arith.addf %parallel_loop3A_1210, %parallel_loop3A_1245 : vector<32xbf16>
          %parallel_loop3A_1247 = arith.constant 1 : i32
          %parallel_loop3A_1248 = arith.index_cast %parallel_loop3A_1247 : i32 to index
          %parallel_loop3A_1249 = arith.index_cast %parallel_loop3A_1088 : i32 to index
          %parallel_loop3A_1250 = arith.constant 224 : index
          %parallel_loop3A_1251 = tpu.vector_load %arg11[%parallel_loop3A_1248, %parallel_loop3A_1249, %parallel_loop3A_1250] {strides = array<i32>} : memref<2x16x640xi32, #tpu.memory_space<vmem>>, vector<16xi32>,
          %parallel_loop3A_1252 = vector.bitcast %parallel_loop3A_1251 : vector<16xi32> to vector<32xbf16>
          %parallel_loop3A_1253 = arith.mulf %parallel_loop3A_1230, %parallel_loop3A_1252 : vector<32xbf16>
          %parallel_loop3A_1254 = arith.addf %parallel_loop3A_1218, %parallel_loop3A_1253 : vector<32xbf16>
          %parallel_loop3A_1255 = arith.constant 1 : i32
          %parallel_loop3A_1256 = arith.index_cast %parallel_loop3A_1255 : i32 to index
          %parallel_loop3A_1257 = arith.index_cast %parallel_loop3A_1088 : i32 to index
          %parallel_loop3A_1258 = arith.constant 240 : index
          %parallel_loop3A_1259 = tpu.vector_load %arg11[%parallel_loop3A_1256, %parallel_loop3A_1257, %parallel_loop3A_1258] {strides = array<i32>} : memref<2x16x640xi32, #tpu.memory_space<vmem>>, vector<16xi32>,
          %parallel_loop3A_1260 = vector.bitcast %parallel_loop3A_1259 : vector<16xi32> to vector<32xbf16>
          %parallel_loop3A_1261 = arith.mulf %parallel_loop3A_1230, %parallel_loop3A_1260 : vector<32xbf16>
          %parallel_loop3A_1262 = arith.addf %parallel_loop3A_1226, %parallel_loop3A_1261 : vector<32xbf16>
          %parallel_loop3A_1263 = vector.extract_strided_slice %parallel_loop3A_1122 {offsets = [4], sizes = [1], strides = [1]} : vector<16xf32> to vector<1xf32>
          %parallel_loop3A_1264 = vector.extract %parallel_loop3A_1263[0] : f32 from vector<1xf32>
          %parallel_loop3A_1265 = vector.broadcast %parallel_loop3A_1264 : f32 to vector<16xf32>
          %parallel_loop3A_1266 = tpu.pack_subelements %parallel_loop3A_1265, %parallel_loop3A_1265 {pack_format = #tpu.pack_format<interleaved>, positions = array<i32: 0, 1>} : vector<16xf32>, vector<16xf32> -> vector<32xbf16>
          %parallel_loop3A_1267 = arith.constant 1 : i32
          %parallel_loop3A_1268 = arith.index_cast %parallel_loop3A_1267 : i32 to index
          %parallel_loop3A_1269 = arith.index_cast %parallel_loop3A_1088 : i32 to index
          %parallel_loop3A_1270 = arith.constant 256 : index
          %parallel_loop3A_1271 = tpu.vector_load %arg11[%parallel_loop3A_1268, %parallel_loop3A_1269, %parallel_loop3A_1270] {strides = array<i32>} : memref<2x16x640xi32, #tpu.memory_space<vmem>>, vector<16xi32>,
          %parallel_loop3A_1272 = vector.bitcast %parallel_loop3A_1271 : vector<16xi32> to vector<32xbf16>
          %parallel_loop3A_1273 = arith.mulf %parallel_loop3A_1266, %parallel_loop3A_1272 : vector<32xbf16>
          %parallel_loop3A_1274 = arith.addf %parallel_loop3A_1238, %parallel_loop3A_1273 : vector<32xbf16>
          %parallel_loop3A_1275 = arith.constant 1 : i32
          %parallel_loop3A_1276 = arith.index_cast %parallel_loop3A_1275 : i32 to index
          %parallel_loop3A_1277 = arith.index_cast %parallel_loop3A_1088 : i32 to index
          %parallel_loop3A_1278 = arith.constant 272 : index
          %parallel_loop3A_1279 = tpu.vector_load %arg11[%parallel_loop3A_1276, %parallel_loop3A_1277, %parallel_loop3A_1278] {strides = array<i32>} : memref<2x16x640xi32, #tpu.memory_space<vmem>>, vector<16xi32>,
          %parallel_loop3A_1280 = vector.bitcast %parallel_loop3A_1279 : vector<16xi32> to vector<32xbf16>
          %parallel_loop3A_1281 = arith.mulf %parallel_loop3A_1266, %parallel_loop3A_1280 : vector<32xbf16>
          %parallel_loop3A_1282 = arith.addf %parallel_loop3A_1246, %parallel_loop3A_1281 : vector<32xbf16>
          %parallel_loop3A_1283 = arith.constant 1 : i32
          %parallel_loop3A_1284 = arith.index_cast %parallel_loop3A_1283 : i32 to index
          %parallel_loop3A_1285 = arith.index_cast %parallel_loop3A_1088 : i32 to index
          %parallel_loop3A_1286 = arith.constant 288 : index
          %parallel_loop3A_1287 = tpu.vector_load %arg11[%parallel_loop3A_1284, %parallel_loop3A_1285, %parallel_loop3A_1286] {strides = array<i32>} : memref<2x16x640xi32, #tpu.memory_space<vmem>>, vector<16xi32>,
          %parallel_loop3A_1288 = vector.bitcast %parallel_loop3A_1287 : vector<16xi32> to vector<32xbf16>
          %parallel_loop3A_1289 = arith.mulf %parallel_loop3A_1266, %parallel_loop3A_1288 : vector<32xbf16>
          %parallel_loop3A_1290 = arith.addf %parallel_loop3A_1254, %parallel_loop3A_1289 : vector<32xbf16>
          %parallel_loop3A_1291 = arith.constant 1 : i32
          %parallel_loop3A_1292 = arith.index_cast %parallel_loop3A_1291 : i32 to index
          %parallel_loop3A_1293 = arith.index_cast %parallel_loop3A_1088 : i32 to index
          %parallel_loop3A_1294 = arith.constant 304 : index
          %parallel_loop3A_1295 = tpu.vector_load %arg11[%parallel_loop3A_1292, %parallel_loop3A_1293, %parallel_loop3A_1294] {strides = array<i32>} : memref<2x16x640xi32, #tpu.memory_space<vmem>>, vector<16xi32>,
          %parallel_loop3A_1296 = vector.bitcast %parallel_loop3A_1295 : vector<16xi32> to vector<32xbf16>
          %parallel_loop3A_1297 = arith.mulf %parallel_loop3A_1266, %parallel_loop3A_1296 : vector<32xbf16>
          %parallel_loop3A_1298 = arith.addf %parallel_loop3A_1262, %parallel_loop3A_1297 : vector<32xbf16>
          %parallel_loop3A_1299 = vector.extract_strided_slice %parallel_loop3A_1122 {offsets = [5], sizes = [1], strides = [1]} : vector<16xf32> to vector<1xf32>
          %parallel_loop3A_1300 = vector.extract %parallel_loop3A_1299[0] : f32 from vector<1xf32>
          %parallel_loop3A_1301 = vector.broadcast %parallel_loop3A_1300 : f32 to vector<16xf32>
          %parallel_loop3A_1302 = tpu.pack_subelements %parallel_loop3A_1301, %parallel_loop3A_1301 {pack_format = #tpu.pack_format<interleaved>, positions = array<i32: 0, 1>} : vector<16xf32>, vector<16xf32> -> vector<32xbf16>
          %parallel_loop3A_1303 = arith.constant 1 : i32
          %parallel_loop3A_1304 = arith.index_cast %parallel_loop3A_1303 : i32 to index
          %parallel_loop3A_1305 = arith.index_cast %parallel_loop3A_1088 : i32 to index
          %parallel_loop3A_1306 = arith.constant 320 : index
          %parallel_loop3A_1307 = tpu.vector_load %arg11[%parallel_loop3A_1304, %parallel_loop3A_1305, %parallel_loop3A_1306] {strides = array<i32>} : memref<2x16x640xi32, #tpu.memory_space<vmem>>, vector<16xi32>,
          %parallel_loop3A_1308 = vector.bitcast %parallel_loop3A_1307 : vector<16xi32> to vector<32xbf16>
          %parallel_loop3A_1309 = arith.mulf %parallel_loop3A_1302, %parallel_loop3A_1308 : vector<32xbf16>
          %parallel_loop3A_1310 = arith.addf %parallel_loop3A_1274, %parallel_loop3A_1309 : vector<32xbf16>
          %parallel_loop3A_1311 = arith.constant 1 : i32
          %parallel_loop3A_1312 = arith.index_cast %parallel_loop3A_1311 : i32 to index
          %parallel_loop3A_1313 = arith.index_cast %parallel_loop3A_1088 : i32 to index
          %parallel_loop3A_1314 = arith.constant 336 : index
          %parallel_loop3A_1315 = tpu.vector_load %arg11[%parallel_loop3A_1312, %parallel_loop3A_1313, %parallel_loop3A_1314] {strides = array<i32>} : memref<2x16x640xi32, #tpu.memory_space<vmem>>, vector<16xi32>,
          %parallel_loop3A_1316 = vector.bitcast %parallel_loop3A_1315 : vector<16xi32> to vector<32xbf16>
          %parallel_loop3A_1317 = arith.mulf %parallel_loop3A_1302, %parallel_loop3A_1316 : vector<32xbf16>
          %parallel_loop3A_1318 = arith.addf %parallel_loop3A_1282, %parallel_loop3A_1317 : vector<32xbf16>
          %parallel_loop3A_1319 = arith.constant 1 : i32
          %parallel_loop3A_1320 = arith.index_cast %parallel_loop3A_1319 : i32 to index
          %parallel_loop3A_1321 = arith.index_cast %parallel_loop3A_1088 : i32 to index
          %parallel_loop3A_1322 = arith.constant 352 : index
          %parallel_loop3A_1323 = tpu.vector_load %arg11[%parallel_loop3A_1320, %parallel_loop3A_1321, %parallel_loop3A_1322] {strides = array<i32>} : memref<2x16x640xi32, #tpu.memory_space<vmem>>, vector<16xi32>,
          %parallel_loop3A_1324 = vector.bitcast %parallel_loop3A_1323 : vector<16xi32> to vector<32xbf16>
          %parallel_loop3A_1325 = arith.mulf %parallel_loop3A_1302, %parallel_loop3A_1324 : vector<32xbf16>
          %parallel_loop3A_1326 = arith.addf %parallel_loop3A_1290, %parallel_loop3A_1325 : vector<32xbf16>
          %parallel_loop3A_1327 = arith.constant 1 : i32
          %parallel_loop3A_1328 = arith.index_cast %parallel_loop3A_1327 : i32 to index
          %parallel_loop3A_1329 = arith.index_cast %parallel_loop3A_1088 : i32 to index
          %parallel_loop3A_1330 = arith.constant 368 : index
          %parallel_loop3A_1331 = tpu.vector_load %arg11[%parallel_loop3A_1328, %parallel_loop3A_1329, %parallel_loop3A_1330] {strides = array<i32>} : memref<2x16x640xi32, #tpu.memory_space<vmem>>, vector<16xi32>,
          %parallel_loop3A_1332 = vector.bitcast %parallel_loop3A_1331 : vector<16xi32> to vector<32xbf16>
          %parallel_loop3A_1333 = arith.mulf %parallel_loop3A_1302, %parallel_loop3A_1332 : vector<32xbf16>
          %parallel_loop3A_1334 = arith.addf %parallel_loop3A_1298, %parallel_loop3A_1333 : vector<32xbf16>
          %parallel_loop3A_1335 = vector.extract_strided_slice %parallel_loop3A_1122 {offsets = [6], sizes = [1], strides = [1]} : vector<16xf32> to vector<1xf32>
          %parallel_loop3A_1336 = vector.extract %parallel_loop3A_1335[0] : f32 from vector<1xf32>
          %parallel_loop3A_1337 = vector.broadcast %parallel_loop3A_1336 : f32 to vector<16xf32>
          %parallel_loop3A_1338 = tpu.pack_subelements %parallel_loop3A_1337, %parallel_loop3A_1337 {pack_format = #tpu.pack_format<interleaved>, positions = array<i32: 0, 1>} : vector<16xf32>, vector<16xf32> -> vector<32xbf16>
          %parallel_loop3A_1339 = arith.constant 1 : i32
          %parallel_loop3A_1340 = arith.index_cast %parallel_loop3A_1339 : i32 to index
          %parallel_loop3A_1341 = arith.index_cast %parallel_loop3A_1088 : i32 to index
          %parallel_loop3A_1342 = arith.constant 384 : index
          %parallel_loop3A_1343 = tpu.vector_load %arg11[%parallel_loop3A_1340, %parallel_loop3A_1341, %parallel_loop3A_1342] {strides = array<i32>} : memref<2x16x640xi32, #tpu.memory_space<vmem>>, vector<16xi32>,
          %parallel_loop3A_1344 = vector.bitcast %parallel_loop3A_1343 : vector<16xi32> to vector<32xbf16>
          %parallel_loop3A_1345 = arith.mulf %parallel_loop3A_1338, %parallel_loop3A_1344 : vector<32xbf16>
          %parallel_loop3A_1346 = arith.addf %parallel_loop3A_1310, %parallel_loop3A_1345 : vector<32xbf16>
          %parallel_loop3A_1347 = arith.constant 1 : i32
          %parallel_loop3A_1348 = arith.index_cast %parallel_loop3A_1347 : i32 to index
          %parallel_loop3A_1349 = arith.index_cast %parallel_loop3A_1088 : i32 to index
          %parallel_loop3A_1350 = arith.constant 400 : index
          %parallel_loop3A_1351 = tpu.vector_load %arg11[%parallel_loop3A_1348, %parallel_loop3A_1349, %parallel_loop3A_1350] {strides = array<i32>} : memref<2x16x640xi32, #tpu.memory_space<vmem>>, vector<16xi32>,
          %parallel_loop3A_1352 = vector.bitcast %parallel_loop3A_1351 : vector<16xi32> to vector<32xbf16>
          %parallel_loop3A_1353 = arith.mulf %parallel_loop3A_1338, %parallel_loop3A_1352 : vector<32xbf16>
          %parallel_loop3A_1354 = arith.addf %parallel_loop3A_1318, %parallel_loop3A_1353 : vector<32xbf16>
          %parallel_loop3A_1355 = arith.constant 1 : i32
          %parallel_loop3A_1356 = arith.index_cast %parallel_loop3A_1355 : i32 to index
          %parallel_loop3A_1357 = arith.index_cast %parallel_loop3A_1088 : i32 to index
          %parallel_loop3A_1358 = arith.constant 416 : index
          %parallel_loop3A_1359 = tpu.vector_load %arg11[%parallel_loop3A_1356, %parallel_loop3A_1357, %parallel_loop3A_1358] {strides = array<i32>} : memref<2x16x640xi32, #tpu.memory_space<vmem>>, vector<16xi32>,
          %parallel_loop3A_1360 = vector.bitcast %parallel_loop3A_1359 : vector<16xi32> to vector<32xbf16>
          %parallel_loop3A_1361 = arith.mulf %parallel_loop3A_1338, %parallel_loop3A_1360 : vector<32xbf16>
          %parallel_loop3A_1362 = arith.addf %parallel_loop3A_1326, %parallel_loop3A_1361 : vector<32xbf16>
          %parallel_loop3A_1363 = arith.constant 1 : i32
          %parallel_loop3A_1364 = arith.index_cast %parallel_loop3A_1363 : i32 to index
          %parallel_loop3A_1365 = arith.index_cast %parallel_loop3A_1088 : i32 to index
          %parallel_loop3A_1366 = arith.constant 432 : index
          %parallel_loop3A_1367 = tpu.vector_load %arg11[%parallel_loop3A_1364, %parallel_loop3A_1365, %parallel_loop3A_1366] {strides = array<i32>} : memref<2x16x640xi32, #tpu.memory_space<vmem>>, vector<16xi32>,
          %parallel_loop3A_1368 = vector.bitcast %parallel_loop3A_1367 : vector<16xi32> to vector<32xbf16>
          %parallel_loop3A_1369 = arith.mulf %parallel_loop3A_1338, %parallel_loop3A_1368 : vector<32xbf16>
          %parallel_loop3A_1370 = arith.addf %parallel_loop3A_1334, %parallel_loop3A_1369 : vector<32xbf16>
          %parallel_loop3A_1371 = vector.extract_strided_slice %parallel_loop3A_1122 {offsets = [7], sizes = [1], strides = [1]} : vector<16xf32> to vector<1xf32>
          %parallel_loop3A_1372 = vector.extract %parallel_loop3A_1371[0] : f32 from vector<1xf32>
          %parallel_loop3A_1373 = vector.broadcast %parallel_loop3A_1372 : f32 to vector<16xf32>
          %parallel_loop3A_1374 = tpu.pack_subelements %parallel_loop3A_1373, %parallel_loop3A_1373 {pack_format = #tpu.pack_format<interleaved>, positions = array<i32: 0, 1>} : vector<16xf32>, vector<16xf32> -> vector<32xbf16>
          %parallel_loop3A_1375 = arith.constant 1 : i32
          %parallel_loop3A_1376 = arith.index_cast %parallel_loop3A_1375 : i32 to index
          %parallel_loop3A_1377 = arith.index_cast %parallel_loop3A_1088 : i32 to index
          %parallel_loop3A_1378 = arith.constant 448 : index
          %parallel_loop3A_1379 = tpu.vector_load %arg11[%parallel_loop3A_1376, %parallel_loop3A_1377, %parallel_loop3A_1378] {strides = array<i32>} : memref<2x16x640xi32, #tpu.memory_space<vmem>>, vector<16xi32>,
          %parallel_loop3A_1380 = vector.bitcast %parallel_loop3A_1379 : vector<16xi32> to vector<32xbf16>
          %parallel_loop3A_1381 = arith.mulf %parallel_loop3A_1374, %parallel_loop3A_1380 : vector<32xbf16>
          %parallel_loop3A_1382 = arith.addf %parallel_loop3A_1346, %parallel_loop3A_1381 : vector<32xbf16>
          %parallel_loop3A_1383 = arith.constant 1 : i32
          %parallel_loop3A_1384 = arith.index_cast %parallel_loop3A_1383 : i32 to index
          %parallel_loop3A_1385 = arith.index_cast %parallel_loop3A_1088 : i32 to index
          %parallel_loop3A_1386 = arith.constant 464 : index
          %parallel_loop3A_1387 = tpu.vector_load %arg11[%parallel_loop3A_1384, %parallel_loop3A_1385, %parallel_loop3A_1386] {strides = array<i32>} : memref<2x16x640xi32, #tpu.memory_space<vmem>>, vector<16xi32>,
          %parallel_loop3A_1388 = vector.bitcast %parallel_loop3A_1387 : vector<16xi32> to vector<32xbf16>
          %parallel_loop3A_1389 = arith.mulf %parallel_loop3A_1374, %parallel_loop3A_1388 : vector<32xbf16>
          %parallel_loop3A_1390 = arith.addf %parallel_loop3A_1354, %parallel_loop3A_1389 : vector<32xbf16>
          %parallel_loop3A_1391 = arith.constant 1 : i32
          %parallel_loop3A_1392 = arith.index_cast %parallel_loop3A_1391 : i32 to index
          %parallel_loop3A_1393 = arith.index_cast %parallel_loop3A_1088 : i32 to index
          %parallel_loop3A_1394 = arith.constant 480 : index
          %parallel_loop3A_1395 = tpu.vector_load %arg11[%parallel_loop3A_1392, %parallel_loop3A_1393, %parallel_loop3A_1394] {strides = array<i32>} : memref<2x16x640xi32, #tpu.memory_space<vmem>>, vector<16xi32>,
          %parallel_loop3A_1396 = vector.bitcast %parallel_loop3A_1395 : vector<16xi32> to vector<32xbf16>
          %parallel_loop3A_1397 = arith.mulf %parallel_loop3A_1374, %parallel_loop3A_1396 : vector<32xbf16>
          %parallel_loop3A_1398 = arith.addf %parallel_loop3A_1362, %parallel_loop3A_1397 : vector<32xbf16>
          %parallel_loop3A_1399 = arith.constant 1 : i32
          %parallel_loop3A_1400 = arith.index_cast %parallel_loop3A_1399 : i32 to index
          %parallel_loop3A_1401 = arith.index_cast %parallel_loop3A_1088 : i32 to index
          %parallel_loop3A_1402 = arith.constant 496 : index
          %parallel_loop3A_1403 = tpu.vector_load %arg11[%parallel_loop3A_1400, %parallel_loop3A_1401, %parallel_loop3A_1402] {strides = array<i32>} : memref<2x16x640xi32, #tpu.memory_space<vmem>>, vector<16xi32>,
          %parallel_loop3A_1404 = vector.bitcast %parallel_loop3A_1403 : vector<16xi32> to vector<32xbf16>
          %parallel_loop3A_1405 = arith.mulf %parallel_loop3A_1374, %parallel_loop3A_1404 : vector<32xbf16>
          %parallel_loop3A_1406 = arith.addf %parallel_loop3A_1370, %parallel_loop3A_1405 : vector<32xbf16>
          %parallel_loop3A_1407 = tpu.unpack_subelements %parallel_loop3A_1382, 0 {pack_format = #tpu.pack_format<interleaved>} : vector<32xbf16> -> vector<16xf32>
          %parallel_loop3A_1408 = tpu.unpack_subelements %parallel_loop3A_1382, 1 {pack_format = #tpu.pack_format<interleaved>} : vector<32xbf16> -> vector<16xf32>
          %parallel_loop3A_1409 = arith.constant 1 : i32
          %parallel_loop3A_1410 = arith.index_cast %parallel_loop3A_1409 : i32 to index
          %parallel_loop3A_1411 = arith.index_cast %parallel_loop3A_1088 : i32 to index
          %parallel_loop3A_1412 = arith.constant 0 : index
          %parallel_loop3A_1413 = tpu.vector_load %arg12[%parallel_loop3A_1410, %parallel_loop3A_1411, %parallel_loop3A_1412] {strides = array<i32>} : memref<2x16x128xf32, #tpu.memory_space<vmem>>, vector<16xf32>,
          tpu.vector_store %arg12[%parallel_loop3A_1410, %parallel_loop3A_1411, %parallel_loop3A_1412], %parallel_loop3A_1407 {strides = array<i32>} : memref<2x16x128xf32, #tpu.memory_space<vmem>>, vector<16xf32>,
          %parallel_loop3A_1414 = arith.constant 1 : i32
          %parallel_loop3A_1415 = arith.index_cast %parallel_loop3A_1414 : i32 to index
          %parallel_loop3A_1416 = arith.index_cast %parallel_loop3A_1088 : i32 to index
          %parallel_loop3A_1417 = arith.constant 16 : index
          %parallel_loop3A_1418 = tpu.vector_load %arg12[%parallel_loop3A_1415, %parallel_loop3A_1416, %parallel_loop3A_1417] {strides = array<i32>} : memref<2x16x128xf32, #tpu.memory_space<vmem>>, vector<16xf32>,
          tpu.vector_store %arg12[%parallel_loop3A_1415, %parallel_loop3A_1416, %parallel_loop3A_1417], %parallel_loop3A_1408 {strides = array<i32>} : memref<2x16x128xf32, #tpu.memory_space<vmem>>, vector<16xf32>,
          %parallel_loop3A_1419 = tpu.unpack_subelements %parallel_loop3A_1390, 0 {pack_format = #tpu.pack_format<interleaved>} : vector<32xbf16> -> vector<16xf32>
          %parallel_loop3A_1420 = tpu.unpack_subelements %parallel_loop3A_1390, 1 {pack_format = #tpu.pack_format<interleaved>} : vector<32xbf16> -> vector<16xf32>
          %parallel_loop3A_1421 = arith.constant 1 : i32
          %parallel_loop3A_1422 = arith.index_cast %parallel_loop3A_1421 : i32 to index
          %parallel_loop3A_1423 = arith.index_cast %parallel_loop3A_1088 : i32 to index
          %parallel_loop3A_1424 = arith.constant 32 : index
          %parallel_loop3A_1425 = tpu.vector_load %arg12[%parallel_loop3A_1422, %parallel_loop3A_1423, %parallel_loop3A_1424] {strides = array<i32>} : memref<2x16x128xf32, #tpu.memory_space<vmem>>, vector<16xf32>,
          tpu.vector_store %arg12[%parallel_loop3A_1422, %parallel_loop3A_1423, %parallel_loop3A_1424], %parallel_loop3A_1419 {strides = array<i32>} : memref<2x16x128xf32, #tpu.memory_space<vmem>>, vector<16xf32>,
          %parallel_loop3A_1426 = arith.constant 1 : i32
          %parallel_loop3A_1427 = arith.index_cast %parallel_loop3A_1426 : i32 to index
          %parallel_loop3A_1428 = arith.index_cast %parallel_loop3A_1088 : i32 to index
          %parallel_loop3A_1429 = arith.constant 48 : index
          %parallel_loop3A_1430 = tpu.vector_load %arg12[%parallel_loop3A_1427, %parallel_loop3A_1428, %parallel_loop3A_1429] {strides = array<i32>} : memref<2x16x128xf32, #tpu.memory_space<vmem>>, vector<16xf32>,
          tpu.vector_store %arg12[%parallel_loop3A_1427, %parallel_loop3A_1428, %parallel_loop3A_1429], %parallel_loop3A_1420 {strides = array<i32>} : memref<2x16x128xf32, #tpu.memory_space<vmem>>, vector<16xf32>,
          %parallel_loop3A_1431 = tpu.unpack_subelements %parallel_loop3A_1398, 0 {pack_format = #tpu.pack_format<interleaved>} : vector<32xbf16> -> vector<16xf32>
          %parallel_loop3A_1432 = tpu.unpack_subelements %parallel_loop3A_1398, 1 {pack_format = #tpu.pack_format<interleaved>} : vector<32xbf16> -> vector<16xf32>
          %parallel_loop3A_1433 = arith.constant 1 : i32
          %parallel_loop3A_1434 = arith.index_cast %parallel_loop3A_1433 : i32 to index
          %parallel_loop3A_1435 = arith.index_cast %parallel_loop3A_1088 : i32 to index
          %parallel_loop3A_1436 = arith.constant 64 : index
          %parallel_loop3A_1437 = tpu.vector_load %arg12[%parallel_loop3A_1434, %parallel_loop3A_1435, %parallel_loop3A_1436] {strides = array<i32>} : memref<2x16x128xf32, #tpu.memory_space<vmem>>, vector<16xf32>,
          tpu.vector_store %arg12[%parallel_loop3A_1434, %parallel_loop3A_1435, %parallel_loop3A_1436], %parallel_loop3A_1431 {strides = array<i32>} : memref<2x16x128xf32, #tpu.memory_space<vmem>>, vector<16xf32>,
          %parallel_loop3A_1438 = arith.constant 1 : i32
          %parallel_loop3A_1439 = arith.index_cast %parallel_loop3A_1438 : i32 to index
          %parallel_loop3A_1440 = arith.index_cast %parallel_loop3A_1088 : i32 to index
          %parallel_loop3A_1441 = arith.constant 80 : index
          %parallel_loop3A_1442 = tpu.vector_load %arg12[%parallel_loop3A_1439, %parallel_loop3A_1440, %parallel_loop3A_1441] {strides = array<i32>} : memref<2x16x128xf32, #tpu.memory_space<vmem>>, vector<16xf32>,
          tpu.vector_store %arg12[%parallel_loop3A_1439, %parallel_loop3A_1440, %parallel_loop3A_1441], %parallel_loop3A_1432 {strides = array<i32>} : memref<2x16x128xf32, #tpu.memory_space<vmem>>, vector<16xf32>,
          %parallel_loop3A_1443 = tpu.unpack_subelements %parallel_loop3A_1406, 0 {pack_format = #tpu.pack_format<interleaved>} : vector<32xbf16> -> vector<16xf32>
          %parallel_loop3A_1444 = tpu.unpack_subelements %parallel_loop3A_1406, 1 {pack_format = #tpu.pack_format<interleaved>} : vector<32xbf16> -> vector<16xf32>
          %parallel_loop3A_1445 = arith.constant 1 : i32
          %parallel_loop3A_1446 = arith.index_cast %parallel_loop3A_1445 : i32 to index
          %parallel_loop3A_1447 = arith.index_cast %parallel_loop3A_1088 : i32 to index
          %parallel_loop3A_1448 = arith.constant 96 : index
          %parallel_loop3A_1449 = tpu.vector_load %arg12[%parallel_loop3A_1446, %parallel_loop3A_1447, %parallel_loop3A_1448] {strides = array<i32>} : memref<2x16x128xf32, #tpu.memory_space<vmem>>, vector<16xf32>,
          tpu.vector_store %arg12[%parallel_loop3A_1446, %parallel_loop3A_1447, %parallel_loop3A_1448], %parallel_loop3A_1443 {strides = array<i32>} : memref<2x16x128xf32, #tpu.memory_space<vmem>>, vector<16xf32>,
          %parallel_loop3A_1450 = arith.constant 1 : i32
          %parallel_loop3A_1451 = arith.index_cast %parallel_loop3A_1450 : i32 to index
          %parallel_loop3A_1452 = arith.index_cast %parallel_loop3A_1088 : i32 to index
          %parallel_loop3A_1453 = arith.constant 112 : index
          %parallel_loop3A_1454 = tpu.vector_load %arg12[%parallel_loop3A_1451, %parallel_loop3A_1452, %parallel_loop3A_1453] {strides = array<i32>} : memref<2x16x128xf32, #tpu.memory_space<vmem>>, vector<16xf32>,
          tpu.vector_store %arg12[%parallel_loop3A_1451, %parallel_loop3A_1452, %parallel_loop3A_1453], %parallel_loop3A_1444 {strides = array<i32>} : memref<2x16x128xf32, #tpu.memory_space<vmem>>, vector<16xf32>,
          %parallel_loop3A_1455 = arith.index_cast %parallel_loop3A_1088 : i32 to index
          %parallel_loop3A_1456 = tpu.vector_load %arg16[%parallel_loop3A_1455] {strides = array<i32>} : memref<32xi32, #tpu.memory_space<vmem>>, vector<16xi32>,
          %parallel_loop3A_1457 = vector.extract_strided_slice %parallel_loop3A_1456 {offsets = [0], sizes = [1], strides = [1]} : vector<16xi32> to vector<1xi32>
          %parallel_loop3A_1458 = vector.extract %parallel_loop3A_1457[0] : i32 from vector<1xi32>
          %parallel_loop3A_1459 = arith.constant 1 : i32
          %parallel_loop3A_1460 = arith.index_cast %parallel_loop3A_1459 : i32 to index
          %parallel_loop3A_1461 = arith.index_cast %parallel_loop3A_1088 : i32 to index
          %parallel_loop3A_1462 = arith.constant 0 : index
          %parallel_loop3A_1463 = tpu.vector_load %arg13[%parallel_loop3A_1460, %parallel_loop3A_1461, %parallel_loop3A_1462] {strides = array<i32>} : memref<2x16x128xf32, #tpu.memory_space<vmem>>, vector<16xf32>,
          tpu.vector_store %arg13[%parallel_loop3A_1460, %parallel_loop3A_1461, %parallel_loop3A_1462], %broadcast_in_dim3A_7 {strides = array<i32>} : memref<2x16x128xf32, #tpu.memory_space<vmem>>, vector<16xf32>,
          %parallel_loop3A_1464 = arith.constant 1 : i32
          %parallel_loop3A_1465 = arith.index_cast %parallel_loop3A_1464 : i32 to index
          %parallel_loop3A_1466 = arith.index_cast %parallel_loop3A_1088 : i32 to index
          %parallel_loop3A_1467 = arith.constant 16 : index
          %parallel_loop3A_1468 = tpu.vector_load %arg13[%parallel_loop3A_1465, %parallel_loop3A_1466, %parallel_loop3A_1467] {strides = array<i32>} : memref<2x16x128xf32, #tpu.memory_space<vmem>>, vector<16xf32>,
          tpu.vector_store %arg13[%parallel_loop3A_1465, %parallel_loop3A_1466, %parallel_loop3A_1467], %broadcast_in_dim3A_7 {strides = array<i32>} : memref<2x16x128xf32, #tpu.memory_space<vmem>>, vector<16xf32>,
          %parallel_loop3A_1469 = arith.constant 1 : i32
          %parallel_loop3A_1470 = arith.index_cast %parallel_loop3A_1469 : i32 to index
          %parallel_loop3A_1471 = arith.index_cast %parallel_loop3A_1088 : i32 to index
          %parallel_loop3A_1472 = arith.constant 32 : index
          %parallel_loop3A_1473 = tpu.vector_load %arg13[%parallel_loop3A_1470, %parallel_loop3A_1471, %parallel_loop3A_1472] {strides = array<i32>} : memref<2x16x128xf32, #tpu.memory_space<vmem>>, vector<16xf32>,
          tpu.vector_store %arg13[%parallel_loop3A_1470, %parallel_loop3A_1471, %parallel_loop3A_1472], %broadcast_in_dim3A_7 {strides = array<i32>} : memref<2x16x128xf32, #tpu.memory_space<vmem>>, vector<16xf32>,
          %parallel_loop3A_1474 = arith.constant 1 : i32
          %parallel_loop3A_1475 = arith.index_cast %parallel_loop3A_1474 : i32 to index
          %parallel_loop3A_1476 = arith.index_cast %parallel_loop3A_1088 : i32 to index
          %parallel_loop3A_1477 = arith.constant 48 : index
          %parallel_loop3A_1478 = tpu.vector_load %arg13[%parallel_loop3A_1475, %parallel_loop3A_1476, %parallel_loop3A_1477] {strides = array<i32>} : memref<2x16x128xf32, #tpu.memory_space<vmem>>, vector<16xf32>,
          tpu.vector_store %arg13[%parallel_loop3A_1475, %parallel_loop3A_1476, %parallel_loop3A_1477], %broadcast_in_dim3A_7 {strides = array<i32>} : memref<2x16x128xf32, #tpu.memory_space<vmem>>, vector<16xf32>,
          %parallel_loop3A_1479 = arith.constant 1 : i32
          %parallel_loop3A_1480 = arith.index_cast %parallel_loop3A_1479 : i32 to index
          %parallel_loop3A_1481 = arith.index_cast %parallel_loop3A_1088 : i32 to index
          %parallel_loop3A_1482 = arith.constant 64 : index
          %parallel_loop3A_1483 = tpu.vector_load %arg13[%parallel_loop3A_1480, %parallel_loop3A_1481, %parallel_loop3A_1482] {strides = array<i32>} : memref<2x16x128xf32, #tpu.memory_space<vmem>>, vector<16xf32>,
          tpu.vector_store %arg13[%parallel_loop3A_1480, %parallel_loop3A_1481, %parallel_loop3A_1482], %broadcast_in_dim3A_7 {strides = array<i32>} : memref<2x16x128xf32, #tpu.memory_space<vmem>>, vector<16xf32>,
          %parallel_loop3A_1484 = arith.constant 1 : i32
          %parallel_loop3A_1485 = arith.index_cast %parallel_loop3A_1484 : i32 to index
          %parallel_loop3A_1486 = arith.index_cast %parallel_loop3A_1088 : i32 to index
          %parallel_loop3A_1487 = arith.constant 80 : index
          %parallel_loop3A_1488 = tpu.vector_load %arg13[%parallel_loop3A_1485, %parallel_loop3A_1486, %parallel_loop3A_1487] {strides = array<i32>} : memref<2x16x128xf32, #tpu.memory_space<vmem>>, vector<16xf32>,
          tpu.vector_store %arg13[%parallel_loop3A_1485, %parallel_loop3A_1486, %parallel_loop3A_1487], %broadcast_in_dim3A_7 {strides = array<i32>} : memref<2x16x128xf32, #tpu.memory_space<vmem>>, vector<16xf32>,
          %parallel_loop3A_1489 = arith.constant 1 : i32
          %parallel_loop3A_1490 = arith.index_cast %parallel_loop3A_1489 : i32 to index
          %parallel_loop3A_1491 = arith.index_cast %parallel_loop3A_1088 : i32 to index
          %parallel_loop3A_1492 = arith.constant 96 : index
          %parallel_loop3A_1493 = tpu.vector_load %arg13[%parallel_loop3A_1490, %parallel_loop3A_1491, %parallel_loop3A_1492] {strides = array<i32>} : memref<2x16x128xf32, #tpu.memory_space<vmem>>, vector<16xf32>,
          tpu.vector_store %arg13[%parallel_loop3A_1490, %parallel_loop3A_1491, %parallel_loop3A_1492], %broadcast_in_dim3A_7 {strides = array<i32>} : memref<2x16x128xf32, #tpu.memory_space<vmem>>, vector<16xf32>,
          %parallel_loop3A_1494 = arith.constant 1 : i32
          %parallel_loop3A_1495 = arith.index_cast %parallel_loop3A_1494 : i32 to index
          %parallel_loop3A_1496 = arith.index_cast %parallel_loop3A_1088 : i32 to index
          %parallel_loop3A_1497 = arith.constant 112 : index
          %parallel_loop3A_1498 = tpu.vector_load %arg13[%parallel_loop3A_1495, %parallel_loop3A_1496, %parallel_loop3A_1497] {strides = array<i32>} : memref<2x16x128xf32, #tpu.memory_space<vmem>>, vector<16xf32>,
          tpu.vector_store %arg13[%parallel_loop3A_1495, %parallel_loop3A_1496, %parallel_loop3A_1497], %broadcast_in_dim3A_7 {strides = array<i32>} : memref<2x16x128xf32, #tpu.memory_space<vmem>>, vector<16xf32>,
          %parallel_loop3A_1499 = arith.constant 15 : i32
          %parallel_loop3A_1500 = arith.andi %parallel_loop3A_1458, %parallel_loop3A_1499 : i32
          %parallel_loop3A_1501 = arith.constant 4 : i32
          %parallel_loop3A_1502 = arith.shrui %parallel_loop3A_1458, %parallel_loop3A_1501 : i32
          %parallel_loop3A_1503 = arith.constant 7 : i32
          %parallel_loop3A_1504 = arith.andi %parallel_loop3A_1502, %parallel_loop3A_1503 : i32
          %parallel_loop3A_1505 = vector.broadcast %parallel_loop3A_1500 : i32 to vector<16xi32>
          %parallel_loop3A_1506 = arith.cmpi eq, %iota3A, %parallel_loop3A_1505 : vector<16xi32>
          %parallel_loop3A_1507 = vector.broadcast %parallel_loop3A_1118 : f32 to vector<16xf32>
          %parallel_loop3A_1508 = arith.constant 0.000000e+00 : f32
          %parallel_loop3A_1509 = vector.broadcast %parallel_loop3A_1508 : f32 to vector<16xf32>
          %parallel_loop3A_1510 = arith.select %parallel_loop3A_1506, %parallel_loop3A_1507, %parallel_loop3A_1509 : vector<16xi1>, vector<16xf32>
          %parallel_loop3A_1511 = arith.constant 16 : i32
          %parallel_loop3A_1512 = arith.muli %parallel_loop3A_1504, %parallel_loop3A_1511 : i32
          %parallel_loop3A_1513 = arith.constant 1 : i32
          %parallel_loop3A_1514 = arith.index_cast %parallel_loop3A_1513 : i32 to index
          %parallel_loop3A_1515 = arith.index_cast %parallel_loop3A_1088 : i32 to index
          %parallel_loop3A_1516 = arith.index_cast %parallel_loop3A_1512 : i32 to index
          %parallel_loop3A_1517 = tpu.vector_load %arg13[%parallel_loop3A_1514, %parallel_loop3A_1515, %parallel_loop3A_1516] {strides = array<i32>} : memref<2x16x128xf32, #tpu.memory_space<vmem>>, vector<16xf32>,
          tpu.vector_store %arg13[%parallel_loop3A_1514, %parallel_loop3A_1515, %parallel_loop3A_1516], %parallel_loop3A_1510 {strides = array<i32>} : memref<2x16x128xf32, #tpu.memory_space<vmem>>, vector<16xf32>,
        } {sc.loop_unroll_factor = 8 : i64, sc.parallel_access}
        %dma_start3A_1059 = arith.constant 1 : i32
        %dma_start3A_1060 = arith.constant 1 : i32
        %dma_start3A_1061 = arith.constant 0 : i32
        %dma_start3A_1062 = arith.constant 0 : i32
        %dma_start3A_1063 = tpu.memref_slice %arg12[%dma_start3A_1059, %dma_start3A_1061, %dma_start3A_1062] : memref<2x16x128xf32, #tpu.memory_space<vmem>> -> memref<1x16x128xf32, #tpu.memory_space<vmem>>
        %dma_start3A_1064 = tpu.memref_squeeze %dma_start3A_1063 : memref<1x16x128xf32, #tpu.memory_space<vmem>> -> memref<16x128xf32, #tpu.memory_space<vmem>>
        %dma_start3A_1065 = arith.constant 0 : i32
        %dma_start3A_1066 = tpu.memref_slice %arg14[%dma_start3A_1060, %dma_start3A_1065] : memref<2x16xi32, #tpu.memory_space<vmem>> -> memref<1x16xi32, #tpu.memory_space<vmem>>
        %dma_start3A_1067 = tpu.memref_squeeze %dma_start3A_1066 : memref<1x16xi32, #tpu.memory_space<vmem>> -> memref<16xi32, #tpu.memory_space<vmem>>
        %dma_start3A_1068 = arith.constant 0 : i32
        %dma_start3A_1069 = arith.constant 0 : i32
        %dma_start3A_1070 = tpu.memref_slice %arg18[%dma_start3A_1068, %dma_start3A_1069] : memref<10000x128xf32, #tpu.memory_space<vmem_shared>> -> memref<10000x128xf32, #tpu.memory_space<vmem_shared>>
        tpu.enqueue_indirect_dma source(%dma_start3A_1064 : memref<16x128xf32, #tpu.memory_space<vmem>>) target(%dma_start3A_1070 : memref<10000x128xf32, #tpu.memory_space<vmem_shared>>) offsets(%dma_start3A_1067 : memref<16xi32, #tpu.memory_space<vmem>>) semaphore(%arg23 : memref<!tpu.dma_semaphore, #tpu.memory_space<semaphore_mem>>) {add = true}
        %dma_start3A_1071 = arith.constant 1 : i32
        %dma_start3A_1072 = arith.constant 1 : i32
        %dma_start3A_1073 = arith.constant 0 : i32
        %dma_start3A_1074 = arith.constant 0 : i32
        %dma_start3A_1075 = tpu.memref_slice %arg13[%dma_start3A_1071, %dma_start3A_1073, %dma_start3A_1074] : memref<2x16x128xf32, #tpu.memory_space<vmem>> -> memref<1x16x128xf32, #tpu.memory_space<vmem>>
        %dma_start3A_1076 = tpu.memref_squeeze %dma_start3A_1075 : memref<1x16x128xf32, #tpu.memory_space<vmem>> -> memref<16x128xf32, #tpu.memory_space<vmem>>
        %dma_start3A_1077 = arith.constant 0 : i32
        %dma_start3A_1078 = tpu.memref_slice %arg15[%dma_start3A_1072, %dma_start3A_1077] : memref<2x16xi32, #tpu.memory_space<vmem>> -> memref<1x16xi32, #tpu.memory_space<vmem>>
        %dma_start3A_1079 = tpu.memref_squeeze %dma_start3A_1078 : memref<1x16xi32, #tpu.memory_space<vmem>> -> memref<16xi32, #tpu.memory_space<vmem>>
        %dma_start3A_1080 = arith.constant 0 : i32
        %dma_start3A_1081 = arith.constant 0 : i32
        %dma_start3A_1082 = tpu.memref_slice %arg19[%dma_start3A_1080, %dma_start3A_1081] : memref<80x128xf32, #tpu.memory_space<vmem_shared>> -> memref<80x128xf32, #tpu.memory_space<vmem_shared>>
        tpu.enqueue_indirect_dma source(%dma_start3A_1076 : memref<16x128xf32, #tpu.memory_space<vmem>>) target(%dma_start3A_1082 : memref<80x128xf32, #tpu.memory_space<vmem_shared>>) offsets(%dma_start3A_1079 : memref<16xi32, #tpu.memory_space<vmem>>) semaphore(%arg23 : memref<!tpu.dma_semaphore, #tpu.memory_space<semaphore_mem>>) {add = true}
        %lt3A_1083 = arith.constant 39 : i32
        %lt3A_1084 = arith.cmpi slt, %scan3A_906, %lt3A_1083 : i32
        %convert_element_type3A_1085 = arith.extui %lt3A_1084 : i1 to i32
        %cond3A_1086 = arith.constant 0 : i32
        %cond3A_1087 = arith.cmpi ne, %convert_element_type3A_1085, %cond3A_1086 : i32
        scf.if %cond3A_1087 {
          %add3A_1088 = arith.constant 2 : i32
          %add3A_1089 = arith.addi %add3A_998, %add3A_1088 : i32
          %mul3A_1090 = arith.constant 16 : i32
          %mul3A_1091 = arith.muli %add3A_1089, %mul3A_1090 : i32
          %dma_start3A_1092 = arith.constant 1 : i32
          %dma_start3A_1093 = arith.constant 0 : i32
          %dma_start3A_1094 = arith.constant 0 : i32
          %dma_start3A_1095 = tpu.memref_slice %arg10[%dma_start3A_1092, %dma_start3A_1093, %dma_start3A_1094] : memref<2x16x128xf32, #tpu.memory_space<vmem>> -> memref<1x16x128xf32, #tpu.memory_space<vmem>>
          %dma_start3A_1096 = tpu.memref_squeeze %dma_start3A_1095 : memref<1x16x128xf32, #tpu.memory_space<vmem>> -> memref<16x128xf32, #tpu.memory_space<vmem>>
          %dma_start3A_1097 = tpu.memref_slice %arg9[%mul3A_1091] : memref<1280xi32, #tpu.memory_space<vmem>> -> memref<16xi32, #tpu.memory_space<vmem>>
          %dma_start3A_1098 = arith.constant 0 : i32
          %dma_start3A_1099 = arith.constant 0 : i32
          %dma_start3A_1100 = tpu.memref_slice %arg2[%dma_start3A_1098, %dma_start3A_1099] : memref<10000x128xf32, #tpu.memory_space<hbm>> -> memref<10000x128xf32, #tpu.memory_space<hbm>>
          tpu.enqueue_indirect_dma source(%dma_start3A_1100 : memref<10000x128xf32, #tpu.memory_space<hbm>>) target(%dma_start3A_1096 : memref<16x128xf32, #tpu.memory_space<vmem>>) offsets(%dma_start3A_1097 : memref<16xi32, #tpu.memory_space<vmem>>) semaphore(%arg21 : memref<!tpu.dma_semaphore, #tpu.memory_space<semaphore_mem>>)
          %mul3A_1101 = arith.constant 16 : i32
          %mul3A_1102 = arith.muli %add3A_1089, %mul3A_1101 : i32
          %dma_start3A_1103 = arith.constant 1 : i32
          %dma_start3A_1104 = arith.constant 0 : i32
          %dma_start3A_1105 = arith.constant 0 : i32
          %dma_start3A_1106 = tpu.memref_slice %arg11[%dma_start3A_1103, %dma_start3A_1104, %dma_start3A_1105] : memref<2x16x640xi32, #tpu.memory_space<vmem>> -> memref<1x16x640xi32, #tpu.memory_space<vmem>>
          %dma_start3A_1107 = tpu.memref_squeeze %dma_start3A_1106 : memref<1x16x640xi32, #tpu.memory_space<vmem>> -> memref<16x640xi32, #tpu.memory_space<vmem>>
          %dma_start3A_1108 = tpu.memref_slice %arg8[%mul3A_1102] : memref<1280xi32, #tpu.memory_space<vmem>> -> memref<16xi32, #tpu.memory_space<vmem>>
          %dma_start3A_1109 = arith.constant 0 : i32
          %dma_start3A_1110 = arith.constant 0 : i32
          %dma_start3A_1111 = tpu.memref_slice %arg3[%dma_start3A_1109, %dma_start3A_1110] : memref<10000x640xi32, #tpu.memory_space<hbm>> -> memref<10000x640xi32, #tpu.memory_space<hbm>>
          tpu.enqueue_indirect_dma source(%dma_start3A_1111 : memref<10000x640xi32, #tpu.memory_space<hbm>>) target(%dma_start3A_1107 : memref<16x640xi32, #tpu.memory_space<vmem>>) offsets(%dma_start3A_1108 : memref<16xi32, #tpu.memory_space<vmem>>) semaphore(%arg21 : memref<!tpu.dma_semaphore, #tpu.memory_space<semaphore_mem>>)
        } else {
        }
      }
      %scan3A_905 = arith.constant 40 : i32
    }
    %scan3A_793 = arith.constant 8 : i32
    %dma_wait3A = arith.constant 0 : i32
    %dma_wait3A_794 = arith.constant 0 : i32
    %dma_wait3A_795 = arith.constant 0 : i32
    %dma_wait3A_796 = arith.constant 0 : i32
    %dma_wait3A_797 = tpu.memref_slice %arg12[%dma_wait3A, %dma_wait3A_795, %dma_wait3A_796] : memref<2x16x128xf32, #tpu.memory_space<vmem>> -> memref<1x16x128xf32, #tpu.memory_space<vmem>>
    %dma_wait3A_798 = tpu.memref_squeeze %dma_wait3A_797 : memref<1x16x128xf32, #tpu.memory_space<vmem>> -> memref<16x128xf32, #tpu.memory_space<vmem>>
    %dma_wait3A_799 = arith.constant 0 : i32
    %dma_wait3A_800 = tpu.memref_slice %arg14[%dma_wait3A_794, %dma_wait3A_799] : memref<2x16xi32, #tpu.memory_space<vmem>> -> memref<1x16xi32, #tpu.memory_space<vmem>>
    %dma_wait3A_801 = tpu.memref_squeeze %dma_wait3A_800 : memref<1x16xi32, #tpu.memory_space<vmem>> -> memref<16xi32, #tpu.memory_space<vmem>>
    %dma_wait3A_802 = arith.constant 0 : i32
    %dma_wait3A_803 = arith.constant 0 : i32
    %dma_wait3A_804 = tpu.memref_slice %arg18[%dma_wait3A_802, %dma_wait3A_803] : memref<10000x128xf32, #tpu.memory_space<vmem_shared>> -> memref<10000x128xf32, #tpu.memory_space<vmem_shared>>
    tpu.wait_indirect_dma semaphore(%arg22 : memref<!tpu.dma_semaphore, #tpu.memory_space<semaphore_mem>>) src(%dma_wait3A_798 : memref<16x128xf32, #tpu.memory_space<vmem>>) dst(%dma_wait3A_804 : memref<10000x128xf32, #tpu.memory_space<vmem_shared>>)
    %dma_wait3A_805 = arith.constant 0 : i32
    %dma_wait3A_806 = arith.constant 0 : i32
    %dma_wait3A_807 = arith.constant 0 : i32
    %dma_wait3A_808 = arith.constant 0 : i32
    %dma_wait3A_809 = tpu.memref_slice %arg13[%dma_wait3A_805, %dma_wait3A_807, %dma_wait3A_808] : memref<2x16x128xf32, #tpu.memory_space<vmem>> -> memref<1x16x128xf32, #tpu.memory_space<vmem>>
    %dma_wait3A_810 = tpu.memref_squeeze %dma_wait3A_809 : memref<1x16x128xf32, #tpu.memory_space<vmem>> -> memref<16x128xf32, #tpu.memory_space<vmem>>
    %dma_wait3A_811 = arith.constant 0 : i32
    %dma_wait3A_812 = tpu.memref_slice %arg15[%dma_wait3A_806, %dma_wait3A_811] : memref<2x16xi32, #tpu.memory_space<vmem>> -> memref<1x16xi32, #tpu.memory_space<vmem>>
    %dma_wait3A_813 = tpu.memref_squeeze %dma_wait3A_812 : memref<1x16xi32, #tpu.memory_space<vmem>> -> memref<16xi32, #tpu.memory_space<vmem>>
    %dma_wait3A_814 = arith.constant 0 : i32
    %dma_wait3A_815 = arith.constant 0 : i32
    %dma_wait3A_816 = tpu.memref_slice %arg19[%dma_wait3A_814, %dma_wait3A_815] : memref<80x128xf32, #tpu.memory_space<vmem_shared>> -> memref<80x128xf32, #tpu.memory_space<vmem_shared>>
    tpu.wait_indirect_dma semaphore(%arg22 : memref<!tpu.dma_semaphore, #tpu.memory_space<semaphore_mem>>) src(%dma_wait3A_810 : memref<16x128xf32, #tpu.memory_space<vmem>>) dst(%dma_wait3A_816 : memref<80x128xf32, #tpu.memory_space<vmem_shared>>)
    %dma_wait3A_817 = arith.constant 1 : i32
    %dma_wait3A_818 = arith.constant 1 : i32
    %dma_wait3A_819 = arith.constant 0 : i32
    %dma_wait3A_820 = arith.constant 0 : i32
    %dma_wait3A_821 = tpu.memref_slice %arg12[%dma_wait3A_817, %dma_wait3A_819, %dma_wait3A_820] : memref<2x16x128xf32, #tpu.memory_space<vmem>> -> memref<1x16x128xf32, #tpu.memory_space<vmem>>
    %dma_wait3A_822 = tpu.memref_squeeze %dma_wait3A_821 : memref<1x16x128xf32, #tpu.memory_space<vmem>> -> memref<16x128xf32, #tpu.memory_space<vmem>>
    %dma_wait3A_823 = arith.constant 0 : i32
    %dma_wait3A_824 = tpu.memref_slice %arg14[%dma_wait3A_818, %dma_wait3A_823] : memref<2x16xi32, #tpu.memory_space<vmem>> -> memref<1x16xi32, #tpu.memory_space<vmem>>
    %dma_wait3A_825 = tpu.memref_squeeze %dma_wait3A_824 : memref<1x16xi32, #tpu.memory_space<vmem>> -> memref<16xi32, #tpu.memory_space<vmem>>
    %dma_wait3A_826 = arith.constant 0 : i32
    %dma_wait3A_827 = arith.constant 0 : i32
    %dma_wait3A_828 = tpu.memref_slice %arg18[%dma_wait3A_826, %dma_wait3A_827] : memref<10000x128xf32, #tpu.memory_space<vmem_shared>> -> memref<10000x128xf32, #tpu.memory_space<vmem_shared>>
    tpu.wait_indirect_dma semaphore(%arg23 : memref<!tpu.dma_semaphore, #tpu.memory_space<semaphore_mem>>) src(%dma_wait3A_822 : memref<16x128xf32, #tpu.memory_space<vmem>>) dst(%dma_wait3A_828 : memref<10000x128xf32, #tpu.memory_space<vmem_shared>>)
    %dma_wait3A_829 = arith.constant 1 : i32
    %dma_wait3A_830 = arith.constant 1 : i32
    %dma_wait3A_831 = arith.constant 0 : i32
    %dma_wait3A_832 = arith.constant 0 : i32
    %dma_wait3A_833 = tpu.memref_slice %arg13[%dma_wait3A_829, %dma_wait3A_831, %dma_wait3A_832] : memref<2x16x128xf32, #tpu.memory_space<vmem>> -> memref<1x16x128xf32, #tpu.memory_space<vmem>>
    %dma_wait3A_834 = tpu.memref_squeeze %dma_wait3A_833 : memref<1x16x128xf32, #tpu.memory_space<vmem>> -> memref<16x128xf32, #tpu.memory_space<vmem>>
    %dma_wait3A_835 = arith.constant 0 : i32
    %dma_wait3A_836 = tpu.memref_slice %arg15[%dma_wait3A_830, %dma_wait3A_835] : memref<2x16xi32, #tpu.memory_space<vmem>> -> memref<1x16xi32, #tpu.memory_space<vmem>>
    %dma_wait3A_837 = tpu.memref_squeeze %dma_wait3A_836 : memref<1x16xi32, #tpu.memory_space<vmem>> -> memref<16xi32, #tpu.memory_space<vmem>>
    %dma_wait3A_838 = arith.constant 0 : i32
    %dma_wait3A_839 = arith.constant 0 : i32
    %dma_wait3A_840 = tpu.memref_slice %arg19[%dma_wait3A_838, %dma_wait3A_839] : memref<80x128xf32, #tpu.memory_space<vmem_shared>> -> memref<80x128xf32, #tpu.memory_space<vmem_shared>>
    tpu.wait_indirect_dma semaphore(%arg23 : memref<!tpu.dma_semaphore, #tpu.memory_space<semaphore_mem>>) src(%dma_wait3A_834 : memref<16x128xf32, #tpu.memory_space<vmem>>) dst(%dma_wait3A_840 : memref<80x128xf32, #tpu.memory_space<vmem_shared>>)
    %barrier3A_841 = arith.constant 0 : index
    tpu.barrier barrier_id(%barrier3A_841)
    %while3A_842 = arith.constant 0 : i32
    %while3A_843 = arith.constant 0 : i32
    %while3A_844 = arith.subi %select_n3A, %while3A_843 : i32
    %while3A_845 = arith.addi %while3A_843, %while3A_844 : i32
    %while3A_846 = arith.constant 1 : i32
    %while3A_847 = arith.divsi %while3A_844, %while3A_846 : i32
    %while3A_848 = arith.muli %while3A_847, %while3A_846 : i32
    %while3A_849 = arith.addi %while3A_843, %while3A_848 : i32
    %while3A_850 = arith.constant 1 : i32
    scf.for %while3A_857 = %while3A_843 to %while3A_849 step %while3A_850  : i32 {
      %mul3A_858 = arith.constant 16 : i32
      %mul3A_859 = arith.muli %while3A_857, %mul3A_858 : i32
      %add3A_860 = arith.addi %mul3A_4, %mul3A_859 : i32
      "tpu.region"() ({
        %run_scoped3A = tpu.sem_alloc : memref<!tpu.dma_semaphore, #tpu.memory_space<semaphore_mem>>
        %dma_start3A = arith.constant 0 : i32
        %dma_start3A_861 = tpu.memref_slice %arg6[%arg0, %add3A_860, %dma_start3A] : memref<2x10000x128xf32, #tpu.memory_space<hbm>> -> memref<1x16x128xf32, #tpu.memory_space<hbm>>
        %dma_start3A_862 = tpu.memref_squeeze %dma_start3A_861 : memref<1x16x128xf32, #tpu.memory_space<hbm>> -> memref<16x128xf32, #tpu.memory_space<hbm>>
        %dma_start3A_863 = arith.constant 0 : i32
        %dma_start3A_864 = tpu.memref_slice %arg18[%add3A_860, %dma_start3A_863] : memref<10000x128xf32, #tpu.memory_space<vmem_shared>> -> memref<16x128xf32, #tpu.memory_space<vmem_shared>>
        tpu.enqueue_dma source(%dma_start3A_864 : memref<16x128xf32, #tpu.memory_space<vmem_shared>>) target(%dma_start3A_862 : memref<16x128xf32, #tpu.memory_space<hbm>>) target_semaphore(%run_scoped3A : memref<!tpu.dma_semaphore, #tpu.memory_space<semaphore_mem>>)
        %dma_wait3A_865 = arith.constant 0 : i32
        %dma_wait3A_866 = tpu.memref_slice %arg6[%arg0, %add3A_860, %dma_wait3A_865] : memref<2x10000x128xf32, #tpu.memory_space<hbm>> -> memref<1x16x128xf32, #tpu.memory_space<hbm>>
        %dma_wait3A_867 = tpu.memref_squeeze %dma_wait3A_866 : memref<1x16x128xf32, #tpu.memory_space<hbm>> -> memref<16x128xf32, #tpu.memory_space<hbm>>
        %dma_wait3A_868 = arith.constant 0 : i32
        %dma_wait3A_869 = tpu.memref_slice %arg18[%add3A_860, %dma_wait3A_868] : memref<10000x128xf32, #tpu.memory_space<vmem_shared>> -> memref<16x128xf32, #tpu.memory_space<vmem_shared>>
        tpu.wait_dma2 semaphore(%run_scoped3A : memref<!tpu.dma_semaphore, #tpu.memory_space<semaphore_mem>>) src(%dma_wait3A_869 : memref<16x128xf32, #tpu.memory_space<vmem_shared>>) dst(%dma_wait3A_867 : memref<16x128xf32, #tpu.memory_space<hbm>>)
        tpu.yield
      }) : () -> ()
    }
    %while3A_851 = arith.constant 1 : i32
    scf.for %while3A_857 = %while3A_849 to %while3A_845 step %while3A_851  : i32 {
      %mul3A_858 = arith.constant 16 : i32
      %mul3A_859 = arith.muli %while3A_857, %mul3A_858 : i32
      %add3A_860 = arith.addi %mul3A_4, %mul3A_859 : i32
      "tpu.region"() ({
        %run_scoped3A = tpu.sem_alloc : memref<!tpu.dma_semaphore, #tpu.memory_space<semaphore_mem>>
        %dma_start3A = arith.constant 0 : i32
        %dma_start3A_861 = tpu.memref_slice %arg6[%arg0, %add3A_860, %dma_start3A] : memref<2x10000x128xf32, #tpu.memory_space<hbm>> -> memref<1x16x128xf32, #tpu.memory_space<hbm>>
        %dma_start3A_862 = tpu.memref_squeeze %dma_start3A_861 : memref<1x16x128xf32, #tpu.memory_space<hbm>> -> memref<16x128xf32, #tpu.memory_space<hbm>>
        %dma_start3A_863 = arith.constant 0 : i32
        %dma_start3A_864 = tpu.memref_slice %arg18[%add3A_860, %dma_start3A_863] : memref<10000x128xf32, #tpu.memory_space<vmem_shared>> -> memref<16x128xf32, #tpu.memory_space<vmem_shared>>
        tpu.enqueue_dma source(%dma_start3A_864 : memref<16x128xf32, #tpu.memory_space<vmem_shared>>) target(%dma_start3A_862 : memref<16x128xf32, #tpu.memory_space<hbm>>) target_semaphore(%run_scoped3A : memref<!tpu.dma_semaphore, #tpu.memory_space<semaphore_mem>>)
        %dma_wait3A_865 = arith.constant 0 : i32
        %dma_wait3A_866 = tpu.memref_slice %arg6[%arg0, %add3A_860, %dma_wait3A_865] : memref<2x10000x128xf32, #tpu.memory_space<hbm>> -> memref<1x16x128xf32, #tpu.memory_space<hbm>>
        %dma_wait3A_867 = tpu.memref_squeeze %dma_wait3A_866 : memref<1x16x128xf32, #tpu.memory_space<hbm>> -> memref<16x128xf32, #tpu.memory_space<hbm>>
        %dma_wait3A_868 = arith.constant 0 : i32
        %dma_wait3A_869 = tpu.memref_slice %arg18[%add3A_860, %dma_wait3A_868] : memref<10000x128xf32, #tpu.memory_space<vmem_shared>> -> memref<16x128xf32, #tpu.memory_space<vmem_shared>>
        tpu.wait_dma2 semaphore(%run_scoped3A : memref<!tpu.dma_semaphore, #tpu.memory_space<semaphore_mem>>) src(%dma_wait3A_869 : memref<16x128xf32, #tpu.memory_space<vmem_shared>>) dst(%dma_wait3A_867 : memref<16x128xf32, #tpu.memory_space<hbm>>)
        tpu.yield
      }) : () -> ()
    }
    %lt3A_852 = arith.constant 5 : i32
    %lt3A_853 = arith.cmpi slt, %arg1, %lt3A_852 : i32
    %convert_element_type3A_854 = arith.extui %lt3A_853 : i1 to i32
    %cond3A_855 = arith.constant 0 : i32
    %cond3A_856 = arith.cmpi ne, %convert_element_type3A_854, %cond3A_855 : i32
    scf.if %cond3A_856 {
      %mul3A_857 = arith.constant 16 : i32
      %mul3A_858 = arith.muli %arg1, %mul3A_857 : i32
      %mul3A_859 = arith.constant 16 : i32
      %mul3A_860 = arith.muli %arg1, %mul3A_859 : i32
      "tpu.region"() ({
        %run_scoped3A = tpu.sem_alloc : memref<!tpu.dma_semaphore, #tpu.memory_space<semaphore_mem>>
        %dma_start3A = arith.constant 0 : i32
        %dma_start3A_861 = tpu.memref_slice %arg7[%arg0, %mul3A_860, %dma_start3A] : memref<2x80x128xf32, #tpu.memory_space<hbm>> -> memref<1x16x128xf32, #tpu.memory_space<hbm>>
        %dma_start3A_862 = tpu.memref_squeeze %dma_start3A_861 : memref<1x16x128xf32, #tpu.memory_space<hbm>> -> memref<16x128xf32, #tpu.memory_space<hbm>>
        %dma_start3A_863 = arith.constant 0 : i32
        %dma_start3A_864 = tpu.memref_slice %arg19[%mul3A_858, %dma_start3A_863] : memref<80x128xf32, #tpu.memory_space<vmem_shared>> -> memref<16x128xf32, #tpu.memory_space<vmem_shared>>
        tpu.enqueue_dma source(%dma_start3A_864 : memref<16x128xf32, #tpu.memory_space<vmem_shared>>) target(%dma_start3A_862 : memref<16x128xf32, #tpu.memory_space<hbm>>) target_semaphore(%run_scoped3A : memref<!tpu.dma_semaphore, #tpu.memory_space<semaphore_mem>>)
        %dma_wait3A_865 = arith.constant 0 : i32
        %dma_wait3A_866 = tpu.memref_slice %arg7[%arg0, %mul3A_860, %dma_wait3A_865] : memref<2x80x128xf32, #tpu.memory_space<hbm>> -> memref<1x16x128xf32, #tpu.memory_space<hbm>>
        %dma_wait3A_867 = tpu.memref_squeeze %dma_wait3A_866 : memref<1x16x128xf32, #tpu.memory_space<hbm>> -> memref<16x128xf32, #tpu.memory_space<hbm>>
        %dma_wait3A_868 = arith.constant 0 : i32
        %dma_wait3A_869 = tpu.memref_slice %arg19[%mul3A_858, %dma_wait3A_868] : memref<80x128xf32, #tpu.memory_space<vmem_shared>> -> memref<16x128xf32, #tpu.memory_space<vmem_shared>>
        tpu.wait_dma2 semaphore(%run_scoped3A : memref<!tpu.dma_semaphore, #tpu.memory_space<semaphore_mem>>) src(%dma_wait3A_869 : memref<16x128xf32, #tpu.memory_space<vmem_shared>>) dst(%dma_wait3A_867 : memref<16x128xf32, #tpu.memory_space<hbm>>)
        tpu.yield
      }) : () -> ()
    } else {
    }
    return
  }
}

module attributes {stable_mosaic.version = 14 : i64} {
  func.func @_a0_body(%arg0: i32, %arg1: memref<400x128xf32, #tpu.memory_space<vmem>>, %arg2: memref<128x128xf32, #tpu.memory_space<vmem>>, %arg3: memref<8x128xf32, #tpu.memory_space<vmem>>) attributes {dimension_semantics = [#tpu.dimension_semantics<arbitrary>], iteration_bounds = array<i64: 25>, scalar_prefetch = 0 : i64, scratch_operands = 0 : i64, tpu.core_type = #tpu.core_type<tc>, window_params = [{transform_indices = @transform_0, window_bounds = array<i64: 400, 128>}, {pipeline_mode = #tpu.pipeline_mode<synchronous>, transform_indices = @transform_1, window_bounds = array<i64: 128, 128>}, {pipeline_mode = #tpu.pipeline_mode<synchronous>, transform_indices = @transform_2, window_bounds = array<i64: 8, 128>}]} {
    %eq3A = arith.constant 0 : i32
    %eq3A_0 = arith.cmpi eq, %arg0, %eq3A : i32
    %convert_element_type3A = arith.extui %eq3A_0 : i1 to i32
    %cond3A = arith.constant 0 : i32
    %cond3A_1 = arith.cmpi ne, %convert_element_type3A, %cond3A : i32
    scf.if %cond3A_1 {
      %broadcast_in_dim3A_20 = arith.constant 0.000000e+00 : f32
      %broadcast_in_dim3A_21 = vector.broadcast %broadcast_in_dim3A_20 : f32 to vector<128x128xf32>
      %swap3A_22 = arith.constant 0 : index
      %swap3A_23 = arith.constant 0 : index
      %swap3A_24 = vector.load %arg2[%swap3A_22, %swap3A_23] : memref<128x128xf32, #tpu.memory_space<vmem>>, vector<128x128xf32>
      tpu.vector_store %arg2[%swap3A_22, %swap3A_23], %broadcast_in_dim3A_21 {strides = array<i32>} : memref<128x128xf32, #tpu.memory_space<vmem>>, vector<128x128xf32>,
      %broadcast_in_dim3A_25 = arith.constant 0.000000e+00 : f32
      %broadcast_in_dim3A_26 = vector.broadcast %broadcast_in_dim3A_25 : f32 to vector<8x128xf32>
      %swap3A_27 = arith.constant 0 : index
      %swap3A_28 = arith.constant 0 : index
      %swap3A_29 = vector.load %arg3[%swap3A_27, %swap3A_28] : memref<8x128xf32, #tpu.memory_space<vmem>>, vector<8x128xf32>
      tpu.vector_store %arg3[%swap3A_27, %swap3A_28], %broadcast_in_dim3A_26 {strides = array<i32>} : memref<8x128xf32, #tpu.memory_space<vmem>>, vector<8x128xf32>,
    } else {
    }
    %get3A = arith.constant 0 : index
    %get3A_2 = arith.constant 0 : index
    %get3A_3 = vector.load %arg1[%get3A, %get3A_2] : memref<400x128xf32, #tpu.memory_space<vmem>>, vector<400x128xf32>
    %get3A_4 = arith.constant 0 : index
    %get3A_5 = arith.constant 0 : index
    %get3A_6 = vector.load %arg2[%get3A_4, %get3A_5] : memref<128x128xf32, #tpu.memory_space<vmem>>, vector<128x128xf32>
    %dot_general3A = arith.constant dense<0.000000e+00> : vector<128x128xf32>
    %dot_general3A_7 = tpu.matmul %get3A_3, %get3A_3, %dot_general3A {dimension_numbers = #tpu.dot_dimension_numbers<[0], [0], [1], [1], [0, 1, 1, 1], [], []>, transpose_lhs_hint = false} : vector<400x128xf32>, vector<400x128xf32>, vector<128x128xf32> -> vector<128x128xf32>
    %add3A = arith.addf %get3A_6, %dot_general3A_7 : vector<128x128xf32>
    %swap3A = arith.constant 0 : index
    %swap3A_8 = arith.constant 0 : index
    %swap3A_9 = vector.load %arg2[%swap3A, %swap3A_8] : memref<128x128xf32, #tpu.memory_space<vmem>>, vector<128x128xf32>
    tpu.vector_store %arg2[%swap3A, %swap3A_8], %add3A {strides = array<i32>} : memref<128x128xf32, #tpu.memory_space<vmem>>, vector<128x128xf32>,
    %get3A_10 = arith.constant 0 : index
    %get3A_11 = arith.constant 0 : index
    %get3A_12 = vector.load %arg3[%get3A_10, %get3A_11] : memref<8x128xf32, #tpu.memory_space<vmem>>, vector<8x128xf32>
    %reduce_sum3A = arith.constant dense<0.000000e+00> : vector<128xf32>
    %reduce_sum3A_13 = vector.multi_reduction <add>, %get3A_3, %reduce_sum3A [0] : vector<400x128xf32> to vector<128xf32>
    %broadcast_in_dim3A = vector.shape_cast %reduce_sum3A_13 : vector<128xf32> to vector<1x128xf32>
    %broadcast_in_dim3A_14 = vector.shape_cast %broadcast_in_dim3A : vector<1x128xf32> to vector<1x128xf32>
    %broadcast_in_dim3A_15 = vector.broadcast %broadcast_in_dim3A_14 : vector<1x128xf32> to vector<8x128xf32>
    %add3A_16 = arith.addf %get3A_12, %broadcast_in_dim3A_15 : vector<8x128xf32>
    %swap3A_17 = arith.constant 0 : index
    %swap3A_18 = arith.constant 0 : index
    %swap3A_19 = vector.load %arg3[%swap3A_17, %swap3A_18] : memref<8x128xf32, #tpu.memory_space<vmem>>, vector<8x128xf32>
    tpu.vector_store %arg3[%swap3A_17, %swap3A_18], %add3A_16 {strides = array<i32>} : memref<8x128xf32, #tpu.memory_space<vmem>>, vector<8x128xf32>,
    return
  }
  func.func @transform_0(%arg0: i32) -> (i32, i32) {
    %c0_i32 = arith.constant 0 : i32
    %c0_i32_0 = arith.constant 0 : i32
    return %arg0, %c0_i32 : i32, i32
  }
  func.func @transform_1(%arg0: i32) -> (i32, i32) {
    %c0_i32 = arith.constant 0 : i32
    %c0_i32_0 = arith.constant 0 : i32
    %c0_i32_1 = arith.constant 0 : i32
    return %c0_i32, %c0_i32_0 : i32, i32
  }
  func.func @transform_2(%arg0: i32) -> (i32, i32) {
    %c0_i32 = arith.constant 0 : i32
    %c0_i32_0 = arith.constant 0 : i32
    %c0_i32_1 = arith.constant 0 : i32
    return %c0_i32, %c0_i32_0 : i32, i32
  }
}

module attributes {stable_mosaic.version = 14 : i64} {
  func.func @_a1_body(%arg0: i32, %arg1: memref<400x128xf32, #tpu.memory_space<vmem>>, %arg2: memref<128x128xf32, #tpu.memory_space<vmem>>, %arg3: memref<8x128xf32, #tpu.memory_space<vmem>>, %arg4: memref<128x128xf32, #tpu.memory_space<vmem>>, %arg5: memref<1x128xf32, #tpu.memory_space<vmem>>, %arg6: memref<1x128xf32, #tpu.memory_space<vmem>>, %arg7: memref<1x128xf32, #tpu.memory_space<vmem>>, %arg8: memref<128x8xf32, #tpu.memory_space<vmem>>, %arg9: memref<1x8xf32, #tpu.memory_space<vmem>>, %arg10: memref<128x1024xf32, #tpu.memory_space<vmem>>, %arg11: memref<400x128xf32, #tpu.memory_space<vmem>>, %arg12: memref<400x640xi32, #tpu.memory_space<vmem>>, %arg13: memref<400x128xf32, #tpu.memory_space<vmem>>) attributes {dimension_semantics = [#tpu.dimension_semantics<arbitrary>], iteration_bounds = array<i64: 25>, scalar_prefetch = 0 : i64, scratch_operands = 0 : i64, tpu.core_type = #tpu.core_type<tc>, window_params = [{transform_indices = @transform_0, window_bounds = array<i64: 400, 128>}, {pipeline_mode = #tpu.pipeline_mode<synchronous>, transform_indices = @transform_1, window_bounds = array<i64: 128, 128>}, {pipeline_mode = #tpu.pipeline_mode<synchronous>, transform_indices = @transform_2, window_bounds = array<i64: 8, 128>}, {pipeline_mode = #tpu.pipeline_mode<synchronous>, transform_indices = @transform_3, window_bounds = array<i64: 128, 128>}, {pipeline_mode = #tpu.pipeline_mode<synchronous>, transform_indices = @transform_4, window_bounds = array<i64: 1, 128>}, {pipeline_mode = #tpu.pipeline_mode<synchronous>, transform_indices = @transform_5, window_bounds = array<i64: 1, 128>}, {pipeline_mode = #tpu.pipeline_mode<synchronous>, transform_indices = @transform_6, window_bounds = array<i64: 1, 128>}, {pipeline_mode = #tpu.pipeline_mode<synchronous>, transform_indices = @transform_7, window_bounds = array<i64: 128, 8>}, {pipeline_mode = #tpu.pipeline_mode<synchronous>, transform_indices = @transform_8, window_bounds = array<i64: 1, 8>}, {pipeline_mode = #tpu.pipeline_mode<synchronous>, transform_indices = @transform_9, window_bounds = array<i64: 128, 1024>}, {transform_indices = @transform_10, window_bounds = array<i64: 400, 128>}, {transform_indices = @transform_11, window_bounds = array<i64: 400, 640>}, {transform_indices = @transform_12, window_bounds = array<i64: 400, 128>}]} {
    %get3A = arith.constant 0 : index
    %get3A_0 = arith.constant 0 : index
    %get3A_1 = vector.load %arg1[%get3A, %get3A_0] : memref<400x128xf32, #tpu.memory_space<vmem>>, vector<400x128xf32>
    %get3A_2 = arith.constant 0 : index
    %get3A_3 = arith.constant 0 : index
    %get3A_4 = vector.load %arg4[%get3A_2, %get3A_3] : memref<128x128xf32, #tpu.memory_space<vmem>>, vector<128x128xf32>
    %get3A_5 = arith.constant 0 : index
    %get3A_6 = arith.constant 0 : index
    %get3A_7 = vector.load %arg5[%get3A_5, %get3A_6] : memref<1x128xf32, #tpu.memory_space<vmem>>, vector<1x128xf32>
    %dot_general3A = arith.constant dense<0.000000e+00> : vector<400x128xf32>
    %dot_general3A_8 = tpu.matmul %get3A_1, %get3A_4, %dot_general3A {dimension_numbers = #tpu.dot_dimension_numbers<[1], [1], [0], [0], [0, 0, 1, 0], [], []>, transpose_lhs_hint = false} : vector<400x128xf32>, vector<128x128xf32>, vector<400x128xf32> -> vector<400x128xf32>
    %add3A = vector.broadcast %get3A_7 : vector<1x128xf32> to vector<400x128xf32>
    %add3A_9 = arith.addf %dot_general3A_8, %add3A : vector<400x128xf32>
    %get3A_10 = arith.constant 0 : index
    %get3A_11 = arith.constant 0 : index
    %get3A_12 = vector.load %arg3[%get3A_10, %get3A_11] : memref<8x128xf32, #tpu.memory_space<vmem>>, vector<1x128xf32>
    %mul3A = arith.constant 9.99999974E-5 : f32
    %mul3A_13 = vector.broadcast %mul3A : f32 to vector<1x128xf32>
    %mul3A_14 = arith.mulf %get3A_12, %mul3A_13 : vector<1x128xf32>
    %dot_general3A_15 = arith.constant dense<0.000000e+00> : vector<1x128xf32>
    %dot_general3A_16 = tpu.matmul %mul3A_14, %get3A_4, %dot_general3A_15 {dimension_numbers = #tpu.dot_dimension_numbers<[1], [1], [0], [0], [0, 0, 1, 0], [], []>, transpose_lhs_hint = false} : vector<1x128xf32>, vector<128x128xf32>, vector<1x128xf32> -> vector<1x128xf32>
    %add3A_17 = arith.addf %dot_general3A_16, %get3A_7 : vector<1x128xf32>
    %get3A_18 = arith.constant 0 : index
    %get3A_19 = arith.constant 0 : index
    %get3A_20 = vector.load %arg2[%get3A_18, %get3A_19] : memref<128x128xf32, #tpu.memory_space<vmem>>, vector<128x128xf32>
    %mul3A_21 = arith.constant 9.99999974E-5 : f32
    %mul3A_22 = vector.broadcast %mul3A_21 : f32 to vector<128x128xf32>
    %mul3A_23 = arith.mulf %get3A_20, %mul3A_22 : vector<128x128xf32>
    %dot_general3A_24 = arith.constant dense<0.000000e+00> : vector<128x128xf32>
    %dot_general3A_25 = tpu.matmul %get3A_4, %mul3A_23, %dot_general3A_24 {dimension_numbers = #tpu.dot_dimension_numbers<[1], [0], [0], [1], [0, 0, 1, 1], [], []>, transpose_lhs_hint = false} : vector<128x128xf32>, vector<128x128xf32>, vector<128x128xf32> -> vector<128x128xf32>
    %mul3A_26 = arith.mulf %dot_general3A_25, %get3A_4 : vector<128x128xf32>
    %reduce_sum3A = arith.constant dense<0.000000e+00> : vector<128xf32>
    %reduce_sum3A_27 = vector.multi_reduction <add>, %mul3A_26, %reduce_sum3A [1] : vector<128x128xf32> to vector<128xf32>
    %broadcast_in_dim3A = vector.shape_cast %reduce_sum3A_27 : vector<128xf32> to vector<128x1xf32>
    %transpose3A = tpu.transpose %broadcast_in_dim3A, [1, 0] : vector<128x1xf32> -> vector<1x128xf32>
    %mul3A_28 = arith.mulf %dot_general3A_16, %dot_general3A_16 : vector<1x128xf32>
    %sub3A = arith.subf %transpose3A, %mul3A_28 : vector<1x128xf32>
    %sub3A_29 = vector.broadcast %add3A_17 : vector<1x128xf32> to vector<400x128xf32>
    %sub3A_30 = arith.subf %add3A_9, %sub3A_29 : vector<400x128xf32>
    %add3A_31 = arith.constant 9.99999974E-6 : f32
    %add3A_32 = vector.broadcast %add3A_31 : f32 to vector<1x128xf32>
    %add3A_33 = arith.addf %sub3A, %add3A_32 : vector<1x128xf32>
    %rsqrt3A = math.rsqrt %add3A_33 : vector<1x128xf32>
    %mul3A_34 = vector.broadcast %rsqrt3A : vector<1x128xf32> to vector<400x128xf32>
    %mul3A_35 = arith.mulf %sub3A_30, %mul3A_34 : vector<400x128xf32>
    %get3A_36 = arith.constant 0 : index
    %get3A_37 = arith.constant 0 : index
    %get3A_38 = vector.load %arg6[%get3A_36, %get3A_37] : memref<1x128xf32, #tpu.memory_space<vmem>>, vector<1x128xf32>
    %mul3A_39 = vector.broadcast %get3A_38 : vector<1x128xf32> to vector<400x128xf32>
    %mul3A_40 = arith.mulf %mul3A_35, %mul3A_39 : vector<400x128xf32>
    %get3A_41 = arith.constant 0 : index
    %get3A_42 = arith.constant 0 : index
    %get3A_43 = vector.load %arg7[%get3A_41, %get3A_42] : memref<1x128xf32, #tpu.memory_space<vmem>>, vector<1x128xf32>
    %add3A_44 = vector.broadcast %get3A_43 : vector<1x128xf32> to vector<400x128xf32>
    %add3A_45 = arith.addf %mul3A_40, %add3A_44 : vector<400x128xf32>
    %gt3A = arith.constant 0.000000e+00 : f32
    %gt3A_46 = vector.broadcast %gt3A : f32 to vector<400x128xf32>
    %gt3A_47 = arith.cmpf ogt, %add3A_45, %gt3A_46 : vector<400x128xf32>
    %exp3A = math.exp %add3A_45 : vector<400x128xf32>
    %sub3A_48 = arith.constant 1.000000e+00 : f32
    %sub3A_49 = vector.broadcast %sub3A_48 : f32 to vector<400x128xf32>
    %sub3A_50 = arith.subf %exp3A, %sub3A_49 : vector<400x128xf32>
    %select_n3A = arith.select %gt3A_47, %add3A_45, %sub3A_50 : vector<400x128xi1>, vector<400x128xf32>
    %get3A_51 = arith.constant 0 : index
    %get3A_52 = arith.constant 0 : index
    %get3A_53 = vector.load %arg8[%get3A_51, %get3A_52] : memref<128x8xf32, #tpu.memory_space<vmem>>, vector<128x8xf32>
    %dot_general3A_54 = arith.constant dense<0.000000e+00> : vector<400x8xf32>
    %dot_general3A_55 = tpu.matmul %select_n3A, %get3A_53, %dot_general3A_54 {dimension_numbers = #tpu.dot_dimension_numbers<[1], [0], [0], [1], [0, 0, 1, 1], [], []>, transpose_lhs_hint = false} : vector<400x128xf32>, vector<128x8xf32>, vector<400x8xf32> -> vector<400x8xf32>
    %get3A_56 = arith.constant 0 : index
    %get3A_57 = arith.constant 0 : index
    %get3A_58 = vector.load %arg9[%get3A_56, %get3A_57] : memref<1x8xf32, #tpu.memory_space<vmem>>, vector<1x8xf32>
    %broadcast_in_dim3A_59 = arith.constant 0.000000e+00 : f32
    %broadcast_in_dim3A_60 = vector.broadcast %broadcast_in_dim3A_59 : f32 to vector<400x120xf32>
    %add3A_61 = vector.broadcast %get3A_58 : vector<1x8xf32> to vector<400x8xf32>
    %add3A_62 = arith.addf %dot_general3A_55, %add3A_61 : vector<400x8xf32>
    %concatenate3A = tpu.concatenate %add3A_62, %broadcast_in_dim3A_60 in 1 : vector<400x8xf32>, vector<400x120xf32> -> vector<400x128xf32>
    %swap3A = arith.constant 0 : index
    %swap3A_63 = arith.constant 0 : index
    %swap3A_64 = vector.load %arg11[%swap3A, %swap3A_63] : memref<400x128xf32, #tpu.memory_space<vmem>>, vector<400x128xf32>
    tpu.vector_store %arg11[%swap3A, %swap3A_63], %concatenate3A {strides = array<i32>} : memref<400x128xf32, #tpu.memory_space<vmem>>, vector<400x128xf32>,
    %concatenate3A_65 = tpu.concatenate %dot_general3A_55, %broadcast_in_dim3A_60 in 1 : vector<400x8xf32>, vector<400x120xf32> -> vector<400x128xf32>
    %bitcast_convert_type3A = tpu.bitcast %concatenate3A_65 : vector<400x128xf32> -> vector<400x128xi32>
    %swap3A_66 = arith.constant 0 : index
    %swap3A_67 = arith.constant 512 : index
    %swap3A_68 = vector.load %arg12[%swap3A_66, %swap3A_67] : memref<400x640xi32, #tpu.memory_space<vmem>>, vector<400x128xi32>
    tpu.vector_store %arg12[%swap3A_66, %swap3A_67], %bitcast_convert_type3A {strides = array<i32>} : memref<400x640xi32, #tpu.memory_space<vmem>>, vector<400x128xi32>,
    %reduce_max3A = vector.shape_cast %get3A_58 : vector<1x8xf32> to vector<1x1x8xf32>
    %reduce_max3A_69 = arith.constant dense<0xFF800000> : vector<1xf32>
    %reduce_max3A_70 = vector.multi_reduction <maximumf>, %reduce_max3A, %reduce_max3A_69 [1, 2] : vector<1x1x8xf32> to vector<1xf32>
    %reduce_max3A_71 = vector.shape_cast %reduce_max3A_70 : vector<1xf32> to vector<1x1x1xf32>
    %reduce_max3A_72 = vector.extract %reduce_max3A_71[0, 0, 0] : f32 from vector<1x1x1xf32>
    %sub3A_73 = vector.broadcast %reduce_max3A_72 : f32 to vector<1x8xf32>
    %sub3A_74 = arith.subf %get3A_58, %sub3A_73 : vector<1x8xf32>
    %exp3A_75 = math.exp %sub3A_74 : vector<1x8xf32>
    %reduce_sum3A_76 = vector.shape_cast %exp3A_75 : vector<1x8xf32> to vector<1x1x8xf32>
    %reduce_sum3A_77 = arith.constant dense<0.000000e+00> : vector<1xf32>
    %reduce_sum3A_78 = vector.multi_reduction <add>, %reduce_sum3A_76, %reduce_sum3A_77 [1, 2] : vector<1x1x8xf32> to vector<1xf32>
    %reduce_sum3A_79 = vector.shape_cast %reduce_sum3A_78 : vector<1xf32> to vector<1x1x1xf32>
    %reduce_sum3A_80 = vector.extract %reduce_sum3A_79[0, 0, 0] : f32 from vector<1x1x1xf32>
    %div3A = vector.broadcast %reduce_sum3A_80 : f32 to vector<1x8xf32>
    %div3A_81 = arith.divf %exp3A_75, %div3A : vector<1x8xf32>
    %broadcast_in_dim3A_82 = arith.constant 0.000000e+00 : f32
    %broadcast_in_dim3A_83 = vector.broadcast %broadcast_in_dim3A_82 : f32 to vector<400x128xf32>
    %get3A_84 = arith.constant 0 : index
    %get3A_85 = arith.constant 0 : index
    %get3A_86 = vector.load %arg10[%get3A_84, %get3A_85] : memref<128x1024xf32, #tpu.memory_space<vmem>>, vector<128x128xf32>
    %dot_general3A_87 = arith.constant dense<0.000000e+00> : vector<400x128xf32>
    %dot_general3A_88 = tpu.matmul %select_n3A, %get3A_86, %dot_general3A_87 {dimension_numbers = #tpu.dot_dimension_numbers<[1], [0], [0], [1], [0, 0, 1, 1], [], []>, transpose_lhs_hint = false} : vector<400x128xf32>, vector<128x128xf32>, vector<400x128xf32> -> vector<400x128xf32>
    %slice3A = vector.extract_strided_slice %div3A_81 {offsets = [0, 0], sizes = [1, 1], strides = [1, 1]} : vector<1x8xf32> to vector<1x1xf32>
    %squeeze3A = vector.extract %slice3A[0, 0] : f32 from vector<1x1xf32>
    %mul3A_89 = vector.broadcast %squeeze3A : f32 to vector<400x128xf32>
    %mul3A_90 = arith.mulf %dot_general3A_88, %mul3A_89 : vector<400x128xf32>
    %add3A_91 = arith.addf %broadcast_in_dim3A_83, %mul3A_90 : vector<400x128xf32>
    %convert_element_type3A = arith.truncf %dot_general3A_88 : vector<400x128xf32> to vector<400x128xbf16>
    %slice3A_92 = vector.extract_strided_slice %convert_element_type3A {offsets = [0, 0], sizes = [400, 16], strides = [1, 1]} : vector<400x128xbf16> to vector<400x16xbf16>
    %slice3A_93 = vector.extract_strided_slice %convert_element_type3A {offsets = [0, 32], sizes = [400, 16], strides = [1, 1]} : vector<400x128xbf16> to vector<400x16xbf16>
    %slice3A_94 = vector.extract_strided_slice %convert_element_type3A {offsets = [0, 64], sizes = [400, 16], strides = [1, 1]} : vector<400x128xbf16> to vector<400x16xbf16>
    %slice3A_95 = vector.extract_strided_slice %convert_element_type3A {offsets = [0, 96], sizes = [400, 16], strides = [1, 1]} : vector<400x128xbf16> to vector<400x16xbf16>
    %concatenate3A_96 = tpu.concatenate %slice3A_92, %slice3A_93, %slice3A_94, %slice3A_95 in 1 : vector<400x16xbf16>, vector<400x16xbf16>, vector<400x16xbf16>, vector<400x16xbf16> -> vector<400x64xbf16>
    %slice3A_97 = vector.extract_strided_slice %convert_element_type3A {offsets = [0, 16], sizes = [400, 16], strides = [1, 1]} : vector<400x128xbf16> to vector<400x16xbf16>
    %slice3A_98 = vector.extract_strided_slice %convert_element_type3A {offsets = [0, 48], sizes = [400, 16], strides = [1, 1]} : vector<400x128xbf16> to vector<400x16xbf16>
    %slice3A_99 = vector.extract_strided_slice %convert_element_type3A {offsets = [0, 80], sizes = [400, 16], strides = [1, 1]} : vector<400x128xbf16> to vector<400x16xbf16>
    %slice3A_100 = vector.extract_strided_slice %convert_element_type3A {offsets = [0, 112], sizes = [400, 16], strides = [1, 1]} : vector<400x128xbf16> to vector<400x16xbf16>
    %concatenate3A_101 = tpu.concatenate %slice3A_97, %slice3A_98, %slice3A_99, %slice3A_100 in 1 : vector<400x16xbf16>, vector<400x16xbf16>, vector<400x16xbf16>, vector<400x16xbf16> -> vector<400x64xbf16>
    %bitcast_convert_type3A_102 = tpu.bitcast %concatenate3A_96 : vector<400x64xbf16> -> vector<400x64xi16>
    %convert_element_type3A_103 = arith.extui %bitcast_convert_type3A_102 : vector<400x64xi16> to vector<400x64xi32>
    %bitcast_convert_type3A_104 = tpu.bitcast %concatenate3A_101 : vector<400x64xbf16> -> vector<400x64xi16>
    %convert_element_type3A_105 = arith.extui %bitcast_convert_type3A_104 : vector<400x64xi16> to vector<400x64xi32>
    %shift_left3A = arith.constant 16 : i32
    %shift_left3A_106 = vector.broadcast %shift_left3A : i32 to vector<400x64xi32>
    %shift_left3A_107 = arith.shli %convert_element_type3A_105, %shift_left3A_106 : vector<400x64xi32>
    %or3A = arith.ori %convert_element_type3A_103, %shift_left3A_107 : vector<400x64xi32>
    %swap3A_108 = arith.constant 0 : index
    %swap3A_109 = arith.constant 0 : index
    %swap3A_110 = vector.load %arg12[%swap3A_108, %swap3A_109] : memref<400x640xi32, #tpu.memory_space<vmem>>, vector<400x64xi32>
    tpu.vector_store %arg12[%swap3A_108, %swap3A_109], %or3A {strides = array<i32>} : memref<400x640xi32, #tpu.memory_space<vmem>>, vector<400x64xi32>,
    %get3A_111 = arith.constant 0 : index
    %get3A_112 = arith.constant 128 : index
    %get3A_113 = vector.load %arg10[%get3A_111, %get3A_112] : memref<128x1024xf32, #tpu.memory_space<vmem>>, vector<128x128xf32>
    %dot_general3A_114 = arith.constant dense<0.000000e+00> : vector<400x128xf32>
    %dot_general3A_115 = tpu.matmul %select_n3A, %get3A_113, %dot_general3A_114 {dimension_numbers = #tpu.dot_dimension_numbers<[1], [0], [0], [1], [0, 0, 1, 1], [], []>, transpose_lhs_hint = false} : vector<400x128xf32>, vector<128x128xf32>, vector<400x128xf32> -> vector<400x128xf32>
    %slice3A_116 = vector.extract_strided_slice %div3A_81 {offsets = [0, 1], sizes = [1, 1], strides = [1, 1]} : vector<1x8xf32> to vector<1x1xf32>
    %squeeze3A_117 = vector.extract %slice3A_116[0, 0] : f32 from vector<1x1xf32>
    %mul3A_118 = vector.broadcast %squeeze3A_117 : f32 to vector<400x128xf32>
    %mul3A_119 = arith.mulf %dot_general3A_115, %mul3A_118 : vector<400x128xf32>
    %add3A_120 = arith.addf %add3A_91, %mul3A_119 : vector<400x128xf32>
    %convert_element_type3A_121 = arith.truncf %dot_general3A_115 : vector<400x128xf32> to vector<400x128xbf16>
    %slice3A_122 = vector.extract_strided_slice %convert_element_type3A_121 {offsets = [0, 0], sizes = [400, 16], strides = [1, 1]} : vector<400x128xbf16> to vector<400x16xbf16>
    %slice3A_123 = vector.extract_strided_slice %convert_element_type3A_121 {offsets = [0, 32], sizes = [400, 16], strides = [1, 1]} : vector<400x128xbf16> to vector<400x16xbf16>
    %slice3A_124 = vector.extract_strided_slice %convert_element_type3A_121 {offsets = [0, 64], sizes = [400, 16], strides = [1, 1]} : vector<400x128xbf16> to vector<400x16xbf16>
    %slice3A_125 = vector.extract_strided_slice %convert_element_type3A_121 {offsets = [0, 96], sizes = [400, 16], strides = [1, 1]} : vector<400x128xbf16> to vector<400x16xbf16>
    %concatenate3A_126 = tpu.concatenate %slice3A_122, %slice3A_123, %slice3A_124, %slice3A_125 in 1 : vector<400x16xbf16>, vector<400x16xbf16>, vector<400x16xbf16>, vector<400x16xbf16> -> vector<400x64xbf16>
    %slice3A_127 = vector.extract_strided_slice %convert_element_type3A_121 {offsets = [0, 16], sizes = [400, 16], strides = [1, 1]} : vector<400x128xbf16> to vector<400x16xbf16>
    %slice3A_128 = vector.extract_strided_slice %convert_element_type3A_121 {offsets = [0, 48], sizes = [400, 16], strides = [1, 1]} : vector<400x128xbf16> to vector<400x16xbf16>
    %slice3A_129 = vector.extract_strided_slice %convert_element_type3A_121 {offsets = [0, 80], sizes = [400, 16], strides = [1, 1]} : vector<400x128xbf16> to vector<400x16xbf16>
    %slice3A_130 = vector.extract_strided_slice %convert_element_type3A_121 {offsets = [0, 112], sizes = [400, 16], strides = [1, 1]} : vector<400x128xbf16> to vector<400x16xbf16>
    %concatenate3A_131 = tpu.concatenate %slice3A_127, %slice3A_128, %slice3A_129, %slice3A_130 in 1 : vector<400x16xbf16>, vector<400x16xbf16>, vector<400x16xbf16>, vector<400x16xbf16> -> vector<400x64xbf16>
    %bitcast_convert_type3A_132 = tpu.bitcast %concatenate3A_126 : vector<400x64xbf16> -> vector<400x64xi16>
    %convert_element_type3A_133 = arith.extui %bitcast_convert_type3A_132 : vector<400x64xi16> to vector<400x64xi32>
    %bitcast_convert_type3A_134 = tpu.bitcast %concatenate3A_131 : vector<400x64xbf16> -> vector<400x64xi16>
    %convert_element_type3A_135 = arith.extui %bitcast_convert_type3A_134 : vector<400x64xi16> to vector<400x64xi32>
    %shift_left3A_136 = arith.constant 16 : i32
    %shift_left3A_137 = vector.broadcast %shift_left3A_136 : i32 to vector<400x64xi32>
    %shift_left3A_138 = arith.shli %convert_element_type3A_135, %shift_left3A_137 : vector<400x64xi32>
    %or3A_139 = arith.ori %convert_element_type3A_133, %shift_left3A_138 : vector<400x64xi32>
    %swap3A_140 = arith.constant 0 : index
    %swap3A_141 = arith.constant 64 : index
    %swap3A_142 = vector.load %arg12[%swap3A_140, %swap3A_141] : memref<400x640xi32, #tpu.memory_space<vmem>>, vector<400x64xi32>
    tpu.vector_store %arg12[%swap3A_140, %swap3A_141], %or3A_139 {strides = array<i32>} : memref<400x640xi32, #tpu.memory_space<vmem>>, vector<400x64xi32>,
    %get3A_143 = arith.constant 0 : index
    %get3A_144 = arith.constant 256 : index
    %get3A_145 = vector.load %arg10[%get3A_143, %get3A_144] : memref<128x1024xf32, #tpu.memory_space<vmem>>, vector<128x128xf32>
    %dot_general3A_146 = arith.constant dense<0.000000e+00> : vector<400x128xf32>
    %dot_general3A_147 = tpu.matmul %select_n3A, %get3A_145, %dot_general3A_146 {dimension_numbers = #tpu.dot_dimension_numbers<[1], [0], [0], [1], [0, 0, 1, 1], [], []>, transpose_lhs_hint = false} : vector<400x128xf32>, vector<128x128xf32>, vector<400x128xf32> -> vector<400x128xf32>
    %slice3A_148 = vector.extract_strided_slice %div3A_81 {offsets = [0, 2], sizes = [1, 1], strides = [1, 1]} : vector<1x8xf32> to vector<1x1xf32>
    %squeeze3A_149 = vector.extract %slice3A_148[0, 0] : f32 from vector<1x1xf32>
    %mul3A_150 = vector.broadcast %squeeze3A_149 : f32 to vector<400x128xf32>
    %mul3A_151 = arith.mulf %dot_general3A_147, %mul3A_150 : vector<400x128xf32>
    %add3A_152 = arith.addf %add3A_120, %mul3A_151 : vector<400x128xf32>
    %convert_element_type3A_153 = arith.truncf %dot_general3A_147 : vector<400x128xf32> to vector<400x128xbf16>
    %slice3A_154 = vector.extract_strided_slice %convert_element_type3A_153 {offsets = [0, 0], sizes = [400, 16], strides = [1, 1]} : vector<400x128xbf16> to vector<400x16xbf16>
    %slice3A_155 = vector.extract_strided_slice %convert_element_type3A_153 {offsets = [0, 32], sizes = [400, 16], strides = [1, 1]} : vector<400x128xbf16> to vector<400x16xbf16>
    %slice3A_156 = vector.extract_strided_slice %convert_element_type3A_153 {offsets = [0, 64], sizes = [400, 16], strides = [1, 1]} : vector<400x128xbf16> to vector<400x16xbf16>
    %slice3A_157 = vector.extract_strided_slice %convert_element_type3A_153 {offsets = [0, 96], sizes = [400, 16], strides = [1, 1]} : vector<400x128xbf16> to vector<400x16xbf16>
    %concatenate3A_158 = tpu.concatenate %slice3A_154, %slice3A_155, %slice3A_156, %slice3A_157 in 1 : vector<400x16xbf16>, vector<400x16xbf16>, vector<400x16xbf16>, vector<400x16xbf16> -> vector<400x64xbf16>
    %slice3A_159 = vector.extract_strided_slice %convert_element_type3A_153 {offsets = [0, 16], sizes = [400, 16], strides = [1, 1]} : vector<400x128xbf16> to vector<400x16xbf16>
    %slice3A_160 = vector.extract_strided_slice %convert_element_type3A_153 {offsets = [0, 48], sizes = [400, 16], strides = [1, 1]} : vector<400x128xbf16> to vector<400x16xbf16>
    %slice3A_161 = vector.extract_strided_slice %convert_element_type3A_153 {offsets = [0, 80], sizes = [400, 16], strides = [1, 1]} : vector<400x128xbf16> to vector<400x16xbf16>
    %slice3A_162 = vector.extract_strided_slice %convert_element_type3A_153 {offsets = [0, 112], sizes = [400, 16], strides = [1, 1]} : vector<400x128xbf16> to vector<400x16xbf16>
    %concatenate3A_163 = tpu.concatenate %slice3A_159, %slice3A_160, %slice3A_161, %slice3A_162 in 1 : vector<400x16xbf16>, vector<400x16xbf16>, vector<400x16xbf16>, vector<400x16xbf16> -> vector<400x64xbf16>
    %bitcast_convert_type3A_164 = tpu.bitcast %concatenate3A_158 : vector<400x64xbf16> -> vector<400x64xi16>
    %convert_element_type3A_165 = arith.extui %bitcast_convert_type3A_164 : vector<400x64xi16> to vector<400x64xi32>
    %bitcast_convert_type3A_166 = tpu.bitcast %concatenate3A_163 : vector<400x64xbf16> -> vector<400x64xi16>
    %convert_element_type3A_167 = arith.extui %bitcast_convert_type3A_166 : vector<400x64xi16> to vector<400x64xi32>
    %shift_left3A_168 = arith.constant 16 : i32
    %shift_left3A_169 = vector.broadcast %shift_left3A_168 : i32 to vector<400x64xi32>
    %shift_left3A_170 = arith.shli %convert_element_type3A_167, %shift_left3A_169 : vector<400x64xi32>
    %or3A_171 = arith.ori %convert_element_type3A_165, %shift_left3A_170 : vector<400x64xi32>
    %swap3A_172 = arith.constant 0 : index
    %swap3A_173 = arith.constant 128 : index
    %swap3A_174 = vector.load %arg12[%swap3A_172, %swap3A_173] : memref<400x640xi32, #tpu.memory_space<vmem>>, vector<400x64xi32>
    tpu.vector_store %arg12[%swap3A_172, %swap3A_173], %or3A_171 {strides = array<i32>} : memref<400x640xi32, #tpu.memory_space<vmem>>, vector<400x64xi32>,
    %get3A_175 = arith.constant 0 : index
    %get3A_176 = arith.constant 384 : index
    %get3A_177 = vector.load %arg10[%get3A_175, %get3A_176] : memref<128x1024xf32, #tpu.memory_space<vmem>>, vector<128x128xf32>
    %dot_general3A_178 = arith.constant dense<0.000000e+00> : vector<400x128xf32>
    %dot_general3A_179 = tpu.matmul %select_n3A, %get3A_177, %dot_general3A_178 {dimension_numbers = #tpu.dot_dimension_numbers<[1], [0], [0], [1], [0, 0, 1, 1], [], []>, transpose_lhs_hint = false} : vector<400x128xf32>, vector<128x128xf32>, vector<400x128xf32> -> vector<400x128xf32>
    %slice3A_180 = vector.extract_strided_slice %div3A_81 {offsets = [0, 3], sizes = [1, 1], strides = [1, 1]} : vector<1x8xf32> to vector<1x1xf32>
    %squeeze3A_181 = vector.extract %slice3A_180[0, 0] : f32 from vector<1x1xf32>
    %mul3A_182 = vector.broadcast %squeeze3A_181 : f32 to vector<400x128xf32>
    %mul3A_183 = arith.mulf %dot_general3A_179, %mul3A_182 : vector<400x128xf32>
    %add3A_184 = arith.addf %add3A_152, %mul3A_183 : vector<400x128xf32>
    %convert_element_type3A_185 = arith.truncf %dot_general3A_179 : vector<400x128xf32> to vector<400x128xbf16>
    %slice3A_186 = vector.extract_strided_slice %convert_element_type3A_185 {offsets = [0, 0], sizes = [400, 16], strides = [1, 1]} : vector<400x128xbf16> to vector<400x16xbf16>
    %slice3A_187 = vector.extract_strided_slice %convert_element_type3A_185 {offsets = [0, 32], sizes = [400, 16], strides = [1, 1]} : vector<400x128xbf16> to vector<400x16xbf16>
    %slice3A_188 = vector.extract_strided_slice %convert_element_type3A_185 {offsets = [0, 64], sizes = [400, 16], strides = [1, 1]} : vector<400x128xbf16> to vector<400x16xbf16>
    %slice3A_189 = vector.extract_strided_slice %convert_element_type3A_185 {offsets = [0, 96], sizes = [400, 16], strides = [1, 1]} : vector<400x128xbf16> to vector<400x16xbf16>
    %concatenate3A_190 = tpu.concatenate %slice3A_186, %slice3A_187, %slice3A_188, %slice3A_189 in 1 : vector<400x16xbf16>, vector<400x16xbf16>, vector<400x16xbf16>, vector<400x16xbf16> -> vector<400x64xbf16>
    %slice3A_191 = vector.extract_strided_slice %convert_element_type3A_185 {offsets = [0, 16], sizes = [400, 16], strides = [1, 1]} : vector<400x128xbf16> to vector<400x16xbf16>
    %slice3A_192 = vector.extract_strided_slice %convert_element_type3A_185 {offsets = [0, 48], sizes = [400, 16], strides = [1, 1]} : vector<400x128xbf16> to vector<400x16xbf16>
    %slice3A_193 = vector.extract_strided_slice %convert_element_type3A_185 {offsets = [0, 80], sizes = [400, 16], strides = [1, 1]} : vector<400x128xbf16> to vector<400x16xbf16>
    %slice3A_194 = vector.extract_strided_slice %convert_element_type3A_185 {offsets = [0, 112], sizes = [400, 16], strides = [1, 1]} : vector<400x128xbf16> to vector<400x16xbf16>
    %concatenate3A_195 = tpu.concatenate %slice3A_191, %slice3A_192, %slice3A_193, %slice3A_194 in 1 : vector<400x16xbf16>, vector<400x16xbf16>, vector<400x16xbf16>, vector<400x16xbf16> -> vector<400x64xbf16>
    %bitcast_convert_type3A_196 = tpu.bitcast %concatenate3A_190 : vector<400x64xbf16> -> vector<400x64xi16>
    %convert_element_type3A_197 = arith.extui %bitcast_convert_type3A_196 : vector<400x64xi16> to vector<400x64xi32>
    %bitcast_convert_type3A_198 = tpu.bitcast %concatenate3A_195 : vector<400x64xbf16> -> vector<400x64xi16>
    %convert_element_type3A_199 = arith.extui %bitcast_convert_type3A_198 : vector<400x64xi16> to vector<400x64xi32>
    %shift_left3A_200 = arith.constant 16 : i32
    %shift_left3A_201 = vector.broadcast %shift_left3A_200 : i32 to vector<400x64xi32>
    %shift_left3A_202 = arith.shli %convert_element_type3A_199, %shift_left3A_201 : vector<400x64xi32>
    %or3A_203 = arith.ori %convert_element_type3A_197, %shift_left3A_202 : vector<400x64xi32>
    %swap3A_204 = arith.constant 0 : index
    %swap3A_205 = arith.constant 192 : index
    %swap3A_206 = vector.load %arg12[%swap3A_204, %swap3A_205] : memref<400x640xi32, #tpu.memory_space<vmem>>, vector<400x64xi32>
    tpu.vector_store %arg12[%swap3A_204, %swap3A_205], %or3A_203 {strides = array<i32>} : memref<400x640xi32, #tpu.memory_space<vmem>>, vector<400x64xi32>,
    %get3A_207 = arith.constant 0 : index
    %get3A_208 = arith.constant 512 : index
    %get3A_209 = vector.load %arg10[%get3A_207, %get3A_208] : memref<128x1024xf32, #tpu.memory_space<vmem>>, vector<128x128xf32>
    %dot_general3A_210 = arith.constant dense<0.000000e+00> : vector<400x128xf32>
    %dot_general3A_211 = tpu.matmul %select_n3A, %get3A_209, %dot_general3A_210 {dimension_numbers = #tpu.dot_dimension_numbers<[1], [0], [0], [1], [0, 0, 1, 1], [], []>, transpose_lhs_hint = false} : vector<400x128xf32>, vector<128x128xf32>, vector<400x128xf32> -> vector<400x128xf32>
    %slice3A_212 = vector.extract_strided_slice %div3A_81 {offsets = [0, 4], sizes = [1, 1], strides = [1, 1]} : vector<1x8xf32> to vector<1x1xf32>
    %squeeze3A_213 = vector.extract %slice3A_212[0, 0] : f32 from vector<1x1xf32>
    %mul3A_214 = vector.broadcast %squeeze3A_213 : f32 to vector<400x128xf32>
    %mul3A_215 = arith.mulf %dot_general3A_211, %mul3A_214 : vector<400x128xf32>
    %add3A_216 = arith.addf %add3A_184, %mul3A_215 : vector<400x128xf32>
    %convert_element_type3A_217 = arith.truncf %dot_general3A_211 : vector<400x128xf32> to vector<400x128xbf16>
    %slice3A_218 = vector.extract_strided_slice %convert_element_type3A_217 {offsets = [0, 0], sizes = [400, 16], strides = [1, 1]} : vector<400x128xbf16> to vector<400x16xbf16>
    %slice3A_219 = vector.extract_strided_slice %convert_element_type3A_217 {offsets = [0, 32], sizes = [400, 16], strides = [1, 1]} : vector<400x128xbf16> to vector<400x16xbf16>
    %slice3A_220 = vector.extract_strided_slice %convert_element_type3A_217 {offsets = [0, 64], sizes = [400, 16], strides = [1, 1]} : vector<400x128xbf16> to vector<400x16xbf16>
    %slice3A_221 = vector.extract_strided_slice %convert_element_type3A_217 {offsets = [0, 96], sizes = [400, 16], strides = [1, 1]} : vector<400x128xbf16> to vector<400x16xbf16>
    %concatenate3A_222 = tpu.concatenate %slice3A_218, %slice3A_219, %slice3A_220, %slice3A_221 in 1 : vector<400x16xbf16>, vector<400x16xbf16>, vector<400x16xbf16>, vector<400x16xbf16> -> vector<400x64xbf16>
    %slice3A_223 = vector.extract_strided_slice %convert_element_type3A_217 {offsets = [0, 16], sizes = [400, 16], strides = [1, 1]} : vector<400x128xbf16> to vector<400x16xbf16>
    %slice3A_224 = vector.extract_strided_slice %convert_element_type3A_217 {offsets = [0, 48], sizes = [400, 16], strides = [1, 1]} : vector<400x128xbf16> to vector<400x16xbf16>
    %slice3A_225 = vector.extract_strided_slice %convert_element_type3A_217 {offsets = [0, 80], sizes = [400, 16], strides = [1, 1]} : vector<400x128xbf16> to vector<400x16xbf16>
    %slice3A_226 = vector.extract_strided_slice %convert_element_type3A_217 {offsets = [0, 112], sizes = [400, 16], strides = [1, 1]} : vector<400x128xbf16> to vector<400x16xbf16>
    %concatenate3A_227 = tpu.concatenate %slice3A_223, %slice3A_224, %slice3A_225, %slice3A_226 in 1 : vector<400x16xbf16>, vector<400x16xbf16>, vector<400x16xbf16>, vector<400x16xbf16> -> vector<400x64xbf16>
    %bitcast_convert_type3A_228 = tpu.bitcast %concatenate3A_222 : vector<400x64xbf16> -> vector<400x64xi16>
    %convert_element_type3A_229 = arith.extui %bitcast_convert_type3A_228 : vector<400x64xi16> to vector<400x64xi32>
    %bitcast_convert_type3A_230 = tpu.bitcast %concatenate3A_227 : vector<400x64xbf16> -> vector<400x64xi16>
    %convert_element_type3A_231 = arith.extui %bitcast_convert_type3A_230 : vector<400x64xi16> to vector<400x64xi32>
    %shift_left3A_232 = arith.constant 16 : i32
    %shift_left3A_233 = vector.broadcast %shift_left3A_232 : i32 to vector<400x64xi32>
    %shift_left3A_234 = arith.shli %convert_element_type3A_231, %shift_left3A_233 : vector<400x64xi32>
    %or3A_235 = arith.ori %convert_element_type3A_229, %shift_left3A_234 : vector<400x64xi32>
    %swap3A_236 = arith.constant 0 : index
    %swap3A_237 = arith.constant 256 : index
    %swap3A_238 = vector.load %arg12[%swap3A_236, %swap3A_237] : memref<400x640xi32, #tpu.memory_space<vmem>>, vector<400x64xi32>
    tpu.vector_store %arg12[%swap3A_236, %swap3A_237], %or3A_235 {strides = array<i32>} : memref<400x640xi32, #tpu.memory_space<vmem>>, vector<400x64xi32>,
    %get3A_239 = arith.constant 0 : index
    %get3A_240 = arith.constant 640 : index
    %get3A_241 = vector.load %arg10[%get3A_239, %get3A_240] : memref<128x1024xf32, #tpu.memory_space<vmem>>, vector<128x128xf32>
    %dot_general3A_242 = arith.constant dense<0.000000e+00> : vector<400x128xf32>
    %dot_general3A_243 = tpu.matmul %select_n3A, %get3A_241, %dot_general3A_242 {dimension_numbers = #tpu.dot_dimension_numbers<[1], [0], [0], [1], [0, 0, 1, 1], [], []>, transpose_lhs_hint = false} : vector<400x128xf32>, vector<128x128xf32>, vector<400x128xf32> -> vector<400x128xf32>
    %slice3A_244 = vector.extract_strided_slice %div3A_81 {offsets = [0, 5], sizes = [1, 1], strides = [1, 1]} : vector<1x8xf32> to vector<1x1xf32>
    %squeeze3A_245 = vector.extract %slice3A_244[0, 0] : f32 from vector<1x1xf32>
    %mul3A_246 = vector.broadcast %squeeze3A_245 : f32 to vector<400x128xf32>
    %mul3A_247 = arith.mulf %dot_general3A_243, %mul3A_246 : vector<400x128xf32>
    %add3A_248 = arith.addf %add3A_216, %mul3A_247 : vector<400x128xf32>
    %convert_element_type3A_249 = arith.truncf %dot_general3A_243 : vector<400x128xf32> to vector<400x128xbf16>
    %slice3A_250 = vector.extract_strided_slice %convert_element_type3A_249 {offsets = [0, 0], sizes = [400, 16], strides = [1, 1]} : vector<400x128xbf16> to vector<400x16xbf16>
    %slice3A_251 = vector.extract_strided_slice %convert_element_type3A_249 {offsets = [0, 32], sizes = [400, 16], strides = [1, 1]} : vector<400x128xbf16> to vector<400x16xbf16>
    %slice3A_252 = vector.extract_strided_slice %convert_element_type3A_249 {offsets = [0, 64], sizes = [400, 16], strides = [1, 1]} : vector<400x128xbf16> to vector<400x16xbf16>
    %slice3A_253 = vector.extract_strided_slice %convert_element_type3A_249 {offsets = [0, 96], sizes = [400, 16], strides = [1, 1]} : vector<400x128xbf16> to vector<400x16xbf16>
    %concatenate3A_254 = tpu.concatenate %slice3A_250, %slice3A_251, %slice3A_252, %slice3A_253 in 1 : vector<400x16xbf16>, vector<400x16xbf16>, vector<400x16xbf16>, vector<400x16xbf16> -> vector<400x64xbf16>
    %slice3A_255 = vector.extract_strided_slice %convert_element_type3A_249 {offsets = [0, 16], sizes = [400, 16], strides = [1, 1]} : vector<400x128xbf16> to vector<400x16xbf16>
    %slice3A_256 = vector.extract_strided_slice %convert_element_type3A_249 {offsets = [0, 48], sizes = [400, 16], strides = [1, 1]} : vector<400x128xbf16> to vector<400x16xbf16>
    %slice3A_257 = vector.extract_strided_slice %convert_element_type3A_249 {offsets = [0, 80], sizes = [400, 16], strides = [1, 1]} : vector<400x128xbf16> to vector<400x16xbf16>
    %slice3A_258 = vector.extract_strided_slice %convert_element_type3A_249 {offsets = [0, 112], sizes = [400, 16], strides = [1, 1]} : vector<400x128xbf16> to vector<400x16xbf16>
    %concatenate3A_259 = tpu.concatenate %slice3A_255, %slice3A_256, %slice3A_257, %slice3A_258 in 1 : vector<400x16xbf16>, vector<400x16xbf16>, vector<400x16xbf16>, vector<400x16xbf16> -> vector<400x64xbf16>
    %bitcast_convert_type3A_260 = tpu.bitcast %concatenate3A_254 : vector<400x64xbf16> -> vector<400x64xi16>
    %convert_element_type3A_261 = arith.extui %bitcast_convert_type3A_260 : vector<400x64xi16> to vector<400x64xi32>
    %bitcast_convert_type3A_262 = tpu.bitcast %concatenate3A_259 : vector<400x64xbf16> -> vector<400x64xi16>
    %convert_element_type3A_263 = arith.extui %bitcast_convert_type3A_262 : vector<400x64xi16> to vector<400x64xi32>
    %shift_left3A_264 = arith.constant 16 : i32
    %shift_left3A_265 = vector.broadcast %shift_left3A_264 : i32 to vector<400x64xi32>
    %shift_left3A_266 = arith.shli %convert_element_type3A_263, %shift_left3A_265 : vector<400x64xi32>
    %or3A_267 = arith.ori %convert_element_type3A_261, %shift_left3A_266 : vector<400x64xi32>
    %swap3A_268 = arith.constant 0 : index
    %swap3A_269 = arith.constant 320 : index
    %swap3A_270 = vector.load %arg12[%swap3A_268, %swap3A_269] : memref<400x640xi32, #tpu.memory_space<vmem>>, vector<400x64xi32>
    tpu.vector_store %arg12[%swap3A_268, %swap3A_269], %or3A_267 {strides = array<i32>} : memref<400x640xi32, #tpu.memory_space<vmem>>, vector<400x64xi32>,
    %get3A_271 = arith.constant 0 : index
    %get3A_272 = arith.constant 768 : index
    %get3A_273 = vector.load %arg10[%get3A_271, %get3A_272] : memref<128x1024xf32, #tpu.memory_space<vmem>>, vector<128x128xf32>
    %dot_general3A_274 = arith.constant dense<0.000000e+00> : vector<400x128xf32>
    %dot_general3A_275 = tpu.matmul %select_n3A, %get3A_273, %dot_general3A_274 {dimension_numbers = #tpu.dot_dimension_numbers<[1], [0], [0], [1], [0, 0, 1, 1], [], []>, transpose_lhs_hint = false} : vector<400x128xf32>, vector<128x128xf32>, vector<400x128xf32> -> vector<400x128xf32>
    %slice3A_276 = vector.extract_strided_slice %div3A_81 {offsets = [0, 6], sizes = [1, 1], strides = [1, 1]} : vector<1x8xf32> to vector<1x1xf32>
    %squeeze3A_277 = vector.extract %slice3A_276[0, 0] : f32 from vector<1x1xf32>
    %mul3A_278 = vector.broadcast %squeeze3A_277 : f32 to vector<400x128xf32>
    %mul3A_279 = arith.mulf %dot_general3A_275, %mul3A_278 : vector<400x128xf32>
    %add3A_280 = arith.addf %add3A_248, %mul3A_279 : vector<400x128xf32>
    %convert_element_type3A_281 = arith.truncf %dot_general3A_275 : vector<400x128xf32> to vector<400x128xbf16>
    %slice3A_282 = vector.extract_strided_slice %convert_element_type3A_281 {offsets = [0, 0], sizes = [400, 16], strides = [1, 1]} : vector<400x128xbf16> to vector<400x16xbf16>
    %slice3A_283 = vector.extract_strided_slice %convert_element_type3A_281 {offsets = [0, 32], sizes = [400, 16], strides = [1, 1]} : vector<400x128xbf16> to vector<400x16xbf16>
    %slice3A_284 = vector.extract_strided_slice %convert_element_type3A_281 {offsets = [0, 64], sizes = [400, 16], strides = [1, 1]} : vector<400x128xbf16> to vector<400x16xbf16>
    %slice3A_285 = vector.extract_strided_slice %convert_element_type3A_281 {offsets = [0, 96], sizes = [400, 16], strides = [1, 1]} : vector<400x128xbf16> to vector<400x16xbf16>
    %concatenate3A_286 = tpu.concatenate %slice3A_282, %slice3A_283, %slice3A_284, %slice3A_285 in 1 : vector<400x16xbf16>, vector<400x16xbf16>, vector<400x16xbf16>, vector<400x16xbf16> -> vector<400x64xbf16>
    %slice3A_287 = vector.extract_strided_slice %convert_element_type3A_281 {offsets = [0, 16], sizes = [400, 16], strides = [1, 1]} : vector<400x128xbf16> to vector<400x16xbf16>
    %slice3A_288 = vector.extract_strided_slice %convert_element_type3A_281 {offsets = [0, 48], sizes = [400, 16], strides = [1, 1]} : vector<400x128xbf16> to vector<400x16xbf16>
    %slice3A_289 = vector.extract_strided_slice %convert_element_type3A_281 {offsets = [0, 80], sizes = [400, 16], strides = [1, 1]} : vector<400x128xbf16> to vector<400x16xbf16>
    %slice3A_290 = vector.extract_strided_slice %convert_element_type3A_281 {offsets = [0, 112], sizes = [400, 16], strides = [1, 1]} : vector<400x128xbf16> to vector<400x16xbf16>
    %concatenate3A_291 = tpu.concatenate %slice3A_287, %slice3A_288, %slice3A_289, %slice3A_290 in 1 : vector<400x16xbf16>, vector<400x16xbf16>, vector<400x16xbf16>, vector<400x16xbf16> -> vector<400x64xbf16>
    %bitcast_convert_type3A_292 = tpu.bitcast %concatenate3A_286 : vector<400x64xbf16> -> vector<400x64xi16>
    %convert_element_type3A_293 = arith.extui %bitcast_convert_type3A_292 : vector<400x64xi16> to vector<400x64xi32>
    %bitcast_convert_type3A_294 = tpu.bitcast %concatenate3A_291 : vector<400x64xbf16> -> vector<400x64xi16>
    %convert_element_type3A_295 = arith.extui %bitcast_convert_type3A_294 : vector<400x64xi16> to vector<400x64xi32>
    %shift_left3A_296 = arith.constant 16 : i32
    %shift_left3A_297 = vector.broadcast %shift_left3A_296 : i32 to vector<400x64xi32>
    %shift_left3A_298 = arith.shli %convert_element_type3A_295, %shift_left3A_297 : vector<400x64xi32>
    %or3A_299 = arith.ori %convert_element_type3A_293, %shift_left3A_298 : vector<400x64xi32>
    %swap3A_300 = arith.constant 0 : index
    %swap3A_301 = arith.constant 384 : index
    %swap3A_302 = vector.load %arg12[%swap3A_300, %swap3A_301] : memref<400x640xi32, #tpu.memory_space<vmem>>, vector<400x64xi32>
    tpu.vector_store %arg12[%swap3A_300, %swap3A_301], %or3A_299 {strides = array<i32>} : memref<400x640xi32, #tpu.memory_space<vmem>>, vector<400x64xi32>,
    %get3A_303 = arith.constant 0 : index
    %get3A_304 = arith.constant 896 : index
    %get3A_305 = vector.load %arg10[%get3A_303, %get3A_304] : memref<128x1024xf32, #tpu.memory_space<vmem>>, vector<128x128xf32>
    %dot_general3A_306 = arith.constant dense<0.000000e+00> : vector<400x128xf32>
    %dot_general3A_307 = tpu.matmul %select_n3A, %get3A_305, %dot_general3A_306 {dimension_numbers = #tpu.dot_dimension_numbers<[1], [0], [0], [1], [0, 0, 1, 1], [], []>, transpose_lhs_hint = false} : vector<400x128xf32>, vector<128x128xf32>, vector<400x128xf32> -> vector<400x128xf32>
    %slice3A_308 = vector.extract_strided_slice %div3A_81 {offsets = [0, 7], sizes = [1, 1], strides = [1, 1]} : vector<1x8xf32> to vector<1x1xf32>
    %squeeze3A_309 = vector.extract %slice3A_308[0, 0] : f32 from vector<1x1xf32>
    %mul3A_310 = vector.broadcast %squeeze3A_309 : f32 to vector<400x128xf32>
    %mul3A_311 = arith.mulf %dot_general3A_307, %mul3A_310 : vector<400x128xf32>
    %add3A_312 = arith.addf %add3A_280, %mul3A_311 : vector<400x128xf32>
    %convert_element_type3A_313 = arith.truncf %dot_general3A_307 : vector<400x128xf32> to vector<400x128xbf16>
    %slice3A_314 = vector.extract_strided_slice %convert_element_type3A_313 {offsets = [0, 0], sizes = [400, 16], strides = [1, 1]} : vector<400x128xbf16> to vector<400x16xbf16>
    %slice3A_315 = vector.extract_strided_slice %convert_element_type3A_313 {offsets = [0, 32], sizes = [400, 16], strides = [1, 1]} : vector<400x128xbf16> to vector<400x16xbf16>
    %slice3A_316 = vector.extract_strided_slice %convert_element_type3A_313 {offsets = [0, 64], sizes = [400, 16], strides = [1, 1]} : vector<400x128xbf16> to vector<400x16xbf16>
    %slice3A_317 = vector.extract_strided_slice %convert_element_type3A_313 {offsets = [0, 96], sizes = [400, 16], strides = [1, 1]} : vector<400x128xbf16> to vector<400x16xbf16>
    %concatenate3A_318 = tpu.concatenate %slice3A_314, %slice3A_315, %slice3A_316, %slice3A_317 in 1 : vector<400x16xbf16>, vector<400x16xbf16>, vector<400x16xbf16>, vector<400x16xbf16> -> vector<400x64xbf16>
    %slice3A_319 = vector.extract_strided_slice %convert_element_type3A_313 {offsets = [0, 16], sizes = [400, 16], strides = [1, 1]} : vector<400x128xbf16> to vector<400x16xbf16>
    %slice3A_320 = vector.extract_strided_slice %convert_element_type3A_313 {offsets = [0, 48], sizes = [400, 16], strides = [1, 1]} : vector<400x128xbf16> to vector<400x16xbf16>
    %slice3A_321 = vector.extract_strided_slice %convert_element_type3A_313 {offsets = [0, 80], sizes = [400, 16], strides = [1, 1]} : vector<400x128xbf16> to vector<400x16xbf16>
    %slice3A_322 = vector.extract_strided_slice %convert_element_type3A_313 {offsets = [0, 112], sizes = [400, 16], strides = [1, 1]} : vector<400x128xbf16> to vector<400x16xbf16>
    %concatenate3A_323 = tpu.concatenate %slice3A_319, %slice3A_320, %slice3A_321, %slice3A_322 in 1 : vector<400x16xbf16>, vector<400x16xbf16>, vector<400x16xbf16>, vector<400x16xbf16> -> vector<400x64xbf16>
    %bitcast_convert_type3A_324 = tpu.bitcast %concatenate3A_318 : vector<400x64xbf16> -> vector<400x64xi16>
    %convert_element_type3A_325 = arith.extui %bitcast_convert_type3A_324 : vector<400x64xi16> to vector<400x64xi32>
    %bitcast_convert_type3A_326 = tpu.bitcast %concatenate3A_323 : vector<400x64xbf16> -> vector<400x64xi16>
    %convert_element_type3A_327 = arith.extui %bitcast_convert_type3A_326 : vector<400x64xi16> to vector<400x64xi32>
    %shift_left3A_328 = arith.constant 16 : i32
    %shift_left3A_329 = vector.broadcast %shift_left3A_328 : i32 to vector<400x64xi32>
    %shift_left3A_330 = arith.shli %convert_element_type3A_327, %shift_left3A_329 : vector<400x64xi32>
    %or3A_331 = arith.ori %convert_element_type3A_325, %shift_left3A_330 : vector<400x64xi32>
    %swap3A_332 = arith.constant 0 : index
    %swap3A_333 = arith.constant 448 : index
    %swap3A_334 = vector.load %arg12[%swap3A_332, %swap3A_333] : memref<400x640xi32, #tpu.memory_space<vmem>>, vector<400x64xi32>
    tpu.vector_store %arg12[%swap3A_332, %swap3A_333], %or3A_331 {strides = array<i32>} : memref<400x640xi32, #tpu.memory_space<vmem>>, vector<400x64xi32>,
    %swap3A_335 = arith.constant 0 : index
    %swap3A_336 = arith.constant 0 : index
    %swap3A_337 = vector.load %arg13[%swap3A_335, %swap3A_336] : memref<400x128xf32, #tpu.memory_space<vmem>>, vector<400x128xf32>
    tpu.vector_store %arg13[%swap3A_335, %swap3A_336], %add3A_312 {strides = array<i32>} : memref<400x128xf32, #tpu.memory_space<vmem>>, vector<400x128xf32>,
    return
  }
  func.func @transform_0(%arg0: i32) -> (i32, i32) {
    %c0_i32 = arith.constant 0 : i32
    %c0_i32_0 = arith.constant 0 : i32
    return %arg0, %c0_i32 : i32, i32
  }
  func.func @transform_1(%arg0: i32) -> (i32, i32) {
    %c0_i32 = arith.constant 0 : i32
    %c0_i32_0 = arith.constant 0 : i32
    %c0_i32_1 = arith.constant 0 : i32
    return %c0_i32, %c0_i32_0 : i32, i32
  }
  func.func @transform_2(%arg0: i32) -> (i32, i32) {
    %c0_i32 = arith.constant 0 : i32
    %c0_i32_0 = arith.constant 0 : i32
    %c0_i32_1 = arith.constant 0 : i32
    return %c0_i32, %c0_i32_0 : i32, i32
  }
  func.func @transform_3(%arg0: i32) -> (i32, i32) {
    %c0_i32 = arith.constant 0 : i32
    %c0_i32_0 = arith.constant 0 : i32
    %c0_i32_1 = arith.constant 0 : i32
    return %c0_i32, %c0_i32_0 : i32, i32
  }
  func.func @transform_4(%arg0: i32) -> (i32, i32) {
    %c0_i32 = arith.constant 0 : i32
    %c0_i32_0 = arith.constant 0 : i32
    %c0_i32_1 = arith.constant 0 : i32
    return %c0_i32, %c0_i32_0 : i32, i32
  }
  func.func @transform_5(%arg0: i32) -> (i32, i32) {
    %c0_i32 = arith.constant 0 : i32
    %c0_i32_0 = arith.constant 0 : i32
    %c0_i32_1 = arith.constant 0 : i32
    return %c0_i32, %c0_i32_0 : i32, i32
  }
  func.func @transform_6(%arg0: i32) -> (i32, i32) {
    %c0_i32 = arith.constant 0 : i32
    %c0_i32_0 = arith.constant 0 : i32
    %c0_i32_1 = arith.constant 0 : i32
    return %c0_i32, %c0_i32_0 : i32, i32
  }
  func.func @transform_7(%arg0: i32) -> (i32, i32) {
    %c0_i32 = arith.constant 0 : i32
    %c0_i32_0 = arith.constant 0 : i32
    %c0_i32_1 = arith.constant 0 : i32
    return %c0_i32, %c0_i32_0 : i32, i32
  }
  func.func @transform_8(%arg0: i32) -> (i32, i32) {
    %c0_i32 = arith.constant 0 : i32
    %c0_i32_0 = arith.constant 0 : i32
    %c0_i32_1 = arith.constant 0 : i32
    return %c0_i32, %c0_i32_0 : i32, i32
  }
  func.func @transform_9(%arg0: i32) -> (i32, i32) {
    %c0_i32 = arith.constant 0 : i32
    %c0_i32_0 = arith.constant 0 : i32
    %c0_i32_1 = arith.constant 0 : i32
    return %c0_i32, %c0_i32_0 : i32, i32
  }
  func.func @transform_10(%arg0: i32) -> (i32, i32) {
    %c0_i32 = arith.constant 0 : i32
    %c0_i32_0 = arith.constant 0 : i32
    return %arg0, %c0_i32 : i32, i32
  }
  func.func @transform_11(%arg0: i32) -> (i32, i32) {
    %c0_i32 = arith.constant 0 : i32
    %c0_i32_0 = arith.constant 0 : i32
    return %arg0, %c0_i32 : i32, i32
  }
  func.func @transform_12(%arg0: i32) -> (i32, i32) {
    %c0_i32 = arith.constant 0 : i32
    %c0_i32_0 = arith.constant 0 : i32
    return %arg0, %c0_i32 : i32, i32
  }
}

module attributes {stable_mosaic.version = 14 : i64} {
  func.func @_b1_body(%arg0: i32, %arg1: memref<2x400x128xf32, #tpu.memory_space<vmem>>, %arg2: memref<2x400x1xf32, #tpu.memory_space<vmem>>, %arg3: memref<400x128xf32, #tpu.memory_space<vmem>>, %arg4: memref<1x128xf32, #tpu.memory_space<vmem>>, %arg5: memref<400x128xf32, #tpu.memory_space<vmem>>, %arg6: memref<8x128xf32, #tpu.memory_space<vmem>>, %arg7: memref<8x128xf32, #tpu.memory_space<vmem>>) attributes {dimension_semantics = [#tpu.dimension_semantics<arbitrary>], iteration_bounds = array<i64: 25>, scalar_prefetch = 0 : i64, scratch_operands = 0 : i64, tpu.core_type = #tpu.core_type<tc>, window_params = [{transform_indices = @transform_0, window_bounds = array<i64: 2, 400, 128>}, {transform_indices = @transform_1, window_bounds = array<i64: 2, 400, 1>}, {transform_indices = @transform_2, window_bounds = array<i64: 400, 128>}, {pipeline_mode = #tpu.pipeline_mode<synchronous>, transform_indices = @transform_3, window_bounds = array<i64: 1, 128>}, {transform_indices = @transform_4, window_bounds = array<i64: 400, 128>}, {pipeline_mode = #tpu.pipeline_mode<synchronous>, transform_indices = @transform_5, window_bounds = array<i64: 8, 128>}, {pipeline_mode = #tpu.pipeline_mode<synchronous>, transform_indices = @transform_6, window_bounds = array<i64: 8, 128>}]} {
    %eq3A = arith.constant 0 : i32
    %eq3A_0 = arith.cmpi eq, %arg0, %eq3A : i32
    %convert_element_type3A = arith.extui %eq3A_0 : i1 to i32
    %cond3A = arith.constant 0 : i32
    %cond3A_1 = arith.cmpi ne, %convert_element_type3A, %cond3A : i32
    scf.if %cond3A_1 {
      %broadcast_in_dim3A_55 = arith.constant 0.000000e+00 : f32
      %broadcast_in_dim3A_56 = vector.broadcast %broadcast_in_dim3A_55 : f32 to vector<8x128xf32>
      %swap3A_57 = arith.constant 0 : index
      %swap3A_58 = arith.constant 0 : index
      %swap3A_59 = vector.load %arg6[%swap3A_57, %swap3A_58] : memref<8x128xf32, #tpu.memory_space<vmem>>, vector<8x128xf32>
      tpu.vector_store %arg6[%swap3A_57, %swap3A_58], %broadcast_in_dim3A_56 {strides = array<i32>} : memref<8x128xf32, #tpu.memory_space<vmem>>, vector<8x128xf32>,
      %broadcast_in_dim3A_60 = arith.constant 0.000000e+00 : f32
      %broadcast_in_dim3A_61 = vector.broadcast %broadcast_in_dim3A_60 : f32 to vector<8x128xf32>
      %swap3A_62 = arith.constant 0 : index
      %swap3A_63 = arith.constant 0 : index
      %swap3A_64 = vector.load %arg7[%swap3A_62, %swap3A_63] : memref<8x128xf32, #tpu.memory_space<vmem>>, vector<8x128xf32>
      tpu.vector_store %arg7[%swap3A_62, %swap3A_63], %broadcast_in_dim3A_61 {strides = array<i32>} : memref<8x128xf32, #tpu.memory_space<vmem>>, vector<8x128xf32>,
    } else {
    }
    %get3A = arith.constant 0 : index
    %get3A_2 = arith.constant 0 : index
    %get3A_3 = arith.constant 0 : index
    %get3A_4 = vector.load %arg1[%get3A, %get3A_2, %get3A_3] : memref<2x400x128xf32, #tpu.memory_space<vmem>>, vector<2x400x128xf32>
    %get3A_5 = arith.constant 0 : index
    %get3A_6 = arith.constant 0 : index
    %get3A_7 = arith.constant 0 : index
    %get3A_8 = vector.load %arg2[%get3A_5, %get3A_6, %get3A_7] : memref<2x400x1xf32, #tpu.memory_space<vmem>>, vector<2x400x1xf32>
    %slice3A = vector.extract_strided_slice %get3A_4 {offsets = [0, 0, 0], sizes = [1, 400, 128], strides = [1, 1, 1]} : vector<2x400x128xf32> to vector<1x400x128xf32>
    %squeeze3A = vector.shape_cast %slice3A : vector<1x400x128xf32> to vector<400x128xf32>
    %slice3A_9 = vector.extract_strided_slice %get3A_4 {offsets = [1, 0, 0], sizes = [1, 400, 128], strides = [1, 1, 1]} : vector<2x400x128xf32> to vector<1x400x128xf32>
    %squeeze3A_10 = vector.shape_cast %slice3A_9 : vector<1x400x128xf32> to vector<400x128xf32>
    %add3A = arith.addf %squeeze3A, %squeeze3A_10 : vector<400x128xf32>
    %get3A_11 = arith.constant 0 : index
    %get3A_12 = arith.constant 0 : index
    %get3A_13 = vector.load %arg3[%get3A_11, %get3A_12] : memref<400x128xf32, #tpu.memory_space<vmem>>, vector<400x128xf32>
    %add3A_14 = arith.addf %add3A, %get3A_13 : vector<400x128xf32>
    %slice3A_15 = vector.extract_strided_slice %get3A_8 {offsets = [0, 0, 0], sizes = [1, 400, 1], strides = [1, 1, 1]} : vector<2x400x1xf32> to vector<1x400x1xf32>
    %squeeze3A_16 = vector.shape_cast %slice3A_15 : vector<1x400x1xf32> to vector<400x1xf32>
    %slice3A_17 = vector.extract_strided_slice %get3A_8 {offsets = [1, 0, 0], sizes = [1, 400, 1], strides = [1, 1, 1]} : vector<2x400x1xf32> to vector<1x400x1xf32>
    %squeeze3A_18 = vector.shape_cast %slice3A_17 : vector<1x400x1xf32> to vector<400x1xf32>
    %add3A_19 = arith.addf %squeeze3A_16, %squeeze3A_18 : vector<400x1xf32>
    %add3A_20 = arith.constant 1.000000e+00 : f32
    %add3A_21 = vector.broadcast %add3A_20 : f32 to vector<400x1xf32>
    %add3A_22 = arith.addf %add3A_19, %add3A_21 : vector<400x1xf32>
    %max3A = arith.constant 1.000000e+00 : f32
    %max3A_23 = vector.broadcast %max3A : f32 to vector<400x1xf32>
    %max3A_24 = arith.maximumf %add3A_22, %max3A_23 : vector<400x1xf32>
    %div3A = vector.broadcast %max3A_24 : vector<400x1xf32> to vector<400x128xf32>
    %div3A_25 = arith.divf %add3A_14, %div3A : vector<400x128xf32>
    %get3A_26 = arith.constant 0 : index
    %get3A_27 = arith.constant 0 : index
    %get3A_28 = vector.load %arg4[%get3A_26, %get3A_27] : memref<1x128xf32, #tpu.memory_space<vmem>>, vector<1x128xf32>
    %add3A_29 = vector.broadcast %get3A_28 : vector<1x128xf32> to vector<400x128xf32>
    %add3A_30 = arith.addf %div3A_25, %add3A_29 : vector<400x128xf32>
    %swap3A = arith.constant 0 : index
    %swap3A_31 = arith.constant 0 : index
    %swap3A_32 = vector.load %arg5[%swap3A, %swap3A_31] : memref<400x128xf32, #tpu.memory_space<vmem>>, vector<400x128xf32>
    tpu.vector_store %arg5[%swap3A, %swap3A_31], %add3A_30 {strides = array<i32>} : memref<400x128xf32, #tpu.memory_space<vmem>>, vector<400x128xf32>,
    %get3A_33 = arith.constant 0 : index
    %get3A_34 = arith.constant 0 : index
    %get3A_35 = vector.load %arg6[%get3A_33, %get3A_34] : memref<8x128xf32, #tpu.memory_space<vmem>>, vector<8x128xf32>
    %reduce_sum3A = arith.constant dense<0.000000e+00> : vector<128xf32>
    %reduce_sum3A_36 = vector.multi_reduction <add>, %add3A_30, %reduce_sum3A [0] : vector<400x128xf32> to vector<128xf32>
    %broadcast_in_dim3A = vector.shape_cast %reduce_sum3A_36 : vector<128xf32> to vector<1x128xf32>
    %broadcast_in_dim3A_37 = vector.shape_cast %broadcast_in_dim3A : vector<1x128xf32> to vector<1x128xf32>
    %broadcast_in_dim3A_38 = vector.broadcast %broadcast_in_dim3A_37 : vector<1x128xf32> to vector<8x128xf32>
    %add3A_39 = arith.addf %get3A_35, %broadcast_in_dim3A_38 : vector<8x128xf32>
    %swap3A_40 = arith.constant 0 : index
    %swap3A_41 = arith.constant 0 : index
    %swap3A_42 = vector.load %arg6[%swap3A_40, %swap3A_41] : memref<8x128xf32, #tpu.memory_space<vmem>>, vector<8x128xf32>
    tpu.vector_store %arg6[%swap3A_40, %swap3A_41], %add3A_39 {strides = array<i32>} : memref<8x128xf32, #tpu.memory_space<vmem>>, vector<8x128xf32>,
    %get3A_43 = arith.constant 0 : index
    %get3A_44 = arith.constant 0 : index
    %get3A_45 = vector.load %arg7[%get3A_43, %get3A_44] : memref<8x128xf32, #tpu.memory_space<vmem>>, vector<8x128xf32>
    %mul3A = arith.mulf %add3A_30, %add3A_30 : vector<400x128xf32>
    %reduce_sum3A_46 = arith.constant dense<0.000000e+00> : vector<128xf32>
    %reduce_sum3A_47 = vector.multi_reduction <add>, %mul3A, %reduce_sum3A_46 [0] : vector<400x128xf32> to vector<128xf32>
    %broadcast_in_dim3A_48 = vector.shape_cast %reduce_sum3A_47 : vector<128xf32> to vector<1x128xf32>
    %broadcast_in_dim3A_49 = vector.shape_cast %broadcast_in_dim3A_48 : vector<1x128xf32> to vector<1x128xf32>
    %broadcast_in_dim3A_50 = vector.broadcast %broadcast_in_dim3A_49 : vector<1x128xf32> to vector<8x128xf32>
    %add3A_51 = arith.addf %get3A_45, %broadcast_in_dim3A_50 : vector<8x128xf32>
    %swap3A_52 = arith.constant 0 : index
    %swap3A_53 = arith.constant 0 : index
    %swap3A_54 = vector.load %arg7[%swap3A_52, %swap3A_53] : memref<8x128xf32, #tpu.memory_space<vmem>>, vector<8x128xf32>
    tpu.vector_store %arg7[%swap3A_52, %swap3A_53], %add3A_51 {strides = array<i32>} : memref<8x128xf32, #tpu.memory_space<vmem>>, vector<8x128xf32>,
    return
  }
  func.func @transform_0(%arg0: i32) -> (i32, i32, i32) {
    %c0_i32 = arith.constant 0 : i32
    %c0_i32_0 = arith.constant 0 : i32
    %c0_i32_1 = arith.constant 0 : i32
    return %c0_i32, %arg0, %c0_i32_0 : i32, i32, i32
  }
  func.func @transform_1(%arg0: i32) -> (i32, i32, i32) {
    %c0_i32 = arith.constant 0 : i32
    %c0_i32_0 = arith.constant 0 : i32
    %c0_i32_1 = arith.constant 0 : i32
    return %c0_i32, %arg0, %c0_i32_0 : i32, i32, i32
  }
  func.func @transform_2(%arg0: i32) -> (i32, i32) {
    %c0_i32 = arith.constant 0 : i32
    %c0_i32_0 = arith.constant 0 : i32
    return %arg0, %c0_i32 : i32, i32
  }
  func.func @transform_3(%arg0: i32) -> (i32, i32) {
    %c0_i32 = arith.constant 0 : i32
    %c0_i32_0 = arith.constant 0 : i32
    %c0_i32_1 = arith.constant 0 : i32
    return %c0_i32, %c0_i32_0 : i32, i32
  }
  func.func @transform_4(%arg0: i32) -> (i32, i32) {
    %c0_i32 = arith.constant 0 : i32
    %c0_i32_0 = arith.constant 0 : i32
    return %arg0, %c0_i32 : i32, i32
  }
  func.func @transform_5(%arg0: i32) -> (i32, i32) {
    %c0_i32 = arith.constant 0 : i32
    %c0_i32_0 = arith.constant 0 : i32
    %c0_i32_1 = arith.constant 0 : i32
    return %c0_i32, %c0_i32_0 : i32, i32
  }
  func.func @transform_6(%arg0: i32) -> (i32, i32) {
    %c0_i32 = arith.constant 0 : i32
    %c0_i32_0 = arith.constant 0 : i32
    %c0_i32_1 = arith.constant 0 : i32
    return %c0_i32, %c0_i32_0 : i32, i32
  }
}

module attributes {stable_mosaic.version = 14 : i64} {
  func.func @_b2_body(%arg0: i32, %arg1: memref<400x128xf32, #tpu.memory_space<vmem>>, %arg2: memref<8x128xf32, #tpu.memory_space<vmem>>, %arg3: memref<8x128xf32, #tpu.memory_space<vmem>>, %arg4: memref<1x128xf32, #tpu.memory_space<vmem>>, %arg5: memref<1x128xf32, #tpu.memory_space<vmem>>, %arg6: memref<128x128xf32, #tpu.memory_space<vmem>>, %arg7: memref<1x128xf32, #tpu.memory_space<vmem>>, %arg8: memref<400x128xf32, #tpu.memory_space<vmem>>) attributes {dimension_semantics = [#tpu.dimension_semantics<arbitrary>], iteration_bounds = array<i64: 25>, scalar_prefetch = 0 : i64, scratch_operands = 0 : i64, tpu.core_type = #tpu.core_type<tc>, window_params = [{transform_indices = @transform_0, window_bounds = array<i64: 400, 128>}, {pipeline_mode = #tpu.pipeline_mode<synchronous>, transform_indices = @transform_1, window_bounds = array<i64: 8, 128>}, {pipeline_mode = #tpu.pipeline_mode<synchronous>, transform_indices = @transform_2, window_bounds = array<i64: 8, 128>}, {pipeline_mode = #tpu.pipeline_mode<synchronous>, transform_indices = @transform_3, window_bounds = array<i64: 1, 128>}, {pipeline_mode = #tpu.pipeline_mode<synchronous>, transform_indices = @transform_4, window_bounds = array<i64: 1, 128>}, {pipeline_mode = #tpu.pipeline_mode<synchronous>, transform_indices = @transform_5, window_bounds = array<i64: 128, 128>}, {pipeline_mode = #tpu.pipeline_mode<synchronous>, transform_indices = @transform_6, window_bounds = array<i64: 1, 128>}, {transform_indices = @transform_7, window_bounds = array<i64: 400, 128>}]} {
    %get3A = arith.constant 0 : index
    %get3A_0 = arith.constant 0 : index
    %get3A_1 = vector.load %arg1[%get3A, %get3A_0] : memref<400x128xf32, #tpu.memory_space<vmem>>, vector<400x128xf32>
    %get3A_2 = arith.constant 0 : index
    %get3A_3 = arith.constant 0 : index
    %get3A_4 = vector.load %arg2[%get3A_2, %get3A_3] : memref<8x128xf32, #tpu.memory_space<vmem>>, vector<1x128xf32>
    %mul3A = arith.constant 9.99999974E-5 : f32
    %mul3A_5 = vector.broadcast %mul3A : f32 to vector<1x128xf32>
    %mul3A_6 = arith.mulf %get3A_4, %mul3A_5 : vector<1x128xf32>
    %get3A_7 = arith.constant 0 : index
    %get3A_8 = arith.constant 0 : index
    %get3A_9 = vector.load %arg3[%get3A_7, %get3A_8] : memref<8x128xf32, #tpu.memory_space<vmem>>, vector<1x128xf32>
    %mul3A_10 = arith.constant 9.99999974E-5 : f32
    %mul3A_11 = vector.broadcast %mul3A_10 : f32 to vector<1x128xf32>
    %mul3A_12 = arith.mulf %get3A_9, %mul3A_11 : vector<1x128xf32>
    %mul3A_13 = arith.mulf %mul3A_6, %mul3A_6 : vector<1x128xf32>
    %sub3A = arith.subf %mul3A_12, %mul3A_13 : vector<1x128xf32>
    %sub3A_14 = vector.broadcast %mul3A_6 : vector<1x128xf32> to vector<400x128xf32>
    %sub3A_15 = arith.subf %get3A_1, %sub3A_14 : vector<400x128xf32>
    %add3A = arith.constant 9.99999974E-6 : f32
    %add3A_16 = vector.broadcast %add3A : f32 to vector<1x128xf32>
    %add3A_17 = arith.addf %sub3A, %add3A_16 : vector<1x128xf32>
    %rsqrt3A = math.rsqrt %add3A_17 : vector<1x128xf32>
    %mul3A_18 = vector.broadcast %rsqrt3A : vector<1x128xf32> to vector<400x128xf32>
    %mul3A_19 = arith.mulf %sub3A_15, %mul3A_18 : vector<400x128xf32>
    %get3A_20 = arith.constant 0 : index
    %get3A_21 = arith.constant 0 : index
    %get3A_22 = vector.load %arg4[%get3A_20, %get3A_21] : memref<1x128xf32, #tpu.memory_space<vmem>>, vector<1x128xf32>
    %mul3A_23 = vector.broadcast %get3A_22 : vector<1x128xf32> to vector<400x128xf32>
    %mul3A_24 = arith.mulf %mul3A_19, %mul3A_23 : vector<400x128xf32>
    %get3A_25 = arith.constant 0 : index
    %get3A_26 = arith.constant 0 : index
    %get3A_27 = vector.load %arg5[%get3A_25, %get3A_26] : memref<1x128xf32, #tpu.memory_space<vmem>>, vector<1x128xf32>
    %add3A_28 = vector.broadcast %get3A_27 : vector<1x128xf32> to vector<400x128xf32>
    %add3A_29 = arith.addf %mul3A_24, %add3A_28 : vector<400x128xf32>
    %gt3A = arith.constant 0.000000e+00 : f32
    %gt3A_30 = vector.broadcast %gt3A : f32 to vector<400x128xf32>
    %gt3A_31 = arith.cmpf ogt, %add3A_29, %gt3A_30 : vector<400x128xf32>
    %exp3A = math.exp %add3A_29 : vector<400x128xf32>
    %sub3A_32 = arith.constant 1.000000e+00 : f32
    %sub3A_33 = vector.broadcast %sub3A_32 : f32 to vector<400x128xf32>
    %sub3A_34 = arith.subf %exp3A, %sub3A_33 : vector<400x128xf32>
    %select_n3A = arith.select %gt3A_31, %add3A_29, %sub3A_34 : vector<400x128xi1>, vector<400x128xf32>
    %get3A_35 = arith.constant 0 : index
    %get3A_36 = arith.constant 0 : index
    %get3A_37 = vector.load %arg6[%get3A_35, %get3A_36] : memref<128x128xf32, #tpu.memory_space<vmem>>, vector<128x128xf32>
    %dot_general3A = arith.constant dense<0.000000e+00> : vector<400x128xf32>
    %dot_general3A_38 = tpu.matmul %select_n3A, %get3A_37, %dot_general3A {dimension_numbers = #tpu.dot_dimension_numbers<[1], [1], [0], [0], [0, 0, 1, 0], [], []>, transpose_lhs_hint = false} : vector<400x128xf32>, vector<128x128xf32>, vector<400x128xf32> -> vector<400x128xf32>
    %get3A_39 = arith.constant 0 : index
    %get3A_40 = arith.constant 0 : index
    %get3A_41 = vector.load %arg7[%get3A_39, %get3A_40] : memref<1x128xf32, #tpu.memory_space<vmem>>, vector<1x128xf32>
    %add3A_42 = vector.broadcast %get3A_41 : vector<1x128xf32> to vector<400x128xf32>
    %add3A_43 = arith.addf %dot_general3A_38, %add3A_42 : vector<400x128xf32>
    %swap3A = arith.constant 0 : index
    %swap3A_44 = arith.constant 0 : index
    %swap3A_45 = vector.load %arg8[%swap3A, %swap3A_44] : memref<400x128xf32, #tpu.memory_space<vmem>>, vector<400x128xf32>
    tpu.vector_store %arg8[%swap3A, %swap3A_44], %add3A_43 {strides = array<i32>} : memref<400x128xf32, #tpu.memory_space<vmem>>, vector<400x128xf32>,
    return
  }
  func.func @transform_0(%arg0: i32) -> (i32, i32) {
    %c0_i32 = arith.constant 0 : i32
    %c0_i32_0 = arith.constant 0 : i32
    return %arg0, %c0_i32 : i32, i32
  }
  func.func @transform_1(%arg0: i32) -> (i32, i32) {
    %c0_i32 = arith.constant 0 : i32
    %c0_i32_0 = arith.constant 0 : i32
    %c0_i32_1 = arith.constant 0 : i32
    return %c0_i32, %c0_i32_0 : i32, i32
  }
  func.func @transform_2(%arg0: i32) -> (i32, i32) {
    %c0_i32 = arith.constant 0 : i32
    %c0_i32_0 = arith.constant 0 : i32
    %c0_i32_1 = arith.constant 0 : i32
    return %c0_i32, %c0_i32_0 : i32, i32
  }
  func.func @transform_3(%arg0: i32) -> (i32, i32) {
    %c0_i32 = arith.constant 0 : i32
    %c0_i32_0 = arith.constant 0 : i32
    %c0_i32_1 = arith.constant 0 : i32
    return %c0_i32, %c0_i32_0 : i32, i32
  }
  func.func @transform_4(%arg0: i32) -> (i32, i32) {
    %c0_i32 = arith.constant 0 : i32
    %c0_i32_0 = arith.constant 0 : i32
    %c0_i32_1 = arith.constant 0 : i32
    return %c0_i32, %c0_i32_0 : i32, i32
  }
  func.func @transform_5(%arg0: i32) -> (i32, i32) {
    %c0_i32 = arith.constant 0 : i32
    %c0_i32_0 = arith.constant 0 : i32
    %c0_i32_1 = arith.constant 0 : i32
    return %c0_i32, %c0_i32_0 : i32, i32
  }
  func.func @transform_6(%arg0: i32) -> (i32, i32) {
    %c0_i32 = arith.constant 0 : i32
    %c0_i32_0 = arith.constant 0 : i32
    %c0_i32_1 = arith.constant 0 : i32
    return %c0_i32, %c0_i32_0 : i32, i32
  }
  func.func @transform_7(%arg0: i32) -> (i32, i32) {
    %c0_i32 = arith.constant 0 : i32
    %c0_i32_0 = arith.constant 0 : i32
    return %arg0, %c0_i32 : i32, i32
  }
}

</mosaic_0001>

<sc_bundles>
// kernel: kernel.7.cloned.1.call-start
scs
__scs_entry_jumppad:
0x0: {  	(pc) =	sbr.rel $0x88, $3  }
0x1: {  	(tag) =	ssettag $0x0;
	lr =	simm.s32 $0x1  }
0x2: {  	[smem:$0x3F93] =	sst lr;
	_ =	strace $0xD0000000  }
0x3: {  	_ = 	snop  }
0x4: {  	_ = 	snop  }
0x5: {  	_ = 	snop  }
0x6: {  	_ = 	snop  }
0x7: {  	_ = 	snop  }
__scs_overlays_trampoline_lowered:
0x8: {  	[smem:$0x3FA2] =	sst s0  }
0x9: {  	[smem:$0x3FA3] =	sst s1  }
0xa: {  	[smem:$0x3FA4] =	sst s2  }
0xb: {  	[smem:$0x3FA5] =	sst s3  }
0xc: {  	[smem:$0x3FA6] =	sst s4  }
0xd: {  	[smem:$0x3FA7] =	sst s5  }
0xe: {  	[smem:$0x3FA8] =	sst s6  }
0xf: {  	[smem:$0x3FA9] =	sst s7  }
0x10: {  	[smem:$0x3FAA] =	sst s8  }
0x11: {  	[smem:$0x3FAB] =	sst s9;
	s0 =	simm.s32 @!p0 $0x0  }
0x12: {  	s1 =	sld [smem:$0x3F91];
	s0 =	simm.s32 @p0 $0x1  }
0x13: {  	[smem:$0x3FAC] =	sst s0;
	s0 =	simm.s32 @!p1 $0x0  }
0x14: {  	s2 =	sld [smem:$0x3F90];
	s0 =	simm.s32 @p1 $0x1  }
0x15: {  	[smem:$0x3FAD] =	sst s0;
	s0 =	simm.s32 @!p2 $0x0  }
0x16: {  	s3 =	sld [smem:$0x3FDB];
	s0 =	simm.s32 @p2 $0x1  }
0x17: {  	s4 =	simm.s32 $0x1BF5;
	[smem:$0x3FAF] =	sst s0  }
0x18: {  	s0 =	sld [smem:$0x3F92];
	_ =	swait.ge [sflag:s4], $0x0  }
0x19: {  	s7 =	sld [smem:$0x3F93]  }
0x1a: {  	s8 =	sadd.s32 $0xFFFFE003, lr  }
0x1b: {  	s9 =	sadd.s32 $0xFFFFFEF7, lr;
	s5 =	simm.s32 $0xFFFFFFFF;
	p2 =	slt.u32 s8, $0xFFFFF086  }
0x1c: {  	p1 =	slt.u32 s9, $0xF7A;
	s5 =	simm.s32 @!p2 $0x0  }
0x1d: {  	s5 =	simm.s32 @p1 $0x1;
	p0 =	seq.s32 s7, s2  }
0x1e: {  	s7 =	smul.u32 @!p0 $0xF7A, s2;
	p2 =	seq.s32 @!p0 s5, $0x0  }
0x1f: {  	s9 =	smul.u32 $0xF7A, s1;
	s8 =	simm.s32 @!p0 $0x1BF5;
	p2 =	por !p2, p0  }
0x20: {  	[sflag:s8] =	ssyncset.s32 @!p0 $0xFFFFF086;
	s6 =	sadd.s32 @!p0 s3, s7;
	s7 =	simm.s32 @!p0 $0x108  }
0x21: {  	s3 =	sadd.s32 s3, s9;
	s6 =	sadd.s32 @!p0 $0x88, s6;
	s7 =	simm.s32 @p2 $0x1082  }
0x22: {  	[simem:s7], [sflag:s8] =	dma.local @!p0 [hbm:s6], $0xF7A  }
0x23: {  	s9 =	sor.u32 $0xD0000000, s2;
	s6 =	simm.s32 $0x108;
	_ =	swait.ge @!p0 [sflag:s8], $0x0  }
0x24: {  	s3 =	sadd.s32 $0x88, s3;
	s6 =	simm.s32 @!p1 $0x1082;
	[sflag:s4] =	ssyncset.s32 $0xFFFFF086  }
0x25: {  	[simem:s6], [sflag:s4] =	dma.local [hbm:s3], $0xF7A  }
0x26: {  	[smem:$0x3F93] =	sst s1;
	(tag) =	ssettag s2;
	_ =	strace s9  }
0x27: {  	s1 =	sld [smem:$0x3FA3]  }
0x28: {  	s2 =	sld [smem:$0x3FA4]  }
0x29: {  	s4 =	sld [smem:$0x3FA6]  }
0x2a: {  	p0 =	seq.s32 s5, $0x0;
	s5 =	sld [smem:$0x3FA7]  }
0x2b: {  	s6 =	sld [smem:$0x3FA8]  }
0x2c: {  	s7 =	sld [smem:$0x3FA9]  }
0x2d: {  	s3 =	simm.s32 $0x108;
	s8 =	sld [smem:$0x3FAA]  }
0x2e: {  	s3 =	simm.s32 @!p0 $0x1082;
	s9 =	sld [smem:$0x3FAB]  }
0x2f: {  	lr =	sadd.s32 s0, s3;
	s0 =	sld [smem:$0x3FA2]  }
0x30: {  	s3 =	sld [smem:$0x3FA5]  }
0x31: {  	[smem:$0x3FAE] =	sst s10  }
0x32: {  	s10 =	sld [smem:$0x3FAC];
	_ =	sdelay $0x3  }
0x33: {  	p0 =	seq.s32 s10, $0x1;
	s10 =	sld [smem:$0x3FAE];
	_ =	sdelay $0x3  }
0x34: {  	[smem:$0x3FAE] =	sst s10  }
0x35: {  	s10 =	sld [smem:$0x3FAD];
	_ =	sdelay $0x3  }
0x36: {  	p1 =	seq.s32 s10, $0x1;
	s10 =	sld [smem:$0x3FAE];
	_ =	sdelay $0x3  }
0x37: {  	[smem:$0x3FAE] =	sst s10  }
0x38: {  	s10 =	sld [smem:$0x3FAF]  }
0x39: {  	_ = 	snop;
	(pc) =	sbr.ind lr, $3  }
0x3a: {  	_ = 	snop  }
0x3b: {  	_ = 	snop  }
0x3c: {  	p2 =	seq.s32 s10, $0x1;
	s10 =	sld [smem:$0x3FAE]  }
0x3d: {  	_ =	shalt  }
0x3e: {  	_ =	shalt  }
0x3f: {  	_ =	shalt  }
0x40: {  	_ =	shalt  }
0x41: {  	_ =	shalt  }
0x42: {  	_ =	shalt  }
0x43: {  	_ =	shalt  }
0x44: {  	_ =	shalt  }
0x45: {  	_ =	shalt  }
0x46: {  	_ =	shalt  }
0x47: {  	_ =	shalt  }
0x48: {  	_ =	shalt  }
0x49: {  	_ =	shalt  }
0x4a: {  	_ =	shalt  }
0x4b: {  	_ =	shalt  }
0x4c: {  	_ =	shalt  }
0x4d: {  	_ =	shalt  }
0x4e: {  	_ =	shalt  }
0x4f: {  	_ =	shalt  }
0x50: {  	_ =	shalt  }
0x51: {  	_ =	shalt  }
0x52: {  	_ =	shalt  }
0x53: {  	_ =	shalt  }
0x54: {  	_ =	shalt  }
0x55: {  	_ =	shalt  }
0x56: {  	_ =	shalt  }
0x57: {  	_ =	shalt  }
0x58: {  	_ =	shalt  }
0x59: {  	_ =	shalt  }
0x5a: {  	_ =	shalt  }
0x5b: {  	_ =	shalt  }
0x5c: {  	_ =	shalt  }
0x5d: {  	_ =	shalt  }
0x5e: {  	_ =	shalt  }
0x5f: {  	_ =	shalt  }
0x60: {  	_ =	shalt  }
0x61: {  	_ =	shalt  }
0x62: {  	_ =	shalt  }
0x63: {  	_ =	shalt  }
0x64: {  	_ =	shalt  }
0x65: {  	_ =	shalt  }
0x66: {  	_ =	shalt  }
0x67: {  	_ =	shalt  }
0x68: {  	_ =	shalt  }
0x69: {  	_ =	shalt  }
0x6a: {  	_ =	shalt  }
0x6b: {  	_ =	shalt  }
0x6c: {  	_ =	shalt  }
0x6d: {  	_ =	shalt  }
0x6e: {  	_ =	shalt  }
0x6f: {  	_ =	shalt  }
0x70: {  	_ =	shalt  }
0x71: {  	_ =	shalt  }
0x72: {  	_ =	shalt  }
0x73: {  	_ =	shalt  }
0x74: {  	_ =	shalt  }
0x75: {  	_ =	shalt  }
0x76: {  	_ =	shalt  }
0x77: {  	_ =	shalt  }
0x78: {  	_ =	shalt  }
0x79: {  	_ =	shalt  }
0x7a: {  	_ =	shalt  }
0x7b: {  	_ =	shalt  }
0x7c: {  	_ =	shalt  }
0x7d: {  	_ =	shalt  }
0x7e: {  	_ =	shalt  }
0x7f: {  	_ =	shalt  }
0x80: {  	_ =	shalt  }
0x81: {  	_ =	shalt  }
0x82: {  	_ =	shalt  }
0x83: {  	_ =	shalt  }
0x84: {  	_ =	shalt  }
0x85: {  	_ =	shalt  }
0x86: {  	_ =	shalt  }
0x87: {  	_ =	shalt  }
.Lfunc_end0:
.L_simem_size_0:
called_computation_lowered:
.L_overlay_start_0:
0x88: {  	s2 =	sld [smem:$0x3FD9]  }
0x89: {  	s3 =	sld [smem:$0x3FFE];
	_ =	sdelay $0x1  }
0x8a: {  	s1 =	srdreg.scid  }
0x8b: {  	s0 =	sand.u32 $0x1, s1  }
0x8c: {  	s17 =	sshll.u32 s0, $0xA;
	s2 =	sadd.s32 s3, s2  }
0x8d: {  	s2 =	sadd.s32 s2, s17  }
0x8e: {  	[smem:$0x3FBA] =	sst s2  }
0x8f: {  	_ = 	snop  }
0x90: {  	s2 =	sld [smem:$0x3FD0];
	(tm) =	ssettm $0x1  }
0x91: {  	s18 =	sld [smem:$0x3FFB];
	_ =	sdelay $0x3  }
0x92: {  	_ =	strace s18  }
0x93: {  	s3 =	sld [smem:$0x3FFC];
	_ =	sdelay $0x3  }
0x94: {  	_ =	strace s3  }
0x95: {  	s3 =	sld [smem:$0x3FFD];
	_ =	sdelay $0x3  }
0x96: {  	_ =	strace s3  }
0x97: {  	_ =	strace $0x8FFFFFFF  }
0x98: {  	s19 =	sld [smem:$0x3FDB];
	_ =	sdelay $0x1  }
0x99: {  	s4 =	simm.s32 $_scs_section_size  }
0x9a: {  	s5 =	simm.s32 $_size__tile_overlayer_lowered;
	s6 =	simm.s32 $_tile_overlayer_lowered  }
0x9b: {  	s22 =	simm.s32 $0x1BFF;
	s21 =	sshll.u32 s6, $0x1;
	s3 =	sadd.s32 s4, s19  }
0x9c: {  	s7 =	simm.s32 $0x0;
	s20 =	sshll.u32 s5, $0x1;
	s5 =	sadd.s32 s21, s3  }
0x9d: {  	[timem:s7], [sflag:s22] =	dma.local [hbm:s5], s20  }
0x9e: {  	_ =	swait.ge [sflag:s22], s20  }
0x9f: {  	s4 =	ssub.s32 $0x0, s20;
	[sflag:s22] =	ssyncset.done $0x0  }
0xa0: {  	[sflag:s22] =	ssyncadd.s32 s4;
	_ =	sdelay $0x1  }
0xa1: {  	s23 =	simm.s32 $0x1B8B  }
0xa2: {  	_ =	swait.ge [sflag:s23], $0x1  }
0xa3: {  	[sflag:s23] =	ssyncset.done $0x0  }
0xa4: {  	s25 =	simm.s32 $0x1B8E;
	s24 =	sld [smem:$0x3FFE];
	[sflag:s23] =	ssyncadd.s32 $0xFFFFFFFF  }
0xa5: {  	s26 =	simm.s32 $execute0_lowered;
	[smem:$0x3FD2] =	sst s25  }
0xa6: {  	s5 =	sshll.u32 s26, $0x1;
	_ =	strace $0x80000046;
	[dreg:$0x1] =	wrdreg $0xFFFFFFFF  }
0xa7: {  	s28 =	simm.s32 $_size_execute0_lowered;
	s3 =	sadd.s32 s3, s5;
	[dreg:$0x0] =	wrdreg $0x0  }
0xa8: {  	s5 =	sshll.u32 s28, $0x1;
	[dreg:$0x2] =	wrdreg s3  }
0xa9: {  	[dreg:$0x3] =	wrdreg s5  }
0xaa: {  	[dreg:$0x4] =	wrdreg $0xC0  }
0xab: {  	_ =	task [dreg:s7], $0x5FFFF  }
0xac: {  	[dreg:$0x1] =	wrdreg $0xFFFFFFFF  }
0xad: {  	[dreg:$0x0] =	wrdreg $0x60  }
0xae: {  	[dreg:$0x2] =	wrdreg s2  }
0xaf: {  	[dreg:$0x3] =	wrdreg s24  }
0xb0: {  	[dreg:$0x4] =	wrdreg $0x8D000  }
0xb1: {  	[dreg:$0x5] =	wrdreg $0x1C5800  }
0xb2: {  	[dreg:$0x6] =	wrdreg $0x9  }
0xb3: {  	_ =	task.clear_ibuf [dreg:s7], $0x7FFFF;
	_ =	strace $0x90000046  }
0xb4: {  	s29 =	simm.s32 $0x9;
	_ =	strace $0x80000048  }
0xb5: {  	_ =	swait.ge [sflag:s29], $0x1  }
0xb6: {  	[sflag:s29] =	ssyncadd.s32 $0xFFFFFFFF  }
0xb7: {  	_ =	strace $0x90000048  }
0xb8: {  	_ =	sfence  }
0xb9: {  	s30 =	sld [smem:$0x0];
	_ =	sdelay $0x2  }
0xba: {  	s31 =	sshll.u32 s1, $0xD;
	s1 =	sshrl.u32 s1, $0x2  }
0xbb: {  	s3 =	sand.u32 $0x4000, s31;
	s1 =	sadd.s32 s1, s30  }
0xbc: {  	s0 =	sor.u32 s3, s0;
	s1 =	sshll.u32 s1, $0x11  }
0xbd: {  	s0 =	sor.u32 s1, s0  }
0xbe: {  	s0 =	sadd.s32 $0x8F2B, s0  }
0xbf: {  	[sflag:s0] =	ssyncadd.remote.s32 $0x1  }
0xc0: {  	_ =	sfence.sel $0xFFFF  }
0xc1: {  	[dreg:$0x0] =	wrdreg $0xFFFFFFFF;
	(pc) =	sbr.abs _section_cstart, $3  }
0xc2: {  	[dreg:$0x1] =	wrdreg $0xFFFFFFFF  }
0xc3: {  	_ =	task.clear_ibuf [dreg:s7], $0x2FFFF;
	_ =	strace $0x9FFFFFFF  }
0xc4: {  	(tm) =	ssettm $0x7FFFFFFF  }
0xc5: {  	_ =	shalt  }
tec
execute0_lowered:
.L_overlay_start_1:
0x0: {  	(tag) =	ssettag $0x1  }
0x1: {  	s1 =	rddreg [dreg:$0x0]  }
0x2: {  	s0 =	rddreg [dreg:$0x1]  }
0x3: {  	s2 =	rddreg [dreg:$0x2]  }
0x4: {  	s3 =	rddreg [dreg:$0x3]  }
0x5: {  	s4 =	srdreg.scid;
	s5 =	simm.s32 $0x0;
	s12 =	stileid.u32  }
0x6: {  	s15 =	simm.s32 $0x28;
	s18 =	simm.s32 $0x6A00;
	s19 =	simm.s32 $0x5  }
0x7: {  	s28 =	simm.s32 $0x8B80;
	s29 =	simm.s32 $0x8200;
	s4 =	sand.u32 $0x1, s4  }
0x8: {  	[smem:$0x7FF] =	sst s5;
	s8 =	smul.u32 $0x13800, s12;
	s6 =	sadd.s32 $0x16C00, s0  }
0x9: {  	s10 =	sadd.s32 $0xCC00, s0;
	s20 =	sshll.u32 s12, $0xB;
	s11 =	sadd.s32 $0x2C00, s0  }
0xa: {  	s24 =	smul.u32 $0x4E000, s12;
	p0 =	seq.s32 s12, $0xF;
	s13 =	sadd.s32 $0x16D00, s0  }
0xb: {  	s7 =	smul.u32 $0x138800, s4;
	_ =	strace $0x80000047;
	[dreg:$0x5] =	wrdreg s10  }
0xc: {  	s14 =	sadd.s32 $0x16E00, s0;
	s9 =	smul.u32 $0x2800, s4;
	[dreg:$0x6] =	wrdreg s11  }
0xd: {  	s22 =	ssub.s32 $0x2, s4;
	s4 =	sshll.u32 s4, $0x4;
	s15 =	simm.s32 @!p0 $0x27  }
0xe: {  	s10 =	sadd.s32 s20, s3;
	p0 =	sgt.u32 s12, $0x4;
	s11 =	simm.s32 $0x8A00  }
0xf: {  	s23 =	sshrl.u32 s22, $0x1;
	s4 =	sor.u32 s12, s4;
	[dreg:$0x7] =	wrdreg s15  }
0x10: {  	s25 =	sshrl.u32 s24, $0x2;
	s24 =	simm.s32 $0x2;
	[dreg:$0xa] =	wrdreg s10  }
0x11: {  	s7 =	sadd.s32 s8, s7;
	s21 =	sadd.s32 s20, s9;
	s9 =	ssub.s32 s22, s23  }
0x12: {  	s4 =	smul.u32 $0x2800, s4;
	s16 =	sadd.s32 s25, s2;
	s22 =	simm.s32 $0x8B00  }
0x13: {  	s23 =	simm.s32 $0x7A00;
	s25 =	simm.s32 $0x8A80;
	s7 =	sshrl.u32 s7, $0x3  }
0x14: {  	s8 =	sshrl.u32 s21, $0x3;
	s30 =	smax.u32 s9, $0x1;
	[dreg:$0x9] =	wrdreg s16  }
0x15: {  	s21 =	simm.s32 $0x10;
	s8 =	sadd.s32 s8, s0;
	[dreg:$0x8] =	wrdreg s4  }
0x16: {  	v0 =	vlaneseq.u32;
	v1 =	vimm.f32 $0.0e+00;
	vm0 =	vmmov $0xffff;
	s7 =	sadd.s32 s7, s0;
	[dreg:$0xc] =	wrdreg s30;
	s26 =	sadd.s32 $0xDA200, s8  }
0x17: {  	vm1 =	vmmov $0xff;
	v5 =	vimm.f32 $1.000000000e+00;
	v3 =	vshrl.u32 v0, $0x3;
	s9 =	simm.s32 $0x1;
	s31 =	sadd.s32 $0xDAC00, s7;
	[dreg:$0xb] =	wrdreg s26  }
0x18: {  	v2 =	vand.u32 $0x7, v0;
	v4 =	vor.u32 $0x8, v0;
	v3 =	vmul.u32 $0x8, v3;
	s7 =	simm.s32 $0x0;
	[dreg:$0xd] =	wrdreg s31;
	s26 =	simm.s32 $0x7200  }
.LBB2_1:
0x19: {  	[tilespmem:$0x6A00] =	vst v1  }
0x1a: {  	[tilespmem:$0x6A10] =	vst v1  }
0x1b: {  	[tilespmem:$0x6A20] =	vst v1  }
0x1c: {  	[tilespmem:$0x6A30] =	vst v1  }
0x1d: {  	[tilespmem:$0x6A40] =	vst v1  }
0x1e: {  	[tilespmem:$0x6A50] =	vst v1  }
0x1f: {  	[tilespmem:$0x6A60] =	vst v1  }
0x20: {  	[tilespmem:$0x6A70] =	vst v1  }
0x21: {  	[tilespmem:$0x6A80] =	vst v1  }
0x22: {  	[tilespmem:$0x6A90] =	vst v1  }
0x23: {  	[tilespmem:$0x6AA0] =	vst v1  }
0x24: {  	[tilespmem:$0x6AB0] =	vst v1  }
0x25: {  	[tilespmem:$0x6AC0] =	vst v1  }
0x26: {  	[tilespmem:$0x6AD0] =	vst v1  }
0x27: {  	[tilespmem:$0x6AE0] =	vst v1  }
0x28: {  	[tilespmem:$0x6AF0] =	vst v1  }
0x29: {  	[tilespmem:$0x6B00] =	vst v1  }
0x2a: {  	[tilespmem:$0x6B10] =	vst v1  }
0x2b: {  	[tilespmem:$0x6B20] =	vst v1  }
0x2c: {  	[tilespmem:$0x6B30] =	vst v1  }
0x2d: {  	[tilespmem:$0x6B40] =	vst v1  }
0x2e: {  	[tilespmem:$0x6B50] =	vst v1  }
0x2f: {  	[tilespmem:$0x6B60] =	vst v1  }
0x30: {  	[tilespmem:$0x6B70] =	vst v1  }
0x31: {  	[tilespmem:$0x6B80] =	vst v1  }
0x32: {  	[tilespmem:$0x6B90] =	vst v1  }
0x33: {  	[tilespmem:$0x6BA0] =	vst v1  }
0x34: {  	[tilespmem:$0x6BB0] =	vst v1  }
0x35: {  	[tilespmem:$0x6BC0] =	vst v1  }
0x36: {  	[tilespmem:$0x6BD0] =	vst v1  }
0x37: {  	[tilespmem:$0x6BE0] =	vst v1  }
0x38: {  	[tilespmem:$0x6BF0] =	vst v1  }
0x39: {  	[tilespmem:$0x6C00] =	vst v1  }
0x3a: {  	[tilespmem:$0x6C10] =	vst v1  }
0x3b: {  	[tilespmem:$0x6C20] =	vst v1  }
0x3c: {  	[tilespmem:$0x6C30] =	vst v1  }
0x3d: {  	[tilespmem:$0x6C40] =	vst v1  }
0x3e: {  	[tilespmem:$0x6C50] =	vst v1  }
0x3f: {  	[tilespmem:$0x6C60] =	vst v1  }
0x40: {  	[tilespmem:$0x6C70] =	vst v1  }
0x41: {  	[tilespmem:$0x6C80] =	vst v1  }
0x42: {  	[tilespmem:$0x6C90] =	vst v1  }
0x43: {  	[tilespmem:$0x6CA0] =	vst v1  }
0x44: {  	[tilespmem:$0x6CB0] =	vst v1  }
0x45: {  	[tilespmem:$0x6CC0] =	vst v1  }
0x46: {  	[tilespmem:$0x6CD0] =	vst v1  }
0x47: {  	[tilespmem:$0x6CE0] =	vst v1  }
0x48: {  	[tilespmem:$0x6CF0] =	vst v1  }
0x49: {  	[tilespmem:$0x6D00] =	vst v1  }
0x4a: {  	[tilespmem:$0x6D10] =	vst v1  }
0x4b: {  	[tilespmem:$0x6D20] =	vst v1  }
0x4c: {  	[tilespmem:$0x6D30] =	vst v1  }
0x4d: {  	[tilespmem:$0x6D40] =	vst v1  }
0x4e: {  	[tilespmem:$0x6D50] =	vst v1  }
0x4f: {  	[tilespmem:$0x6D60] =	vst v1  }
0x50: {  	[tilespmem:$0x6D70] =	vst v1  }
0x51: {  	[tilespmem:$0x6D80] =	vst v1  }
0x52: {  	[tilespmem:$0x6D90] =	vst v1  }
0x53: {  	[tilespmem:$0x6DA0] =	vst v1  }
0x54: {  	[tilespmem:$0x6DB0] =	vst v1  }
0x55: {  	[tilespmem:$0x6DC0] =	vst v1  }
0x56: {  	[tilespmem:$0x6DD0] =	vst v1  }
0x57: {  	[tilespmem:$0x6DE0] =	vst v1  }
0x58: {  	[tilespmem:$0x6DF0] =	vst v1  }
0x59: {  	[tilespmem:$0x6E00] =	vst v1  }
0x5a: {  	[tilespmem:$0x6E10] =	vst v1  }
0x5b: {  	[tilespmem:$0x6E20] =	vst v1  }
0x5c: {  	[tilespmem:$0x6E30] =	vst v1  }
0x5d: {  	[tilespmem:$0x6E40] =	vst v1  }
0x5e: {  	[tilespmem:$0x6E50] =	vst v1  }
0x5f: {  	[tilespmem:$0x6E60] =	vst v1  }
0x60: {  	[tilespmem:$0x6E70] =	vst v1  }
0x61: {  	[tilespmem:$0x6E80] =	vst v1  }
0x62: {  	[tilespmem:$0x6E90] =	vst v1  }
0x63: {  	[tilespmem:$0x6EA0] =	vst v1  }
0x64: {  	[tilespmem:$0x6EB0] =	vst v1  }
0x65: {  	[tilespmem:$0x6EC0] =	vst v1  }
0x66: {  	[tilespmem:$0x6ED0] =	vst v1  }
0x67: {  	[tilespmem:$0x6EE0] =	vst v1  }
0x68: {  	[tilespmem:$0x6EF0] =	vst v1  }
0x69: {  	[tilespmem:$0x6F00] =	vst v1  }
0x6a: {  	[tilespmem:$0x6F10] =	vst v1  }
0x6b: {  	[tilespmem:$0x6F20] =	vst v1  }
0x6c: {  	[tilespmem:$0x6F30] =	vst v1  }
0x6d: {  	[tilespmem:$0x6F40] =	vst v1  }
0x6e: {  	[tilespmem:$0x6F50] =	vst v1  }
0x6f: {  	[tilespmem:$0x6F60] =	vst v1  }
0x70: {  	[tilespmem:$0x6F70] =	vst v1  }
0x71: {  	[tilespmem:$0x6F80] =	vst v1  }
0x72: {  	[tilespmem:$0x6F90] =	vst v1  }
0x73: {  	[tilespmem:$0x6FA0] =	vst v1  }
0x74: {  	[tilespmem:$0x6FB0] =	vst v1  }
0x75: {  	[tilespmem:$0x6FC0] =	vst v1  }
0x76: {  	[tilespmem:$0x6FD0] =	vst v1  }
0x77: {  	[tilespmem:$0x6FE0] =	vst v1  }
0x78: {  	[tilespmem:$0x6FF0] =	vst v1  }
0x79: {  	[tilespmem:$0x7000] =	vst v1  }
0x7a: {  	[tilespmem:$0x7010] =	vst v1  }
0x7b: {  	[tilespmem:$0x7020] =	vst v1  }
0x7c: {  	[tilespmem:$0x7030] =	vst v1  }
0x7d: {  	[tilespmem:$0x7040] =	vst v1  }
0x7e: {  	[tilespmem:$0x7050] =	vst v1  }
0x7f: {  	[tilespmem:$0x7060] =	vst v1  }
0x80: {  	[tilespmem:$0x7070] =	vst v1  }
0x81: {  	[tilespmem:$0x7080] =	vst v1  }
0x82: {  	[tilespmem:$0x7090] =	vst v1  }
0x83: {  	[tilespmem:$0x70A0] =	vst v1  }
0x84: {  	[tilespmem:$0x70B0] =	vst v1  }
0x85: {  	[tilespmem:$0x70C0] =	vst v1  }
0x86: {  	[tilespmem:$0x70D0] =	vst v1  }
0x87: {  	[tilespmem:$0x70E0] =	vst v1  }
0x88: {  	[tilespmem:$0x70F0] =	vst v1  }
0x89: {  	[tilespmem:$0x7100] =	vst v1  }
0x8a: {  	[tilespmem:$0x7110] =	vst v1  }
0x8b: {  	[tilespmem:$0x7120] =	vst v1  }
0x8c: {  	[tilespmem:$0x7130] =	vst v1  }
0x8d: {  	[tilespmem:$0x7140] =	vst v1  }
0x8e: {  	[tilespmem:$0x7150] =	vst v1  }
0x8f: {  	[tilespmem:$0x7160] =	vst v1  }
0x90: {  	[tilespmem:$0x7170] =	vst v1  }
0x91: {  	[tilespmem:$0x7180] =	vst v1  }
0x92: {  	[tilespmem:$0x7190] =	vst v1  }
0x93: {  	[tilespmem:$0x71A0] =	vst v1  }
0x94: {  	[tilespmem:$0x71B0] =	vst v1  }
0x95: {  	[tilespmem:$0x71C0] =	vst v1  }
0x96: {  	[tilespmem:$0x71D0] =	vst v1;
	p1 =	sne.s32 s15, $0x1  }
.Ltmp0:
0x97: {  	[tilespmem:$0x71E0] =	vst v1;
	(pc) =	sbr.rel @!p1 .LBB2_3-.Ltmp0, $4  }
0x98: {  	[dreg:$0xe] =	wrdreg s7;
	[tilespmem:$0x71F0] =	vst v1  }
0x99: {  	[spmem:s16] =	stream.linear.scatter [tilespmem:s18], [sflag:$0x5], $0x800, $0x38;
	[tilespmem:$0x1C800] =	vst v63  }
0x9a: {  	_ =	swait.ge [sflag:s19], $0x800  }
0x9b: {  	s0 =	sadd.s32 $0xFFFFFFFF, s15;
	s4 =	smov.u32 s16;
	[sflag:s19] =	ssyncset.done $0x0  }
.LBB2_2:
0x9c: {  	p2 =	sne.s32 s0, $0x1;
	[sflag:s19] =	ssyncadd.s32 $0xFFFFF800;
	s4 =	sadd.s32 $0x800, s4  }
.Ltmp1:
0x9d: {  	s0 =	sadd.s32 $0xFFFFFFFF, s0;
	(pc) =	sbr.rel @p2 .LBB2_2-.Ltmp1, $4  }
0x9e: {  	_ = 	snop  }
0x9f: {  	[spmem:s4] =	stream.linear.scatter [tilespmem:s18], [sflag:$0x5], $0x800, $0x38;
	[tilespmem:$0x1C800] =	vst v63  }
0xa0: {  	_ =	swait.ge [sflag:s19], $0x800  }
0xa1: {  	[sflag:s19] =	ssyncset.done $0x0  }
.LBB2_3:
0xa2: {  	[sflag:s19] =	ssyncadd.s32 $0xFFFFF800;
	s0 =	simm.s32 @!p0 $0x6A00  }
0xa3: {  	[spmem:s10] =	stream.linear.scatter @!p0 [tilespmem:s0], [sflag:$0x5], $0x800, $0x38;
	[tilespmem:$0x1C800] =	vst v63  }
0xa4: {  	s0 =	simm.s32 @!p0 $0x5  }
.Ltmp2:
0xa5: {  	_ =	swait.ge @!p0 [sflag:s0], $0x800;
	(pc) =	sbr.rel .LBB2_4-.Ltmp2, $4  }
0xa6: {  	[sflag:s0] =	ssyncset.done @!p0 $0x0  }
0xa7: {  	[sflag:s0] =	ssyncadd.s32 @!p0 $0xFFFFF800  }
0xa8: {  	[bflag:$0x0] =	sbarrier.arrive $0xFFFF  }
0xa9: {  	s7 =	simm.s32 $0x0  }
.LBB2_11:
0xaa: {  	s7 =	sadd.s32 $0x1, s7  }
0xab: {  	p2 =	sne.s32 s7, $0x8  }
.Ltmp3:
0xac: {  	_ = 	snop;
	(pc) =	sbr.rel @!p2 .LBB2_12-.Ltmp3, $1  }
0xad: {  	_ =	sdelay $0x3  }
.LBB2_4:
0xae: {  	s0 =	smul.u32 $0x500, s7  }
0xaf: {  	s4 =	rddreg [dreg:$0x8]  }
0xb0: {  	s0 =	sadd.s32 s4, s0  }
0xb1: {  	s8 =	rddreg [dreg:$0x5];
	s0 =	sshrl.u32 s0, $0x3  }
0xb2: {  	s4 =	sadd.s32 s8, s0;
	s8 =	simm.s32 $0x0  }
0xb3: {  	[tilespmem:s8], [sflag:$0x5] =	stream.linear.gather [hbm4b:s4+s8], $0x500, $0x38;
	[tilespmem:$0x1C800] =	vst v63  }
0xb4: {  	_ =	swait.ge [sflag:s19], $0x500  }
0xb5: {  	[sflag:s19] =	ssyncset.done $0x0;
	s10 =	rddreg [dreg:$0x6]  }
0xb6: {  	s12 =	simm.s32 $0x500;
	[sflag:s19] =	ssyncadd.s32 $0xFFFFFB00;
	s0 =	sadd.s32 s10, s0  }
0xb7: {  	[tilespmem:s12], [sflag:$0x5] =	stream.linear.gather [hbm4b:s0+s8], $0x500, $0x38;
	[tilespmem:$0x1C800] =	vst v63  }
0xb8: {  	_ =	swait.ge [sflag:s19], $0x500  }
0xb9: {  	[sflag:s19] =	ssyncset.done $0x0  }
0xba: {  	s15 =	simm.s32 $0xA00;
	[sflag:s19] =	ssyncadd.s32 $0xFFFFFB00  }
0xbb: {  	[tilespmem:s15], [sflag:$0x1] =	stream.indirect.gather [hbm4b:s1+s21], $0x80, s12, s21, $0xb8;
	[tilespmem:$0x1C800] =	vst v63  }
0xbc: {  	v6 =	vld [tilespmem:$0x0];
	_ =	sdelay $0x4  }
0xbd: {  	v7 =	vshrl.u32 v6, $0x3  }
0xbe: {  	v7 =	vmul.u32 $0x28, v7  }
0xbf: {  	v6 =	vand.u32 $0x7, v6  }
0xc0: {  	v6 =	vor.u32 v6, v7  }
0xc1: {  	v7 =	vperm.xlane v6, v2;
	_ =	sdelay $0x1  }
0xc2: {  	v7 =	vadd.s32 v3, v7;
	_ =	sdelay $0x3  }
0xc3: {  	s16 =	simm.s32 $0x1A00;
	v6 =	vperm.xlane v6, v4  }
0xc4: {  	[tilespmem:s16], [sflag:$0x1] =	stream.indirect_vreg.gather [hbm4b:s6+s8], $0x80, v7, vm0, $0xb8;
	[tilespmem:$0x1C800] =	vst v63  }
0xc5: {  	s17 =	simm.s32 $0x2200;
	v6 =	vadd.s32 v3, v6  }
0xc6: {  	[tilespmem:s17], [sflag:$0x1] =	stream.indirect_vreg.gather [hbm4b:s13+s8], $0x80, v7, vm0, $0xb8;
	[tilespmem:$0x1C800] =	vst v63  }
0xc7: {  	s20 =	simm.s32 $0x2A00  }
0xc8: {  	[tilespmem:s20], [sflag:$0x1] =	stream.indirect_vreg.gather [hbm4b:s14+s8], $0x80, v7, vm1, $0xb8;
	[tilespmem:$0x1C800] =	vst v63  }
0xc9: {  	s30 =	simm.s32 $0x2E00  }
0xca: {  	[tilespmem:s30], [sflag:$0x1] =	stream.indirect_vreg.gather [hbm4b:s6+s8], $0x80, v6, vm0, $0xb8;
	[tilespmem:$0x1C800] =	vst v63  }
0xcb: {  	s31 =	simm.s32 $0x3600  }
0xcc: {  	[tilespmem:s31], [sflag:$0x1] =	stream.indirect_vreg.gather [hbm4b:s13+s8], $0x80, v6, vm0, $0xb8;
	[tilespmem:$0x1C800] =	vst v63  }
0xcd: {  	s4 =	simm.s32 $0x3E00  }
0xce: {  	[tilespmem:s4], [sflag:$0x1] =	stream.indirect_vreg.gather [hbm4b:s14+s8], $0x80, v6, vm1, $0xb8;
	[tilespmem:$0x1C800] =	vst v63  }
0xcf: {  	s10 =	simm.s32 $0x510;
	s12 =	simm.s32 $0x1200  }
0xd0: {  	[tilespmem:s12], [sflag:$0x2] =	stream.indirect.gather [hbm4b:s1+s21], $0x80, s10, s21, $0xb8;
	[tilespmem:$0x1C800] =	vst v63  }
0xd1: {  	v6 =	vld [tilespmem:$0x10];
	_ =	sdelay $0x4  }
0xd2: {  	v7 =	vshrl.u32 v6, $0x3  }
0xd3: {  	v7 =	vmul.u32 $0x28, v7  }
0xd4: {  	v6 =	vand.u32 $0x7, v6  }
0xd5: {  	v6 =	vor.u32 v6, v7  }
0xd6: {  	v7 =	vperm.xlane v6, v2;
	_ =	sdelay $0x1  }
0xd7: {  	v7 =	vadd.s32 v3, v7;
	_ =	sdelay $0x3  }
0xd8: {  	s15 =	simm.s32 $0x4200;
	v6 =	vperm.xlane v6, v4  }
0xd9: {  	[tilespmem:s15], [sflag:$0x2] =	stream.indirect_vreg.gather [hbm4b:s6+s8], $0x80, v7, vm0, $0xb8;
	[tilespmem:$0x1C800] =	vst v63  }
0xda: {  	s16 =	simm.s32 $0x4A00;
	v6 =	vadd.s32 v3, v6  }
0xdb: {  	[tilespmem:s16], [sflag:$0x2] =	stream.indirect_vreg.gather [hbm4b:s13+s8], $0x80, v7, vm0, $0xb8;
	[tilespmem:$0x1C800] =	vst v63  }
0xdc: {  	s17 =	simm.s32 $0x5200  }
0xdd: {  	[tilespmem:s17], [sflag:$0x2] =	stream.indirect_vreg.gather [hbm4b:s14+s8], $0x80, v7, vm1, $0xb8;
	[tilespmem:$0x1C800] =	vst v63  }
0xde: {  	s20 =	simm.s32 $0x5600  }
0xdf: {  	[tilespmem:s20], [sflag:$0x2] =	stream.indirect_vreg.gather [hbm4b:s6+s8], $0x80, v6, vm0, $0xb8;
	[tilespmem:$0x1C800] =	vst v63  }
0xe0: {  	s30 =	simm.s32 $0x5E00  }
0xe1: {  	[tilespmem:s30], [sflag:$0x2] =	stream.indirect_vreg.gather [hbm4b:s13+s8], $0x80, v6, vm0, $0xb8;
	[tilespmem:$0x1C800] =	vst v63  }
0xe2: {  	s31 =	simm.s32 $0x6600  }
0xe3: {  	[tilespmem:s31], [sflag:$0x2] =	stream.indirect_vreg.gather [hbm4b:s14+s8], $0x80, v6, vm1, $0xb8;
	[tilespmem:$0x1C800] =	vst v63  }
0xe4: {  	s8 =	simm.s32 $0x0  }
.LBB2_5:
0xe5: {  	_ =	swait.ge [sflag:s9], $0x800  }
0xe6: {  	[sflag:s9] =	ssyncset.done $0x0  }
0xe7: {  	[sflag:s9] =	ssyncadd.s32 $0xFFFFF800  }
0xe8: {  	s0 =	sor.u32 s7, s8;
	_ =	swait.ge [sflag:s9], $0x2800  }
0xe9: {  	p2 =	seq.s32 s0, $0x0;
	[sflag:s9] =	ssyncset.done $0x0  }
0xea: {  	s0 =	simm.s32 @!p2 $0x3;
	[sflag:s9] =	ssyncadd.s32 $0xFFFFD800  }
0xeb: {  	_ =	swait.ge @!p2 [sflag:s0], $0x800  }
0xec: {  	[sflag:s0] =	ssyncset.done @!p2 $0x0  }
0xed: {  	[sflag:s0] =	ssyncadd.s32 @!p2 $0xFFFFF800  }
0xee: {  	_ =	swait.ge @!p2 [sflag:s0], $0x800  }
0xef: {  	[sflag:s0] =	ssyncset.done @!p2 $0x0  }
0xf0: {  	s10 =	sshll.u32 s8, $0x5;
	[sflag:s0] =	ssyncadd.s32 @!p2 $0xFFFFF800  }
0xf1: {  	v6 =	vld [tilespmem:s10+$0x0]  }
0xf2: {  	v7 =	vld [tilespmem:s10+$0x500];
	_ =	sdelay $0x4  }
0xf3: {  	vm2 =	veq.s32 v6, v7;
	[tilespmem:$0x8C00] =	vst v7  }
0xf4: {  	[tilespmem:$0x8A00] =	vst v7;
	v6 =	vsel vm2, $0x0, v5  }
0xf5: {  	[tilespmem:$0x8C80] =	vst v6;
	v6 =	vshrl.u32 v7, $0x7  }
0xf6: {  	s30 =	simm.s32 $0x0;
	p3 =	por $0x1, $0x1;
	[tilespmem:$0x8B00] =	vst v6  }
.LBB2_6:
0xf7: {  	s0 =	sshrl.u32 s30, $0x3  }
0xf8: {  	s0 =	smul.u32 $0x5000, s0  }
0xf9: {  	s20 =	sshll.u32 s30, $0x7  }
0xfa: {  	v7 =	vld [tilespmem:s20+$0xA00];
	s31 =	sshra.s32 s0, $0x2  }
0xfb: {  	v6 =	vld [tilespmem:s31+$0x2A00];
	_ =	sdelay $0x4  }
0xfc: {  	v6 =	vsub.f32 v7, v6;
	_ =	sdelay $0x1  }
0xfd: {  	v6 =	vnsel vm1, $0xF149F2CA, v6  }
0xfe: {  	(xrf0) =	vmax.scan.msk.f32 $0xffff, v6;
	_ =	sdelay $0x5  }
0xff: {  	v7, _, _ =	vpop (xrf0)  }
0x100: {  	v7 =	vbroadcast v7, $0xF;
	_ =	sdelay $0x1  }
0x101: {  	v6 =	vsub.f32 v6, v7;
	_ =	sdelay $0x1  }
0x102: {  	v6 =	vmul.f32 $1.442695020e+00, v6;
	_ =	sdelay $0x1  }
0x103: {  	(erf) = vpow2.f32 v6;
	_ =	sdelay $0x4  }
0x104: {  	v6 =	vld.msk [tilespmem:s30+$0x8C80 ss:$0x0], $0xffff  }
0x105: {  	v7 =	vld [tilespmem:s31+$0x1A00]  }
0x106: {  	v10 =	vld [tilespmem:s31+$0x2A80]  }
0x107: {  	v11 =	vld [tilespmem:s20+$0xA80]  }
0x108: {  	v8 =	vld [tilespmem:s31+$0x1A10];
	v9 =	vpop (erf)  }
0x109: {  	v12 =	vld [tilespmem:s31+$0x1A20];
	(xrf2) =	vadd.scan.msk.f32 $0xffff, v9  }
0x10a: {  	v13 =	vld [tilespmem:s31+$0x1A30]  }
0x10b: {  	v14 =	vld [tilespmem:s31+$0x1A40]  }
0x10c: {  	v15 =	vld [tilespmem:s31+$0x1A50];
	v10 =	vsub.f32 v11, v10  }
0x10d: {  	v16 =	vld [tilespmem:s31+$0x1A60]  }
0x10e: {  	v58 =	vld [tilespmem:s31+$0x1A70];
	v10 =	vnsel vm1, $0xF149F2CA, v10  }
0x10f: {  	v17 =	vld [tilespmem:s31+$0x1E00];
	(xrf0) =	vmax.scan.msk.f32 $0xffff, v10  }
0x110: {  	v18 =	vld [tilespmem:s31+$0x1E10]  }
0x111: {  	v19 =	vld [tilespmem:s31+$0x1E20]  }
0x112: {  	v21 =	vld [tilespmem:s31+$0x1E30]  }
0x113: {  	v22 =	vld [tilespmem:s31+$0x1E40];
	v20, _, _ =	vpop (xrf2)  }
0x114: {  	v23 =	vld [tilespmem:s31+$0x1E50];
	v20 =	vbroadcast v20, $0xF  }
0x115: {  	v59 =	vld [tilespmem:s31+$0x1E60];
	v25, _, _ =	vpop (xrf0)  }
0x116: {  	v24 =	vld [tilespmem:s31+$0x1E70];
	v25 =	vbroadcast v25, $0xF;
	(erf) = vrcp.f32 v20  }
0x117: {  	v26 =	vld [tilespmem:s31+$0x2200]  }
0x118: {  	v27 =	vld [tilespmem:s31+$0x2210];
	v10 =	vsub.f32 v10, v25  }
0x119: {  	v28 =	vld [tilespmem:s31+$0x2220]  }
0x11a: {  	v60 =	vld [tilespmem:s31+$0x2230];
	v10 =	vmul.f32 $1.442695020e+00, v10  }
0x11b: {  	v29 =	vld [tilespmem:s31+$0x2240]  }
0x11c: {  	v30 =	vld [tilespmem:s31+$0x2250];
	(erf) = vpow2.f32 v10  }
0x11d: {  	v31 =	vld [tilespmem:s31+$0x2260]  }
0x11e: {  	v32 =	vld [tilespmem:s31+$0x2270]  }
0x11f: {  	v33 =	vld [tilespmem:s31+$0x2600];
	v61 =	vpop (erf)  }
0x120: {  	v34 =	vld [tilespmem:s31+$0x2610];
	v10 =	vmul.f32 v61, v6  }
0x121: {  	v43 =	vld [tilespmem:s31+$0x2B00]  }
0x122: {  	v45 =	vld [tilespmem:s20+$0xB00];
	v9 =	vmul.f32 v10, v9  }
0x123: {  	v35 =	vld [tilespmem:s31+$0x2630]  }
0x124: {  	v37 =	vld [tilespmem:s31+$0x2640];
	v36 =	vbroadcast v9, $0x0;
	v44 =	vbroadcast v9, $0x2  }
0x125: {  	v38 =	vld [tilespmem:s31+$0x2650];
	v42 =	vpop (erf);
	v48 =	vbroadcast v9, $0x3;
	v52 =	vbroadcast v9, $0x4  }
0x126: {  	v39 =	vld [tilespmem:s31+$0x2660];
	(xrf2) =	vadd.scan.msk.f32 $0xffff, v42;
	v57 =	vbroadcast v9, $0x5;
	v46 =	vbroadcast v9, $0x6;
	v36 =	vpack.i.f32.bf16 v36, v36  }
0x127: {  	v41 =	vld [tilespmem:s31+$0x2670];
	v50 =	vsub.f32 v45, v43;
	v40 =	vmul.bf16 v7, v36;
	v7 =	vbroadcast v9, $0x1  }
0x128: {  	v43 =	vld [tilespmem:s31+$0x1AF0];
	v63 =	vpack.i.f32.bf16 v44, v44;
	v8 =	vmul.bf16 v8, v36;
	v12 =	vmul.bf16 v12, v36  }
0x129: {  	v10 =	vld [tilespmem:s31+$0x2620];
	v13 =	vmul.bf16 v13, v36;
	v47 =	vmul.bf16 v17, v63  }
0x12a: {  	v44 =	vld [tilespmem:s31+$0x1A80];
	v61 =	vpack.i.f32.bf16 v57, v57;
	v49 =	vmul.bf16 v18, v63;
	v19 =	vmul.bf16 v19, v63  }
0x12b: {  	v18 =	vld [tilespmem:s31+$0x1AB0];
	v21 =	vmul.bf16 v21, v63;
	v9 =	vbroadcast v9, $0x7;
	v62 =	vpack.i.f32.bf16 v7, v7  }
0x12c: {  	v36 =	vld [tilespmem:s31+$0x1AC0];
	v17 =	vnsel vm1, $0xF149F2CA, v50;
	v63 =	vmul.bf16 v29, v61;
	v14 =	vmul.bf16 v14, v62  }
0x12d: {  	v45 =	vmul.bf16 v30, v61;
	v30 =	vld [tilespmem:s31+$0x1EE0];
	v9 =	vpack.i.f32.bf16 v9, v9;
	v11 =	vmul.bf16 v58, v62  }
0x12e: {  	v29 =	vld [tilespmem:s31+$0x2290];
	v15 =	vmul.bf16 v15, v62;
	v16 =	vmul.bf16 v16, v62;
	v14 =	vadd.bf16 v14, v40  }
0x12f: {  	v7 =	vld.msk [tilespmem:s30+$0x8C81 ss:$0x0], $0xffff;
	v11 =	vadd.bf16 v11, v13;
	v13 =	vpack.i.f32.bf16 v48, v48;
	v48 =	vmul.bf16 v32, v61  }
0x130: {  	(xrf0) =	vmax.scan.msk.f32 $0xffff, v17;
	v54, _, _ =	vpop (xrf2);
	v8 =	vadd.bf16 v15, v8;
	v40 =	vld [tilespmem:s31+$0x1A90];
	v51 =	vmul.bf16 v22, v13;
	v53 =	vmul.bf16 v23, v13  }
0x131: {  	v12 =	vadd.bf16 v16, v12;
	v16 =	vld [tilespmem:s31+$0x1AA0];
	v20 =	vmul.bf16 v59, v13;
	v23 =	vbroadcast v54, $0xF  }
0x132: {  	v32 =	vld [tilespmem:s31+$0x22A0];
	v13 =	vmul.bf16 v24, v13;
	v54 =	vmul.bf16 v37, v9  }
0x133: {  	v22 =	vld [tilespmem:s31+$0x1AD0];
	v14 =	vadd.bf16 v47, v14;
	v8 =	vadd.bf16 v49, v8;
	(erf) = vrcp.f32 v23  }
0x134: {  	v24 =	vld [tilespmem:s31+$0x1E80];
	v12 =	vadd.bf16 v19, v12;
	v19 =	vpack.i.f32.bf16 v52, v52;
	v47 =	vmul.bf16 v31, v61  }
0x135: {  	v11 =	vadd.bf16 v21, v11;
	v21 =	vld [tilespmem:s31+$0x1AE0];
	v55 =	vmul.bf16 v26, v19;
	v56 =	vmul.bf16 v27, v19  }
0x136: {  	v62, _, _ =	vpop (xrf0);
	v31 =	vld [tilespmem:s31+$0x1EF0];
	v49 =	vpack.i.f32.bf16 v46, v46;
	v59 =	vmul.bf16 v28, v19;
	v60 =	vmul.bf16 v60, v19  }
0x137: {  	v61 =	vld [tilespmem:s31+$0x2B80];
	v25 =	vbroadcast v62, $0xF;
	v50 =	vmul.bf16 v33, v49;
	v14 =	vadd.bf16 v51, v14  }
0x138: {  	v27 =	vld [tilespmem:s31+$0x1E90];
	v10 =	vmul.bf16 v10, v49;
	v8 =	vadd.bf16 v53, v8;
	v12 =	vadd.bf16 v20, v12  }
0x139: {  	v23 =	vld [tilespmem:s31+$0x1EA0];
	v11 =	vadd.bf16 v13, v11;
	v51 =	vmul.bf16 v34, v49;
	v17 =	vsub.f32 v17, v25  }
0x13a: {  	v28 =	vld [tilespmem:s31+$0x1EB0];
	v53 =	vmul.bf16 v35, v49;
	v58 =	vadd.bf16 v55, v14;
	v8 =	vadd.bf16 v56, v8  }
0x13b: {  	v26 =	vld [tilespmem:s31+$0x1ED0];
	v12 =	vadd.bf16 v59, v12;
	v11 =	vadd.bf16 v60, v11;
	v55 =	vmul.bf16 v38, v9  }
0x13c: {  	v33 =	vld [tilespmem:s31+$0x22B0];
	v56 =	vmul.bf16 v39, v9;
	v17 =	vmul.f32 $1.442695020e+00, v17;
	v13 =	vadd.bf16 v63, v58;
	v52 =	vpop (erf)  }
0x13d: {  	v19 =	vld [tilespmem:s31+$0x22C0];
	v8 =	vadd.bf16 v45, v8;
	v12 =	vadd.bf16 v47, v12;
	v14 =	vmul.f32 v52, v7  }
0x13e: {  	v20 =	vld [tilespmem:s31+$0x1EC0];
	v11 =	vadd.bf16 v48, v11;
	v13 =	vadd.bf16 v50, v13;
	(erf) = vpow2.f32 v17  }
0x13f: {  	v35 =	vld [tilespmem:s31+$0x22D0];
	v8 =	vadd.bf16 v51, v8;
	v10 =	vadd.bf16 v10, v12;
	v37 =	vmul.f32 v14, v42  }
0x140: {  	v25 =	vld [tilespmem:s31+$0x2280];
	v9 =	vmul.bf16 v41, v9;
	v11 =	vadd.bf16 v53, v11;
	v13 =	vadd.bf16 v54, v13  }
0x141: {  	v38 =	vld [tilespmem:s31+$0x22E0];
	v8 =	vadd.bf16 v55, v8;
	v57 =	vadd.bf16 v56, v10;
	v58 =	vbroadcast v37, $0x0  }
0x142: {  	v39 =	vld [tilespmem:s31+$0x22F0];
	v9 =	vadd.bf16 v9, v11;
	v10 =	vunpack.i.l.bf16.f32 v13;
	v60 =	vbroadcast v37, $0x1  }
0x143: {  	v41 =	vld [tilespmem:s31+$0x2680];
	v17 =	vunpack.i.l.bf16.f32 v8;
	v53 =	vbroadcast v37, $0x2;
	v59 =	vpack.i.f32.bf16 v58, v58  }
0x144: {  	v63 =	vld [tilespmem:s20+$0xB80];
	v47 =	vpack.i.f32.bf16 v60, v60;
	v60 =	vbroadcast v37, $0x4;
	v62 =	vmul.bf16 v44, v59  }
0x145: {  	v48 =	vld [tilespmem:s31+$0x26A0];
	v12 =	vunpack.i.u.bf16.f32 v57;
	v40 =	vmul.bf16 v40, v59;
	v46 =	vmul.bf16 v16, v59  }
0x146: {  	v45 =	vld [tilespmem:s31+$0x1B20];
	v14 =	vunpack.i.u.bf16.f32 v8;
	v52 =	vmul.bf16 v36, v47;
	v22 =	vmul.bf16 v22, v47  }
0x147: {  	v50 =	vld [tilespmem:s31+$0x26C0];
	v42 =	vpack.i.f32.bf16 v53, v53;
	v18 =	vmul.bf16 v18, v59;
	v54 =	vmul.bf16 v21, v47;
	v49 =	vpop (erf)  }
0x148: {  	v51 =	vld [tilespmem:s31+$0x1B70];
	v16 =	vunpack.i.l.bf16.f32 v57;
	v55 =	vmul.bf16 v43, v47;
	v24 =	vmul.bf16 v24, v42;
	(xrf2) =	vadd.scan.msk.f32 $0xffff, v49  }
0x149: {  	v11 =	vld [tilespmem:s31+$0x2690];
	v44 =	vsub.f32 v63, v61;
	v57 =	vbroadcast v37, $0x3;
	v27 =	vmul.bf16 v27, v42  }
0x14a: {  	v8 =	vld.msk [tilespmem:s30+$0x8C82 ss:$0x0], $0xffff;
	v23 =	vmul.bf16 v23, v42;
	v59 =	vmul.bf16 v28, v42;
	v63 =	vpack.i.f32.bf16 v60, v60  }
0x14b: {  	[tilespmem:s20+$0x6A00] =	vst v10;
	v10 =	vld.msk [tilespmem:s30+$0x8C85 ss:$0x0], $0xffff;
	v60 =	vbroadcast v37, $0x6;
	v34 =	vadd.bf16 v52, v62;
	v22 =	vadd.bf16 v22, v40  }
0x14c: {  	v36 =	vld [tilespmem:s31+$0x26B0];
	v56 =	vadd.bf16 v54, v46;
	v58 =	vpack.i.f32.bf16 v57, v57;
	v53 =	vmul.bf16 v25, v63  }
0x14d: {  	v21 =	vld [tilespmem:s31+$0x26D0];
	v18 =	vadd.bf16 v55, v18;
	v55 =	vmul.bf16 v29, v63;
	v20 =	vmul.bf16 v20, v58  }
0x14e: {  	v43 =	vld [tilespmem:s31+$0x26E0];
	v40 =	vnsel vm1, $0xF149F2CA, v44;
	v26 =	vmul.bf16 v26, v58;
	v61 =	vmul.bf16 v30, v58  }
0x14f: {  	v47 =	vld [tilespmem:s31+$0x26F0];
	(xrf0) =	vmax.scan.msk.f32 $0xffff, v40;
	v62 =	vmul.bf16 v31, v58;
	v30 =	vmul.bf16 v33, v63  }
0x150: {  	v28 =	vld [tilespmem:s31+$0x1B10];
	v25 =	vpack.i.f32.bf16 v60, v60;
	v24 =	vadd.bf16 v24, v34;
	v23 =	vadd.bf16 v23, v56  }
0x151: {  	v42 =	vld [tilespmem:s31+$0x1B60];
	v18 =	vadd.bf16 v59, v18;
	v56 =	vbroadcast v37, $0x5;
	v59 =	vmul.bf16 v32, v63  }
0x152: {  	v44 =	vld [tilespmem:s31+$0x1B00];
	v22 =	vadd.bf16 v27, v22;
	v63 =	vmul.bf16 v41, v25;
	v11 =	vmul.bf16 v11, v25;
	v52, _, _ =	vpop (xrf2)  }
0x153: {  	v15 =	vunpack.i.u.bf16.f32 v13;
	v31 =	vld [tilespmem:s31+$0x1B50];
	v41 =	vmul.bf16 v48, v25;
	v54 =	vbroadcast v52, $0xF  }
0x154: {  	v33 =	vld [tilespmem:s31+$0x1F10];
	v46 =	vmul.bf16 v36, v25;
	v20 =	vadd.bf16 v20, v24;
	v22 =	vadd.bf16 v26, v22  }
0x155: {  	v27 =	vld [tilespmem:s31+$0x1B30];
	v23 =	vadd.bf16 v61, v23;
	v29 =	vpack.i.f32.bf16 v56, v56;
	v57, _, _ =	vpop (xrf0);
	(erf) = vrcp.f32 v54  }
0x156: {  	v34 =	vld [tilespmem:s31+$0x1B40];
	v18 =	vadd.bf16 v62, v18;
	v19 =	vmul.bf16 v19, v29;
	v58 =	vbroadcast v57, $0xF  }
0x157: {  	v32 =	vld [tilespmem:s31+$0x1F00];
	v61 =	vmul.bf16 v35, v29;
	v20 =	vadd.bf16 v53, v20;
	v22 =	vadd.bf16 v55, v22  }
0x158: {  	v36 =	vld [tilespmem:s31+$0x2300];
	v62 =	vmul.bf16 v38, v29;
	v23 =	vadd.bf16 v59, v23;
	v24 =	vsub.f32 v40, v58  }
0x159: {  	v35 =	vld [tilespmem:s31+$0x1F30];
	v29 =	vmul.bf16 v39, v29;
	v18 =	vadd.bf16 v30, v18;
	v19 =	vadd.bf16 v19, v20  }
0x15a: {  	v38 =	vld [tilespmem:s31+$0x1F40];
	v20 =	vadd.bf16 v61, v22;
	v40 =	vbroadcast v37, $0x7;
	v24 =	vmul.f32 $1.442695020e+00, v24  }
0x15b: {  	v26 =	vunpack.i.l.bf16.f32 v9;
	v39 =	vld [tilespmem:s31+$0x1F50];
	v23 =	vadd.bf16 v62, v23;
	v18 =	vadd.bf16 v29, v18  }
0x15c: {  	v62 =	vld [tilespmem:s31+$0x2C00];
	v19 =	vadd.bf16 v63, v19;
	(erf) = vpow2.f32 v24;
	v24 =	vpack.i.f32.bf16 v40, v40  }
0x15d: {  	v11 =	vadd.bf16 v11, v20;
	v22 =	vadd.bf16 v41, v23;
	v63 =	vld [tilespmem:s20+$0xC00];
	v52 =	vmul.bf16 v50, v24  }
0x15e: {  	[tilespmem:s20+$0x6A60] =	vst v26;
	v26 =	vld [tilespmem:s31+$0x1CE0];
	v18 =	vadd.bf16 v46, v18;
	v53 =	vmul.bf16 v21, v24;
	v54 =	vmul.bf16 v43, v24;
	v48 =	vpop (erf)  }
0x15f: {  	v30 =	vld [tilespmem:s31+$0x1F20];
	v55 =	vmul.bf16 v47, v24;
	v19 =	vadd.bf16 v52, v19;
	v25 =	vmul.f32 v48, v8  }
0x160: {  	v13 =	vunpack.i.u.bf16.f32 v9;
	v29 =	vld [tilespmem:s31+$0x1F70];
	v56 =	vadd.bf16 v53, v11;
	v57 =	vadd.bf16 v54, v22  }
0x161: {  	v37 =	vld [tilespmem:s31+$0x1F60];
	v58 =	vadd.bf16 v55, v18;
	v23 =	vunpack.i.u.bf16.f32 v19;
	v43 =	vmul.f32 v25, v49  }
0x162: {  	v41 =	vld [tilespmem:s31+$0x2320];
	v21 =	vunpack.i.u.bf16.f32 v56;
	v24 =	vunpack.i.l.bf16.f32 v56;
	v48 =	vsub.f32 v63, v62  }
0x163: {  	v46 =	vld [tilespmem:s31+$0x2330];
	v22 =	vunpack.i.l.bf16.f32 v57;
	v18 =	vunpack.i.u.bf16.f32 v58;
	v61 =	vbroadcast v43, $0x0  }
0x164: {  	v40 =	vld [tilespmem:s31+$0x2310];
	v20 =	vunpack.i.l.bf16.f32 v58;
	v48 =	vnsel vm1, $0xF149F2CA, v48;
	v52 =	vbroadcast v43, $0x1  }
0x165: {  	v47 =	vld [tilespmem:s31+$0x2340];
	v9 =	vpop (erf);
	v58 =	vbroadcast v43, $0x3;
	v59 =	vpack.i.f32.bf16 v61, v61;
	v61 =	vbroadcast v43, $0x2  }
0x166: {  	v50 =	vld [tilespmem:s31+$0x2730];
	(xrf2) =	vadd.scan.msk.f32 $0xffff, v9;
	v52 =	vpack.i.f32.bf16 v52, v52;
	v60 =	vmul.bf16 v44, v59;
	v28 =	vmul.bf16 v28, v59  }
0x167: {  	v53 =	vld [tilespmem:s31+$0x2350];
	v25 =	vunpack.i.l.bf16.f32 v19;
	(xrf0) =	vmax.scan.msk.f32 $0xffff, v48;
	v45 =	vmul.bf16 v45, v59;
	v34 =	vmul.bf16 v34, v52  }
0x168: {  	v54 =	vld [tilespmem:s31+$0x2370];
	v19 =	vunpack.i.u.bf16.f32 v57;
	v31 =	vmul.bf16 v31, v52;
	v27 =	vmul.bf16 v27, v59  }
0x169: {  	v55 =	vld [tilespmem:s31+$0x2700];
	v62 =	vmul.bf16 v42, v52;
	v63 =	vmul.bf16 v51, v52;
	v57 =	vpack.i.f32.bf16 v61, v61  }
0x16a: {  	v56 =	vld [tilespmem:s31+$0x2710];
	v11 =	vadd.bf16 v34, v60;
	v32 =	vmul.bf16 v32, v57;
	v33 =	vmul.bf16 v33, v57  }
0x16b: {  	v44 =	vld [tilespmem:s31+$0x2360];
	v30 =	vmul.bf16 v30, v57;
	v59 =	vmul.bf16 v35, v57;
	v60 =	vpack.i.f32.bf16 v58, v58  }
0x16c: {  	v51 =	vld [tilespmem:s31+$0x2740];
	v27 =	vadd.bf16 v63, v27;
	v63 =	vbroadcast v43, $0x4;
	v61 =	vmul.bf16 v38, v60  }
0x16d: {  	v42 =	vld [tilespmem:s31+$0x2750];
	v28 =	vadd.bf16 v31, v28;
	v58, _, _ =	vpop (xrf0);
	v52 =	vmul.bf16 v39, v60;
	v37 =	vmul.bf16 v37, v60  }
0x16e: {  	v34 =	vld [tilespmem:s31+$0x2720];
	v31 =	vadd.bf16 v62, v45;
	v29 =	vmul.bf16 v29, v60;
	v49 =	vbroadcast v58, $0xF  }
0x16f: {  	v45 =	vld [tilespmem:s31+$0x2760];
	v60 =	vbroadcast v43, $0x5;
	v32 =	vadd.bf16 v32, v11;
	v28 =	vadd.bf16 v33, v28  }
0x170: {  	v39 =	vld [tilespmem:s31+$0x1B80];
	v30 =	vadd.bf16 v30, v31;
	v62, _, _ =	vpop (xrf2);
	v27 =	vadd.bf16 v59, v27;
	v57 =	vpack.i.f32.bf16 v63, v63  }
0x171: {  	v33 =	vld [tilespmem:s31+$0x2770];
	v38 =	vbroadcast v62, $0xF;
	v59 =	vmul.bf16 v36, v57;
	v48 =	vsub.f32 v48, v49  }
0x172: {  	v11 =	vld.msk [tilespmem:s30+$0x8C83 ss:$0x0], $0xffff;
	v41 =	vmul.bf16 v41, v57;
	v35 =	vmul.bf16 v46, v57;
	v31 =	vadd.bf16 v61, v32  }
0x173: {  	v36 =	vld [tilespmem:s31+$0x1BA0];
	v28 =	vadd.bf16 v52, v28;
	v27 =	vadd.bf16 v29, v27;
	(erf) = vrcp.f32 v38  }
0x174: {  	v46 =	vld [tilespmem:s31+$0x1BD0];
	v61 =	vmul.bf16 v40, v57;
	v29 =	vpack.i.f32.bf16 v60, v60;
	v57 =	vbroadcast v43, $0x6  }
0x175: {  	v49 =	vld [tilespmem:s31+$0x1FA0];
	v30 =	vadd.bf16 v37, v30;
	v62 =	vmul.bf16 v47, v29;
	v48 =	vmul.f32 $1.442695020e+00, v48  }
0x176: {  	v37 =	vld [tilespmem:s31+$0x1BB0];
	v63 =	vmul.bf16 v53, v29;
	v58 =	vmul.bf16 v44, v29;
	v31 =	vadd.bf16 v59, v31  }
0x177: {  	v40 =	vld [tilespmem:s31+$0x1BC0];
	v29 =	vmul.bf16 v54, v29;
	v28 =	vadd.bf16 v61, v28;
	v30 =	vadd.bf16 v41, v30  }
0x178: {  	v52 =	vld [tilespmem:s31+$0x1BF0];
	v27 =	vadd.bf16 v35, v27;
	v59 =	vpack.i.f32.bf16 v57, v57;
	(erf) = vpow2.f32 v48  }
0x179: {  	v38 =	vld [tilespmem:s31+$0x1B90];
	v60 =	vmul.bf16 v55, v59;
	v31 =	vadd.bf16 v62, v31;
	v62 =	vbroadcast v43, $0x7  }
0x17a: {  	v47 =	vld [tilespmem:s31+$0x1BE0];
	v34 =	vmul.bf16 v34, v59;
	v32 =	vmul.bf16 v50, v59;
	v28 =	vadd.bf16 v63, v28  }
0x17b: {  	v44 =	vld [tilespmem:s31+$0x1F80];
	v27 =	vadd.bf16 v29, v27;
	v63 =	vmul.bf16 v56, v59;
	v29 =	vpack.i.f32.bf16 v62, v62  }
0x17c: {  	v53 =	vld [tilespmem:s31+$0x1FC0];
	v30 =	vadd.bf16 v58, v30;
	v31 =	vadd.bf16 v60, v31;
	v55 =	vmul.bf16 v51, v29;
	v61 =	vpop (erf)  }
0x17d: {  	v54 =	vld [tilespmem:s31+$0x2390];
	v28 =	vadd.bf16 v63, v28;
	v56 =	vmul.bf16 v42, v29;
	v41 =	vmul.f32 v61, v11  }
0x17e: {  	v30 =	vadd.bf16 v34, v30;
	v58 =	vmul.bf16 v45, v29;
	v29 =	vmul.bf16 v33, v29;
	v33 =	vld [tilespmem:s31+$0x2C80]  }
0x17f: {  	v27 =	vadd.bf16 v32, v27;
	v51 =	vadd.bf16 v55, v31;
	v61 =	vld [tilespmem:s20+$0xC80];
	v41 =	vmul.f32 v41, v9  }
0x180: {  	v35 =	vld [tilespmem:s31+$0x1FE0];
	v34 =	vadd.bf16 v56, v28;
	v31 =	vadd.bf16 v58, v30  }
0x181: {  	v48 =	vld [tilespmem:s31+$0x1F90];
	v30 =	vadd.bf16 v29, v27;
	v27 =	vunpack.i.u.bf16.f32 v51;
	v42 =	vpop (erf);
	v57 =	vbroadcast v41, $0x0  }
0x182: {  	v50 =	vld [tilespmem:s31+$0x1FF0];
	v28 =	vunpack.i.l.bf16.f32 v51;
	(xrf2) =	vadd.scan.msk.f32 $0xffff, v42;
	v60 =	vbroadcast v41, $0x1;
	v63 =	vbroadcast v41, $0x2  }
0x183: {  	v9 =	vld [tilespmem:s31+$0x1FD0];
	v58 =	vbroadcast v41, $0x3;
	v59 =	vpack.i.f32.bf16 v57, v57;
	v57 =	vbroadcast v41, $0x4  }
0x184: {  	v43 =	vld [tilespmem:s31+$0x1FB0];
	v33 =	vsub.f32 v61, v33;
	v62 =	vmul.bf16 v39, v59;
	v38 =	vmul.bf16 v38, v59  }
0x185: {  	v45 =	vld [tilespmem:s31+$0x23D0];
	v32 =	vpack.i.f32.bf16 v60, v60;
	v36 =	vmul.bf16 v36, v59;
	v37 =	vmul.bf16 v37, v59  }
0x186: {  	v55 =	vld [tilespmem:s31+$0x23A0];
	v61 =	vpack.i.f32.bf16 v58, v58;
	v40 =	vmul.bf16 v40, v32;
	v46 =	vmul.bf16 v46, v32  }
0x187: {  	v56 =	vld [tilespmem:s31+$0x23C0];
	v47 =	vmul.bf16 v47, v32;
	v32 =	vmul.bf16 v52, v32;
	v33 =	vnsel vm1, $0xF149F2CA, v33  }
0x188: {  	v51 =	vld [tilespmem:s31+$0x23B0];
	v9 =	vmul.bf16 v9, v61;
	v35 =	vmul.bf16 v35, v61;
	v29 =	vadd.bf16 v40, v62  }
0x189: {  	v39 =	vld [tilespmem:s31+$0x2380];
	v38 =	vadd.bf16 v46, v38;
	v40 =	vpack.i.f32.bf16 v63, v63;
	v63 =	vmul.bf16 v53, v61  }
0x18a: {  	(xrf0) =	vmax.scan.msk.f32 $0xffff, v33;
	v36 =	vadd.bf16 v47, v36;
	v47 =	vld [tilespmem:s31+$0x23E0];
	v59 =	vmul.bf16 v44, v40;
	v60 =	vmul.bf16 v48, v40  }
0x18b: {  	v32 =	vadd.bf16 v32, v37;
	v46 =	vld [tilespmem:s31+$0x2780];
	v49 =	vmul.bf16 v49, v40;
	v40 =	vmul.bf16 v43, v40  }
0x18c: {  	v53 =	vld [tilespmem:s31+$0x1C30];
	v43 =	vmul.bf16 v50, v61;
	v29 =	vadd.bf16 v59, v29;
	v62 =	vadd.bf16 v60, v38;
	v58, _, _ =	vpop (xrf2)  }
0x18d: {  	v48 =	vld [tilespmem:s31+$0x23F0];
	v32 =	vadd.bf16 v40, v32;
	v40 =	vpack.i.f32.bf16 v57, v57;
	v52 =	vbroadcast v58, $0xF  }
0x18e: {  	v44 =	vld [tilespmem:s31+$0x2790];
	v36 =	vadd.bf16 v49, v36;
	v59 =	vmul.bf16 v39, v40;
	v55 =	vmul.bf16 v55, v40  }
0x18f: {  	v50 =	vld [tilespmem:s31+$0x27C0];
	v29 =	vadd.bf16 v63, v29;
	v37 =	vadd.bf16 v9, v62;
	(erf) = vrcp.f32 v52  }
0x190: {  	v49 =	vld [tilespmem:s31+$0x27A0];
	v60, _, _ =	vpop (xrf0);
	v35 =	vadd.bf16 v35, v36;
	v62 =	vmul.bf16 v54, v40;
	v63 =	vbroadcast v41, $0x5  }
0x191: {  	v38 =	vld [tilespmem:s31+$0x27B0];
	v32 =	vadd.bf16 v43, v32;
	v40 =	vmul.bf16 v51, v40;
	v61 =	vbroadcast v60, $0xF  }
0x192: {  	v57 =	vld [tilespmem:s31+$0x27F0];
	v52 =	vadd.bf16 v59, v29;
	v37 =	vadd.bf16 v62, v37;
	v60 =	vpack.i.f32.bf16 v63, v63  }
0x193: {  	v39 =	vld [tilespmem:s31+$0x27D0];
	v35 =	vadd.bf16 v55, v35;
	v32 =	vadd.bf16 v40, v32;
	v63 =	vbroadcast v41, $0x6  }
0x194: {  	v9 =	vld.msk [tilespmem:s30+$0x8C84 ss:$0x0], $0xffff;
	v33 =	vsub.f32 v33, v61;
	v61 =	vmul.bf16 v56, v60;
	v62 =	vmul.bf16 v45, v60  }
0x195: {  	v36 =	vld [tilespmem:s31+$0x27E0];
	v47 =	vmul.bf16 v47, v60;
	v59 =	vmul.bf16 v48, v60;
	v60 =	vpack.i.f32.bf16 v63, v63  }
0x196: {  	v51 =	vld [tilespmem:s31+$0x1C00];
	v33 =	vmul.f32 $1.442695020e+00, v33;
	v52 =	vadd.bf16 v61, v52;
	v58 =	vadd.bf16 v62, v37  }
0x197: {  	v54 =	vld [tilespmem:s31+$0x1C10];
	v35 =	vadd.bf16 v47, v35;
	v45 =	vmul.bf16 v46, v60;
	v62 =	vbroadcast v41, $0x7  }
0x198: {  	v43 =	vld [tilespmem:s31+$0x1C40];
	v44 =	vmul.bf16 v44, v60;
	v32 =	vadd.bf16 v59, v32;
	(erf) = vpow2.f32 v33;
	v61 =	vpop (erf)  }
0x199: {  	v55 =	vld [tilespmem:s31+$0x1C20];
	v38 =	vmul.bf16 v38, v60;
	v37 =	vpack.i.f32.bf16 v62, v62;
	v63 =	vmul.f32 v61, v9  }
0x19a: {  	v48 =	vld [tilespmem:s31+$0x1C70];
	v45 =	vadd.bf16 v45, v52;
	v52 =	vmul.bf16 v49, v60;
	v56 =	vmul.bf16 v50, v37  }
0x19b: {  	v47 =	vld [tilespmem:s31+$0x1C50];
	v33 =	vadd.bf16 v44, v58;
	v39 =	vmul.bf16 v39, v37;
	v40 =	vmul.f32 v63, v42  }
0x19c: {  	v46 =	vld [tilespmem:s31+$0x1C60];
	v32 =	vadd.bf16 v38, v32;
	v60 =	vmul.bf16 v36, v37;
	v37 =	vmul.bf16 v57, v37  }
0x19d: {  	v41 =	vld [tilespmem:s31+$0x2000];
	v35 =	vadd.bf16 v52, v35;
	v58 =	vbroadcast v40, $0x0  }
0x19e: {  	v44 =	vld [tilespmem:s31+$0x2010];
	v39 =	vadd.bf16 v39, v33;
	v32 =	vadd.bf16 v37, v32;
	v59 =	vbroadcast v40, $0x1  }
0x19f: {  	v49 =	vld [tilespmem:s31+$0x2040];
	v42 =	vadd.bf16 v56, v45;
	v63 =	vbroadcast v40, $0x2;
	v38 =	vpack.i.f32.bf16 v58, v58  }
0x1a0: {  	v36 =	vld [tilespmem:s31+$0x2030];
	v45 =	vpack.i.f32.bf16 v59, v59;
	v59 =	vbroadcast v40, $0x4;
	v61 =	vmul.bf16 v51, v38  }
0x1a1: {  	[tilespmem:s20+$0x6A20] =	vst v17;
	v50 =	vld [tilespmem:s31+$0x2020];
	v33 =	vadd.bf16 v60, v35;
	v52 =	vpop (erf);
	v43 =	vmul.bf16 v43, v45;
	v62 =	vmul.bf16 v54, v38  }
0x1a2: {  	v56 =	vld [tilespmem:s31+$0x2060];
	v17 =	vunpack.i.u.bf16.f32 v42;
	(xrf2) =	vadd.scan.msk.f32 $0xffff, v52;
	v55 =	vmul.bf16 v55, v38;
	v38 =	vmul.bf16 v53, v38  }
0x1a3: {  	v60 =	vpack.i.f32.bf16 v63, v63;
	v51 =	vld [tilespmem:s31+$0x2050];
	v47 =	vmul.bf16 v47, v45;
	v46 =	vmul.bf16 v46, v45  }
0x1a4: {  	[tilespmem:s20+$0x6A30] =	vst v14;
	v14 =	vunpack.i.l.bf16.f32 v42;
	v54 =	vld [tilespmem:s31+$0x2400];
	v45 =	vmul.bf16 v48, v45;
	v41 =	vmul.bf16 v41, v60  }
0x1a5: {  	v48 =	vld [tilespmem:s31+$0x2410];
	v36 =	vmul.bf16 v36, v60;
	v35 =	vadd.bf16 v43, v61;
	v37 =	vadd.bf16 v47, v62  }
0x1a6: {  	v43 =	vld [tilespmem:s31+$0x2070];
	v61 =	vbroadcast v40, $0x3;
	v38 =	vadd.bf16 v45, v38;
	v62 =	vmul.bf16 v44, v60  }
0x1a7: {  	v42 =	vld [tilespmem:s31+$0x24E0];
	v63 =	vmul.bf16 v50, v60;
	v46 =	vadd.bf16 v46, v55;
	v35 =	vadd.bf16 v41, v35  }
0x1a8: {  	v50 =	vld [tilespmem:s31+$0x2440];
	v47 =	vpack.i.f32.bf16 v61, v61;
	v37 =	vadd.bf16 v62, v37;
	v36 =	vadd.bf16 v36, v38  }
0x1a9: {  	v55 =	vld [tilespmem:s31+$0x2420];
	v38 =	vpack.i.f32.bf16 v59, v59;
	v57 =	vmul.bf16 v49, v47;
	v58 =	vmul.bf16 v51, v47  }
0x1aa: {  	v45 =	vadd.bf16 v63, v46;
	v51 =	vld [tilespmem:s31+$0x2450];
	v60 =	vmul.bf16 v56, v47;
	v63 =	vmul.bf16 v54, v38  }
0x1ab: {  	v53 =	vld [tilespmem:s31+$0x2470];
	v48 =	vmul.bf16 v48, v38;
	v41 =	vadd.bf16 v57, v35;
	v43 =	vmul.bf16 v43, v47  }
0x1ac: {  	v44 =	vld [tilespmem:s31+$0x2430];
	v37 =	vadd.bf16 v58, v37;
	v45 =	vadd.bf16 v60, v45;
	v60 =	vbroadcast v40, $0x5;
	v61, _, _ =	vpop (xrf2)  }
0x1ad: {  	v47 =	vld [tilespmem:s31+$0x2800];
	v36 =	vadd.bf16 v43, v36;
	v41 =	vadd.bf16 v63, v41;
	v62 =	vbroadcast v61, $0xF  }
0x1ae: {  	v46 =	vld [tilespmem:s31+$0x2460];
	v43 =	vpack.i.f32.bf16 v60, v60;
	v60 =	vbroadcast v40, $0x6;
	v61 =	vmul.bf16 v55, v38  }
0x1af: {  	v54 =	vld [tilespmem:s31+$0x2810];
	v37 =	vadd.bf16 v48, v37;
	v63 =	vmul.bf16 v51, v43;
	(erf) = vrcp.f32 v62  }
0x1b0: {  	v56 =	vld [tilespmem:s31+$0x2820];
	v62 =	vmul.bf16 v50, v43  }
0x1b1: {  	v49 =	vld [tilespmem:s31+$0x2850];
	v45 =	vadd.bf16 v61, v45;
	v61 =	vadd.bf16 v63, v37;
	v63 =	vpack.i.f32.bf16 v60, v60  }
0x1b2: {  	v55 =	vld [tilespmem:s31+$0x2830];
	v47 =	vmul.bf16 v47, v63;
	v41 =	vadd.bf16 v62, v41  }
0x1b3: {  	v38 =	vmul.bf16 v44, v38;
	v44 =	vld [tilespmem:s31+$0x2840];
	v62 =	vmul.bf16 v46, v43  }
0x1b4: {  	[tilespmem:s20+$0x6A10] =	vst v15;
	v58 =	vadd.bf16 v47, v41;
	v41 =	vld [tilespmem:s31+$0x2D00]  }
0x1b5: {  	[tilespmem:s20+$0x6A70] =	vst v13;
	v29 =	vunpack.i.u.bf16.f32 v34;
	v40 =	vbroadcast v40, $0x7;
	v37 =	vadd.bf16 v62, v45;
	v62 =	vld [tilespmem:s20+$0xD00]  }
0x1b6: {  	[tilespmem:s20+$0x6B00] =	vst v28;
	v34 =	vunpack.i.l.bf16.f32 v34;
	v13 =	vunpack.i.l.bf16.f32 v39;
	v48 =	vld [tilespmem:s31+$0x1C80];
	v54 =	vmul.bf16 v54, v63  }
0x1b7: {  	[tilespmem:s20+$0x6B30] =	vst v29;
	v28 =	vunpack.i.u.bf16.f32 v32;
	v29 =	vunpack.i.l.bf16.f32 v32;
	v51 =	vld [tilespmem:s31+$0x2860];
	v40 =	vpack.i.f32.bf16 v40, v40  }
0x1b8: {  	[tilespmem:s20+$0x6A50] =	vst v12;
	v50 =	vld [tilespmem:s31+$0x2080];
	v43 =	vmul.bf16 v53, v43;
	v15 =	vadd.bf16 v54, v61;
	v61 =	vmul.bf16 v56, v63;
	v59 =	vpop (erf)  }
0x1b9: {  	[tilespmem:s20+$0x6A40] =	vst v16;
	v36 =	vadd.bf16 v38, v36;
	v46 =	vld [tilespmem:s31+$0x2870];
	v38 =	vmul.bf16 v55, v63;
	v60 =	vmul.f32 v59, v10  }
0x1ba: {  	[tilespmem:s20+$0x6AB0] =	vst v21;
	v63 =	vmul.bf16 v44, v40;
	v44 =	vld [tilespmem:s31+$0x1CB0];
	v53 =	vadd.bf16 v61, v37;
	v61 =	vsub.f32 v62, v41  }
0x1bb: {  	[tilespmem:s20+$0x6AF0] =	vst v18;
	v21 =	vunpack.i.u.bf16.f32 v33;
	v18 =	vunpack.i.l.bf16.f32 v33;
	v59 =	vld [tilespmem:s31+$0x1CD0];
	v12 =	vmul.f32 v60, v52  }
0x1bc: {  	[tilespmem:s20+$0x6A90] =	vst v23;
	v35 =	vunpack.i.u.bf16.f32 v31;
	v55 =	vmul.bf16 v51, v40;
	v56 =	vld [tilespmem:s31+$0x1CC0];
	v37 =	vnsel vm1, $0xF149F2CA, v61  }
0x1bd: {  	v31 =	vunpack.i.l.bf16.f32 v31;
	v54 =	vmul.bf16 v49, v40;
	v62 =	vld [tilespmem:s31+$0x1CF0];
	(xrf0) =	vmax.scan.msk.f32 $0xffff, v37;
	v60 =	vbroadcast v12, $0x1  }
0x1be: {  	[tilespmem:s20+$0x6AA0] =	vst v24;
	v16 =	vadd.bf16 v43, v36;
	v47 =	vunpack.i.u.bf16.f32 v39;
	v24 =	vadd.bf16 v55, v53;
	v53 =	vld [tilespmem:s31+$0x2090]  }
0x1bf: {  	[tilespmem:s20+$0x6A80] =	vst v25;
	v45 =	vld [tilespmem:s31+$0x1C90];
	v23 =	vadd.bf16 v63, v58;
	v63 =	vmul.bf16 v46, v40;
	v25 =	vpack.i.f32.bf16 v60, v60  }
0x1c0: {  	v43 =	vld [tilespmem:s31+$0x1CA0];
	v16 =	vadd.bf16 v38, v16;
	v38 =	vmul.bf16 v59, v25;
	v59 =	vbroadcast v12, $0x2  }
0x1c1: {  	v15 =	vadd.bf16 v54, v15;
	[tilespmem:s20+$0x6BB0] =	vst v47;
	v47 =	vld [tilespmem:s31+$0x2880];
	v58 =	vbroadcast v12, $0x0;
	v52 =	vmul.bf16 v56, v25  }
0x1c2: {  	v55 =	vld [tilespmem:s31+$0x20A0];
	v26 =	vmul.bf16 v26, v25;
	v25 =	vmul.bf16 v62, v25;
	v62 =	vpack.i.f32.bf16 v59, v59  }
0x1c3: {  	[tilespmem:s20+$0x6B20] =	vst v34;
	v34 =	vunpack.i.u.bf16.f32 v23;
	v16 =	vadd.bf16 v63, v16;
	v63 =	vld [tilespmem:s31+$0x20D0];
	v46 =	vmul.bf16 v53, v62;
	v53, _, _ =	vpop (xrf0)  }
0x1c4: {  	v57 =	vunpack.i.u.bf16.f32 v30;
	[tilespmem:s20+$0x6C10] =	vst v34;
	v34 =	vld [tilespmem:s31+$0x28B0];
	v36 =	vpack.i.f32.bf16 v58, v58;
	v32 =	vbroadcast v53, $0xF  }
0x1c5: {  	[tilespmem:s20+$0x6B80] =	vst v14;
	v30 =	vunpack.i.l.bf16.f32 v30;
	v14 =	vunpack.i.u.bf16.f32 v15;
	v61 =	vld [tilespmem:s31+$0x20C0];
	v48 =	vmul.bf16 v48, v36  }
0x1c6: {  	[tilespmem:s20+$0x6AC0] =	vst v22;
	v23 =	vunpack.i.l.bf16.f32 v23;
	v60 =	vld [tilespmem:s31+$0x20B0];
	v51 =	vmul.bf16 v45, v36;
	v32 =	vsub.f32 v37, v32  }
0x1c7: {  	[tilespmem:s20+$0x6AE0] =	vst v20;
	v54 =	vmul.bf16 v43, v36;
	v56 =	vmul.bf16 v44, v36;
	v58 =	vadd.bf16 v52, v48;
	v48 =	vld [tilespmem:s31+$0x20E0]  }
0x1c8: {  	[tilespmem:s20+$0x6AD0] =	vst v19;
	v43 =	vunpack.i.l.bf16.f32 v15;
	v19 =	vadd.bf16 v38, v51;
	v51 =	vld [tilespmem:s31+$0x20F0];
	v32 =	vmul.f32 $1.442695020e+00, v32  }
0x1c9: {  	[tilespmem:s20+$0x6B10] =	vst v27;
	v22 =	vadd.bf16 v26, v54;
	v52 =	vld [tilespmem:s31+$0x2480];
	v44 =	vmul.bf16 v50, v62;
	v49 =	vmul.bf16 v55, v62  }
0x1ca: {  	[tilespmem:s20+$0x6BA0] =	vst v13;
	v20 =	vadd.bf16 v25, v56;
	v50 =	vbroadcast v12, $0x3;
	v55 =	vld [tilespmem:s31+$0x2490];
	(erf) = vpow2.f32 v32  }
0x1cb: {  	[tilespmem:s20+$0x6BE0] =	vst v29;
	v56 =	vmul.bf16 v60, v62;
	v53 =	vunpack.i.u.bf16.f32 v16;
	v26 =	vadd.bf16 v44, v58;
	v58 =	vld [tilespmem:s31+$0x24A0]  }
0x1cc: {  	[tilespmem:s20+$0x6BF0] =	vst v28;
	v60 =	vld [tilespmem:s31+$0x24B0];
	v19 =	vadd.bf16 v46, v19;
	v54 =	vpack.i.f32.bf16 v50, v50;
	v46 =	vbroadcast v12, $0x5  }
0x1cd: {  	[tilespmem:s20+$0x6BC0] =	vst v18;
	v45 =	vld [tilespmem:s31+$0x24F0];
	v16 =	vunpack.i.l.bf16.f32 v16;
	v33 =	vmul.bf16 v61, v54;
	v61 =	vbroadcast v12, $0x4  }
0x1ce: {  	[tilespmem:s20+$0x6BD0] =	vst v21;
	v62 =	vld [tilespmem:s31+$0x24C0];
	v22 =	vadd.bf16 v49, v22;
	v59 =	vmul.bf16 v63, v54;
	v40 =	vmul.bf16 v48, v54  }
0x1cf: {  	[tilespmem:s20+$0x6B90] =	vst v17;
	v63 =	vld [tilespmem:s31+$0x24D0];
	v25 =	vmul.bf16 v51, v54;
	v26 =	vadd.bf16 v33, v26;
	v33 =	vpack.i.f32.bf16 v61, v61  }
0x1d0: {  	[tilespmem:s20+$0x6B40] =	vst v31;
	v20 =	vadd.bf16 v56, v20;
	v44 =	vmul.bf16 v52, v33;
	v51 =	vmul.bf16 v58, v33;
	v58 =	vld [tilespmem:s31+$0x2D80]  }
0x1d1: {  	[tilespmem:s20+$0x6B50] =	vst v35;
	v48 =	vunpack.i.u.bf16.f32 v24;
	v50 =	vmul.bf16 v55, v33;
	v33 =	vmul.bf16 v60, v33;
	v60 =	vld [tilespmem:s20+$0xD80]  }
0x1d2: {  	[tilespmem:s20+$0x6B60] =	vst v30;
	v38 =	vld [tilespmem:s31+$0x28E0];
	v24 =	vunpack.i.l.bf16.f32 v24;
	v19 =	vadd.bf16 v59, v19;
	v17 =	vadd.bf16 v40, v22  }
0x1d3: {  	[tilespmem:s20+$0x6B70] =	vst v57;
	v22 =	vpack.i.f32.bf16 v46, v46;
	v52 =	vld [tilespmem:s31+$0x28A0];
	v55 =	vbroadcast v12, $0x6;
	v12 =	vbroadcast v12, $0x7;
	v39 =	vpop (erf)  }
0x1d4: {  	v49 =	vld [tilespmem:s31+$0x2890];
	v20 =	vadd.bf16 v25, v20;
	v35 =	vmul.bf16 v62, v22;
	v59 =	vmul.bf16 v42, v22;
	(xrf2) =	vadd.scan.msk.f32 $0xffff, v39  }
0x1d5: {  	[tilespmem:s20+$0x6C30] =	vst v14;
	v56 =	vld [tilespmem:s31+$0x28D0];
	v62 =	vmul.bf16 v45, v22;
	v15 =	vadd.bf16 v44, v26;
	v19 =	vadd.bf16 v50, v19  }
0x1d6: {  	[tilespmem:s20+$0x6C00] =	vst v23;
	v54 =	vld [tilespmem:s31+$0x28C0];
	v57 =	vmul.bf16 v63, v22;
	v17 =	vadd.bf16 v51, v17;
	v45 =	vsub.f32 v60, v58  }
0x1d7: {  	[tilespmem:s20+$0x6C20] =	vst v43;
	v46 =	vld [tilespmem:s30+$0x8C00];
	v21 =	vpack.i.f32.bf16 v55, v55;
	v12 =	vpack.i.f32.bf16 v12, v12;
	v15 =	vadd.bf16 v35, v15  }
0x1d8: {  	[tilespmem:s20+$0x6C50] =	vst v48;
	v48 =	vld [tilespmem:s30+$0x8C01];
	v35 =	vadd.bf16 v59, v17;
	v42 =	vmul.bf16 v52, v21;
	v18 =	vnsel vm1, $0xF149F2CA, v45  }
0x1d9: {  	v20 =	vadd.bf16 v33, v20;
	v37 =	vmul.bf16 v49, v21;
	v51 =	vld [tilespmem:s30+$0x8C02];
	v61 =	vadd.bf16 v57, v19;
	(xrf0) =	vmax.scan.msk.f32 $0xffff, v18  }
0x1da: {  	[tilespmem:s20+$0x6C60] =	vst v16;
	v63 =	vmul.bf16 v47, v21;
	v49 =	vmul.bf16 v38, v12;
	v14 =	vadd.bf16 v42, v35  }
0x1db: {  	[tilespmem:s20+$0x6C70] =	vst v53;
	v43 =	vmul.bf16 v56, v12;
	v19 =	vadd.bf16 v62, v20;
	v52 =	vld [tilespmem:s30+$0x8C03];
	v13 =	vadd.bf16 v37, v61  }
0x1dc: {  	[tilespmem:s20+$0x6C40] =	vst v24;
	v44 =	vld [tilespmem:s31+$0x28F0];
	v41 =	vmul.bf16 v54, v12;
	(v2sf) =	vpush v46, $0x0;
	v14 =	vadd.bf16 v49, v14  }
0x1dd: {  	v55 =	vld [tilespmem:s30+$0x8C04];
	v47 =	vmul.bf16 v34, v21;
	(v2sf) =	vpush v48, $0x0;
	v13 =	vadd.bf16 v43, v13  }
0x1de: {  	(v2sf) =	vpush v51, $0x0;
	v54 =	vunpack.i.l.bf16.f32 v14;
	v14 =	vunpack.i.u.bf16.f32 v14;
	v57, _, _ =	vpop (xrf2)  }
0x1df: {  	v53 =	vunpack.i.l.bf16.f32 v13;
	v13 =	vunpack.i.u.bf16.f32 v13;
	[tilespmem:s20+$0x6CD0] =	vst v14;
	v58, _, _ =	vpop (xrf0);
	v14 =	vbroadcast v57, $0xF  }
0x1e0: {  	v28 =	vld [tilespmem:s31+$0x2140];
	v15 =	vadd.bf16 v63, v15;
	(v2sf) =	vpush v52, $0x0;
	[tilespmem:s20+$0x6CB0] =	vst v13;
	v13 =	vbroadcast v58, $0xF  }
0x1e1: {  	v30 =	vld [tilespmem:s31+$0x2170];
	v16 =	vadd.bf16 v47, v19;
	v12 =	vmul.bf16 v44, v12;
	(erf) = vrcp.f32 v14  }
0x1e2: {  	v31 =	vld [tilespmem:s31+$0x2510];
	(v2sf) =	vpush v55, $0x0;
	v13 =	vsub.f32 v18, v13  }
0x1e3: {  	v36 =	vld [tilespmem:s31+$0x2520];
	v12 =	vadd.bf16 v12, v16  }
0x1e4: {  	v40 =	vld [tilespmem:s31+$0x1D50];
	v15 =	vadd.bf16 v41, v15;
	v13 =	vmul.f32 $1.442695020e+00, v13  }
0x1e5: {  	v25 =	vld [tilespmem:s31+$0x2570];
	v56 =	vunpack.i.l.bf16.f32 v12;
	v12 =	vunpack.i.u.bf16.f32 v12  }
0x1e6: {  	v50 =	vunpack.i.l.bf16.f32 v15;
	[tilespmem:s20+$0x6CF0] =	vst v12;
	v12 =	vld.msk [tilespmem:s30+$0x8C86 ss:$0x0], $0xffff;
	(erf) = vpow2.f32 v13  }
0x1e7: {  	v34 =	vld [tilespmem:s31+$0x2540];
	v15 =	vunpack.i.u.bf16.f32 v15;
	[tilespmem:s20+$0x6C80] =	vst v50  }
0x1e8: {  	v59 =	vld [tilespmem:s31+$0x1D00];
	[tilespmem:s20+$0x6C90] =	vst v15  }
0x1e9: {  	v62 =	vld [tilespmem:s31+$0x1D30];
	[tilespmem:s20+$0x6CA0] =	vst v53  }
0x1ea: {  	v21 =	vld [tilespmem:s31+$0x2530];
	[tilespmem:s20+$0x6CC0] =	vst v54;
	v43 =	vpop (erf)  }
0x1eb: {  	v60 =	vld [tilespmem:s31+$0x1D10];
	[tilespmem:s20+$0x6CE0] =	vst v56;
	s12 =	spop (v2sf);
	v13 =	vmul.f32 v43, v12  }
0x1ec: {  	v16 =	vld [tilespmem:s30+$0x8C05];
	s16 =	spop (v2sf);
	s17 =	sand.u32 $0xF, s12  }
0x1ed: {  	v61 =	vld [tilespmem:s31+$0x1D20];
	v46 =	vmov s17;
	s4 =	sand.u32 $0xF, s16;
	s15 =	spop (v2sf)  }
0x1ee: {  	v63 =	vld [tilespmem:s31+$0x1D40];
	vm2 =	veq.s32 v46, v0;
	v48 =	vmov s4;
	s0 =	sand.u32 $0xF, s15;
	v14 =	vmul.f32 v13, v39  }
0x1ef: {  	v42 =	vld [tilespmem:s31+$0x1D70];
	v6 =	vnsel vm2, $0x0, v6;
	vm2 =	veq.s32 v48, v0;
	s4 =	spop (v2sf);
	v50 =	vmov s0;
	v13 =	vpop (erf)  }
0x1f0: {  	v44 =	vld [tilespmem:s31+$0x2100];
	v33 =	vnsel vm2, $0x0, v7;
	s17 =	sand.u32 $0xF, s4;
	vm2 =	veq.s32 v50, v0;
	v52 =	vbroadcast v14, $0x0;
	(xrf2) =	vadd.scan.msk.f32 $0xffff, v13  }
0x1f1: {  	v53 =	vld [tilespmem:s31+$0x2150];
	(v2sf) =	vpush v16, $0x0;
	s0 =	spop (v2sf);
	v51 =	vmov s17;
	v8 =	vnsel vm2, $0x0, v8  }
0x1f2: {  	v54 =	vld [tilespmem:s31+$0x2160];
	s17 =	sand.u32 $0xF, s0;
	vm3 =	veq.s32 v51, v0;
	v57 =	vbroadcast v14, $0x1;
	v55 =	vpack.i.f32.bf16 v52, v52  }
0x1f3: {  	[tilespmem:s20+$0x7A80] =	vst v1;
	v41 =	vld [tilespmem:s31+$0x1D60];
	v56 =	vmov s17;
	v43 =	vbroadcast v14, $0x3;
	v15 =	vmul.bf16 v59, v55  }
0x1f4: {  	[tilespmem:s20+$0x7A90] =	vst v1;
	v47 =	vld [tilespmem:s31+$0x2120];
	v7 =	vnsel vm3, $0x0, v11;
	v17 =	vmul.bf16 v60, v55;
	v18 =	vmul.bf16 v61, v55  }
0x1f5: {  	[tilespmem:s20+$0x7AA0] =	vst v1;
	v45 =	vld [tilespmem:s31+$0x2110];
	v48 =	vpack.i.f32.bf16 v43, v43;
	v11 =	vmul.bf16 v62, v55;
	v60 =	vbroadcast v14, $0x2  }
0x1f6: {  	[tilespmem:s20+$0x7A00] =	vst v1;
	v49 =	vld [tilespmem:s31+$0x2130];
	v59 =	vpack.i.f32.bf16 v57, v57;
	v51 =	vmul.bf16 v28, v48;
	v53 =	vmul.bf16 v53, v48  }
0x1f7: {  	[tilespmem:s20+$0x7A10] =	vst v1;
	v58 =	vld [tilespmem:s31+$0x2500];
	vm2 =	veq.s32 v56, v0;
	v54 =	vmul.bf16 v54, v48;
	v61 =	vmul.bf16 v63, v59  }
0x1f8: {  	[tilespmem:s20+$0x7A20] =	vst v1;
	v46 =	vld [tilespmem:s31+$0x2900];
	v9 =	vnsel vm2, $0x0, v9;
	v62 =	vmul.bf16 v40, v59;
	v22 =	vmul.bf16 v41, v59  }
0x1f9: {  	[tilespmem:s20+$0x7A30] =	vst v1;
	v50 =	vld [tilespmem:s31+$0x2910];
	v19 =	vmul.bf16 v42, v59;
	v63 =	vpack.i.f32.bf16 v60, v60;
	v15 =	vadd.bf16 v61, v15  }
0x1fa: {  	[tilespmem:s20+$0x7A40] =	vst v1;
	v39 =	vld [tilespmem:s31+$0x2550];
	v37 =	vadd.bf16 v62, v17;
	v38 =	vmul.bf16 v44, v63;
	v40 =	vmul.bf16 v45, v63;
	v44, _, _ =	vpop (xrf2)  }
0x1fb: {  	[tilespmem:s20+$0x7A50] =	vst v1;
	v52 =	vld [tilespmem:s31+$0x2920];
	v18 =	vadd.bf16 v22, v18;
	v42 =	vmul.bf16 v47, v63;
	v47 =	vbroadcast v44, $0xF  }
0x1fc: {  	[tilespmem:s20+$0x7A60] =	vst v1;
	s12 =	sand.u32 $0x70, s12;
	s17 =	sadd.s32 $0x7A00, s20;
	v43 =	vld [tilespmem:s31+$0x1D90];
	v11 =	vadd.bf16 v19, v11;
	v45 =	vmul.bf16 v49, v63;
	v49 =	vbroadcast v14, $0x4  }
0x1fd: {  	[tilespmem:s20+$0x7A70] =	vst v1;
	s12 =	sor.u32 s12, s17;
	v55 =	vld [tilespmem:s31+$0x2930];
	v17 =	vmul.bf16 v30, v48;
	v15 =	vadd.bf16 v38, v15;
	(erf) = vrcp.f32 v47  }
0x1fe: {  	[tilespmem:s12+$0x0] =	vst v6;
	v57 =	vld [tilespmem:s31+$0x2940];
	v16 =	vadd.bf16 v40, v37;
	v6 =	vadd.bf16 v42, v18;
	v18 =	vpack.i.f32.bf16 v49, v49  }
0x1ff: {  	[tilespmem:s20+$0x7AB0] =	vst v1;
	v41 =	vld [tilespmem:s31+$0x2560];
	v11 =	vadd.bf16 v45, v11;
	v37 =	vbroadcast v14, $0x6;
	v56 =	vmul.bf16 v58, v18  }
0x200: {  	[tilespmem:s20+$0x7AC0] =	vst v1;
	v59 =	vld [tilespmem:s31+$0x2950];
	v60 =	vmul.bf16 v31, v18;
	v58 =	vadd.bf16 v54, v6;
	v6 =	vbroadcast v14, $0x5  }
0x201: {  	[tilespmem:s20+$0x7AD0] =	vst v1;
	v61 =	vld [tilespmem:s31+$0x2960];
	v62 =	vmul.bf16 v36, v18;
	v18 =	vmul.bf16 v21, v18;
	v15 =	vadd.bf16 v51, v15  }
0x202: {  	[tilespmem:s20+$0x7AE0] =	vst v1;
	v42 =	vpack.i.f32.bf16 v37, v37;
	v14 =	vbroadcast v14, $0x7;
	v63 =	vpack.i.f32.bf16 v6, v6;
	v6 =	vld.msk [tilespmem:s30+$0x8C87 ss:$0x0], $0xffff  }
0x203: {  	[tilespmem:s20+$0x7AF0] =	vst v1;
	v48 =	vld [tilespmem:s31+$0x1DB0];
	v16 =	vadd.bf16 v53, v16;
	v45 =	vmul.bf16 v46, v42;
	v49 =	vmul.bf16 v50, v42  }
0x204: {  	[tilespmem:s20+$0x7C00] =	vst v1;
	v38 =	vld [tilespmem:s31+$0x2970];
	v11 =	vadd.bf16 v17, v11;
	v50 =	vmul.bf16 v52, v42;
	v22 =	vmul.bf16 v55, v42  }
0x205: {  	[tilespmem:s20+$0x7C10] =	vst v1;
	v40 =	vld [tilespmem:s31+$0x1D80];
	v15 =	vadd.bf16 v56, v15;
	v16 =	vadd.bf16 v60, v16;
	v36 =	vmul.bf16 v34, v63  }
0x206: {  	[tilespmem:s20+$0x7C20] =	vst v1;
	v51 =	vld [tilespmem:s31+$0x1DC0];
	v26 =	vadd.bf16 v62, v58;
	v39 =	vmul.bf16 v39, v63;
	v41 =	vmul.bf16 v41, v63;
	v46 =	vpop (erf)  }
0x207: {  	[tilespmem:s20+$0x7C30] =	vst v1;
	v54 =	vld [tilespmem:s31+$0x1DE0];
	v14 =	vpack.i.f32.bf16 v14, v14;
	v44 =	vmul.bf16 v25, v63;
	v23 =	vmul.f32 v46, v6  }
0x208: {  	[tilespmem:s20+$0x7C40] =	vst v1;
	v37 =	vld [tilespmem:s31+$0x21C0];
	v11 =	vadd.bf16 v18, v11;
	v53 =	vmul.bf16 v57, v14;
	v57 =	vmul.bf16 v59, v14  }
0x209: {  	[tilespmem:s20+$0x7B00] =	vst v1;
	v52 =	vld [tilespmem:s31+$0x1DD0];
	v19 =	vmul.bf16 v61, v14;
	v15 =	vadd.bf16 v36, v15;
	v13 =	vmul.f32 v23, v13  }
0x20a: {  	[tilespmem:s20+$0x7B10] =	vst v1;
	v14 =	vmul.bf16 v38, v14;
	v47 =	vld [tilespmem:s31+$0x1DA0];
	v16 =	vadd.bf16 v39, v16;
	v11 =	vadd.bf16 v44, v11  }
0x20b: {  	[tilespmem:s20+$0x7B20] =	vst v1;
	v56 =	vld [tilespmem:s31+$0x1DF0];
	v17 =	vadd.bf16 v41, v26;
	v15 =	vadd.bf16 v45, v15;
	v55 =	vbroadcast v13, $0x0  }
0x20c: {  	[tilespmem:s20+$0x7B30] =	vst v1;
	v58 =	vld [tilespmem:s31+$0x2180];
	v16 =	vadd.bf16 v49, v16;
	v11 =	vadd.bf16 v22, v11;
	v59 =	vbroadcast v13, $0x1  }
0x20d: {  	[tilespmem:s20+$0x7B40] =	vst v1;
	s16 =	sand.u32 $0x70, s16;
	s17 =	sadd.s32 $0x7A80, s20;
	v60 =	vld [tilespmem:s31+$0x2190];
	v36 =	vbroadcast v13, $0x2;
	v28 =	vbroadcast v13, $0x5;
	v22 =	vpack.i.f32.bf16 v55, v55  }
0x20e: {  	[tilespmem:s20+$0x7B50] =	vst v1;
	s12 =	sor.u32 s16, s17;
	v63 =	vld [tilespmem:s31+$0x21A0];
	v17 =	vadd.bf16 v50, v17;
	v61 =	vmul.bf16 v40, v22;
	v62 =	vmul.bf16 v43, v22  }
0x20f: {  	[tilespmem:s12+$0x0] =	vst v33;
	v34 =	vld [tilespmem:s31+$0x21B0];
	v33 =	vpack.i.f32.bf16 v59, v59;
	v25 =	vmul.bf16 v47, v22;
	v22 =	vmul.bf16 v48, v22  }
0x210: {  	[tilespmem:s20+$0x7B60] =	vst v1;
	s15 =	sand.u32 $0x70, s15;
	s16 =	sadd.s32 $0x7B00, s20;
	v42 =	vld [tilespmem:s31+$0x21E0];
	v15 =	vadd.bf16 v53, v15;
	v35 =	vmul.bf16 v51, v33;
	v38 =	vmul.bf16 v52, v33  }
0x211: {  	[tilespmem:s20+$0x7B70] =	vst v1;
	s12 =	sor.u32 s15, s16;
	v39 =	vld [tilespmem:s31+$0x21D0];
	v41 =	vpack.i.f32.bf16 v36, v36;
	v21 =	vmul.bf16 v54, v33;
	v40 =	vmul.bf16 v56, v33  }
0x212: {  	[tilespmem:s12+$0x0] =	vst v8;
	v45 =	vld [tilespmem:s31+$0x21F0];
	v8 =	vadd.bf16 v57, v16;
	v44 =	vmul.bf16 v58, v41;
	v46 =	vmul.bf16 v60, v41  }
0x213: {  	[tilespmem:s20+$0x7C50] =	vst v1;
	v50 =	vld [tilespmem:s31+$0x2590];
	v17 =	vadd.bf16 v19, v17;
	v47 =	vbroadcast v13, $0x3;
	v20 =	vmul.bf16 v63, v41  }
0x214: {  	[tilespmem:s20+$0x7C60] =	vst v1;
	v11 =	vadd.bf16 v14, v11;
	v53 =	vld [tilespmem:s31+$0x25A0];
	v49 =	vmul.bf16 v34, v41;
	v52 =	vbroadcast v13, $0x4  }
0x215: {  	[tilespmem:s20+$0x7B80] =	vst v1;
	v30 =	vld [tilespmem:s31+$0x25E0];
	v41 =	vunpack.i.u.bf16.f32 v15;
	v15 =	vunpack.i.l.bf16.f32 v15;
	v16 =	vadd.bf16 v35, v61  }
0x216: {  	[tilespmem:s20+$0x7B90] =	vst v1;
	v14 =	vadd.bf16 v38, v62;
	v43 =	vadd.bf16 v21, v25;
	v51 =	vpack.i.f32.bf16 v47, v47  }
0x217: {  	[tilespmem:s20+$0x7BA0] =	vst v1;
	v48 =	vld [tilespmem:s31+$0x2580];
	v19 =	vadd.bf16 v40, v22;
	v55 =	vmul.bf16 v37, v51;
	v57 =	vmul.bf16 v39, v51  }
0x218: {  	[tilespmem:s20+$0x7BB0] =	vst v1;
	v56 =	vld [tilespmem:s31+$0x25B0];
	v59 =	vpack.i.f32.bf16 v52, v52;
	v58 =	vmul.bf16 v42, v51;
	v61 =	vmul.bf16 v45, v51  }
0x219: {  	[tilespmem:s20+$0x7BC0] =	vst v1;
	v60 =	vld [tilespmem:s31+$0x25C0];
	v21 =	vpack.i.f32.bf16 v28, v28;
	v31 =	vmul.bf16 v50, v59;
	v32 =	vmul.bf16 v53, v59  }
0x21a: {  	[tilespmem:s20+$0x7BD0] =	vst v1;
	v63 =	vld [tilespmem:s31+$0x25D0];
	v52 =	vunpack.i.u.bf16.f32 v17;
	v38 =	vmul.bf16 v30, v21;
	v39 =	vbroadcast v13, $0x6  }
0x21b: {  	[tilespmem:s20+$0x7BE0] =	vst v1;
	s4 =	sand.u32 $0x70, s4;
	s17 =	sadd.s32 $0x7B80, s20;
	v33 =	vld [tilespmem:s31+$0x25F0];
	v13 =	vbroadcast v13, $0x7;
	v45 =	vunpack.i.u.bf16.f32 v8;
	v8 =	vunpack.i.l.bf16.f32 v8  }
0x21c: {  	[tilespmem:s20+$0x7BF0] =	vst v1;
	s4 =	sor.u32 s4, s17;
	v35 =	vld [tilespmem:s31+$0x2980];
	v53 =	vunpack.i.l.bf16.f32 v11;
	v16 =	vadd.bf16 v44, v16;
	v14 =	vadd.bf16 v46, v14  }
0x21d: {  	[tilespmem:s4+$0x0] =	vst v7;
	v40 =	vld [tilespmem:s31+$0x29C0];
	v11 =	vunpack.i.u.bf16.f32 v11;
	v7 =	vadd.bf16 v20, v43;
	v54 =	vadd.bf16 v49, v19  }
0x21e: {  	[tilespmem:s20+$0x7C70] =	vst v1;
	s0 =	sand.u32 $0x70, s0;
	s12 =	sadd.s32 $0x7C00, s20;
	v37 =	vld [tilespmem:s31+$0x2990];
	v62 =	vmul.bf16 v48, v59;
	v20 =	vmul.bf16 v56, v59;
	v16 =	vadd.bf16 v55, v16  }
0x21f: {  	[tilespmem:s20+$0x7C80] =	vst v1;
	s0 =	sor.u32 s0, s12;
	v42 =	vld [tilespmem:s31+$0x29A0];
	v49 =	vunpack.i.l.bf16.f32 v17;
	v34 =	vmul.bf16 v60, v21;
	v36 =	vmul.bf16 v63, v21  }
0x220: {  	[tilespmem:s0+$0x0] =	vst v9;
	v51 =	vld [tilespmem:s31+$0x29E0];
	v43 =	vpack.i.f32.bf16 v39, v39;
	v14 =	vadd.bf16 v57, v14;
	v16 =	vadd.bf16 v62, v16  }
0x221: {  	[tilespmem:s20+$0x6D00] =	vst v15;
	v44 =	vld [tilespmem:s31+$0x29D0];
	v46 =	vmul.bf16 v33, v21;
	v13 =	vpack.i.f32.bf16 v13, v13;
	v7 =	vadd.bf16 v58, v7  }
0x222: {  	[tilespmem:s20+$0x6D10] =	vst v41;
	v48 =	vld [tilespmem:s31+$0x29B0];
	v23 =	vmul.bf16 v35, v43;
	v14 =	vadd.bf16 v31, v14;
	v16 =	vadd.bf16 v34, v16  }
0x223: {  	[tilespmem:s20+$0x6D50] =	vst v52;
	v18 =	vadd.bf16 v61, v54;
	v50 =	vmul.bf16 v40, v13;
	v7 =	vadd.bf16 v32, v7  }
0x224: {  	[tilespmem:s20+$0x6D20] =	vst v8;
	v55 =	vld [tilespmem:s31+$0x29F0];
	v47 =	vmul.bf16 v37, v43;
	v14 =	vadd.bf16 v36, v14;
	v16 =	vadd.bf16 v23, v16  }
0x225: {  	[tilespmem:s20+$0x6D30] =	vst v45;
	v18 =	vadd.bf16 v20, v18;
	v54 =	vmul.bf16 v42, v43;
	v7 =	vadd.bf16 v38, v7  }
0x226: {  	[tilespmem:s20+$0x6D60] =	vst v53;
	v19 =	vmul.bf16 v44, v13;
	v14 =	vadd.bf16 v47, v14;
	v16 =	vadd.bf16 v50, v16  }
0x227: {  	[tilespmem:s20+$0x6D70] =	vst v11;
	v60 =	vmul.bf16 v51, v13;
	v8 =	vadd.bf16 v46, v18;
	v58 =	vmul.bf16 v48, v43  }
0x228: {  	[tilespmem:s20+$0x6D40] =	vst v49;
	v7 =	vadd.bf16 v54, v7;
	v56 =	vadd.bf16 v19, v14;
	v57 =	vunpack.i.l.bf16.f32 v16  }
0x229: {  	v13 =	vmul.bf16 v55, v13;
	v16 =	vunpack.i.u.bf16.f32 v16;
	[tilespmem:s20+$0x6D80] =	vst v57  }
0x22a: {  	v8 =	vadd.bf16 v58, v8;
	v7 =	vadd.bf16 v60, v7;
	v61 =	vunpack.i.l.bf16.f32 v56;
	[tilespmem:s20+$0x6D90] =	vst v16  }
0x22b: {  	v9 =	vunpack.i.u.bf16.f32 v56;
	[tilespmem:s20+$0x6DA0] =	vst v61  }
0x22c: {  	v8 =	vadd.bf16 v13, v8;
	v62 =	vunpack.i.l.bf16.f32 v7;
	[tilespmem:s20+$0x6DB0] =	vst v9  }
0x22d: {  	v7 =	vunpack.i.u.bf16.f32 v7;
	[tilespmem:s20+$0x6DC0] =	vst v62  }
0x22e: {  	v59 =	vld [tilespmem:s30+$0x8C06];
	[tilespmem:s20+$0x6DD0] =	vst v7;
	v7 =	vunpack.i.l.bf16.f32 v8  }
0x22f: {  	v8 =	vunpack.i.u.bf16.f32 v8;
	[tilespmem:s20+$0x6DE0] =	vst v7  }
0x230: {  	[tilespmem:s20+$0x6DF0] =	vst v8  }
0x231: {  	[tilespmem:s20+$0x7C90] =	vst v1;
	v7 =	vld [tilespmem:s30+$0x8C07]  }
0x232: {  	[tilespmem:s20+$0x7CA0] =	vst v1  }
0x233: {  	[tilespmem:s20+$0x7CB0] =	vst v1;
	(v2sf) =	vpush v59, $0x0  }
0x234: {  	[tilespmem:s20+$0x7CC0] =	vst v1  }
0x235: {  	[tilespmem:s20+$0x7CD0] =	vst v1  }
0x236: {  	[tilespmem:s20+$0x7CE0] =	vst v1;
	s15 =	spop (v2sf);
	(v2sf) =	vpush v7, $0x0  }
0x237: {  	[tilespmem:s20+$0x7CF0] =	vst v1  }
0x238: {  	[tilespmem:s20+$0x7D00] =	vst v1  }
0x239: {  	[tilespmem:s20+$0x7D10] =	vst v1  }
0x23a: {  	[tilespmem:s20+$0x7D20] =	vst v1  }
0x23b: {  	[tilespmem:s20+$0x7D30] =	vst v1  }
0x23c: {  	[tilespmem:s20+$0x7D40] =	vst v1  }
0x23d: {  	[tilespmem:s20+$0x7D50] =	vst v1  }
0x23e: {  	[tilespmem:s20+$0x7D60] =	vst v1  }
0x23f: {  	[tilespmem:s20+$0x7D70] =	vst v1  }
0x240: {  	s16 =	sand.u32 $0xF, s15;
	[tilespmem:s20+$0x7D80] =	vst v1  }
0x241: {  	v63 =	vmov s16;
	[tilespmem:s20+$0x7D90] =	vst v1  }
0x242: {  	s17 =	sadd.s32 $0x7C80, s20;
	s0 =	sand.u32 $0x70, s15;
	vm2 =	veq.s32 v63, v0;
	[tilespmem:s20+$0x7DA0] =	vst v1;
	s31 =	spop (v2sf)  }
0x243: {  	s0 =	sor.u32 s0, s17;
	[tilespmem:s20+$0x7DB0] =	vst v1;
	v7 =	vnsel vm2, $0x0, v10;
	s12 =	sand.u32 $0xF, s31  }
0x244: {  	p4 =	por p3, p3;
	[tilespmem:s0+$0x0] =	vst v7;
	v7 =	vmov s12  }
0x245: {  	s15 =	sadd.s32 $0x7D00, s20;
	[tilespmem:s20+$0x7DC0] =	vst v1;
	s0 =	sand.u32 $0x70, s31;
	vm2 =	veq.s32 v7, v0;
	s16 =	spop (v2sf)  }
.Ltmp4:
0x246: {  	[tilespmem:s20+$0x7DD0] =	vst v1;
	s0 =	sor.u32 s0, s15;
	v7 =	vnsel vm2, $0x0, v12;
	s17 =	sand.u32 $0xF, s16;
	(pc) =	sbr.rel @p4 .LBB2_6-.Ltmp4, $4  }
0x247: {  	[tilespmem:s0+$0x0] =	vst v7;
	v7 =	vmov s17  }
0x248: {  	[tilespmem:s20+$0x7DE0] =	vst v1;
	s31 =	sadd.s32 $0x7D80, s20;
	s0 =	sand.u32 $0x70, s16;
	vm2 =	veq.s32 v7, v0  }
0x249: {  	[tilespmem:s20+$0x7DF0] =	vst v1;
	s0 =	sor.u32 s0, s31;
	v6 =	vnsel vm2, $0x0, v6  }
0x24a: {  	p3 =	por $0x0, $0x0;
	s30 =	simm.s32 $0x8;
	[tilespmem:s0+$0x0] =	vst v6  }
0x24b: {  	[spmem:s2] =	stream.indirect.scatter.add.f32 [tilespmem:s18], [sflag:$0x3], $0x80, s11, s21, $0xb8;
	[tilespmem:$0x1C800] =	vst v63  }
0x24c: {  	p3 =	seq.s32 s8, $0x27  }
0x24d: {  	[spmem:s3] =	stream.indirect.scatter.add.f32 [tilespmem:s23], [sflag:$0x3], $0x80, s22, s21, $0xb8;
	[tilespmem:$0x1C800] =	vst v63  }
0x24e: {  	s0 =	sadd.s32 @!p3 $0x520, s10;
	s4 =	simm.s32 @!p3 $0x10;
	s12 =	simm.s32 @!p3 $0xA00  }
0x24f: {  	[tilespmem:s12], [sflag:$0x1] =	stream.indirect.gather @!p3 [hbm4b:s1+s4], $0x80, s0, s4, $0xb8;
	[tilespmem:$0x1C800] =	vst v63  }
0x250: {  	v6 =	vld @!p3 [tilespmem:s10+$0x20];
	_ =	sdelay $0x4  }
0x251: {  	v7 =	vshrl.u32 @!p3 v6, $0x3  }
0x252: {  	v7 =	vmul.u32 @!p3 $0x28, v7  }
0x253: {  	v8 =	vlaneseq.u32 @!p3;
	v6 =	vand.u32 @!p3 $0x7, v6  }
0x254: {  	v9 =	vshrl.u32 @!p3 v8, $0x3;
	v6 =	vor.u32 @!p3 v6, v7;
	v7 =	vand.u32 @!p3 $0x7, v8  }
0x255: {  	v9 =	vmul.u32 @!p3 $0x8, v9;
	v7 =	vperm.xlane @!p3 v6, v7;
	_ =	sdelay $0x1  }
0x256: {  	v7 =	vadd.s32 @!p3 v9, v7;
	_ =	sdelay $0x2  }
0x257: {  	v8 =	vor.u32 @!p3 $0x8, v8  }
0x258: {  	vm2 =	vmmov @!p3 $0xffff;
	s0 =	simm.s32 @!p3 $0x0;
	s4 =	simm.s32 @!p3 $0x1A00;
	v6 =	vperm.xlane @!p3 v6, v8  }
0x259: {  	[tilespmem:s4], [sflag:$0x1] =	stream.indirect_vreg.gather @!p3 [hbm4b:s6+s0], $0x80, v7, vm2, $0xb8;
	[tilespmem:$0x1C800] =	vst v63  }
0x25a: {  	v6 =	vadd.s32 @!p3 v9, v6;
	s4 =	simm.s32 @!p3 $0x2200  }
0x25b: {  	[tilespmem:s4], [sflag:$0x1] =	stream.indirect_vreg.gather @!p3 [hbm4b:s13+s0], $0x80, v7, vm2, $0xb8;
	[tilespmem:$0x1C800] =	vst v63  }
0x25c: {  	vm3 =	vmmov @!p3 $0xff;
	s4 =	simm.s32 @!p3 $0x2A00  }
0x25d: {  	[tilespmem:s4], [sflag:$0x1] =	stream.indirect_vreg.gather @!p3 [hbm4b:s14+s0], $0x80, v7, vm3, $0xb8;
	[tilespmem:$0x1C800] =	vst v63  }
0x25e: {  	s4 =	simm.s32 @!p3 $0x2E00  }
0x25f: {  	[tilespmem:s4], [sflag:$0x1] =	stream.indirect_vreg.gather @!p3 [hbm4b:s6+s0], $0x80, v6, vm2, $0xb8;
	[tilespmem:$0x1C800] =	vst v63  }
0x260: {  	s4 =	simm.s32 @!p3 $0x3600  }
0x261: {  	[tilespmem:s4], [sflag:$0x1] =	stream.indirect_vreg.gather @!p3 [hbm4b:s13+s0], $0x80, v6, vm2, $0xb8;
	[tilespmem:$0x1C800] =	vst v63  }
0x262: {  	s4 =	simm.s32 @!p3 $0x3E00  }
0x263: {  	[tilespmem:s4], [sflag:$0x1] =	stream.indirect_vreg.gather @!p3 [hbm4b:s14+s0], $0x80, v6, vm3, $0xb8;
	[tilespmem:$0x1C800] =	vst v63  }
0x264: {  	_ =	swait.ge [sflag:s24], $0x800  }
0x265: {  	[sflag:s24] =	ssyncset.done $0x0  }
0x266: {  	[sflag:s24] =	ssyncadd.s32 $0xFFFFF800  }
0x267: {  	_ =	swait.ge [sflag:s24], $0x2800  }
0x268: {  	[sflag:s24] =	ssyncset.done $0x0  }
0x269: {  	s0 =	simm.s32 @!p2 $0x4;
	[sflag:s24] =	ssyncadd.s32 $0xFFFFD800  }
0x26a: {  	_ =	swait.ge @!p2 [sflag:s0], $0x800  }
0x26b: {  	[sflag:s0] =	ssyncset.done @!p2 $0x0  }
0x26c: {  	[sflag:s0] =	ssyncadd.s32 @!p2 $0xFFFFF800  }
0x26d: {  	_ =	swait.ge @!p2 [sflag:s0], $0x800  }
0x26e: {  	[sflag:s0] =	ssyncset.done @!p2 $0x0  }
0x26f: {  	s31 =	sor.u32 $0x10, s10;
	[sflag:s0] =	ssyncadd.s32 @!p2 $0xFFFFF800  }
0x270: {  	v6 =	vld [tilespmem:s31+$0x0]  }
0x271: {  	v7 =	vld [tilespmem:s10+$0x510];
	_ =	sdelay $0x4  }
0x272: {  	vm2 =	veq.s32 v6, v7;
	[tilespmem:$0x8C00] =	vst v7  }
0x273: {  	[tilespmem:$0x8A80] =	vst v7;
	v6 =	vsel vm2, $0x0, v5  }
0x274: {  	[tilespmem:$0x8C80] =	vst v6;
	v6 =	vshrl.u32 v7, $0x7  }
0x275: {  	s30 =	simm.s32 $0x0;
	p2 =	por $0x1, $0x1;
	[tilespmem:$0x8B80] =	vst v6  }
.LBB2_8:
0x276: {  	s0 =	sshrl.u32 s30, $0x3  }
0x277: {  	s0 =	smul.u32 $0x5000, s0  }
0x278: {  	s20 =	sshll.u32 s30, $0x7  }
0x279: {  	v7 =	vld [tilespmem:s20+$0x1200];
	s31 =	sshra.s32 s0, $0x2  }
0x27a: {  	v6 =	vld [tilespmem:s31+$0x5200];
	_ =	sdelay $0x4  }
0x27b: {  	v6 =	vsub.f32 v7, v6;
	_ =	sdelay $0x1  }
0x27c: {  	v6 =	vnsel vm1, $0xF149F2CA, v6  }
0x27d: {  	(xrf0) =	vmax.scan.msk.f32 $0xffff, v6;
	_ =	sdelay $0x5  }
0x27e: {  	v7, _, _ =	vpop (xrf0)  }
0x27f: {  	v7 =	vbroadcast v7, $0xF;
	_ =	sdelay $0x1  }
0x280: {  	v6 =	vsub.f32 v6, v7;
	_ =	sdelay $0x1  }
0x281: {  	v6 =	vmul.f32 $1.442695020e+00, v6;
	_ =	sdelay $0x1  }
0x282: {  	(erf) = vpow2.f32 v6;
	_ =	sdelay $0x4  }
0x283: {  	v6 =	vld.msk [tilespmem:s30+$0x8C80 ss:$0x0], $0xffff  }
0x284: {  	v7 =	vld [tilespmem:s31+$0x4200]  }
0x285: {  	v10 =	vld [tilespmem:s31+$0x5280]  }
0x286: {  	v11 =	vld [tilespmem:s20+$0x1280]  }
0x287: {  	v8 =	vld [tilespmem:s31+$0x4210];
	v9 =	vpop (erf)  }
0x288: {  	v12 =	vld [tilespmem:s31+$0x4220];
	(xrf2) =	vadd.scan.msk.f32 $0xffff, v9  }
0x289: {  	v13 =	vld [tilespmem:s31+$0x4230]  }
0x28a: {  	v14 =	vld [tilespmem:s31+$0x4240]  }
0x28b: {  	v15 =	vld [tilespmem:s31+$0x4250];
	v10 =	vsub.f32 v11, v10  }
0x28c: {  	v16 =	vld [tilespmem:s31+$0x4260]  }
0x28d: {  	v58 =	vld [tilespmem:s31+$0x4270];
	v10 =	vnsel vm1, $0xF149F2CA, v10  }
0x28e: {  	v17 =	vld [tilespmem:s31+$0x4600];
	(xrf0) =	vmax.scan.msk.f32 $0xffff, v10  }
0x28f: {  	v18 =	vld [tilespmem:s31+$0x4610]  }
0x290: {  	v19 =	vld [tilespmem:s31+$0x4620]  }
0x291: {  	v21 =	vld [tilespmem:s31+$0x4630]  }
0x292: {  	v22 =	vld [tilespmem:s31+$0x4640];
	v20, _, _ =	vpop (xrf2)  }
0x293: {  	v23 =	vld [tilespmem:s31+$0x4650];
	v20 =	vbroadcast v20, $0xF  }
0x294: {  	v59 =	vld [tilespmem:s31+$0x4660];
	v25, _, _ =	vpop (xrf0)  }
0x295: {  	v24 =	vld [tilespmem:s31+$0x4670];
	v25 =	vbroadcast v25, $0xF;
	(erf) = vrcp.f32 v20  }
0x296: {  	v26 =	vld [tilespmem:s31+$0x4A00]  }
0x297: {  	v27 =	vld [tilespmem:s31+$0x4A10];
	v10 =	vsub.f32 v10, v25  }
0x298: {  	v28 =	vld [tilespmem:s31+$0x4A20]  }
0x299: {  	v60 =	vld [tilespmem:s31+$0x4A30];
	v10 =	vmul.f32 $1.442695020e+00, v10  }
0x29a: {  	v29 =	vld [tilespmem:s31+$0x4A40]  }
0x29b: {  	v30 =	vld [tilespmem:s31+$0x4A50];
	(erf) = vpow2.f32 v10  }
0x29c: {  	v31 =	vld [tilespmem:s31+$0x4A60]  }
0x29d: {  	v32 =	vld [tilespmem:s31+$0x4A70]  }
0x29e: {  	v33 =	vld [tilespmem:s31+$0x4E00];
	v61 =	vpop (erf)  }
0x29f: {  	v34 =	vld [tilespmem:s31+$0x4E10];
	v10 =	vmul.f32 v61, v6  }
0x2a0: {  	v43 =	vld [tilespmem:s31+$0x5300]  }
0x2a1: {  	v45 =	vld [tilespmem:s20+$0x1300];
	v9 =	vmul.f32 v10, v9  }
0x2a2: {  	v35 =	vld [tilespmem:s31+$0x4E30]  }
0x2a3: {  	v37 =	vld [tilespmem:s31+$0x4E40];
	v36 =	vbroadcast v9, $0x0;
	v44 =	vbroadcast v9, $0x2  }
0x2a4: {  	v38 =	vld [tilespmem:s31+$0x4E50];
	v42 =	vpop (erf);
	v48 =	vbroadcast v9, $0x3;
	v52 =	vbroadcast v9, $0x4  }
0x2a5: {  	v39 =	vld [tilespmem:s31+$0x4E60];
	(xrf2) =	vadd.scan.msk.f32 $0xffff, v42;
	v57 =	vbroadcast v9, $0x5;
	v46 =	vbroadcast v9, $0x6;
	v36 =	vpack.i.f32.bf16 v36, v36  }
0x2a6: {  	v41 =	vld [tilespmem:s31+$0x4E70];
	v50 =	vsub.f32 v45, v43;
	v40 =	vmul.bf16 v7, v36;
	v7 =	vbroadcast v9, $0x1  }
0x2a7: {  	v43 =	vld [tilespmem:s31+$0x42F0];
	v63 =	vpack.i.f32.bf16 v44, v44;
	v8 =	vmul.bf16 v8, v36;
	v12 =	vmul.bf16 v12, v36  }
0x2a8: {  	v10 =	vld [tilespmem:s31+$0x4E20];
	v13 =	vmul.bf16 v13, v36;
	v47 =	vmul.bf16 v17, v63  }
0x2a9: {  	v44 =	vld [tilespmem:s31+$0x4280];
	v61 =	vpack.i.f32.bf16 v57, v57;
	v49 =	vmul.bf16 v18, v63;
	v19 =	vmul.bf16 v19, v63  }
0x2aa: {  	v18 =	vld [tilespmem:s31+$0x42B0];
	v21 =	vmul.bf16 v21, v63;
	v9 =	vbroadcast v9, $0x7;
	v62 =	vpack.i.f32.bf16 v7, v7  }
0x2ab: {  	v36 =	vld [tilespmem:s31+$0x42C0];
	v17 =	vnsel vm1, $0xF149F2CA, v50;
	v63 =	vmul.bf16 v29, v61;
	v14 =	vmul.bf16 v14, v62  }
0x2ac: {  	v45 =	vmul.bf16 v30, v61;
	v30 =	vld [tilespmem:s31+$0x46E0];
	v9 =	vpack.i.f32.bf16 v9, v9;
	v11 =	vmul.bf16 v58, v62  }
0x2ad: {  	v29 =	vld [tilespmem:s31+$0x4A90];
	v15 =	vmul.bf16 v15, v62;
	v16 =	vmul.bf16 v16, v62;
	v14 =	vadd.bf16 v14, v40  }
0x2ae: {  	v7 =	vld.msk [tilespmem:s30+$0x8C81 ss:$0x0], $0xffff;
	v11 =	vadd.bf16 v11, v13;
	v13 =	vpack.i.f32.bf16 v48, v48;
	v48 =	vmul.bf16 v32, v61  }
0x2af: {  	(xrf0) =	vmax.scan.msk.f32 $0xffff, v17;
	v54, _, _ =	vpop (xrf2);
	v8 =	vadd.bf16 v15, v8;
	v40 =	vld [tilespmem:s31+$0x4290];
	v51 =	vmul.bf16 v22, v13;
	v53 =	vmul.bf16 v23, v13  }
0x2b0: {  	v12 =	vadd.bf16 v16, v12;
	v16 =	vld [tilespmem:s31+$0x42A0];
	v20 =	vmul.bf16 v59, v13;
	v23 =	vbroadcast v54, $0xF  }
0x2b1: {  	v32 =	vld [tilespmem:s31+$0x4AA0];
	v13 =	vmul.bf16 v24, v13;
	v54 =	vmul.bf16 v37, v9  }
0x2b2: {  	v22 =	vld [tilespmem:s31+$0x42D0];
	v14 =	vadd.bf16 v47, v14;
	v8 =	vadd.bf16 v49, v8;
	(erf) = vrcp.f32 v23  }
0x2b3: {  	v24 =	vld [tilespmem:s31+$0x4680];
	v12 =	vadd.bf16 v19, v12;
	v19 =	vpack.i.f32.bf16 v52, v52;
	v47 =	vmul.bf16 v31, v61  }
0x2b4: {  	v11 =	vadd.bf16 v21, v11;
	v21 =	vld [tilespmem:s31+$0x42E0];
	v55 =	vmul.bf16 v26, v19;
	v56 =	vmul.bf16 v27, v19  }
0x2b5: {  	v62, _, _ =	vpop (xrf0);
	v31 =	vld [tilespmem:s31+$0x46F0];
	v49 =	vpack.i.f32.bf16 v46, v46;
	v59 =	vmul.bf16 v28, v19;
	v60 =	vmul.bf16 v60, v19  }
0x2b6: {  	v61 =	vld [tilespmem:s31+$0x5380];
	v25 =	vbroadcast v62, $0xF;
	v50 =	vmul.bf16 v33, v49;
	v14 =	vadd.bf16 v51, v14  }
0x2b7: {  	v27 =	vld [tilespmem:s31+$0x4690];
	v10 =	vmul.bf16 v10, v49;
	v8 =	vadd.bf16 v53, v8;
	v12 =	vadd.bf16 v20, v12  }
0x2b8: {  	v23 =	vld [tilespmem:s31+$0x46A0];
	v11 =	vadd.bf16 v13, v11;
	v51 =	vmul.bf16 v34, v49;
	v17 =	vsub.f32 v17, v25  }
0x2b9: {  	v28 =	vld [tilespmem:s31+$0x46B0];
	v53 =	vmul.bf16 v35, v49;
	v58 =	vadd.bf16 v55, v14;
	v8 =	vadd.bf16 v56, v8  }
0x2ba: {  	v26 =	vld [tilespmem:s31+$0x46D0];
	v12 =	vadd.bf16 v59, v12;
	v11 =	vadd.bf16 v60, v11;
	v55 =	vmul.bf16 v38, v9  }
0x2bb: {  	v33 =	vld [tilespmem:s31+$0x4AB0];
	v56 =	vmul.bf16 v39, v9;
	v17 =	vmul.f32 $1.442695020e+00, v17;
	v13 =	vadd.bf16 v63, v58;
	v52 =	vpop (erf)  }
0x2bc: {  	v19 =	vld [tilespmem:s31+$0x4AC0];
	v8 =	vadd.bf16 v45, v8;
	v12 =	vadd.bf16 v47, v12;
	v14 =	vmul.f32 v52, v7  }
0x2bd: {  	v20 =	vld [tilespmem:s31+$0x46C0];
	v11 =	vadd.bf16 v48, v11;
	v13 =	vadd.bf16 v50, v13;
	(erf) = vpow2.f32 v17  }
0x2be: {  	v35 =	vld [tilespmem:s31+$0x4AD0];
	v8 =	vadd.bf16 v51, v8;
	v10 =	vadd.bf16 v10, v12;
	v37 =	vmul.f32 v14, v42  }
0x2bf: {  	v25 =	vld [tilespmem:s31+$0x4A80];
	v9 =	vmul.bf16 v41, v9;
	v11 =	vadd.bf16 v53, v11;
	v13 =	vadd.bf16 v54, v13  }
0x2c0: {  	v38 =	vld [tilespmem:s31+$0x4AE0];
	v8 =	vadd.bf16 v55, v8;
	v57 =	vadd.bf16 v56, v10;
	v58 =	vbroadcast v37, $0x0  }
0x2c1: {  	v39 =	vld [tilespmem:s31+$0x4AF0];
	v9 =	vadd.bf16 v9, v11;
	v10 =	vunpack.i.l.bf16.f32 v13;
	v60 =	vbroadcast v37, $0x1  }
0x2c2: {  	v41 =	vld [tilespmem:s31+$0x4E80];
	v17 =	vunpack.i.l.bf16.f32 v8;
	v53 =	vbroadcast v37, $0x2;
	v59 =	vpack.i.f32.bf16 v58, v58  }
0x2c3: {  	v63 =	vld [tilespmem:s20+$0x1380];
	v47 =	vpack.i.f32.bf16 v60, v60;
	v60 =	vbroadcast v37, $0x4;
	v62 =	vmul.bf16 v44, v59  }
0x2c4: {  	v48 =	vld [tilespmem:s31+$0x4EA0];
	v12 =	vunpack.i.u.bf16.f32 v57;
	v40 =	vmul.bf16 v40, v59;
	v46 =	vmul.bf16 v16, v59  }
0x2c5: {  	v45 =	vld [tilespmem:s31+$0x4320];
	v14 =	vunpack.i.u.bf16.f32 v8;
	v52 =	vmul.bf16 v36, v47;
	v22 =	vmul.bf16 v22, v47  }
0x2c6: {  	v50 =	vld [tilespmem:s31+$0x4EC0];
	v42 =	vpack.i.f32.bf16 v53, v53;
	v18 =	vmul.bf16 v18, v59;
	v54 =	vmul.bf16 v21, v47;
	v49 =	vpop (erf)  }
0x2c7: {  	v51 =	vld [tilespmem:s31+$0x4370];
	v16 =	vunpack.i.l.bf16.f32 v57;
	v55 =	vmul.bf16 v43, v47;
	v24 =	vmul.bf16 v24, v42;
	(xrf2) =	vadd.scan.msk.f32 $0xffff, v49  }
0x2c8: {  	v11 =	vld [tilespmem:s31+$0x4E90];
	v44 =	vsub.f32 v63, v61;
	v57 =	vbroadcast v37, $0x3;
	v27 =	vmul.bf16 v27, v42  }
0x2c9: {  	v8 =	vld.msk [tilespmem:s30+$0x8C82 ss:$0x0], $0xffff;
	v23 =	vmul.bf16 v23, v42;
	v59 =	vmul.bf16 v28, v42;
	v63 =	vpack.i.f32.bf16 v60, v60  }
0x2ca: {  	[tilespmem:s20+$0x7200] =	vst v10;
	v10 =	vld.msk [tilespmem:s30+$0x8C85 ss:$0x0], $0xffff;
	v60 =	vbroadcast v37, $0x6;
	v34 =	vadd.bf16 v52, v62;
	v22 =	vadd.bf16 v22, v40  }
0x2cb: {  	v36 =	vld [tilespmem:s31+$0x4EB0];
	v56 =	vadd.bf16 v54, v46;
	v58 =	vpack.i.f32.bf16 v57, v57;
	v53 =	vmul.bf16 v25, v63  }
0x2cc: {  	v21 =	vld [tilespmem:s31+$0x4ED0];
	v18 =	vadd.bf16 v55, v18;
	v55 =	vmul.bf16 v29, v63;
	v20 =	vmul.bf16 v20, v58  }
0x2cd: {  	v43 =	vld [tilespmem:s31+$0x4EE0];
	v40 =	vnsel vm1, $0xF149F2CA, v44;
	v26 =	vmul.bf16 v26, v58;
	v61 =	vmul.bf16 v30, v58  }
0x2ce: {  	v47 =	vld [tilespmem:s31+$0x4EF0];
	(xrf0) =	vmax.scan.msk.f32 $0xffff, v40;
	v62 =	vmul.bf16 v31, v58;
	v30 =	vmul.bf16 v33, v63  }
0x2cf: {  	v28 =	vld [tilespmem:s31+$0x4310];
	v25 =	vpack.i.f32.bf16 v60, v60;
	v24 =	vadd.bf16 v24, v34;
	v23 =	vadd.bf16 v23, v56  }
0x2d0: {  	v42 =	vld [tilespmem:s31+$0x4360];
	v18 =	vadd.bf16 v59, v18;
	v56 =	vbroadcast v37, $0x5;
	v59 =	vmul.bf16 v32, v63  }
0x2d1: {  	v44 =	vld [tilespmem:s31+$0x4300];
	v22 =	vadd.bf16 v27, v22;
	v63 =	vmul.bf16 v41, v25;
	v11 =	vmul.bf16 v11, v25;
	v52, _, _ =	vpop (xrf2)  }
0x2d2: {  	v15 =	vunpack.i.u.bf16.f32 v13;
	v31 =	vld [tilespmem:s31+$0x4350];
	v41 =	vmul.bf16 v48, v25;
	v54 =	vbroadcast v52, $0xF  }
0x2d3: {  	v33 =	vld [tilespmem:s31+$0x4710];
	v46 =	vmul.bf16 v36, v25;
	v20 =	vadd.bf16 v20, v24;
	v22 =	vadd.bf16 v26, v22  }
0x2d4: {  	v27 =	vld [tilespmem:s31+$0x4330];
	v23 =	vadd.bf16 v61, v23;
	v29 =	vpack.i.f32.bf16 v56, v56;
	v57, _, _ =	vpop (xrf0);
	(erf) = vrcp.f32 v54  }
0x2d5: {  	v34 =	vld [tilespmem:s31+$0x4340];
	v18 =	vadd.bf16 v62, v18;
	v19 =	vmul.bf16 v19, v29;
	v58 =	vbroadcast v57, $0xF  }
0x2d6: {  	v32 =	vld [tilespmem:s31+$0x4700];
	v61 =	vmul.bf16 v35, v29;
	v20 =	vadd.bf16 v53, v20;
	v22 =	vadd.bf16 v55, v22  }
0x2d7: {  	v36 =	vld [tilespmem:s31+$0x4B00];
	v62 =	vmul.bf16 v38, v29;
	v23 =	vadd.bf16 v59, v23;
	v24 =	vsub.f32 v40, v58  }
0x2d8: {  	v35 =	vld [tilespmem:s31+$0x4730];
	v29 =	vmul.bf16 v39, v29;
	v18 =	vadd.bf16 v30, v18;
	v19 =	vadd.bf16 v19, v20  }
0x2d9: {  	v38 =	vld [tilespmem:s31+$0x4740];
	v20 =	vadd.bf16 v61, v22;
	v40 =	vbroadcast v37, $0x7;
	v24 =	vmul.f32 $1.442695020e+00, v24  }
0x2da: {  	v26 =	vunpack.i.l.bf16.f32 v9;
	v39 =	vld [tilespmem:s31+$0x4750];
	v23 =	vadd.bf16 v62, v23;
	v18 =	vadd.bf16 v29, v18  }
0x2db: {  	v62 =	vld [tilespmem:s31+$0x5400];
	v19 =	vadd.bf16 v63, v19;
	(erf) = vpow2.f32 v24;
	v24 =	vpack.i.f32.bf16 v40, v40  }
0x2dc: {  	v11 =	vadd.bf16 v11, v20;
	v22 =	vadd.bf16 v41, v23;
	v63 =	vld [tilespmem:s20+$0x1400];
	v52 =	vmul.bf16 v50, v24  }
0x2dd: {  	[tilespmem:s20+$0x7260] =	vst v26;
	v26 =	vld [tilespmem:s31+$0x44E0];
	v18 =	vadd.bf16 v46, v18;
	v53 =	vmul.bf16 v21, v24;
	v54 =	vmul.bf16 v43, v24;
	v48 =	vpop (erf)  }
0x2de: {  	v30 =	vld [tilespmem:s31+$0x4720];
	v55 =	vmul.bf16 v47, v24;
	v19 =	vadd.bf16 v52, v19;
	v25 =	vmul.f32 v48, v8  }
0x2df: {  	v13 =	vunpack.i.u.bf16.f32 v9;
	v29 =	vld [tilespmem:s31+$0x4770];
	v56 =	vadd.bf16 v53, v11;
	v57 =	vadd.bf16 v54, v22  }
0x2e0: {  	v37 =	vld [tilespmem:s31+$0x4760];
	v58 =	vadd.bf16 v55, v18;
	v23 =	vunpack.i.u.bf16.f32 v19;
	v43 =	vmul.f32 v25, v49  }
0x2e1: {  	v41 =	vld [tilespmem:s31+$0x4B20];
	v21 =	vunpack.i.u.bf16.f32 v56;
	v24 =	vunpack.i.l.bf16.f32 v56;
	v48 =	vsub.f32 v63, v62  }
0x2e2: {  	v46 =	vld [tilespmem:s31+$0x4B30];
	v22 =	vunpack.i.l.bf16.f32 v57;
	v18 =	vunpack.i.u.bf16.f32 v58;
	v61 =	vbroadcast v43, $0x0  }
0x2e3: {  	v40 =	vld [tilespmem:s31+$0x4B10];
	v20 =	vunpack.i.l.bf16.f32 v58;
	v48 =	vnsel vm1, $0xF149F2CA, v48;
	v52 =	vbroadcast v43, $0x1  }
0x2e4: {  	v47 =	vld [tilespmem:s31+$0x4B40];
	v9 =	vpop (erf);
	v58 =	vbroadcast v43, $0x3;
	v59 =	vpack.i.f32.bf16 v61, v61;
	v61 =	vbroadcast v43, $0x2  }
0x2e5: {  	v50 =	vld [tilespmem:s31+$0x4F30];
	(xrf2) =	vadd.scan.msk.f32 $0xffff, v9;
	v52 =	vpack.i.f32.bf16 v52, v52;
	v60 =	vmul.bf16 v44, v59;
	v28 =	vmul.bf16 v28, v59  }
0x2e6: {  	v53 =	vld [tilespmem:s31+$0x4B50];
	v25 =	vunpack.i.l.bf16.f32 v19;
	(xrf0) =	vmax.scan.msk.f32 $0xffff, v48;
	v45 =	vmul.bf16 v45, v59;
	v34 =	vmul.bf16 v34, v52  }
0x2e7: {  	v54 =	vld [tilespmem:s31+$0x4B70];
	v19 =	vunpack.i.u.bf16.f32 v57;
	v31 =	vmul.bf16 v31, v52;
	v27 =	vmul.bf16 v27, v59  }
0x2e8: {  	v55 =	vld [tilespmem:s31+$0x4F00];
	v62 =	vmul.bf16 v42, v52;
	v63 =	vmul.bf16 v51, v52;
	v57 =	vpack.i.f32.bf16 v61, v61  }
0x2e9: {  	v56 =	vld [tilespmem:s31+$0x4F10];
	v11 =	vadd.bf16 v34, v60;
	v32 =	vmul.bf16 v32, v57;
	v33 =	vmul.bf16 v33, v57  }
0x2ea: {  	v44 =	vld [tilespmem:s31+$0x4B60];
	v30 =	vmul.bf16 v30, v57;
	v59 =	vmul.bf16 v35, v57;
	v60 =	vpack.i.f32.bf16 v58, v58  }
0x2eb: {  	v51 =	vld [tilespmem:s31+$0x4F40];
	v27 =	vadd.bf16 v63, v27;
	v63 =	vbroadcast v43, $0x4;
	v61 =	vmul.bf16 v38, v60  }
0x2ec: {  	v42 =	vld [tilespmem:s31+$0x4F50];
	v28 =	vadd.bf16 v31, v28;
	v58, _, _ =	vpop (xrf0);
	v52 =	vmul.bf16 v39, v60;
	v37 =	vmul.bf16 v37, v60  }
0x2ed: {  	v34 =	vld [tilespmem:s31+$0x4F20];
	v31 =	vadd.bf16 v62, v45;
	v29 =	vmul.bf16 v29, v60;
	v49 =	vbroadcast v58, $0xF  }
0x2ee: {  	v45 =	vld [tilespmem:s31+$0x4F60];
	v60 =	vbroadcast v43, $0x5;
	v32 =	vadd.bf16 v32, v11;
	v28 =	vadd.bf16 v33, v28  }
0x2ef: {  	v39 =	vld [tilespmem:s31+$0x4380];
	v30 =	vadd.bf16 v30, v31;
	v62, _, _ =	vpop (xrf2);
	v27 =	vadd.bf16 v59, v27;
	v57 =	vpack.i.f32.bf16 v63, v63  }
0x2f0: {  	v33 =	vld [tilespmem:s31+$0x4F70];
	v38 =	vbroadcast v62, $0xF;
	v59 =	vmul.bf16 v36, v57;
	v48 =	vsub.f32 v48, v49  }
0x2f1: {  	v11 =	vld.msk [tilespmem:s30+$0x8C83 ss:$0x0], $0xffff;
	v41 =	vmul.bf16 v41, v57;
	v35 =	vmul.bf16 v46, v57;
	v31 =	vadd.bf16 v61, v32  }
0x2f2: {  	v36 =	vld [tilespmem:s31+$0x43A0];
	v28 =	vadd.bf16 v52, v28;
	v27 =	vadd.bf16 v29, v27;
	(erf) = vrcp.f32 v38  }
0x2f3: {  	v46 =	vld [tilespmem:s31+$0x43D0];
	v61 =	vmul.bf16 v40, v57;
	v29 =	vpack.i.f32.bf16 v60, v60;
	v57 =	vbroadcast v43, $0x6  }
0x2f4: {  	v49 =	vld [tilespmem:s31+$0x47A0];
	v30 =	vadd.bf16 v37, v30;
	v62 =	vmul.bf16 v47, v29;
	v48 =	vmul.f32 $1.442695020e+00, v48  }
0x2f5: {  	v37 =	vld [tilespmem:s31+$0x43B0];
	v63 =	vmul.bf16 v53, v29;
	v58 =	vmul.bf16 v44, v29;
	v31 =	vadd.bf16 v59, v31  }
0x2f6: {  	v40 =	vld [tilespmem:s31+$0x43C0];
	v29 =	vmul.bf16 v54, v29;
	v28 =	vadd.bf16 v61, v28;
	v30 =	vadd.bf16 v41, v30  }
0x2f7: {  	v52 =	vld [tilespmem:s31+$0x43F0];
	v27 =	vadd.bf16 v35, v27;
	v59 =	vpack.i.f32.bf16 v57, v57;
	(erf) = vpow2.f32 v48  }
0x2f8: {  	v38 =	vld [tilespmem:s31+$0x4390];
	v60 =	vmul.bf16 v55, v59;
	v31 =	vadd.bf16 v62, v31;
	v62 =	vbroadcast v43, $0x7  }
0x2f9: {  	v47 =	vld [tilespmem:s31+$0x43E0];
	v34 =	vmul.bf16 v34, v59;
	v32 =	vmul.bf16 v50, v59;
	v28 =	vadd.bf16 v63, v28  }
0x2fa: {  	v44 =	vld [tilespmem:s31+$0x4780];
	v27 =	vadd.bf16 v29, v27;
	v63 =	vmul.bf16 v56, v59;
	v29 =	vpack.i.f32.bf16 v62, v62  }
0x2fb: {  	v53 =	vld [tilespmem:s31+$0x47C0];
	v30 =	vadd.bf16 v58, v30;
	v31 =	vadd.bf16 v60, v31;
	v55 =	vmul.bf16 v51, v29;
	v61 =	vpop (erf)  }
0x2fc: {  	v54 =	vld [tilespmem:s31+$0x4B90];
	v28 =	vadd.bf16 v63, v28;
	v56 =	vmul.bf16 v42, v29;
	v41 =	vmul.f32 v61, v11  }
0x2fd: {  	v30 =	vadd.bf16 v34, v30;
	v58 =	vmul.bf16 v45, v29;
	v29 =	vmul.bf16 v33, v29;
	v33 =	vld [tilespmem:s31+$0x5480]  }
0x2fe: {  	v27 =	vadd.bf16 v32, v27;
	v51 =	vadd.bf16 v55, v31;
	v61 =	vld [tilespmem:s20+$0x1480];
	v41 =	vmul.f32 v41, v9  }
0x2ff: {  	v35 =	vld [tilespmem:s31+$0x47E0];
	v34 =	vadd.bf16 v56, v28;
	v31 =	vadd.bf16 v58, v30  }
0x300: {  	v48 =	vld [tilespmem:s31+$0x4790];
	v30 =	vadd.bf16 v29, v27;
	v27 =	vunpack.i.u.bf16.f32 v51;
	v42 =	vpop (erf);
	v57 =	vbroadcast v41, $0x0  }
0x301: {  	v50 =	vld [tilespmem:s31+$0x47F0];
	v28 =	vunpack.i.l.bf16.f32 v51;
	(xrf2) =	vadd.scan.msk.f32 $0xffff, v42;
	v60 =	vbroadcast v41, $0x1;
	v63 =	vbroadcast v41, $0x2  }
0x302: {  	v9 =	vld [tilespmem:s31+$0x47D0];
	v58 =	vbroadcast v41, $0x3;
	v59 =	vpack.i.f32.bf16 v57, v57;
	v57 =	vbroadcast v41, $0x4  }
0x303: {  	v43 =	vld [tilespmem:s31+$0x47B0];
	v33 =	vsub.f32 v61, v33;
	v62 =	vmul.bf16 v39, v59;
	v38 =	vmul.bf16 v38, v59  }
0x304: {  	v45 =	vld [tilespmem:s31+$0x4BD0];
	v32 =	vpack.i.f32.bf16 v60, v60;
	v36 =	vmul.bf16 v36, v59;
	v37 =	vmul.bf16 v37, v59  }
0x305: {  	v55 =	vld [tilespmem:s31+$0x4BA0];
	v61 =	vpack.i.f32.bf16 v58, v58;
	v40 =	vmul.bf16 v40, v32;
	v46 =	vmul.bf16 v46, v32  }
0x306: {  	v56 =	vld [tilespmem:s31+$0x4BC0];
	v47 =	vmul.bf16 v47, v32;
	v32 =	vmul.bf16 v52, v32;
	v33 =	vnsel vm1, $0xF149F2CA, v33  }
0x307: {  	v51 =	vld [tilespmem:s31+$0x4BB0];
	v9 =	vmul.bf16 v9, v61;
	v35 =	vmul.bf16 v35, v61;
	v29 =	vadd.bf16 v40, v62  }
0x308: {  	v39 =	vld [tilespmem:s31+$0x4B80];
	v38 =	vadd.bf16 v46, v38;
	v40 =	vpack.i.f32.bf16 v63, v63;
	v63 =	vmul.bf16 v53, v61  }
0x309: {  	(xrf0) =	vmax.scan.msk.f32 $0xffff, v33;
	v36 =	vadd.bf16 v47, v36;
	v47 =	vld [tilespmem:s31+$0x4BE0];
	v59 =	vmul.bf16 v44, v40;
	v60 =	vmul.bf16 v48, v40  }
0x30a: {  	v32 =	vadd.bf16 v32, v37;
	v46 =	vld [tilespmem:s31+$0x4F80];
	v49 =	vmul.bf16 v49, v40;
	v40 =	vmul.bf16 v43, v40  }
0x30b: {  	v53 =	vld [tilespmem:s31+$0x4430];
	v43 =	vmul.bf16 v50, v61;
	v29 =	vadd.bf16 v59, v29;
	v62 =	vadd.bf16 v60, v38;
	v58, _, _ =	vpop (xrf2)  }
0x30c: {  	v48 =	vld [tilespmem:s31+$0x4BF0];
	v32 =	vadd.bf16 v40, v32;
	v40 =	vpack.i.f32.bf16 v57, v57;
	v52 =	vbroadcast v58, $0xF  }
0x30d: {  	v44 =	vld [tilespmem:s31+$0x4F90];
	v36 =	vadd.bf16 v49, v36;
	v59 =	vmul.bf16 v39, v40;
	v55 =	vmul.bf16 v55, v40  }
0x30e: {  	v50 =	vld [tilespmem:s31+$0x4FC0];
	v29 =	vadd.bf16 v63, v29;
	v37 =	vadd.bf16 v9, v62;
	(erf) = vrcp.f32 v52  }
0x30f: {  	v49 =	vld [tilespmem:s31+$0x4FA0];
	v60, _, _ =	vpop (xrf0);
	v35 =	vadd.bf16 v35, v36;
	v62 =	vmul.bf16 v54, v40;
	v63 =	vbroadcast v41, $0x5  }
0x310: {  	v38 =	vld [tilespmem:s31+$0x4FB0];
	v32 =	vadd.bf16 v43, v32;
	v40 =	vmul.bf16 v51, v40;
	v61 =	vbroadcast v60, $0xF  }
0x311: {  	v57 =	vld [tilespmem:s31+$0x4FF0];
	v52 =	vadd.bf16 v59, v29;
	v37 =	vadd.bf16 v62, v37;
	v60 =	vpack.i.f32.bf16 v63, v63  }
0x312: {  	v39 =	vld [tilespmem:s31+$0x4FD0];
	v35 =	vadd.bf16 v55, v35;
	v32 =	vadd.bf16 v40, v32;
	v63 =	vbroadcast v41, $0x6  }
0x313: {  	v9 =	vld.msk [tilespmem:s30+$0x8C84 ss:$0x0], $0xffff;
	v33 =	vsub.f32 v33, v61;
	v61 =	vmul.bf16 v56, v60;
	v62 =	vmul.bf16 v45, v60  }
0x314: {  	v36 =	vld [tilespmem:s31+$0x4FE0];
	v47 =	vmul.bf16 v47, v60;
	v59 =	vmul.bf16 v48, v60;
	v60 =	vpack.i.f32.bf16 v63, v63  }
0x315: {  	v51 =	vld [tilespmem:s31+$0x4400];
	v33 =	vmul.f32 $1.442695020e+00, v33;
	v52 =	vadd.bf16 v61, v52;
	v58 =	vadd.bf16 v62, v37  }
0x316: {  	v54 =	vld [tilespmem:s31+$0x4410];
	v35 =	vadd.bf16 v47, v35;
	v45 =	vmul.bf16 v46, v60;
	v62 =	vbroadcast v41, $0x7  }
0x317: {  	v43 =	vld [tilespmem:s31+$0x4440];
	v44 =	vmul.bf16 v44, v60;
	v32 =	vadd.bf16 v59, v32;
	(erf) = vpow2.f32 v33;
	v61 =	vpop (erf)  }
0x318: {  	v55 =	vld [tilespmem:s31+$0x4420];
	v38 =	vmul.bf16 v38, v60;
	v37 =	vpack.i.f32.bf16 v62, v62;
	v63 =	vmul.f32 v61, v9  }
0x319: {  	v48 =	vld [tilespmem:s31+$0x4470];
	v45 =	vadd.bf16 v45, v52;
	v52 =	vmul.bf16 v49, v60;
	v56 =	vmul.bf16 v50, v37  }
0x31a: {  	v47 =	vld [tilespmem:s31+$0x4450];
	v33 =	vadd.bf16 v44, v58;
	v39 =	vmul.bf16 v39, v37;
	v40 =	vmul.f32 v63, v42  }
0x31b: {  	v46 =	vld [tilespmem:s31+$0x4460];
	v32 =	vadd.bf16 v38, v32;
	v60 =	vmul.bf16 v36, v37;
	v37 =	vmul.bf16 v57, v37  }
0x31c: {  	v41 =	vld [tilespmem:s31+$0x4800];
	v35 =	vadd.bf16 v52, v35;
	v58 =	vbroadcast v40, $0x0  }
0x31d: {  	v44 =	vld [tilespmem:s31+$0x4810];
	v39 =	vadd.bf16 v39, v33;
	v32 =	vadd.bf16 v37, v32;
	v59 =	vbroadcast v40, $0x1  }
0x31e: {  	v49 =	vld [tilespmem:s31+$0x4840];
	v42 =	vadd.bf16 v56, v45;
	v63 =	vbroadcast v40, $0x2;
	v38 =	vpack.i.f32.bf16 v58, v58  }
0x31f: {  	v36 =	vld [tilespmem:s31+$0x4830];
	v45 =	vpack.i.f32.bf16 v59, v59;
	v59 =	vbroadcast v40, $0x4;
	v61 =	vmul.bf16 v51, v38  }
0x320: {  	[tilespmem:s20+$0x7220] =	vst v17;
	v50 =	vld [tilespmem:s31+$0x4820];
	v33 =	vadd.bf16 v60, v35;
	v52 =	vpop (erf);
	v43 =	vmul.bf16 v43, v45;
	v62 =	vmul.bf16 v54, v38  }
0x321: {  	v56 =	vld [tilespmem:s31+$0x4860];
	v17 =	vunpack.i.u.bf16.f32 v42;
	(xrf2) =	vadd.scan.msk.f32 $0xffff, v52;
	v55 =	vmul.bf16 v55, v38;
	v38 =	vmul.bf16 v53, v38  }
0x322: {  	v60 =	vpack.i.f32.bf16 v63, v63;
	v51 =	vld [tilespmem:s31+$0x4850];
	v47 =	vmul.bf16 v47, v45;
	v46 =	vmul.bf16 v46, v45  }
0x323: {  	[tilespmem:s20+$0x7230] =	vst v14;
	v14 =	vunpack.i.l.bf16.f32 v42;
	v54 =	vld [tilespmem:s31+$0x4C00];
	v45 =	vmul.bf16 v48, v45;
	v41 =	vmul.bf16 v41, v60  }
0x324: {  	v48 =	vld [tilespmem:s31+$0x4C10];
	v36 =	vmul.bf16 v36, v60;
	v35 =	vadd.bf16 v43, v61;
	v37 =	vadd.bf16 v47, v62  }
0x325: {  	v43 =	vld [tilespmem:s31+$0x4870];
	v61 =	vbroadcast v40, $0x3;
	v38 =	vadd.bf16 v45, v38;
	v62 =	vmul.bf16 v44, v60  }
0x326: {  	v42 =	vld [tilespmem:s31+$0x4CE0];
	v63 =	vmul.bf16 v50, v60;
	v46 =	vadd.bf16 v46, v55;
	v35 =	vadd.bf16 v41, v35  }
0x327: {  	v50 =	vld [tilespmem:s31+$0x4C40];
	v47 =	vpack.i.f32.bf16 v61, v61;
	v37 =	vadd.bf16 v62, v37;
	v36 =	vadd.bf16 v36, v38  }
0x328: {  	v55 =	vld [tilespmem:s31+$0x4C20];
	v38 =	vpack.i.f32.bf16 v59, v59;
	v57 =	vmul.bf16 v49, v47;
	v58 =	vmul.bf16 v51, v47  }
0x329: {  	v45 =	vadd.bf16 v63, v46;
	v51 =	vld [tilespmem:s31+$0x4C50];
	v60 =	vmul.bf16 v56, v47;
	v63 =	vmul.bf16 v54, v38  }
0x32a: {  	v53 =	vld [tilespmem:s31+$0x4C70];
	v48 =	vmul.bf16 v48, v38;
	v41 =	vadd.bf16 v57, v35;
	v43 =	vmul.bf16 v43, v47  }
0x32b: {  	v44 =	vld [tilespmem:s31+$0x4C30];
	v37 =	vadd.bf16 v58, v37;
	v45 =	vadd.bf16 v60, v45;
	v60 =	vbroadcast v40, $0x5;
	v61, _, _ =	vpop (xrf2)  }
0x32c: {  	v47 =	vld [tilespmem:s31+$0x5000];
	v36 =	vadd.bf16 v43, v36;
	v41 =	vadd.bf16 v63, v41;
	v62 =	vbroadcast v61, $0xF  }
0x32d: {  	v46 =	vld [tilespmem:s31+$0x4C60];
	v43 =	vpack.i.f32.bf16 v60, v60;
	v60 =	vbroadcast v40, $0x6;
	v61 =	vmul.bf16 v55, v38  }
0x32e: {  	v54 =	vld [tilespmem:s31+$0x5010];
	v37 =	vadd.bf16 v48, v37;
	v63 =	vmul.bf16 v51, v43;
	(erf) = vrcp.f32 v62  }
0x32f: {  	v56 =	vld [tilespmem:s31+$0x5020];
	v62 =	vmul.bf16 v50, v43  }
0x330: {  	v49 =	vld [tilespmem:s31+$0x5050];
	v45 =	vadd.bf16 v61, v45;
	v61 =	vadd.bf16 v63, v37;
	v63 =	vpack.i.f32.bf16 v60, v60  }
0x331: {  	v55 =	vld [tilespmem:s31+$0x5030];
	v47 =	vmul.bf16 v47, v63;
	v41 =	vadd.bf16 v62, v41  }
0x332: {  	v38 =	vmul.bf16 v44, v38;
	v44 =	vld [tilespmem:s31+$0x5040];
	v62 =	vmul.bf16 v46, v43  }
0x333: {  	[tilespmem:s20+$0x7210] =	vst v15;
	v58 =	vadd.bf16 v47, v41;
	v41 =	vld [tilespmem:s31+$0x5500]  }
0x334: {  	[tilespmem:s20+$0x7270] =	vst v13;
	v29 =	vunpack.i.u.bf16.f32 v34;
	v40 =	vbroadcast v40, $0x7;
	v37 =	vadd.bf16 v62, v45;
	v62 =	vld [tilespmem:s20+$0x1500]  }
0x335: {  	[tilespmem:s20+$0x7300] =	vst v28;
	v34 =	vunpack.i.l.bf16.f32 v34;
	v13 =	vunpack.i.l.bf16.f32 v39;
	v48 =	vld [tilespmem:s31+$0x4480];
	v54 =	vmul.bf16 v54, v63  }
0x336: {  	[tilespmem:s20+$0x7330] =	vst v29;
	v28 =	vunpack.i.u.bf16.f32 v32;
	v29 =	vunpack.i.l.bf16.f32 v32;
	v51 =	vld [tilespmem:s31+$0x5060];
	v40 =	vpack.i.f32.bf16 v40, v40  }
0x337: {  	[tilespmem:s20+$0x7250] =	vst v12;
	v50 =	vld [tilespmem:s31+$0x4880];
	v43 =	vmul.bf16 v53, v43;
	v15 =	vadd.bf16 v54, v61;
	v61 =	vmul.bf16 v56, v63;
	v59 =	vpop (erf)  }
0x338: {  	[tilespmem:s20+$0x7240] =	vst v16;
	v36 =	vadd.bf16 v38, v36;
	v46 =	vld [tilespmem:s31+$0x5070];
	v38 =	vmul.bf16 v55, v63;
	v60 =	vmul.f32 v59, v10  }
0x339: {  	[tilespmem:s20+$0x72B0] =	vst v21;
	v63 =	vmul.bf16 v44, v40;
	v44 =	vld [tilespmem:s31+$0x44B0];
	v53 =	vadd.bf16 v61, v37;
	v61 =	vsub.f32 v62, v41  }
0x33a: {  	[tilespmem:s20+$0x72F0] =	vst v18;
	v21 =	vunpack.i.u.bf16.f32 v33;
	v18 =	vunpack.i.l.bf16.f32 v33;
	v59 =	vld [tilespmem:s31+$0x44D0];
	v12 =	vmul.f32 v60, v52  }
0x33b: {  	[tilespmem:s20+$0x7290] =	vst v23;
	v35 =	vunpack.i.u.bf16.f32 v31;
	v55 =	vmul.bf16 v51, v40;
	v56 =	vld [tilespmem:s31+$0x44C0];
	v37 =	vnsel vm1, $0xF149F2CA, v61  }
0x33c: {  	v31 =	vunpack.i.l.bf16.f32 v31;
	v54 =	vmul.bf16 v49, v40;
	v62 =	vld [tilespmem:s31+$0x44F0];
	(xrf0) =	vmax.scan.msk.f32 $0xffff, v37;
	v60 =	vbroadcast v12, $0x1  }
0x33d: {  	[tilespmem:s20+$0x72A0] =	vst v24;
	v16 =	vadd.bf16 v43, v36;
	v47 =	vunpack.i.u.bf16.f32 v39;
	v24 =	vadd.bf16 v55, v53;
	v53 =	vld [tilespmem:s31+$0x4890]  }
0x33e: {  	[tilespmem:s20+$0x7280] =	vst v25;
	v45 =	vld [tilespmem:s31+$0x4490];
	v23 =	vadd.bf16 v63, v58;
	v63 =	vmul.bf16 v46, v40;
	v25 =	vpack.i.f32.bf16 v60, v60  }
0x33f: {  	v43 =	vld [tilespmem:s31+$0x44A0];
	v16 =	vadd.bf16 v38, v16;
	v38 =	vmul.bf16 v59, v25;
	v59 =	vbroadcast v12, $0x2  }
0x340: {  	v15 =	vadd.bf16 v54, v15;
	[tilespmem:s20+$0x73B0] =	vst v47;
	v47 =	vld [tilespmem:s31+$0x5080];
	v58 =	vbroadcast v12, $0x0;
	v52 =	vmul.bf16 v56, v25  }
0x341: {  	v55 =	vld [tilespmem:s31+$0x48A0];
	v26 =	vmul.bf16 v26, v25;
	v25 =	vmul.bf16 v62, v25;
	v62 =	vpack.i.f32.bf16 v59, v59  }
0x342: {  	[tilespmem:s20+$0x7320] =	vst v34;
	v34 =	vunpack.i.u.bf16.f32 v23;
	v16 =	vadd.bf16 v63, v16;
	v63 =	vld [tilespmem:s31+$0x48D0];
	v46 =	vmul.bf16 v53, v62;
	v53, _, _ =	vpop (xrf0)  }
0x343: {  	v57 =	vunpack.i.u.bf16.f32 v30;
	[tilespmem:s20+$0x7410] =	vst v34;
	v34 =	vld [tilespmem:s31+$0x50B0];
	v36 =	vpack.i.f32.bf16 v58, v58;
	v32 =	vbroadcast v53, $0xF  }
0x344: {  	[tilespmem:s20+$0x7380] =	vst v14;
	v30 =	vunpack.i.l.bf16.f32 v30;
	v14 =	vunpack.i.u.bf16.f32 v15;
	v61 =	vld [tilespmem:s31+$0x48C0];
	v48 =	vmul.bf16 v48, v36  }
0x345: {  	[tilespmem:s20+$0x72C0] =	vst v22;
	v23 =	vunpack.i.l.bf16.f32 v23;
	v60 =	vld [tilespmem:s31+$0x48B0];
	v51 =	vmul.bf16 v45, v36;
	v32 =	vsub.f32 v37, v32  }
0x346: {  	[tilespmem:s20+$0x72E0] =	vst v20;
	v54 =	vmul.bf16 v43, v36;
	v56 =	vmul.bf16 v44, v36;
	v58 =	vadd.bf16 v52, v48;
	v48 =	vld [tilespmem:s31+$0x48E0]  }
0x347: {  	[tilespmem:s20+$0x72D0] =	vst v19;
	v43 =	vunpack.i.l.bf16.f32 v15;
	v19 =	vadd.bf16 v38, v51;
	v51 =	vld [tilespmem:s31+$0x48F0];
	v32 =	vmul.f32 $1.442695020e+00, v32  }
0x348: {  	[tilespmem:s20+$0x7310] =	vst v27;
	v22 =	vadd.bf16 v26, v54;
	v52 =	vld [tilespmem:s31+$0x4C80];
	v44 =	vmul.bf16 v50, v62;
	v49 =	vmul.bf16 v55, v62  }
0x349: {  	[tilespmem:s20+$0x73A0] =	vst v13;
	v20 =	vadd.bf16 v25, v56;
	v50 =	vbroadcast v12, $0x3;
	v55 =	vld [tilespmem:s31+$0x4C90];
	(erf) = vpow2.f32 v32  }
0x34a: {  	[tilespmem:s20+$0x73E0] =	vst v29;
	v56 =	vmul.bf16 v60, v62;
	v53 =	vunpack.i.u.bf16.f32 v16;
	v26 =	vadd.bf16 v44, v58;
	v58 =	vld [tilespmem:s31+$0x4CA0]  }
0x34b: {  	[tilespmem:s20+$0x73F0] =	vst v28;
	v60 =	vld [tilespmem:s31+$0x4CB0];
	v19 =	vadd.bf16 v46, v19;
	v54 =	vpack.i.f32.bf16 v50, v50;
	v46 =	vbroadcast v12, $0x5  }
0x34c: {  	[tilespmem:s20+$0x73C0] =	vst v18;
	v45 =	vld [tilespmem:s31+$0x4CF0];
	v16 =	vunpack.i.l.bf16.f32 v16;
	v33 =	vmul.bf16 v61, v54;
	v61 =	vbroadcast v12, $0x4  }
0x34d: {  	[tilespmem:s20+$0x73D0] =	vst v21;
	v62 =	vld [tilespmem:s31+$0x4CC0];
	v22 =	vadd.bf16 v49, v22;
	v59 =	vmul.bf16 v63, v54;
	v40 =	vmul.bf16 v48, v54  }
0x34e: {  	[tilespmem:s20+$0x7390] =	vst v17;
	v63 =	vld [tilespmem:s31+$0x4CD0];
	v25 =	vmul.bf16 v51, v54;
	v26 =	vadd.bf16 v33, v26;
	v33 =	vpack.i.f32.bf16 v61, v61  }
0x34f: {  	[tilespmem:s20+$0x7340] =	vst v31;
	v20 =	vadd.bf16 v56, v20;
	v44 =	vmul.bf16 v52, v33;
	v51 =	vmul.bf16 v58, v33;
	v58 =	vld [tilespmem:s31+$0x5580]  }
0x350: {  	[tilespmem:s20+$0x7350] =	vst v35;
	v48 =	vunpack.i.u.bf16.f32 v24;
	v50 =	vmul.bf16 v55, v33;
	v33 =	vmul.bf16 v60, v33;
	v60 =	vld [tilespmem:s20+$0x1580]  }
0x351: {  	[tilespmem:s20+$0x7360] =	vst v30;
	v38 =	vld [tilespmem:s31+$0x50E0];
	v24 =	vunpack.i.l.bf16.f32 v24;
	v19 =	vadd.bf16 v59, v19;
	v17 =	vadd.bf16 v40, v22  }
0x352: {  	[tilespmem:s20+$0x7370] =	vst v57;
	v22 =	vpack.i.f32.bf16 v46, v46;
	v52 =	vld [tilespmem:s31+$0x50A0];
	v55 =	vbroadcast v12, $0x6;
	v12 =	vbroadcast v12, $0x7;
	v39 =	vpop (erf)  }
0x353: {  	v49 =	vld [tilespmem:s31+$0x5090];
	v20 =	vadd.bf16 v25, v20;
	v35 =	vmul.bf16 v62, v22;
	v59 =	vmul.bf16 v42, v22;
	(xrf2) =	vadd.scan.msk.f32 $0xffff, v39  }
0x354: {  	[tilespmem:s20+$0x7430] =	vst v14;
	v56 =	vld [tilespmem:s31+$0x50D0];
	v62 =	vmul.bf16 v45, v22;
	v15 =	vadd.bf16 v44, v26;
	v19 =	vadd.bf16 v50, v19  }
0x355: {  	[tilespmem:s20+$0x7400] =	vst v23;
	v54 =	vld [tilespmem:s31+$0x50C0];
	v57 =	vmul.bf16 v63, v22;
	v17 =	vadd.bf16 v51, v17;
	v45 =	vsub.f32 v60, v58  }
0x356: {  	[tilespmem:s20+$0x7420] =	vst v43;
	v46 =	vld [tilespmem:s30+$0x8C00];
	v21 =	vpack.i.f32.bf16 v55, v55;
	v12 =	vpack.i.f32.bf16 v12, v12;
	v15 =	vadd.bf16 v35, v15  }
0x357: {  	[tilespmem:s20+$0x7450] =	vst v48;
	v48 =	vld [tilespmem:s30+$0x8C01];
	v35 =	vadd.bf16 v59, v17;
	v42 =	vmul.bf16 v52, v21;
	v18 =	vnsel vm1, $0xF149F2CA, v45  }
0x358: {  	v20 =	vadd.bf16 v33, v20;
	v37 =	vmul.bf16 v49, v21;
	v51 =	vld [tilespmem:s30+$0x8C02];
	v61 =	vadd.bf16 v57, v19;
	(xrf0) =	vmax.scan.msk.f32 $0xffff, v18  }
0x359: {  	[tilespmem:s20+$0x7460] =	vst v16;
	v63 =	vmul.bf16 v47, v21;
	v49 =	vmul.bf16 v38, v12;
	v14 =	vadd.bf16 v42, v35  }
0x35a: {  	[tilespmem:s20+$0x7470] =	vst v53;
	v43 =	vmul.bf16 v56, v12;
	v19 =	vadd.bf16 v62, v20;
	v52 =	vld [tilespmem:s30+$0x8C03];
	v13 =	vadd.bf16 v37, v61  }
0x35b: {  	[tilespmem:s20+$0x7440] =	vst v24;
	v44 =	vld [tilespmem:s31+$0x50F0];
	v41 =	vmul.bf16 v54, v12;
	(v2sf) =	vpush v46, $0x0;
	v14 =	vadd.bf16 v49, v14  }
0x35c: {  	v55 =	vld [tilespmem:s30+$0x8C04];
	v47 =	vmul.bf16 v34, v21;
	(v2sf) =	vpush v48, $0x0;
	v13 =	vadd.bf16 v43, v13  }
0x35d: {  	(v2sf) =	vpush v51, $0x0;
	v54 =	vunpack.i.l.bf16.f32 v14;
	v14 =	vunpack.i.u.bf16.f32 v14;
	v57, _, _ =	vpop (xrf2)  }
0x35e: {  	v53 =	vunpack.i.l.bf16.f32 v13;
	v13 =	vunpack.i.u.bf16.f32 v13;
	[tilespmem:s20+$0x74D0] =	vst v14;
	v58, _, _ =	vpop (xrf0);
	v14 =	vbroadcast v57, $0xF  }
0x35f: {  	v28 =	vld [tilespmem:s31+$0x4940];
	v15 =	vadd.bf16 v63, v15;
	(v2sf) =	vpush v52, $0x0;
	[tilespmem:s20+$0x74B0] =	vst v13;
	v13 =	vbroadcast v58, $0xF  }
0x360: {  	v30 =	vld [tilespmem:s31+$0x4970];
	v16 =	vadd.bf16 v47, v19;
	v12 =	vmul.bf16 v44, v12;
	(erf) = vrcp.f32 v14  }
0x361: {  	v31 =	vld [tilespmem:s31+$0x4D10];
	(v2sf) =	vpush v55, $0x0;
	v13 =	vsub.f32 v18, v13  }
0x362: {  	v36 =	vld [tilespmem:s31+$0x4D20];
	v12 =	vadd.bf16 v12, v16  }
0x363: {  	v40 =	vld [tilespmem:s31+$0x4550];
	v15 =	vadd.bf16 v41, v15;
	v13 =	vmul.f32 $1.442695020e+00, v13  }
0x364: {  	v25 =	vld [tilespmem:s31+$0x4D70];
	v56 =	vunpack.i.l.bf16.f32 v12;
	v12 =	vunpack.i.u.bf16.f32 v12  }
0x365: {  	v50 =	vunpack.i.l.bf16.f32 v15;
	[tilespmem:s20+$0x74F0] =	vst v12;
	v12 =	vld.msk [tilespmem:s30+$0x8C86 ss:$0x0], $0xffff;
	(erf) = vpow2.f32 v13  }
0x366: {  	v34 =	vld [tilespmem:s31+$0x4D40];
	v15 =	vunpack.i.u.bf16.f32 v15;
	[tilespmem:s20+$0x7480] =	vst v50  }
0x367: {  	v59 =	vld [tilespmem:s31+$0x4500];
	[tilespmem:s20+$0x7490] =	vst v15  }
0x368: {  	v62 =	vld [tilespmem:s31+$0x4530];
	[tilespmem:s20+$0x74A0] =	vst v53  }
0x369: {  	v21 =	vld [tilespmem:s31+$0x4D30];
	[tilespmem:s20+$0x74C0] =	vst v54;
	v43 =	vpop (erf)  }
0x36a: {  	v60 =	vld [tilespmem:s31+$0x4510];
	[tilespmem:s20+$0x74E0] =	vst v56;
	s12 =	spop (v2sf);
	v13 =	vmul.f32 v43, v12  }
0x36b: {  	v16 =	vld [tilespmem:s30+$0x8C05];
	s16 =	spop (v2sf);
	s17 =	sand.u32 $0xF, s12  }
0x36c: {  	v61 =	vld [tilespmem:s31+$0x4520];
	v46 =	vmov s17;
	s4 =	sand.u32 $0xF, s16;
	s15 =	spop (v2sf)  }
0x36d: {  	v63 =	vld [tilespmem:s31+$0x4540];
	vm2 =	veq.s32 v46, v0;
	v48 =	vmov s4;
	s0 =	sand.u32 $0xF, s15;
	v14 =	vmul.f32 v13, v39  }
0x36e: {  	v42 =	vld [tilespmem:s31+$0x4570];
	v6 =	vnsel vm2, $0x0, v6;
	vm2 =	veq.s32 v48, v0;
	s4 =	spop (v2sf);
	v50 =	vmov s0;
	v13 =	vpop (erf)  }
0x36f: {  	v44 =	vld [tilespmem:s31+$0x4900];
	v33 =	vnsel vm2, $0x0, v7;
	s17 =	sand.u32 $0xF, s4;
	vm2 =	veq.s32 v50, v0;
	v52 =	vbroadcast v14, $0x0;
	(xrf2) =	vadd.scan.msk.f32 $0xffff, v13  }
0x370: {  	v53 =	vld [tilespmem:s31+$0x4950];
	(v2sf) =	vpush v16, $0x0;
	s0 =	spop (v2sf);
	v51 =	vmov s17;
	v8 =	vnsel vm2, $0x0, v8  }
0x371: {  	v54 =	vld [tilespmem:s31+$0x4960];
	s17 =	sand.u32 $0xF, s0;
	vm3 =	veq.s32 v51, v0;
	v57 =	vbroadcast v14, $0x1;
	v55 =	vpack.i.f32.bf16 v52, v52  }
0x372: {  	[tilespmem:s20+$0x8280] =	vst v1;
	v41 =	vld [tilespmem:s31+$0x4560];
	v56 =	vmov s17;
	v43 =	vbroadcast v14, $0x3;
	v15 =	vmul.bf16 v59, v55  }
0x373: {  	[tilespmem:s20+$0x8290] =	vst v1;
	v47 =	vld [tilespmem:s31+$0x4920];
	v7 =	vnsel vm3, $0x0, v11;
	v17 =	vmul.bf16 v60, v55;
	v18 =	vmul.bf16 v61, v55  }
0x374: {  	[tilespmem:s20+$0x82A0] =	vst v1;
	v45 =	vld [tilespmem:s31+$0x4910];
	v48 =	vpack.i.f32.bf16 v43, v43;
	v11 =	vmul.bf16 v62, v55;
	v60 =	vbroadcast v14, $0x2  }
0x375: {  	[tilespmem:s20+$0x8200] =	vst v1;
	v49 =	vld [tilespmem:s31+$0x4930];
	v59 =	vpack.i.f32.bf16 v57, v57;
	v51 =	vmul.bf16 v28, v48;
	v53 =	vmul.bf16 v53, v48  }
0x376: {  	[tilespmem:s20+$0x8210] =	vst v1;
	v58 =	vld [tilespmem:s31+$0x4D00];
	vm2 =	veq.s32 v56, v0;
	v54 =	vmul.bf16 v54, v48;
	v61 =	vmul.bf16 v63, v59  }
0x377: {  	[tilespmem:s20+$0x8220] =	vst v1;
	v46 =	vld [tilespmem:s31+$0x5100];
	v9 =	vnsel vm2, $0x0, v9;
	v62 =	vmul.bf16 v40, v59;
	v22 =	vmul.bf16 v41, v59  }
0x378: {  	[tilespmem:s20+$0x8230] =	vst v1;
	v50 =	vld [tilespmem:s31+$0x5110];
	v19 =	vmul.bf16 v42, v59;
	v63 =	vpack.i.f32.bf16 v60, v60;
	v15 =	vadd.bf16 v61, v15  }
0x379: {  	[tilespmem:s20+$0x8240] =	vst v1;
	v39 =	vld [tilespmem:s31+$0x4D50];
	v37 =	vadd.bf16 v62, v17;
	v38 =	vmul.bf16 v44, v63;
	v40 =	vmul.bf16 v45, v63;
	v44, _, _ =	vpop (xrf2)  }
0x37a: {  	[tilespmem:s20+$0x8250] =	vst v1;
	v52 =	vld [tilespmem:s31+$0x5120];
	v18 =	vadd.bf16 v22, v18;
	v42 =	vmul.bf16 v47, v63;
	v47 =	vbroadcast v44, $0xF  }
0x37b: {  	[tilespmem:s20+$0x8260] =	vst v1;
	s12 =	sand.u32 $0x70, s12;
	s17 =	sadd.s32 $0x8200, s20;
	v43 =	vld [tilespmem:s31+$0x4590];
	v11 =	vadd.bf16 v19, v11;
	v45 =	vmul.bf16 v49, v63;
	v49 =	vbroadcast v14, $0x4  }
0x37c: {  	[tilespmem:s20+$0x8270] =	vst v1;
	s12 =	sor.u32 s12, s17;
	v55 =	vld [tilespmem:s31+$0x5130];
	v17 =	vmul.bf16 v30, v48;
	v15 =	vadd.bf16 v38, v15;
	(erf) = vrcp.f32 v47  }
0x37d: {  	[tilespmem:s12+$0x0] =	vst v6;
	v57 =	vld [tilespmem:s31+$0x5140];
	v16 =	vadd.bf16 v40, v37;
	v6 =	vadd.bf16 v42, v18;
	v18 =	vpack.i.f32.bf16 v49, v49  }
0x37e: {  	[tilespmem:s20+$0x82B0] =	vst v1;
	v41 =	vld [tilespmem:s31+$0x4D60];
	v11 =	vadd.bf16 v45, v11;
	v37 =	vbroadcast v14, $0x6;
	v56 =	vmul.bf16 v58, v18  }
0x37f: {  	[tilespmem:s20+$0x82C0] =	vst v1;
	v59 =	vld [tilespmem:s31+$0x5150];
	v60 =	vmul.bf16 v31, v18;
	v58 =	vadd.bf16 v54, v6;
	v6 =	vbroadcast v14, $0x5  }
0x380: {  	[tilespmem:s20+$0x82D0] =	vst v1;
	v61 =	vld [tilespmem:s31+$0x5160];
	v62 =	vmul.bf16 v36, v18;
	v18 =	vmul.bf16 v21, v18;
	v15 =	vadd.bf16 v51, v15  }
0x381: {  	[tilespmem:s20+$0x82E0] =	vst v1;
	v42 =	vpack.i.f32.bf16 v37, v37;
	v14 =	vbroadcast v14, $0x7;
	v63 =	vpack.i.f32.bf16 v6, v6;
	v6 =	vld.msk [tilespmem:s30+$0x8C87 ss:$0x0], $0xffff  }
0x382: {  	[tilespmem:s20+$0x82F0] =	vst v1;
	v48 =	vld [tilespmem:s31+$0x45B0];
	v16 =	vadd.bf16 v53, v16;
	v45 =	vmul.bf16 v46, v42;
	v49 =	vmul.bf16 v50, v42  }
0x383: {  	[tilespmem:s20+$0x8400] =	vst v1;
	v38 =	vld [tilespmem:s31+$0x5170];
	v11 =	vadd.bf16 v17, v11;
	v50 =	vmul.bf16 v52, v42;
	v22 =	vmul.bf16 v55, v42  }
0x384: {  	[tilespmem:s20+$0x8410] =	vst v1;
	v40 =	vld [tilespmem:s31+$0x4580];
	v15 =	vadd.bf16 v56, v15;
	v16 =	vadd.bf16 v60, v16;
	v36 =	vmul.bf16 v34, v63  }
0x385: {  	[tilespmem:s20+$0x8420] =	vst v1;
	v51 =	vld [tilespmem:s31+$0x45C0];
	v26 =	vadd.bf16 v62, v58;
	v39 =	vmul.bf16 v39, v63;
	v41 =	vmul.bf16 v41, v63;
	v46 =	vpop (erf)  }
0x386: {  	[tilespmem:s20+$0x8430] =	vst v1;
	v54 =	vld [tilespmem:s31+$0x45E0];
	v14 =	vpack.i.f32.bf16 v14, v14;
	v44 =	vmul.bf16 v25, v63;
	v23 =	vmul.f32 v46, v6  }
0x387: {  	[tilespmem:s20+$0x8440] =	vst v1;
	v37 =	vld [tilespmem:s31+$0x49C0];
	v11 =	vadd.bf16 v18, v11;
	v53 =	vmul.bf16 v57, v14;
	v57 =	vmul.bf16 v59, v14  }
0x388: {  	[tilespmem:s20+$0x8300] =	vst v1;
	v52 =	vld [tilespmem:s31+$0x45D0];
	v19 =	vmul.bf16 v61, v14;
	v15 =	vadd.bf16 v36, v15;
	v13 =	vmul.f32 v23, v13  }
0x389: {  	[tilespmem:s20+$0x8310] =	vst v1;
	v14 =	vmul.bf16 v38, v14;
	v47 =	vld [tilespmem:s31+$0x45A0];
	v16 =	vadd.bf16 v39, v16;
	v11 =	vadd.bf16 v44, v11  }
0x38a: {  	[tilespmem:s20+$0x8320] =	vst v1;
	v56 =	vld [tilespmem:s31+$0x45F0];
	v17 =	vadd.bf16 v41, v26;
	v15 =	vadd.bf16 v45, v15;
	v55 =	vbroadcast v13, $0x0  }
0x38b: {  	[tilespmem:s20+$0x8330] =	vst v1;
	v58 =	vld [tilespmem:s31+$0x4980];
	v16 =	vadd.bf16 v49, v16;
	v11 =	vadd.bf16 v22, v11;
	v59 =	vbroadcast v13, $0x1  }
0x38c: {  	[tilespmem:s20+$0x8340] =	vst v1;
	s16 =	sand.u32 $0x70, s16;
	s17 =	sadd.s32 $0x8280, s20;
	v60 =	vld [tilespmem:s31+$0x4990];
	v36 =	vbroadcast v13, $0x2;
	v28 =	vbroadcast v13, $0x5;
	v22 =	vpack.i.f32.bf16 v55, v55  }
0x38d: {  	[tilespmem:s20+$0x8350] =	vst v1;
	s12 =	sor.u32 s16, s17;
	v63 =	vld [tilespmem:s31+$0x49A0];
	v17 =	vadd.bf16 v50, v17;
	v61 =	vmul.bf16 v40, v22;
	v62 =	vmul.bf16 v43, v22  }
0x38e: {  	[tilespmem:s12+$0x0] =	vst v33;
	v34 =	vld [tilespmem:s31+$0x49B0];
	v33 =	vpack.i.f32.bf16 v59, v59;
	v25 =	vmul.bf16 v47, v22;
	v22 =	vmul.bf16 v48, v22  }
0x38f: {  	[tilespmem:s20+$0x8360] =	vst v1;
	s15 =	sand.u32 $0x70, s15;
	s16 =	sadd.s32 $0x8300, s20;
	v42 =	vld [tilespmem:s31+$0x49E0];
	v15 =	vadd.bf16 v53, v15;
	v35 =	vmul.bf16 v51, v33;
	v38 =	vmul.bf16 v52, v33  }
0x390: {  	[tilespmem:s20+$0x8370] =	vst v1;
	s12 =	sor.u32 s15, s16;
	v39 =	vld [tilespmem:s31+$0x49D0];
	v41 =	vpack.i.f32.bf16 v36, v36;
	v21 =	vmul.bf16 v54, v33;
	v40 =	vmul.bf16 v56, v33  }
0x391: {  	[tilespmem:s12+$0x0] =	vst v8;
	v45 =	vld [tilespmem:s31+$0x49F0];
	v8 =	vadd.bf16 v57, v16;
	v44 =	vmul.bf16 v58, v41;
	v46 =	vmul.bf16 v60, v41  }
0x392: {  	[tilespmem:s20+$0x8450] =	vst v1;
	v50 =	vld [tilespmem:s31+$0x4D90];
	v17 =	vadd.bf16 v19, v17;
	v47 =	vbroadcast v13, $0x3;
	v20 =	vmul.bf16 v63, v41  }
0x393: {  	[tilespmem:s20+$0x8460] =	vst v1;
	v11 =	vadd.bf16 v14, v11;
	v53 =	vld [tilespmem:s31+$0x4DA0];
	v49 =	vmul.bf16 v34, v41;
	v52 =	vbroadcast v13, $0x4  }
0x394: {  	[tilespmem:s20+$0x8380] =	vst v1;
	v30 =	vld [tilespmem:s31+$0x4DE0];
	v41 =	vunpack.i.u.bf16.f32 v15;
	v15 =	vunpack.i.l.bf16.f32 v15;
	v16 =	vadd.bf16 v35, v61  }
0x395: {  	[tilespmem:s20+$0x8390] =	vst v1;
	v14 =	vadd.bf16 v38, v62;
	v43 =	vadd.bf16 v21, v25;
	v51 =	vpack.i.f32.bf16 v47, v47  }
0x396: {  	[tilespmem:s20+$0x83A0] =	vst v1;
	v48 =	vld [tilespmem:s31+$0x4D80];
	v19 =	vadd.bf16 v40, v22;
	v55 =	vmul.bf16 v37, v51;
	v57 =	vmul.bf16 v39, v51  }
0x397: {  	[tilespmem:s20+$0x83B0] =	vst v1;
	v56 =	vld [tilespmem:s31+$0x4DB0];
	v59 =	vpack.i.f32.bf16 v52, v52;
	v58 =	vmul.bf16 v42, v51;
	v61 =	vmul.bf16 v45, v51  }
0x398: {  	[tilespmem:s20+$0x83C0] =	vst v1;
	v60 =	vld [tilespmem:s31+$0x4DC0];
	v21 =	vpack.i.f32.bf16 v28, v28;
	v31 =	vmul.bf16 v50, v59;
	v32 =	vmul.bf16 v53, v59  }
0x399: {  	[tilespmem:s20+$0x83D0] =	vst v1;
	v63 =	vld [tilespmem:s31+$0x4DD0];
	v52 =	vunpack.i.u.bf16.f32 v17;
	v38 =	vmul.bf16 v30, v21;
	v39 =	vbroadcast v13, $0x6  }
0x39a: {  	[tilespmem:s20+$0x83E0] =	vst v1;
	s4 =	sand.u32 $0x70, s4;
	s17 =	sadd.s32 $0x8380, s20;
	v33 =	vld [tilespmem:s31+$0x4DF0];
	v13 =	vbroadcast v13, $0x7;
	v45 =	vunpack.i.u.bf16.f32 v8;
	v8 =	vunpack.i.l.bf16.f32 v8  }
0x39b: {  	[tilespmem:s20+$0x83F0] =	vst v1;
	s4 =	sor.u32 s4, s17;
	v35 =	vld [tilespmem:s31+$0x5180];
	v53 =	vunpack.i.l.bf16.f32 v11;
	v16 =	vadd.bf16 v44, v16;
	v14 =	vadd.bf16 v46, v14  }
0x39c: {  	[tilespmem:s4+$0x0] =	vst v7;
	v40 =	vld [tilespmem:s31+$0x51C0];
	v11 =	vunpack.i.u.bf16.f32 v11;
	v7 =	vadd.bf16 v20, v43;
	v54 =	vadd.bf16 v49, v19  }
0x39d: {  	[tilespmem:s20+$0x8470] =	vst v1;
	s0 =	sand.u32 $0x70, s0;
	s12 =	sadd.s32 $0x8400, s20;
	v37 =	vld [tilespmem:s31+$0x5190];
	v62 =	vmul.bf16 v48, v59;
	v20 =	vmul.bf16 v56, v59;
	v16 =	vadd.bf16 v55, v16  }
0x39e: {  	[tilespmem:s20+$0x8480] =	vst v1;
	s0 =	sor.u32 s0, s12;
	v42 =	vld [tilespmem:s31+$0x51A0];
	v49 =	vunpack.i.l.bf16.f32 v17;
	v34 =	vmul.bf16 v60, v21;
	v36 =	vmul.bf16 v63, v21  }
0x39f: {  	[tilespmem:s0+$0x0] =	vst v9;
	v51 =	vld [tilespmem:s31+$0x51E0];
	v43 =	vpack.i.f32.bf16 v39, v39;
	v14 =	vadd.bf16 v57, v14;
	v16 =	vadd.bf16 v62, v16  }
0x3a0: {  	[tilespmem:s20+$0x7500] =	vst v15;
	v44 =	vld [tilespmem:s31+$0x51D0];
	v46 =	vmul.bf16 v33, v21;
	v13 =	vpack.i.f32.bf16 v13, v13;
	v7 =	vadd.bf16 v58, v7  }
0x3a1: {  	[tilespmem:s20+$0x7510] =	vst v41;
	v48 =	vld [tilespmem:s31+$0x51B0];
	v23 =	vmul.bf16 v35, v43;
	v14 =	vadd.bf16 v31, v14;
	v16 =	vadd.bf16 v34, v16  }
0x3a2: {  	[tilespmem:s20+$0x7550] =	vst v52;
	v18 =	vadd.bf16 v61, v54;
	v50 =	vmul.bf16 v40, v13;
	v7 =	vadd.bf16 v32, v7  }
0x3a3: {  	[tilespmem:s20+$0x7520] =	vst v8;
	v55 =	vld [tilespmem:s31+$0x51F0];
	v47 =	vmul.bf16 v37, v43;
	v14 =	vadd.bf16 v36, v14;
	v16 =	vadd.bf16 v23, v16  }
0x3a4: {  	[tilespmem:s20+$0x7530] =	vst v45;
	v18 =	vadd.bf16 v20, v18;
	v54 =	vmul.bf16 v42, v43;
	v7 =	vadd.bf16 v38, v7  }
0x3a5: {  	[tilespmem:s20+$0x7560] =	vst v53;
	v19 =	vmul.bf16 v44, v13;
	v14 =	vadd.bf16 v47, v14;
	v16 =	vadd.bf16 v50, v16  }
0x3a6: {  	[tilespmem:s20+$0x7570] =	vst v11;
	v60 =	vmul.bf16 v51, v13;
	v8 =	vadd.bf16 v46, v18;
	v58 =	vmul.bf16 v48, v43  }
0x3a7: {  	[tilespmem:s20+$0x7540] =	vst v49;
	v7 =	vadd.bf16 v54, v7;
	v56 =	vadd.bf16 v19, v14;
	v57 =	vunpack.i.l.bf16.f32 v16  }
0x3a8: {  	v13 =	vmul.bf16 v55, v13;
	v16 =	vunpack.i.u.bf16.f32 v16;
	[tilespmem:s20+$0x7580] =	vst v57  }
0x3a9: {  	v8 =	vadd.bf16 v58, v8;
	v7 =	vadd.bf16 v60, v7;
	v61 =	vunpack.i.l.bf16.f32 v56;
	[tilespmem:s20+$0x7590] =	vst v16  }
0x3aa: {  	v9 =	vunpack.i.u.bf16.f32 v56;
	[tilespmem:s20+$0x75A0] =	vst v61  }
0x3ab: {  	v8 =	vadd.bf16 v13, v8;
	v62 =	vunpack.i.l.bf16.f32 v7;
	[tilespmem:s20+$0x75B0] =	vst v9  }
0x3ac: {  	v7 =	vunpack.i.u.bf16.f32 v7;
	[tilespmem:s20+$0x75C0] =	vst v62  }
0x3ad: {  	v59 =	vld [tilespmem:s30+$0x8C06];
	[tilespmem:s20+$0x75D0] =	vst v7;
	v7 =	vunpack.i.l.bf16.f32 v8  }
0x3ae: {  	v8 =	vunpack.i.u.bf16.f32 v8;
	[tilespmem:s20+$0x75E0] =	vst v7  }
0x3af: {  	[tilespmem:s20+$0x75F0] =	vst v8  }
0x3b0: {  	[tilespmem:s20+$0x8490] =	vst v1;
	v7 =	vld [tilespmem:s30+$0x8C07]  }
0x3b1: {  	[tilespmem:s20+$0x84A0] =	vst v1  }
0x3b2: {  	[tilespmem:s20+$0x84B0] =	vst v1;
	(v2sf) =	vpush v59, $0x0  }
0x3b3: {  	[tilespmem:s20+$0x84C0] =	vst v1  }
0x3b4: {  	[tilespmem:s20+$0x84D0] =	vst v1  }
0x3b5: {  	[tilespmem:s20+$0x84E0] =	vst v1;
	s15 =	spop (v2sf);
	(v2sf) =	vpush v7, $0x0  }
0x3b6: {  	[tilespmem:s20+$0x84F0] =	vst v1  }
0x3b7: {  	[tilespmem:s20+$0x8500] =	vst v1  }
0x3b8: {  	[tilespmem:s20+$0x8510] =	vst v1  }
0x3b9: {  	[tilespmem:s20+$0x8520] =	vst v1  }
0x3ba: {  	[tilespmem:s20+$0x8530] =	vst v1  }
0x3bb: {  	[tilespmem:s20+$0x8540] =	vst v1  }
0x3bc: {  	[tilespmem:s20+$0x8550] =	vst v1  }
0x3bd: {  	[tilespmem:s20+$0x8560] =	vst v1  }
0x3be: {  	[tilespmem:s20+$0x8570] =	vst v1  }
0x3bf: {  	s16 =	sand.u32 $0xF, s15;
	[tilespmem:s20+$0x8580] =	vst v1  }
0x3c0: {  	v63 =	vmov s16;
	[tilespmem:s20+$0x8590] =	vst v1  }
0x3c1: {  	s17 =	sadd.s32 $0x8480, s20;
	s0 =	sand.u32 $0x70, s15;
	vm2 =	veq.s32 v63, v0;
	[tilespmem:s20+$0x85A0] =	vst v1;
	s31 =	spop (v2sf)  }
0x3c2: {  	s0 =	sor.u32 s0, s17;
	[tilespmem:s20+$0x85B0] =	vst v1;
	v7 =	vnsel vm2, $0x0, v10;
	s12 =	sand.u32 $0xF, s31  }
0x3c3: {  	p4 =	por p2, p2;
	[tilespmem:s0+$0x0] =	vst v7;
	v7 =	vmov s12  }
0x3c4: {  	s15 =	sadd.s32 $0x8500, s20;
	[tilespmem:s20+$0x85C0] =	vst v1;
	s0 =	sand.u32 $0x70, s31;
	vm2 =	veq.s32 v7, v0;
	s16 =	spop (v2sf)  }
.Ltmp5:
0x3c5: {  	[tilespmem:s20+$0x85D0] =	vst v1;
	s0 =	sor.u32 s0, s15;
	v7 =	vnsel vm2, $0x0, v12;
	s17 =	sand.u32 $0xF, s16;
	(pc) =	sbr.rel @p4 .LBB2_8-.Ltmp5, $4  }
0x3c6: {  	[tilespmem:s0+$0x0] =	vst v7;
	v7 =	vmov s17  }
0x3c7: {  	[tilespmem:s20+$0x85E0] =	vst v1;
	s31 =	sadd.s32 $0x8580, s20;
	s0 =	sand.u32 $0x70, s16;
	vm2 =	veq.s32 v7, v0  }
0x3c8: {  	[tilespmem:s20+$0x85F0] =	vst v1;
	s0 =	sor.u32 s0, s31;
	v6 =	vnsel vm2, $0x0, v6  }
0x3c9: {  	p2 =	por $0x0, $0x0;
	s30 =	simm.s32 $0x8;
	[tilespmem:s0+$0x0] =	vst v6  }
.Ltmp6:
0x3ca: {  	(pc) =	sbr.rel @p3 .LBB2_11-.Ltmp6, $4  }
0x3cb: {  	_ = 	snop  }
0x3cc: {  	[spmem:s2] =	stream.indirect.scatter.add.f32 [tilespmem:s26], [sflag:$0x4], $0x80, s25, s21, $0xb8;
	[tilespmem:$0x1C800] =	vst v63  }
0x3cd: {  	_ = 	snop  }
0x3ce: {  	[spmem:s3] =	stream.indirect.scatter.add.f32 [tilespmem:s29], [sflag:$0x4], $0x80, s28, s21, $0xb8;
	[tilespmem:$0x1C800] =	vst v63  }
0x3cf: {  	s0 =	sadd.s32 $0x530, s10;
	s4 =	simm.s32 $0x1200  }
0x3d0: {  	[tilespmem:s4], [sflag:$0x2] =	stream.indirect.gather [hbm4b:s1+s21], $0x80, s0, s21, $0xb8;
	[tilespmem:$0x1C800] =	vst v63  }
0x3d1: {  	v6 =	vld [tilespmem:s10+$0x30];
	_ =	sdelay $0x4  }
0x3d2: {  	v7 =	vshrl.u32 v6, $0x3  }
0x3d3: {  	v7 =	vmul.u32 $0x28, v7  }
0x3d4: {  	v6 =	vand.u32 $0x7, v6  }
0x3d5: {  	v6 =	vor.u32 v6, v7  }
0x3d6: {  	v7 =	vperm.xlane v6, v2;
	_ =	sdelay $0x1  }
0x3d7: {  	v7 =	vadd.s32 v3, v7;
	_ =	sdelay $0x3  }
0x3d8: {  	s15 =	simm.s32 $0x4200;
	v6 =	vperm.xlane v6, v4  }
0x3d9: {  	[tilespmem:s15], [sflag:$0x2] =	stream.indirect_vreg.gather [hbm4b:s6+s5], $0x80, v7, vm0, $0xb8;
	[tilespmem:$0x1C800] =	vst v63  }
0x3da: {  	s16 =	simm.s32 $0x4A00;
	v6 =	vadd.s32 v3, v6  }
0x3db: {  	[tilespmem:s16], [sflag:$0x2] =	stream.indirect_vreg.gather [hbm4b:s13+s5], $0x80, v7, vm0, $0xb8;
	[tilespmem:$0x1C800] =	vst v63  }
0x3dc: {  	s17 =	simm.s32 $0x5200  }
0x3dd: {  	[tilespmem:s17], [sflag:$0x2] =	stream.indirect_vreg.gather [hbm4b:s14+s5], $0x80, v7, vm1, $0xb8;
	[tilespmem:$0x1C800] =	vst v63  }
0x3de: {  	s20 =	simm.s32 $0x5600  }
0x3df: {  	[tilespmem:s20], [sflag:$0x2] =	stream.indirect_vreg.gather [hbm4b:s6+s5], $0x80, v6, vm0, $0xb8;
	[tilespmem:$0x1C800] =	vst v63  }
.Ltmp7:
0x3e0: {  	_ = 	snop;
	(pc) =	sbr.rel .LBB2_5-.Ltmp7, $4  }
0x3e1: {  	s30 =	simm.s32 $0x5E00  }
0x3e2: {  	[tilespmem:s30], [sflag:$0x2] =	stream.indirect_vreg.gather [hbm4b:s13+s5], $0x80, v6, vm0, $0xb8;
	[tilespmem:$0x1C800] =	vst v63  }
0x3e3: {  	s31 =	simm.s32 $0x6600;
	s8 =	sadd.s32 $0x1, s8  }
0x3e4: {  	[tilespmem:s31], [sflag:$0x2] =	stream.indirect_vreg.gather [hbm4b:s14+s5], $0x80, v6, vm1, $0xb8;
	[tilespmem:$0x1C800] =	vst v63  }
.LBB2_12:
0x3e5: {  	s0 =	simm.s32 $0x3  }
0x3e6: {  	_ =	swait.ge [sflag:s0], $0x800  }
0x3e7: {  	[sflag:s0] =	ssyncset.done $0x0  }
0x3e8: {  	[sflag:s0] =	ssyncadd.s32 $0xFFFFF800  }
0x3e9: {  	_ =	swait.ge [sflag:s0], $0x800  }
0x3ea: {  	[sflag:s0] =	ssyncset.done $0x0  }
0x3eb: {  	s30 =	simm.s32 $0x4;
	[sflag:s0] =	ssyncadd.s32 $0xFFFFF800  }
0x3ec: {  	_ =	swait.ge [sflag:s30], $0x800  }
0x3ed: {  	[sflag:s30] =	ssyncset.done $0x0  }
0x3ee: {  	[sflag:s30] =	ssyncadd.s32 $0xFFFFF800  }
0x3ef: {  	_ =	swait.ge [sflag:s30], $0x800  }
0x3f0: {  	[sflag:s30] =	ssyncset.done $0x0  }
0x3f1: {  	[sflag:s30] =	ssyncadd.s32 $0xFFFFF800  }
0x3f2: {  	s31 =	stileid.u32;
	[bflag:$0x0] =	sbarrier.arrive $0xFFFF  }
.Ltmp8:
0x3f3: {  	s0 =	sshll.u32 s31, $0x6;
	s16 =	rddreg [dreg:$0x9];
	(pc) =	sbr.rel @!p1 .LBB2_14-.Ltmp8, $4  }
0x3f4: {  	s4 =	sor.u32 $0x1C05, s0;
	s8 =	rddreg [dreg:$0xd];
	s7 =	sshrl.u32 s16, $0x3  }
0x3f5: {  	[hbm:s8], [sflag:s4] =	dma.local [spmem:s7], $0x100  }
0x3f6: {  	s10 =	smov.u32 s16;
	s15 =	rddreg [dreg:$0x7]  }
0x3f7: {  	s8 =	sadd.s32 $0x100, s8;
	_ =	swait.ge [sflag:s19], $0x100;
	s7 =	sadd.s32 $0xFFFFFFFF, s15  }
.LBB2_13:
0x3f8: {  	[sflag:s19] =	ssyncset.done $0x0  }
0x3f9: {  	s10 =	sadd.s32 $0x800, s10;
	s4 =	sor.u32 $0x1C05, s0;
	p1 =	sne.s32 s7, $0x1  }
.Ltmp9:
0x3fa: {  	s12 =	sshrl.u32 s10, $0x3;
	[sflag:s19] =	ssyncadd.s32 $0xFFFFFF00;
	(pc) =	sbr.rel @p1 .LBB2_13-.Ltmp9, $3  }
0x3fb: {  	[hbm:s8], [sflag:s4] =	dma.local [spmem:s12], $0x100  }
0x3fc: {  	s7 =	sadd.s32 $0xFFFFFFFF, s7;
	_ =	sdelay $0x1  }
0x3fd: {  	s8 =	sadd.s32 $0x100, s8;
	_ =	swait.ge [sflag:s19], $0x100  }
.LBB2_14:
0x3fe: {  	[sflag:s19] =	ssyncset.done $0x0;
	s10 =	rddreg [dreg:$0xa]  }
0x3ff: {  	s7 =	rddreg [dreg:$0xb];
	[sflag:s19] =	ssyncadd.s32 $0xFFFFFF00;
	s0 =	sshrl.u32 @!p0 s10, $0x3  }
0x400: {  	[hbm:s7], [sflag:s4] =	dma.local @!p0 [spmem:s0], $0x100  }
0x401: {  	s0 =	simm.s32 @!p0 $0x5  }
0x402: {  	_ =	swait.ge @!p0 [sflag:s0], $0x100  }
0x403: {  	s30 =	rddreg [dreg:$0xe]  }
0x404: {  	s31 =	rddreg [dreg:$0xc];
	s7 =	sadd.s32 $0x1, s30  }
0x405: {  	p1 =	sne.s32 s7, s31  }
.Ltmp10:
0x406: {  	_ = 	snop;
	(pc) =	sbr.rel @p1 .LBB2_1-.Ltmp10, $3  }
0x407: {  	_ =	sdelay $0x1  }
0x408: {  	[sflag:s0] =	ssyncset.done @!p0 $0x0  }
0x409: {  	[sflag:s0] =	ssyncadd.s32 @!p0 $0xFFFFFF00  }
0x40a: {  	_ =	sfence.sel $0x180000  }
0x40b: {  	[bflag:$0x0] =	sbarrier.arrive $0xFFFF  }
0x40c: {  	_ =	strace $0x90000047  }
0x40d: {  	s0 =	stileid.u32;
	[bflag:$0x2] =	sbarrier.arrive $0xFFFF  }
0x40e: {  	p0 =	sne.s32 s0, $0x0;
	s0 =	rddreg [dreg:$0x4]  }
0x40f: {  	s0 =	sadd.s32 @!p0 $0x100000, s0  }
0x410: {  	[sflag:s0] =	ssyncadd.tile.s32 @!p0 $0x1;
	_ =	shalt  }
.Lfunc_end2:
_tile_overlayer_lowered:
.L_overlay_start_2:
0x411: {  	(tag) =	ssettag $0x2  }
0x412: {  	s0 =	rddreg [dreg:$0x0];
	s2 =	stileid.u32  }
0x413: {  	s1 =	rddreg [dreg:$0x1];
	p0 =	sne.s32 s2, $0x0  }
0x414: {  	s3 =	rddreg [dreg:$0x2];
	[bflag:$0x3] =	sbarrier.arrive $0xFFFF;
	s2 =	simm.s32 @!p0 $0x1C05  }
0x415: {  	[timem:s3], [sflag:s2] =	dma.local @!p0 [hbm:s0], s1  }
0x416: {  	s0 =	simm.s32 @!p0 $0x5  }
0x417: {  	_ =	swait.ge @!p0 [sflag:s0], s1  }
0x418: {  	s1 =	ssub.s32 @!p0 $0x0, s1;
	[sflag:s0] =	ssyncset.done @!p0 $0x0  }
0x419: {  	[sflag:s0] =	ssyncadd.s32 @!p0 s1  }
0x41a: {  	[bflag:$0x3] =	sbarrier.arrive $0xFFFF  }
0x41b: {  	_ =	shalt  }

</sc_bundles>
